<compile_context>
chip_gen: v7x
topology: tpu7x:2x2x1
jax: 0.10.2.dev20260603
libtpu: 0.0.44.dev20260713+nightly
codegen_flags: <defaults>
</compile_context>

<pallas_src>
import functools
import math

import jax
import jax.numpy as jnp
from jax import lax
from jax.experimental import pallas as pl
from jax.experimental.pallas import tpu as pltpu
from jax.experimental.pallas import tpu_sc as plsc

N = 10000
E = 320000
D = 128
H = 2
C = 64
L = 16

NC, NS = 2, 16
NW = NC * NS
EPW = E // NW
NV = EPW // L
SROW = 544
NEG = -1e30


def _pre_body(x0_ref, wq_ref, bq_ref, wk_ref, bk_ref, we_ref, u_ref):
    hp = lax.Precision.DEFAULT
    x0 = x0_ref[:]
    q0 = jnp.matmul(x0, wq_ref[:], precision=hp) + bq_ref[:]
    q0a = q0[:, :C]
    q0b = q0[:, C:]
    dn = (((1,), (1,)), ((), ()))
    wk = wk_ref[:]
    we = we_ref[:]
    inv = 1.0 / math.sqrt(C)
    u_ref[0:1, :] = lax.dot_general(q0a, wk[:, :C], dn, precision=hp) * inv
    u_ref[1:2, :] = lax.dot_general(q0b, wk[:, C:], dn, precision=hp) * inv
    u_ref[2:3, :] = lax.dot_general(q0a, we[:, :C], dn, precision=hp) * inv
    u_ref[3:4, :] = lax.dot_general(q0b, we[:, C:], dn, precision=hp) * inv
    cb0 = jnp.sum(bk_ref[:, :C] * q0a) * inv
    cb1 = jnp.sum(bk_ref[:, C:] * q0b) * inv
    idx = lax.broadcasted_iota(jnp.int32, (1, D), 1)
    u_ref[4:5, :] = jnp.where(idx == 0, cb0, jnp.where(idx == 1, cb1, 0.0))
    u_ref[5:8, :] = jnp.zeros((3, D), jnp.float32)


_pre_call = pl.pallas_call(
    _pre_body,
    out_shape=jax.ShapeDtypeStruct((8, D), jnp.float32),
)


def _sc_body(ei_hbm, x_hbm, ea_hbm, u_hbm, out_hbm,
             dst_v, src_v, match_v, compact_v, cnt_v,
             xrows_v, erows_v, u_v, stage_v, w0_v, w1_v,
             sem_src, sem_u, sem_x, sem_e):
    cid = lax.axis_index("c")
    sid = lax.axis_index("s")
    wid = sid * NC + cid
    base = wid * EPW

    cp_u = pltpu.make_async_copy(u_hbm, u_v, sem_u)
    cp_u.start()
    pltpu.sync_copy(ei_hbm.at[pl.ds(E + base, EPW)], dst_v)

    lane = lax.iota(jnp.int32, L)
    lane_base = lane * NV

    U = 25
    cnt_v[...] = jnp.zeros((L,), jnp.int32)

    def scan_body(i, _):
        anym = dst_v[pl.ds(i * U * L, L)] == 0
        for u in range(1, U):
            anym = anym | (dst_v[pl.ds((i * U + u) * L, L)] == 0)

        @pl.when(jnp.any(anym))
        def _extract():
            cvec = cnt_v[...]
            for u in range(U):
                v = dst_v[pl.ds((i * U + u) * L, L)]
                msk = v == 0
                ids = (base + (i * U + u) * L) + lane
                plsc.store_scatter(match_v, [lane_base + cvec], ids, mask=msk)
                cvec = cvec + msk.astype(jnp.int32)
            cnt_v[...] = cvec

        return 0

    lax.fori_loop(0, NV // U, scan_body, 0)
    cnt_vec = cnt_v[...]
    m_w = jnp.sum(cnt_vec)

    excl = plsc.cumsum(cnt_vec) - cnt_vec
    maxc = jnp.max(cnt_vec)

    def comp_body(r, _):
        vals = plsc.load_gather(match_v, [lane_base + r])
        plsc.store_scatter(compact_v, [excl + r], vals, mask=cnt_vec > r)
        return 0

    lax.fori_loop(0, maxc, comp_body, 0)

    zv = jnp.zeros((L,), jnp.float32)
    for j in range(4 * D // L):
        stage_v[pl.ds(j * L, L)] = zv

    cp_u.wait()
    statv = u_v[pl.ds(4 * D, L)]
    cb0 = statv[0]
    cb1 = statv[1]

    ngroups = (m_w + L - 1) // L

    def group_body(g, carry):
        m0, m1, d0v, d1v = carry
        rem = m_w - g * L
        valid = lane < rem
        ids = compact_v[pl.ds(g * L, L)]
        ids = jnp.where(valid, ids, base)
        cps = pltpu.make_async_copy(ei_hbm.at[ids], src_v, sem_src)
        cps.start()
        cpe = pltpu.make_async_copy(ea_hbm.at[ids], erows_v, sem_e)
        cpe.start()
        cps.wait()
        srcv = src_v[...]
        cpx = pltpu.make_async_copy(x_hbm.at[srcv], xrows_v, sem_x)
        cpx.start()
        cpx.wait()
        cpe.wait()

        vcnt = jnp.minimum(rem, L)

        def edge_dot(e, al):
            a0v, a1v = al
            row = jnp.full((L,), e, jnp.int32)
            k0 = zv
            k1 = zv
            e0 = zv
            e1 = zv
            for j in range(D // L):
                col = j * L + lane
                xc = plsc.load_gather(xrows_v, [row, col])
                ec = plsc.load_gather(erows_v, [row, col])
                k0 = k0 + xc * u_v[pl.ds(0 * D + j * L, L)]
                k1 = k1 + xc * u_v[pl.ds(1 * D + j * L, L)]
                e0 = e0 + ec * u_v[pl.ds(2 * D + j * L, L)]
                e1 = e1 + ec * u_v[pl.ds(3 * D + j * L, L)]
            a0 = jnp.sum(k0 + e0) + cb0
            a1 = jnp.sum(k1 + e1) + cb1
            sel = lane == e
            return (jnp.where(sel, a0, a0v), jnp.where(sel, a1, a1v))

        neg = jnp.full((L,), NEG, jnp.float32)
        a0v, a1v = lax.fori_loop(0, vcnt, edge_dot, (neg, neg))
        a0v = jnp.where(valid, a0v, NEG)
        a1v = jnp.where(valid, a1v, NEG)

        g0 = jnp.max(a0v)
        g1 = jnp.max(a1v)
        nm0 = jnp.maximum(m0, g0)
        nm1 = jnp.maximum(m1, g1)
        s0v = jnp.exp(jnp.full((L,), m0 - nm0, jnp.float32))
        s1v = jnp.exp(jnp.full((L,), m1 - nm1, jnp.float32))
        w0 = jnp.where(valid, jnp.exp(a0v - nm0), 0.0)
        w1 = jnp.where(valid, jnp.exp(a1v - nm1), 0.0)
        nd0v = d0v * s0v + jnp.sum(w0)
        nd1v = d1v * s1v + jnp.sum(w1)
        w0_v[...] = w0
        w1_v[...] = w1

        for j in range(D // L):
            sl0 = pl.ds(0 * D + j * L, L)
            sl1 = pl.ds(1 * D + j * L, L)
            sl2 = pl.ds(2 * D + j * L, L)
            sl3 = pl.ds(3 * D + j * L, L)
            stage_v[sl0] = stage_v[sl0] * s0v
            stage_v[sl1] = stage_v[sl1] * s1v
            stage_v[sl2] = stage_v[sl2] * s0v
            stage_v[sl3] = stage_v[sl3] * s1v

        def edge_acc(e, _):
            esplat = jnp.full((L,), e, jnp.int32)
            w0e = plsc.load_gather(w0_v, [esplat])
            w1e = plsc.load_gather(w1_v, [esplat])
            row = esplat
            for j in range(D // L):
                col = j * L + lane
                xc = plsc.load_gather(xrows_v, [row, col])
                ec = plsc.load_gather(erows_v, [row, col])
                plsc.addupdate(stage_v.at[pl.ds(0 * D + j * L, L)], xc * w0e)
                plsc.addupdate(stage_v.at[pl.ds(1 * D + j * L, L)], xc * w1e)
                plsc.addupdate(stage_v.at[pl.ds(2 * D + j * L, L)], ec * w0e)
                plsc.addupdate(stage_v.at[pl.ds(3 * D + j * L, L)], ec * w1e)
            return 0

        lax.fori_loop(0, vcnt, edge_acc, 0)
        return nm0, nm1, nd0v, nd1v

    init = (jnp.float32(NEG), jnp.float32(NEG), zv, zv)
    m0, m1, d0v, d1v = lax.fori_loop(0, ngroups, group_body, init)

    d0 = jnp.max(d0v)
    d1 = jnp.max(d1v)
    stats = jnp.where(lane == 0, m0,
            jnp.where(lane == 1, m1,
            jnp.where(lane == 2, d0,
            jnp.where(lane == 3, d1, 0.0))))
    stage_v[pl.ds(4 * D, L)] = stats
    stage_v[pl.ds(4 * D + L, L)] = zv
    pltpu.sync_copy(stage_v, out_hbm.at[wid])


_sc_call_cache = []


def _make_sc_call():
    if not _sc_call_cache:
        _sc_call_cache.append(_sc_call_builder())
    return _sc_call_cache[0]


def _sc_call_builder():
    return functools.partial(
    pl.kernel,
    mesh=plsc.VectorSubcoreMesh(core_axis_name="c", subcore_axis_name="s"),
    out_type=jax.ShapeDtypeStruct((NW, SROW), jnp.float32),
    compiler_params=pltpu.CompilerParams(needs_layout_passes=False),
    scratch_types=[
        pltpu.VMEM((EPW,), jnp.int32),
        pltpu.VMEM((L,), jnp.int32),
        pltpu.VMEM((EPW,), jnp.int32),
        pltpu.VMEM((EPW,), jnp.int32),
        pltpu.VMEM((L,), jnp.int32),
        pltpu.VMEM((L, D), jnp.float32),
        pltpu.VMEM((L, D), jnp.float32),
        pltpu.VMEM((8 * D,), jnp.float32),
        pltpu.VMEM((SROW,), jnp.float32),
        pltpu.VMEM((L,), jnp.float32),
        pltpu.VMEM((L,), jnp.float32),
        pltpu.SemaphoreType.DMA,
        pltpu.SemaphoreType.DMA,
        pltpu.SemaphoreType.DMA,
        pltpu.SemaphoreType.DMA,
    ],
    )(_sc_body)


def _post_body(s_ref, x0_ref, wv_ref, bv_ref, we_ref, wskip_ref, bskip_ref,
               wproj_ref, bproj_ref, y_ref):
    s = s_ref[:]
    m0 = s[:, 4 * D + 0:4 * D + 1]
    m1 = s[:, 4 * D + 1:4 * D + 2]
    d0 = s[:, 4 * D + 2:4 * D + 3]
    d1 = s[:, 4 * D + 3:4 * D + 4]
    M0 = jnp.max(m0)
    M1 = jnp.max(m1)
    sc0 = jnp.exp(m0 - M0)
    sc1 = jnp.exp(m1 - M1)
    D0 = jnp.sum(d0 * sc0)
    D1 = jnp.sum(d1 * sc1)
    Xg0 = jnp.sum(s[:, 0 * D:1 * D] * sc0, axis=0, keepdims=True)
    Xg1 = jnp.sum(s[:, 1 * D:2 * D] * sc1, axis=0, keepdims=True)
    Eg0 = jnp.sum(s[:, 2 * D:3 * D] * sc0, axis=0, keepdims=True)
    Eg1 = jnp.sum(s[:, 3 * D:4 * D] * sc1, axis=0, keepdims=True)
    hp = lax.Precision.DEFAULT
    wv = wv_ref[:]
    we = we_ref[:]
    bv = bv_ref[:]
    o0 = (jnp.matmul(Xg0, wv[:, :C], precision=hp)
          + jnp.matmul(Eg0, we[:, :C], precision=hp)
          + D0 * bv[:, :C]) / (D0 + 1e-16)
    o1 = (jnp.matmul(Xg1, wv[:, C:], precision=hp)
          + jnp.matmul(Eg1, we[:, C:], precision=hp)
          + D1 * bv[:, C:]) / (D1 + 1e-16)
    out0 = jnp.concatenate([o0, o1], axis=1)
    out0 = out0 + jnp.matmul(x0_ref[:], wskip_ref[:], precision=hp) + bskip_ref[:]
    y_ref[:] = jnp.matmul(out0, wproj_ref[:], precision=hp) + bproj_ref[:]


_post_call = pl.pallas_call(
    _post_body,
    out_shape=jax.ShapeDtypeStruct((1, D), jnp.float32),
)


def kernel(x, edge_index, edge_attr, Wq, bq, Wk, bk, Wv, bv, We, Wskip, bskip,
           Wproj, bproj):
    x0 = x[0:1]
    u2 = _pre_call(x0, Wq, bq.reshape(1, -1), Wk, bk.reshape(1, -1), We)
    u = u2.reshape(-1)
    s = _make_sc_call()(edge_index.reshape(-1), x, edge_attr, u)
    y = _post_call(s, x0, Wv, bv.reshape(1, -1), We, Wskip,
                   bskip.reshape(1, -1), Wproj, bproj.reshape(1, -1))
    return y.reshape(-1)

# --- scband reference (transcript-rebuilt; emitter-appended) ---
"""Pipeline reference for scband-attention-69535520522491 (READ-ONLY COPY).

The authoritative reference and input builder live on the scoring server;
editing this copy changes nothing except your own understanding.
"""

import jax, jax.numpy as jnp
import numpy as np
import math

N = 10000
E = 320000
D = 128
H = 2
C = 64  # out_channels per head = dim // n_heads


def setup_inputs(seed: int = 0) -> dict:
    key = jax.random.key(seed)
    ks = jax.random.split(key, 16)
    x = jax.random.normal(ks[0], (N, D), dtype=jnp.float32)
    edge_index = jax.random.randint(ks[1], (2, E), 0, N, dtype=jnp.int32)
    edge_attr = jax.random.normal(ks[2], (E, D), dtype=jnp.float32)
    s = 0.1
    Wq = s * jax.random.normal(ks[3], (D, H * C), dtype=jnp.float32)
    bq = s * jax.random.normal(ks[4], (H * C,), dtype=jnp.float32)
    Wk = s * jax.random.normal(ks[5], (D, H * C), dtype=jnp.float32)
    bk = s * jax.random.normal(ks[6], (H * C,), dtype=jnp.float32)
    Wv = s * jax.random.normal(ks[7], (D, H * C), dtype=jnp.float32)
    bv = s * jax.random.normal(ks[8], (H * C,), dtype=jnp.float32)
    We = s * jax.random.normal(ks[9], (D, H * C), dtype=jnp.float32)  # lin_edge, bias=False
    Wskip = s * jax.random.normal(ks[10], (D, H * C), dtype=jnp.float32)
    bskip = s * jax.random.normal(ks[11], (H * C,), dtype=jnp.float32)
    Wproj = s * jax.random.normal(ks[12], (D, D), dtype=jnp.float32)
    bproj = s * jax.random.normal(ks[13], (D,), dtype=jnp.float32)
    return {
        "x": x, "edge_index": edge_index, "edge_attr": edge_attr,
        "Wq": Wq, "bq": bq, "Wk": Wk, "bk": bk, "Wv": Wv, "bv": bv,
        "We": We, "Wskip": Wskip, "bskip": bskip, "Wproj": Wproj, "bproj": bproj,
    }


def reference(x, edge_index, edge_attr, Wq, bq, Wk, bk, Wv, bv, We, Wskip, bskip, Wproj, bproj):
    n = x.shape[0]
    src = edge_index[0]
    dst = edge_index[1]
    # linear projections (PyG TransformerConv)
    q = x @ Wq + bq
    k = x @ Wk + bk
    v = x @ Wv + bv
    e = edge_attr @ We  # lin_edge has no bias
    q_i = q[dst].reshape(-1, H, C)
    k_j = (k[src] + e).reshape(-1, H, C)
    v_j = (v[src] + e).reshape(-1, H, C)
    alpha = (q_i * k_j).sum(-1) / math.sqrt(C)  # [E, H]
    # softmax over incoming edges per destination node
    amax = jax.ops.segment_max(alpha, dst, num_segments=n)
    amax = jnp.where(jnp.isfinite(amax), amax, 0.0)
    ex = jnp.exp(alpha - amax[dst])
    denom = jax.ops.segment_sum(ex, dst, num_segments=n)
    a = ex / (denom[dst] + 1e-16)
    # attn dropout: eval mode -> identity
    out = jax.ops.segment_sum(v_j * a[..., None], dst, num_segments=n)
    out = out.reshape(n, H * C)  # concat=True
    # root_weight skip connection (beta=False)
    out = out + (x @ Wskip + bskip)
    # faithful to original: attn[0] selects row 0 of the [N, dim] output
    attn0 = out[0]
    # proj + dropout (eval -> identity)
    y = attn0 @ Wproj + bproj
    return y

if __name__ == "__main__":
    import jax
    _d = setup_inputs()
    print(jax.jit(kernel)(*tuple(_d.values())))

</pallas_src>

<mosaic_0001>
#map = affine_map<(d0, d1) -> (0)>
#map1 = affine_map<(d0, d1) -> (0, 0)>
module attributes {stable_mosaic.version = 14 : i64} {
  func.func @_sc_body(%arg0: i32, %arg1: i32, %arg2: memref<640000xi32, #tpu.memory_space<hbm>>, %arg3: memref<10000x128xf32, #tpu.memory_space<hbm>>, %arg4: memref<320000x128xf32, #tpu.memory_space<hbm>>, %arg5: memref<1024xf32, #tpu.memory_space<hbm>>, %arg6: memref<32x544xf32, #tpu.memory_space<hbm>>, %arg7: memref<10000xi32, #tpu.memory_space<vmem>>, %arg8: memref<16xi32, #tpu.memory_space<vmem>>, %arg9: memref<10000xi32, #tpu.memory_space<vmem>>, %arg10: memref<10000xi32, #tpu.memory_space<vmem>>, %arg11: memref<16xi32, #tpu.memory_space<vmem>>, %arg12: memref<16x128xf32, #tpu.memory_space<vmem>>, %arg13: memref<16x128xf32, #tpu.memory_space<vmem>>, %arg14: memref<1024xf32, #tpu.memory_space<vmem>>, %arg15: memref<544xf32, #tpu.memory_space<vmem>>, %arg16: memref<16xf32, #tpu.memory_space<vmem>>, %arg17: memref<16xf32, #tpu.memory_space<vmem>>, %arg18: memref<!tpu.dma_semaphore, #tpu.memory_space<semaphore_mem>>, %arg19: memref<!tpu.dma_semaphore, #tpu.memory_space<semaphore_mem>>, %arg20: memref<!tpu.dma_semaphore, #tpu.memory_space<semaphore_mem>>, %arg21: memref<!tpu.dma_semaphore, #tpu.memory_space<semaphore_mem>>) attributes {dimension_semantics = [#tpu.dimension_semantics<core_parallel>, #tpu.dimension_semantics<subcore_parallel>], iteration_bounds = array<i64: 2, 16>, scalar_prefetch = 0 : i64, scratch_operands = 15 : i64, tpu.core_type = #tpu.core_type<sc_vector_subcore>, window_params = [{transform_indices = #map}, {transform_indices = #map1}, {transform_indices = #map1}, {transform_indices = #map}, {transform_indices = #map1}]} {
    %mul3A = arith.constant 2 : i32
    %mul3A_0 = arith.muli %arg1, %mul3A : i32
    %add3A = arith.addi %mul3A_0, %arg0 : i32
    %mul3A_1 = arith.constant 10000 : i32
    %mul3A_2 = arith.muli %add3A, %mul3A_1 : i32
    tpu.enqueue_dma source(%arg5 : memref<1024xf32, #tpu.memory_space<hbm>>) target(%arg14 : memref<1024xf32, #tpu.memory_space<vmem>>) target_semaphore(%arg19 : memref<!tpu.dma_semaphore, #tpu.memory_space<semaphore_mem>>)
    %add3A_3 = arith.constant 320000 : i32
    %add3A_4 = arith.addi %add3A_3, %mul3A_2 : i32
    "tpu.region"() ({
      %run_scoped3A = tpu.sem_alloc : memref<!tpu.dma_semaphore, #tpu.memory_space<semaphore_mem>>
      %dma_start3A = tpu.memref_slice %arg2[%add3A_4] : memref<640000xi32, #tpu.memory_space<hbm>> -> memref<10000xi32, #tpu.memory_space<hbm>>
      %dma_start3A_177 = tpu.memref_slice %arg2[%add3A_4] : memref<640000xi32, #tpu.memory_space<hbm>> -> memref<10000xi32, #tpu.memory_space<hbm>>
      tpu.enqueue_dma source(%dma_start3A_177 : memref<10000xi32, #tpu.memory_space<hbm>>) target(%arg7 : memref<10000xi32, #tpu.memory_space<vmem>>) target_semaphore(%run_scoped3A : memref<!tpu.dma_semaphore, #tpu.memory_space<semaphore_mem>>)
      %dma_wait3A = tpu.memref_slice %arg2[%add3A_4] : memref<640000xi32, #tpu.memory_space<hbm>> -> memref<10000xi32, #tpu.memory_space<hbm>>
      %dma_wait3A_178 = tpu.memref_slice %arg2[%add3A_4] : memref<640000xi32, #tpu.memory_space<hbm>> -> memref<10000xi32, #tpu.memory_space<hbm>>
      tpu.wait_dma2 semaphore(%run_scoped3A : memref<!tpu.dma_semaphore, #tpu.memory_space<semaphore_mem>>) src(%dma_wait3A_178 : memref<10000xi32, #tpu.memory_space<hbm>>) dst(%arg7 : memref<10000xi32, #tpu.memory_space<vmem>>)
      tpu.yield
    }) : () -> ()
    %iota3A = tpu.iota {dimensions = array<i32: 0>} : vector<16xi32>
    %mul3A_5 = arith.constant 625 : i32
    %mul3A_6 = vector.broadcast %mul3A_5 : i32 to vector<16xi32>
    %mul3A_7 = arith.muli %iota3A, %mul3A_6 : vector<16xi32>
    %broadcast_in_dim3A = arith.constant 0 : i32
    %broadcast_in_dim3A_8 = vector.broadcast %broadcast_in_dim3A : i32 to vector<16xi32>
    %swap3A = arith.constant 0 : index
    %swap3A_9 = tpu.vector_load %arg11[%swap3A] {strides = array<i32>} : memref<16xi32, #tpu.memory_space<vmem>>, vector<16xi32>,
    tpu.vector_store %arg11[%swap3A], %broadcast_in_dim3A_8 {strides = array<i32>} : memref<16xi32, #tpu.memory_space<vmem>>, vector<16xi32>,
    %scan3A = arith.constant 0 : i32
    %scan3A_10 = arith.constant 0 : i32
    %scan3A_11 = arith.constant 25 : i32
    %scan3A_12 = arith.addi %scan3A_10, %scan3A_11 : i32
    %scan3A_13 = arith.constant 1 : i32
    %scan3A_14 = scf.for %scan3A_177 = %scan3A_10 to %scan3A_12 step %scan3A_13 iter_args(%scan3A_178 = %scan3A) -> (i32)  : i32 {
      %mul3A_179 = arith.constant 25 : i32
      %mul3A_180 = arith.muli %scan3A_177, %mul3A_179 : i32
      %mul3A_181 = arith.constant 16 : i32
      %mul3A_182 = arith.muli %mul3A_180, %mul3A_181 : i32
      %get3A_183 = arith.index_cast %mul3A_182 : i32 to index
      %get3A_184 = tpu.vector_load %arg7[%get3A_183] {strides = array<i32>} : memref<10000xi32, #tpu.memory_space<vmem>>, vector<16xi32>,
      %eq3A_185 = arith.constant 0 : i32
      %eq3A_186 = vector.broadcast %eq3A_185 : i32 to vector<16xi32>
      %eq3A_187 = arith.cmpi eq, %get3A_184, %eq3A_186 : vector<16xi32>
      %mul3A_188 = arith.constant 25 : i32
      %mul3A_189 = arith.muli %scan3A_177, %mul3A_188 : i32
      %add3A_190 = arith.constant 1 : i32
      %add3A_191 = arith.addi %mul3A_189, %add3A_190 : i32
      %mul3A_192 = arith.constant 16 : i32
      %mul3A_193 = arith.muli %add3A_191, %mul3A_192 : i32
      %get3A_194 = arith.index_cast %mul3A_193 : i32 to index
      %get3A_195 = tpu.vector_load %arg7[%get3A_194] {strides = array<i32>} : memref<10000xi32, #tpu.memory_space<vmem>>, vector<16xi32>,
      %eq3A_196 = arith.constant 0 : i32
      %eq3A_197 = vector.broadcast %eq3A_196 : i32 to vector<16xi32>
      %eq3A_198 = arith.cmpi eq, %get3A_195, %eq3A_197 : vector<16xi32>
      %or3A = arith.ori %eq3A_187, %eq3A_198 : vector<16xi1>
      %mul3A_199 = arith.constant 25 : i32
      %mul3A_200 = arith.muli %scan3A_177, %mul3A_199 : i32
      %add3A_201 = arith.constant 2 : i32
      %add3A_202 = arith.addi %mul3A_200, %add3A_201 : i32
      %mul3A_203 = arith.constant 16 : i32
      %mul3A_204 = arith.muli %add3A_202, %mul3A_203 : i32
      %get3A_205 = arith.index_cast %mul3A_204 : i32 to index
      %get3A_206 = tpu.vector_load %arg7[%get3A_205] {strides = array<i32>} : memref<10000xi32, #tpu.memory_space<vmem>>, vector<16xi32>,
      %eq3A_207 = arith.constant 0 : i32
      %eq3A_208 = vector.broadcast %eq3A_207 : i32 to vector<16xi32>
      %eq3A_209 = arith.cmpi eq, %get3A_206, %eq3A_208 : vector<16xi32>
      %or3A_210 = arith.ori %or3A, %eq3A_209 : vector<16xi1>
      %mul3A_211 = arith.constant 25 : i32
      %mul3A_212 = arith.muli %scan3A_177, %mul3A_211 : i32
      %add3A_213 = arith.constant 3 : i32
      %add3A_214 = arith.addi %mul3A_212, %add3A_213 : i32
      %mul3A_215 = arith.constant 16 : i32
      %mul3A_216 = arith.muli %add3A_214, %mul3A_215 : i32
      %get3A_217 = arith.index_cast %mul3A_216 : i32 to index
      %get3A_218 = tpu.vector_load %arg7[%get3A_217] {strides = array<i32>} : memref<10000xi32, #tpu.memory_space<vmem>>, vector<16xi32>,
      %eq3A_219 = arith.constant 0 : i32
      %eq3A_220 = vector.broadcast %eq3A_219 : i32 to vector<16xi32>
      %eq3A_221 = arith.cmpi eq, %get3A_218, %eq3A_220 : vector<16xi32>
      %or3A_222 = arith.ori %or3A_210, %eq3A_221 : vector<16xi1>
      %mul3A_223 = arith.constant 25 : i32
      %mul3A_224 = arith.muli %scan3A_177, %mul3A_223 : i32
      %add3A_225 = arith.constant 4 : i32
      %add3A_226 = arith.addi %mul3A_224, %add3A_225 : i32
      %mul3A_227 = arith.constant 16 : i32
      %mul3A_228 = arith.muli %add3A_226, %mul3A_227 : i32
      %get3A_229 = arith.index_cast %mul3A_228 : i32 to index
      %get3A_230 = tpu.vector_load %arg7[%get3A_229] {strides = array<i32>} : memref<10000xi32, #tpu.memory_space<vmem>>, vector<16xi32>,
      %eq3A_231 = arith.constant 0 : i32
      %eq3A_232 = vector.broadcast %eq3A_231 : i32 to vector<16xi32>
      %eq3A_233 = arith.cmpi eq, %get3A_230, %eq3A_232 : vector<16xi32>
      %or3A_234 = arith.ori %or3A_222, %eq3A_233 : vector<16xi1>
      %mul3A_235 = arith.constant 25 : i32
      %mul3A_236 = arith.muli %scan3A_177, %mul3A_235 : i32
      %add3A_237 = arith.constant 5 : i32
      %add3A_238 = arith.addi %mul3A_236, %add3A_237 : i32
      %mul3A_239 = arith.constant 16 : i32
      %mul3A_240 = arith.muli %add3A_238, %mul3A_239 : i32
      %get3A_241 = arith.index_cast %mul3A_240 : i32 to index
      %get3A_242 = tpu.vector_load %arg7[%get3A_241] {strides = array<i32>} : memref<10000xi32, #tpu.memory_space<vmem>>, vector<16xi32>,
      %eq3A_243 = arith.constant 0 : i32
      %eq3A_244 = vector.broadcast %eq3A_243 : i32 to vector<16xi32>
      %eq3A_245 = arith.cmpi eq, %get3A_242, %eq3A_244 : vector<16xi32>
      %or3A_246 = arith.ori %or3A_234, %eq3A_245 : vector<16xi1>
      %mul3A_247 = arith.constant 25 : i32
      %mul3A_248 = arith.muli %scan3A_177, %mul3A_247 : i32
      %add3A_249 = arith.constant 6 : i32
      %add3A_250 = arith.addi %mul3A_248, %add3A_249 : i32
      %mul3A_251 = arith.constant 16 : i32
      %mul3A_252 = arith.muli %add3A_250, %mul3A_251 : i32
      %get3A_253 = arith.index_cast %mul3A_252 : i32 to index
      %get3A_254 = tpu.vector_load %arg7[%get3A_253] {strides = array<i32>} : memref<10000xi32, #tpu.memory_space<vmem>>, vector<16xi32>,
      %eq3A_255 = arith.constant 0 : i32
      %eq3A_256 = vector.broadcast %eq3A_255 : i32 to vector<16xi32>
      %eq3A_257 = arith.cmpi eq, %get3A_254, %eq3A_256 : vector<16xi32>
      %or3A_258 = arith.ori %or3A_246, %eq3A_257 : vector<16xi1>
      %mul3A_259 = arith.constant 25 : i32
      %mul3A_260 = arith.muli %scan3A_177, %mul3A_259 : i32
      %add3A_261 = arith.constant 7 : i32
      %add3A_262 = arith.addi %mul3A_260, %add3A_261 : i32
      %mul3A_263 = arith.constant 16 : i32
      %mul3A_264 = arith.muli %add3A_262, %mul3A_263 : i32
      %get3A_265 = arith.index_cast %mul3A_264 : i32 to index
      %get3A_266 = tpu.vector_load %arg7[%get3A_265] {strides = array<i32>} : memref<10000xi32, #tpu.memory_space<vmem>>, vector<16xi32>,
      %eq3A_267 = arith.constant 0 : i32
      %eq3A_268 = vector.broadcast %eq3A_267 : i32 to vector<16xi32>
      %eq3A_269 = arith.cmpi eq, %get3A_266, %eq3A_268 : vector<16xi32>
      %or3A_270 = arith.ori %or3A_258, %eq3A_269 : vector<16xi1>
      %mul3A_271 = arith.constant 25 : i32
      %mul3A_272 = arith.muli %scan3A_177, %mul3A_271 : i32
      %add3A_273 = arith.constant 8 : i32
      %add3A_274 = arith.addi %mul3A_272, %add3A_273 : i32
      %mul3A_275 = arith.constant 16 : i32
      %mul3A_276 = arith.muli %add3A_274, %mul3A_275 : i32
      %get3A_277 = arith.index_cast %mul3A_276 : i32 to index
      %get3A_278 = tpu.vector_load %arg7[%get3A_277] {strides = array<i32>} : memref<10000xi32, #tpu.memory_space<vmem>>, vector<16xi32>,
      %eq3A_279 = arith.constant 0 : i32
      %eq3A_280 = vector.broadcast %eq3A_279 : i32 to vector<16xi32>
      %eq3A_281 = arith.cmpi eq, %get3A_278, %eq3A_280 : vector<16xi32>
      %or3A_282 = arith.ori %or3A_270, %eq3A_281 : vector<16xi1>
      %mul3A_283 = arith.constant 25 : i32
      %mul3A_284 = arith.muli %scan3A_177, %mul3A_283 : i32
      %add3A_285 = arith.constant 9 : i32
      %add3A_286 = arith.addi %mul3A_284, %add3A_285 : i32
      %mul3A_287 = arith.constant 16 : i32
      %mul3A_288 = arith.muli %add3A_286, %mul3A_287 : i32
      %get3A_289 = arith.index_cast %mul3A_288 : i32 to index
      %get3A_290 = tpu.vector_load %arg7[%get3A_289] {strides = array<i32>} : memref<10000xi32, #tpu.memory_space<vmem>>, vector<16xi32>,
      %eq3A_291 = arith.constant 0 : i32
      %eq3A_292 = vector.broadcast %eq3A_291 : i32 to vector<16xi32>
      %eq3A_293 = arith.cmpi eq, %get3A_290, %eq3A_292 : vector<16xi32>
      %or3A_294 = arith.ori %or3A_282, %eq3A_293 : vector<16xi1>
      %mul3A_295 = arith.constant 25 : i32
      %mul3A_296 = arith.muli %scan3A_177, %mul3A_295 : i32
      %add3A_297 = arith.constant 10 : i32
      %add3A_298 = arith.addi %mul3A_296, %add3A_297 : i32
      %mul3A_299 = arith.constant 16 : i32
      %mul3A_300 = arith.muli %add3A_298, %mul3A_299 : i32
      %get3A_301 = arith.index_cast %mul3A_300 : i32 to index
      %get3A_302 = tpu.vector_load %arg7[%get3A_301] {strides = array<i32>} : memref<10000xi32, #tpu.memory_space<vmem>>, vector<16xi32>,
      %eq3A_303 = arith.constant 0 : i32
      %eq3A_304 = vector.broadcast %eq3A_303 : i32 to vector<16xi32>
      %eq3A_305 = arith.cmpi eq, %get3A_302, %eq3A_304 : vector<16xi32>
      %or3A_306 = arith.ori %or3A_294, %eq3A_305 : vector<16xi1>
      %mul3A_307 = arith.constant 25 : i32
      %mul3A_308 = arith.muli %scan3A_177, %mul3A_307 : i32
      %add3A_309 = arith.constant 11 : i32
      %add3A_310 = arith.addi %mul3A_308, %add3A_309 : i32
      %mul3A_311 = arith.constant 16 : i32
      %mul3A_312 = arith.muli %add3A_310, %mul3A_311 : i32
      %get3A_313 = arith.index_cast %mul3A_312 : i32 to index
      %get3A_314 = tpu.vector_load %arg7[%get3A_313] {strides = array<i32>} : memref<10000xi32, #tpu.memory_space<vmem>>, vector<16xi32>,
      %eq3A_315 = arith.constant 0 : i32
      %eq3A_316 = vector.broadcast %eq3A_315 : i32 to vector<16xi32>
      %eq3A_317 = arith.cmpi eq, %get3A_314, %eq3A_316 : vector<16xi32>
      %or3A_318 = arith.ori %or3A_306, %eq3A_317 : vector<16xi1>
      %mul3A_319 = arith.constant 25 : i32
      %mul3A_320 = arith.muli %scan3A_177, %mul3A_319 : i32
      %add3A_321 = arith.constant 12 : i32
      %add3A_322 = arith.addi %mul3A_320, %add3A_321 : i32
      %mul3A_323 = arith.constant 16 : i32
      %mul3A_324 = arith.muli %add3A_322, %mul3A_323 : i32
      %get3A_325 = arith.index_cast %mul3A_324 : i32 to index
      %get3A_326 = tpu.vector_load %arg7[%get3A_325] {strides = array<i32>} : memref<10000xi32, #tpu.memory_space<vmem>>, vector<16xi32>,
      %eq3A_327 = arith.constant 0 : i32
      %eq3A_328 = vector.broadcast %eq3A_327 : i32 to vector<16xi32>
      %eq3A_329 = arith.cmpi eq, %get3A_326, %eq3A_328 : vector<16xi32>
      %or3A_330 = arith.ori %or3A_318, %eq3A_329 : vector<16xi1>
      %mul3A_331 = arith.constant 25 : i32
      %mul3A_332 = arith.muli %scan3A_177, %mul3A_331 : i32
      %add3A_333 = arith.constant 13 : i32
      %add3A_334 = arith.addi %mul3A_332, %add3A_333 : i32
      %mul3A_335 = arith.constant 16 : i32
      %mul3A_336 = arith.muli %add3A_334, %mul3A_335 : i32
      %get3A_337 = arith.index_cast %mul3A_336 : i32 to index
      %get3A_338 = tpu.vector_load %arg7[%get3A_337] {strides = array<i32>} : memref<10000xi32, #tpu.memory_space<vmem>>, vector<16xi32>,
      %eq3A_339 = arith.constant 0 : i32
      %eq3A_340 = vector.broadcast %eq3A_339 : i32 to vector<16xi32>
      %eq3A_341 = arith.cmpi eq, %get3A_338, %eq3A_340 : vector<16xi32>
      %or3A_342 = arith.ori %or3A_330, %eq3A_341 : vector<16xi1>
      %mul3A_343 = arith.constant 25 : i32
      %mul3A_344 = arith.muli %scan3A_177, %mul3A_343 : i32
      %add3A_345 = arith.constant 14 : i32
      %add3A_346 = arith.addi %mul3A_344, %add3A_345 : i32
      %mul3A_347 = arith.constant 16 : i32
      %mul3A_348 = arith.muli %add3A_346, %mul3A_347 : i32
      %get3A_349 = arith.index_cast %mul3A_348 : i32 to index
      %get3A_350 = tpu.vector_load %arg7[%get3A_349] {strides = array<i32>} : memref<10000xi32, #tpu.memory_space<vmem>>, vector<16xi32>,
      %eq3A_351 = arith.constant 0 : i32
      %eq3A_352 = vector.broadcast %eq3A_351 : i32 to vector<16xi32>
      %eq3A_353 = arith.cmpi eq, %get3A_350, %eq3A_352 : vector<16xi32>
      %or3A_354 = arith.ori %or3A_342, %eq3A_353 : vector<16xi1>
      %mul3A_355 = arith.constant 25 : i32
      %mul3A_356 = arith.muli %scan3A_177, %mul3A_355 : i32
      %add3A_357 = arith.constant 15 : i32
      %add3A_358 = arith.addi %mul3A_356, %add3A_357 : i32
      %mul3A_359 = arith.constant 16 : i32
      %mul3A_360 = arith.muli %add3A_358, %mul3A_359 : i32
      %get3A_361 = arith.index_cast %mul3A_360 : i32 to index
      %get3A_362 = tpu.vector_load %arg7[%get3A_361] {strides = array<i32>} : memref<10000xi32, #tpu.memory_space<vmem>>, vector<16xi32>,
      %eq3A_363 = arith.constant 0 : i32
      %eq3A_364 = vector.broadcast %eq3A_363 : i32 to vector<16xi32>
      %eq3A_365 = arith.cmpi eq, %get3A_362, %eq3A_364 : vector<16xi32>
      %or3A_366 = arith.ori %or3A_354, %eq3A_365 : vector<16xi1>
      %mul3A_367 = arith.constant 25 : i32
      %mul3A_368 = arith.muli %scan3A_177, %mul3A_367 : i32
      %add3A_369 = arith.constant 16 : i32
      %add3A_370 = arith.addi %mul3A_368, %add3A_369 : i32
      %mul3A_371 = arith.constant 16 : i32
      %mul3A_372 = arith.muli %add3A_370, %mul3A_371 : i32
      %get3A_373 = arith.index_cast %mul3A_372 : i32 to index
      %get3A_374 = tpu.vector_load %arg7[%get3A_373] {strides = array<i32>} : memref<10000xi32, #tpu.memory_space<vmem>>, vector<16xi32>,
      %eq3A_375 = arith.constant 0 : i32
      %eq3A_376 = vector.broadcast %eq3A_375 : i32 to vector<16xi32>
      %eq3A_377 = arith.cmpi eq, %get3A_374, %eq3A_376 : vector<16xi32>
      %or3A_378 = arith.ori %or3A_366, %eq3A_377 : vector<16xi1>
      %mul3A_379 = arith.constant 25 : i32
      %mul3A_380 = arith.muli %scan3A_177, %mul3A_379 : i32
      %add3A_381 = arith.constant 17 : i32
      %add3A_382 = arith.addi %mul3A_380, %add3A_381 : i32
      %mul3A_383 = arith.constant 16 : i32
      %mul3A_384 = arith.muli %add3A_382, %mul3A_383 : i32
      %get3A_385 = arith.index_cast %mul3A_384 : i32 to index
      %get3A_386 = tpu.vector_load %arg7[%get3A_385] {strides = array<i32>} : memref<10000xi32, #tpu.memory_space<vmem>>, vector<16xi32>,
      %eq3A_387 = arith.constant 0 : i32
      %eq3A_388 = vector.broadcast %eq3A_387 : i32 to vector<16xi32>
      %eq3A_389 = arith.cmpi eq, %get3A_386, %eq3A_388 : vector<16xi32>
      %or3A_390 = arith.ori %or3A_378, %eq3A_389 : vector<16xi1>
      %mul3A_391 = arith.constant 25 : i32
      %mul3A_392 = arith.muli %scan3A_177, %mul3A_391 : i32
      %add3A_393 = arith.constant 18 : i32
      %add3A_394 = arith.addi %mul3A_392, %add3A_393 : i32
      %mul3A_395 = arith.constant 16 : i32
      %mul3A_396 = arith.muli %add3A_394, %mul3A_395 : i32
      %get3A_397 = arith.index_cast %mul3A_396 : i32 to index
      %get3A_398 = tpu.vector_load %arg7[%get3A_397] {strides = array<i32>} : memref<10000xi32, #tpu.memory_space<vmem>>, vector<16xi32>,
      %eq3A_399 = arith.constant 0 : i32
      %eq3A_400 = vector.broadcast %eq3A_399 : i32 to vector<16xi32>
      %eq3A_401 = arith.cmpi eq, %get3A_398, %eq3A_400 : vector<16xi32>
      %or3A_402 = arith.ori %or3A_390, %eq3A_401 : vector<16xi1>
      %mul3A_403 = arith.constant 25 : i32
      %mul3A_404 = arith.muli %scan3A_177, %mul3A_403 : i32
      %add3A_405 = arith.constant 19 : i32
      %add3A_406 = arith.addi %mul3A_404, %add3A_405 : i32
      %mul3A_407 = arith.constant 16 : i32
      %mul3A_408 = arith.muli %add3A_406, %mul3A_407 : i32
      %get3A_409 = arith.index_cast %mul3A_408 : i32 to index
      %get3A_410 = tpu.vector_load %arg7[%get3A_409] {strides = array<i32>} : memref<10000xi32, #tpu.memory_space<vmem>>, vector<16xi32>,
      %eq3A_411 = arith.constant 0 : i32
      %eq3A_412 = vector.broadcast %eq3A_411 : i32 to vector<16xi32>
      %eq3A_413 = arith.cmpi eq, %get3A_410, %eq3A_412 : vector<16xi32>
      %or3A_414 = arith.ori %or3A_402, %eq3A_413 : vector<16xi1>
      %mul3A_415 = arith.constant 25 : i32
      %mul3A_416 = arith.muli %scan3A_177, %mul3A_415 : i32
      %add3A_417 = arith.constant 20 : i32
      %add3A_418 = arith.addi %mul3A_416, %add3A_417 : i32
      %mul3A_419 = arith.constant 16 : i32
      %mul3A_420 = arith.muli %add3A_418, %mul3A_419 : i32
      %get3A_421 = arith.index_cast %mul3A_420 : i32 to index
      %get3A_422 = tpu.vector_load %arg7[%get3A_421] {strides = array<i32>} : memref<10000xi32, #tpu.memory_space<vmem>>, vector<16xi32>,
      %eq3A_423 = arith.constant 0 : i32
      %eq3A_424 = vector.broadcast %eq3A_423 : i32 to vector<16xi32>
      %eq3A_425 = arith.cmpi eq, %get3A_422, %eq3A_424 : vector<16xi32>
      %or3A_426 = arith.ori %or3A_414, %eq3A_425 : vector<16xi1>
      %mul3A_427 = arith.constant 25 : i32
      %mul3A_428 = arith.muli %scan3A_177, %mul3A_427 : i32
      %add3A_429 = arith.constant 21 : i32
      %add3A_430 = arith.addi %mul3A_428, %add3A_429 : i32
      %mul3A_431 = arith.constant 16 : i32
      %mul3A_432 = arith.muli %add3A_430, %mul3A_431 : i32
      %get3A_433 = arith.index_cast %mul3A_432 : i32 to index
      %get3A_434 = tpu.vector_load %arg7[%get3A_433] {strides = array<i32>} : memref<10000xi32, #tpu.memory_space<vmem>>, vector<16xi32>,
      %eq3A_435 = arith.constant 0 : i32
      %eq3A_436 = vector.broadcast %eq3A_435 : i32 to vector<16xi32>
      %eq3A_437 = arith.cmpi eq, %get3A_434, %eq3A_436 : vector<16xi32>
      %or3A_438 = arith.ori %or3A_426, %eq3A_437 : vector<16xi1>
      %mul3A_439 = arith.constant 25 : i32
      %mul3A_440 = arith.muli %scan3A_177, %mul3A_439 : i32
      %add3A_441 = arith.constant 22 : i32
      %add3A_442 = arith.addi %mul3A_440, %add3A_441 : i32
      %mul3A_443 = arith.constant 16 : i32
      %mul3A_444 = arith.muli %add3A_442, %mul3A_443 : i32
      %get3A_445 = arith.index_cast %mul3A_444 : i32 to index
      %get3A_446 = tpu.vector_load %arg7[%get3A_445] {strides = array<i32>} : memref<10000xi32, #tpu.memory_space<vmem>>, vector<16xi32>,
      %eq3A_447 = arith.constant 0 : i32
      %eq3A_448 = vector.broadcast %eq3A_447 : i32 to vector<16xi32>
      %eq3A_449 = arith.cmpi eq, %get3A_446, %eq3A_448 : vector<16xi32>
      %or3A_450 = arith.ori %or3A_438, %eq3A_449 : vector<16xi1>
      %mul3A_451 = arith.constant 25 : i32
      %mul3A_452 = arith.muli %scan3A_177, %mul3A_451 : i32
      %add3A_453 = arith.constant 23 : i32
      %add3A_454 = arith.addi %mul3A_452, %add3A_453 : i32
      %mul3A_455 = arith.constant 16 : i32
      %mul3A_456 = arith.muli %add3A_454, %mul3A_455 : i32
      %get3A_457 = arith.index_cast %mul3A_456 : i32 to index
      %get3A_458 = tpu.vector_load %arg7[%get3A_457] {strides = array<i32>} : memref<10000xi32, #tpu.memory_space<vmem>>, vector<16xi32>,
      %eq3A_459 = arith.constant 0 : i32
      %eq3A_460 = vector.broadcast %eq3A_459 : i32 to vector<16xi32>
      %eq3A_461 = arith.cmpi eq, %get3A_458, %eq3A_460 : vector<16xi32>
      %or3A_462 = arith.ori %or3A_450, %eq3A_461 : vector<16xi1>
      %mul3A_463 = arith.constant 25 : i32
      %mul3A_464 = arith.muli %scan3A_177, %mul3A_463 : i32
      %add3A_465 = arith.constant 24 : i32
      %add3A_466 = arith.addi %mul3A_464, %add3A_465 : i32
      %mul3A_467 = arith.constant 16 : i32
      %mul3A_468 = arith.muli %add3A_466, %mul3A_467 : i32
      %get3A_469 = arith.index_cast %mul3A_468 : i32 to index
      %get3A_470 = tpu.vector_load %arg7[%get3A_469] {strides = array<i32>} : memref<10000xi32, #tpu.memory_space<vmem>>, vector<16xi32>,
      %eq3A_471 = arith.constant 0 : i32
      %eq3A_472 = vector.broadcast %eq3A_471 : i32 to vector<16xi32>
      %eq3A_473 = arith.cmpi eq, %get3A_470, %eq3A_472 : vector<16xi32>
      %or3A_474 = arith.ori %or3A_462, %eq3A_473 : vector<16xi1>
      %reduce_or3A = arith.constant 1.000000e+00 : f32
      %reduce_or3A_475 = arith.constant 0.000000e+00 : f32
      %reduce_or3A_476 = vector.broadcast %reduce_or3A : f32 to vector<16xf32>
      %reduce_or3A_477 = vector.broadcast %reduce_or3A_475 : f32 to vector<16xf32>
      %reduce_or3A_478 = arith.select %or3A_474, %reduce_or3A_476, %reduce_or3A_477 : vector<16xi1>, vector<16xf32>
      %reduce_or3A_479 = arith.constant true
      %reduce_or3A_480 = vector.broadcast %reduce_or3A_479 : i1 to vector<16xi1>
      %reduce_or3A_481 = tpu.scan <max>, %reduce_or3A_478 masked %reduce_or3A_480 : vector<16xf32>, vector<16xi1> -> vector<16xf32>
      %reduce_or3A_482 = vector.extract %reduce_or3A_481[15] : f32 from vector<16xf32>
      %reduce_or3A_483 = arith.constant 0.000000e+00 : f32
      %reduce_or3A_484 = arith.cmpf ogt, %reduce_or3A_482, %reduce_or3A_483 : f32
      %convert_element_type3A = arith.extui %reduce_or3A_484 : i1 to i32
      %cond3A = arith.constant 0 : i32
      %cond3A_485 = arith.cmpi ne, %convert_element_type3A, %cond3A : i32
      scf.if %cond3A_485 {
        %get3A_487 = arith.constant 0 : index
        %get3A_488 = tpu.vector_load %arg11[%get3A_487] {strides = array<i32>} : memref<16xi32, #tpu.memory_space<vmem>>, vector<16xi32>,
        %mul3A_489 = arith.constant 25 : i32
        %mul3A_490 = arith.muli %scan3A_177, %mul3A_489 : i32
        %add3A_491 = arith.constant 0 : i32
        %add3A_492 = arith.addi %mul3A_490, %add3A_491 : i32
        %mul3A_493 = arith.constant 16 : i32
        %mul3A_494 = arith.muli %add3A_492, %mul3A_493 : i32
        %get3A_495 = arith.index_cast %mul3A_494 : i32 to index
        %get3A_496 = tpu.vector_load %arg7[%get3A_495] {strides = array<i32>} : memref<10000xi32, #tpu.memory_space<vmem>>, vector<16xi32>,
        %eq3A_497 = arith.constant 0 : i32
        %eq3A_498 = vector.broadcast %eq3A_497 : i32 to vector<16xi32>
        %eq3A_499 = arith.cmpi eq, %get3A_496, %eq3A_498 : vector<16xi32>
        %mul3A_500 = arith.constant 25 : i32
        %mul3A_501 = arith.muli %scan3A_177, %mul3A_500 : i32
        %add3A_502 = arith.constant 0 : i32
        %add3A_503 = arith.addi %mul3A_501, %add3A_502 : i32
        %mul3A_504 = arith.constant 16 : i32
        %mul3A_505 = arith.muli %add3A_503, %mul3A_504 : i32
        %add3A_506 = arith.addi %mul3A_2, %mul3A_505 : i32
        %add3A_507 = vector.broadcast %add3A_506 : i32 to vector<16xi32>
        %add3A_508 = arith.addi %add3A_507, %iota3A : vector<16xi32>
        %add3A_509 = arith.addi %mul3A_7, %get3A_488 : vector<16xi32>
        tpu.vector_store_idx %arg9[%add3A_509], %add3A_508 masked %eq3A_499 : memref<10000xi32, #tpu.memory_space<vmem>>[vector<16xi32>], vector<16xi32>, vector<16xi1>
        %convert_element_type3A_510 = arith.extui %eq3A_499 : vector<16xi1> to vector<16xi32>
        %add3A_511 = arith.addi %get3A_488, %convert_element_type3A_510 : vector<16xi32>
        %mul3A_512 = arith.constant 25 : i32
        %mul3A_513 = arith.muli %scan3A_177, %mul3A_512 : i32
        %add3A_514 = arith.constant 1 : i32
        %add3A_515 = arith.addi %mul3A_513, %add3A_514 : i32
        %mul3A_516 = arith.constant 16 : i32
        %mul3A_517 = arith.muli %add3A_515, %mul3A_516 : i32
        %get3A_518 = arith.index_cast %mul3A_517 : i32 to index
        %get3A_519 = tpu.vector_load %arg7[%get3A_518] {strides = array<i32>} : memref<10000xi32, #tpu.memory_space<vmem>>, vector<16xi32>,
        %eq3A_520 = arith.constant 0 : i32
        %eq3A_521 = vector.broadcast %eq3A_520 : i32 to vector<16xi32>
        %eq3A_522 = arith.cmpi eq, %get3A_519, %eq3A_521 : vector<16xi32>
        %mul3A_523 = arith.constant 25 : i32
        %mul3A_524 = arith.muli %scan3A_177, %mul3A_523 : i32
        %add3A_525 = arith.constant 1 : i32
        %add3A_526 = arith.addi %mul3A_524, %add3A_525 : i32
        %mul3A_527 = arith.constant 16 : i32
        %mul3A_528 = arith.muli %add3A_526, %mul3A_527 : i32
        %add3A_529 = arith.addi %mul3A_2, %mul3A_528 : i32
        %add3A_530 = vector.broadcast %add3A_529 : i32 to vector<16xi32>
        %add3A_531 = arith.addi %add3A_530, %iota3A : vector<16xi32>
        %add3A_532 = arith.addi %mul3A_7, %add3A_511 : vector<16xi32>
        tpu.vector_store_idx %arg9[%add3A_532], %add3A_531 masked %eq3A_522 : memref<10000xi32, #tpu.memory_space<vmem>>[vector<16xi32>], vector<16xi32>, vector<16xi1>
        %convert_element_type3A_533 = arith.extui %eq3A_522 : vector<16xi1> to vector<16xi32>
        %add3A_534 = arith.addi %add3A_511, %convert_element_type3A_533 : vector<16xi32>
        %mul3A_535 = arith.constant 25 : i32
        %mul3A_536 = arith.muli %scan3A_177, %mul3A_535 : i32
        %add3A_537 = arith.constant 2 : i32
        %add3A_538 = arith.addi %mul3A_536, %add3A_537 : i32
        %mul3A_539 = arith.constant 16 : i32
        %mul3A_540 = arith.muli %add3A_538, %mul3A_539 : i32
        %get3A_541 = arith.index_cast %mul3A_540 : i32 to index
        %get3A_542 = tpu.vector_load %arg7[%get3A_541] {strides = array<i32>} : memref<10000xi32, #tpu.memory_space<vmem>>, vector<16xi32>,
        %eq3A_543 = arith.constant 0 : i32
        %eq3A_544 = vector.broadcast %eq3A_543 : i32 to vector<16xi32>
        %eq3A_545 = arith.cmpi eq, %get3A_542, %eq3A_544 : vector<16xi32>
        %mul3A_546 = arith.constant 25 : i32
        %mul3A_547 = arith.muli %scan3A_177, %mul3A_546 : i32
        %add3A_548 = arith.constant 2 : i32
        %add3A_549 = arith.addi %mul3A_547, %add3A_548 : i32
        %mul3A_550 = arith.constant 16 : i32
        %mul3A_551 = arith.muli %add3A_549, %mul3A_550 : i32
        %add3A_552 = arith.addi %mul3A_2, %mul3A_551 : i32
        %add3A_553 = vector.broadcast %add3A_552 : i32 to vector<16xi32>
        %add3A_554 = arith.addi %add3A_553, %iota3A : vector<16xi32>
        %add3A_555 = arith.addi %mul3A_7, %add3A_534 : vector<16xi32>
        tpu.vector_store_idx %arg9[%add3A_555], %add3A_554 masked %eq3A_545 : memref<10000xi32, #tpu.memory_space<vmem>>[vector<16xi32>], vector<16xi32>, vector<16xi1>
        %convert_element_type3A_556 = arith.extui %eq3A_545 : vector<16xi1> to vector<16xi32>
        %add3A_557 = arith.addi %add3A_534, %convert_element_type3A_556 : vector<16xi32>
        %mul3A_558 = arith.constant 25 : i32
        %mul3A_559 = arith.muli %scan3A_177, %mul3A_558 : i32
        %add3A_560 = arith.constant 3 : i32
        %add3A_561 = arith.addi %mul3A_559, %add3A_560 : i32
        %mul3A_562 = arith.constant 16 : i32
        %mul3A_563 = arith.muli %add3A_561, %mul3A_562 : i32
        %get3A_564 = arith.index_cast %mul3A_563 : i32 to index
        %get3A_565 = tpu.vector_load %arg7[%get3A_564] {strides = array<i32>} : memref<10000xi32, #tpu.memory_space<vmem>>, vector<16xi32>,
        %eq3A_566 = arith.constant 0 : i32
        %eq3A_567 = vector.broadcast %eq3A_566 : i32 to vector<16xi32>
        %eq3A_568 = arith.cmpi eq, %get3A_565, %eq3A_567 : vector<16xi32>
        %mul3A_569 = arith.constant 25 : i32
        %mul3A_570 = arith.muli %scan3A_177, %mul3A_569 : i32
        %add3A_571 = arith.constant 3 : i32
        %add3A_572 = arith.addi %mul3A_570, %add3A_571 : i32
        %mul3A_573 = arith.constant 16 : i32
        %mul3A_574 = arith.muli %add3A_572, %mul3A_573 : i32
        %add3A_575 = arith.addi %mul3A_2, %mul3A_574 : i32
        %add3A_576 = vector.broadcast %add3A_575 : i32 to vector<16xi32>
        %add3A_577 = arith.addi %add3A_576, %iota3A : vector<16xi32>
        %add3A_578 = arith.addi %mul3A_7, %add3A_557 : vector<16xi32>
        tpu.vector_store_idx %arg9[%add3A_578], %add3A_577 masked %eq3A_568 : memref<10000xi32, #tpu.memory_space<vmem>>[vector<16xi32>], vector<16xi32>, vector<16xi1>
        %convert_element_type3A_579 = arith.extui %eq3A_568 : vector<16xi1> to vector<16xi32>
        %add3A_580 = arith.addi %add3A_557, %convert_element_type3A_579 : vector<16xi32>
        %mul3A_581 = arith.constant 25 : i32
        %mul3A_582 = arith.muli %scan3A_177, %mul3A_581 : i32
        %add3A_583 = arith.constant 4 : i32
        %add3A_584 = arith.addi %mul3A_582, %add3A_583 : i32
        %mul3A_585 = arith.constant 16 : i32
        %mul3A_586 = arith.muli %add3A_584, %mul3A_585 : i32
        %get3A_587 = arith.index_cast %mul3A_586 : i32 to index
        %get3A_588 = tpu.vector_load %arg7[%get3A_587] {strides = array<i32>} : memref<10000xi32, #tpu.memory_space<vmem>>, vector<16xi32>,
        %eq3A_589 = arith.constant 0 : i32
        %eq3A_590 = vector.broadcast %eq3A_589 : i32 to vector<16xi32>
        %eq3A_591 = arith.cmpi eq, %get3A_588, %eq3A_590 : vector<16xi32>
        %mul3A_592 = arith.constant 25 : i32
        %mul3A_593 = arith.muli %scan3A_177, %mul3A_592 : i32
        %add3A_594 = arith.constant 4 : i32
        %add3A_595 = arith.addi %mul3A_593, %add3A_594 : i32
        %mul3A_596 = arith.constant 16 : i32
        %mul3A_597 = arith.muli %add3A_595, %mul3A_596 : i32
        %add3A_598 = arith.addi %mul3A_2, %mul3A_597 : i32
        %add3A_599 = vector.broadcast %add3A_598 : i32 to vector<16xi32>
        %add3A_600 = arith.addi %add3A_599, %iota3A : vector<16xi32>
        %add3A_601 = arith.addi %mul3A_7, %add3A_580 : vector<16xi32>
        tpu.vector_store_idx %arg9[%add3A_601], %add3A_600 masked %eq3A_591 : memref<10000xi32, #tpu.memory_space<vmem>>[vector<16xi32>], vector<16xi32>, vector<16xi1>
        %convert_element_type3A_602 = arith.extui %eq3A_591 : vector<16xi1> to vector<16xi32>
        %add3A_603 = arith.addi %add3A_580, %convert_element_type3A_602 : vector<16xi32>
        %mul3A_604 = arith.constant 25 : i32
        %mul3A_605 = arith.muli %scan3A_177, %mul3A_604 : i32
        %add3A_606 = arith.constant 5 : i32
        %add3A_607 = arith.addi %mul3A_605, %add3A_606 : i32
        %mul3A_608 = arith.constant 16 : i32
        %mul3A_609 = arith.muli %add3A_607, %mul3A_608 : i32
        %get3A_610 = arith.index_cast %mul3A_609 : i32 to index
        %get3A_611 = tpu.vector_load %arg7[%get3A_610] {strides = array<i32>} : memref<10000xi32, #tpu.memory_space<vmem>>, vector<16xi32>,
        %eq3A_612 = arith.constant 0 : i32
        %eq3A_613 = vector.broadcast %eq3A_612 : i32 to vector<16xi32>
        %eq3A_614 = arith.cmpi eq, %get3A_611, %eq3A_613 : vector<16xi32>
        %mul3A_615 = arith.constant 25 : i32
        %mul3A_616 = arith.muli %scan3A_177, %mul3A_615 : i32
        %add3A_617 = arith.constant 5 : i32
        %add3A_618 = arith.addi %mul3A_616, %add3A_617 : i32
        %mul3A_619 = arith.constant 16 : i32
        %mul3A_620 = arith.muli %add3A_618, %mul3A_619 : i32
        %add3A_621 = arith.addi %mul3A_2, %mul3A_620 : i32
        %add3A_622 = vector.broadcast %add3A_621 : i32 to vector<16xi32>
        %add3A_623 = arith.addi %add3A_622, %iota3A : vector<16xi32>
        %add3A_624 = arith.addi %mul3A_7, %add3A_603 : vector<16xi32>
        tpu.vector_store_idx %arg9[%add3A_624], %add3A_623 masked %eq3A_614 : memref<10000xi32, #tpu.memory_space<vmem>>[vector<16xi32>], vector<16xi32>, vector<16xi1>
        %convert_element_type3A_625 = arith.extui %eq3A_614 : vector<16xi1> to vector<16xi32>
        %add3A_626 = arith.addi %add3A_603, %convert_element_type3A_625 : vector<16xi32>
        %mul3A_627 = arith.constant 25 : i32
        %mul3A_628 = arith.muli %scan3A_177, %mul3A_627 : i32
        %add3A_629 = arith.constant 6 : i32
        %add3A_630 = arith.addi %mul3A_628, %add3A_629 : i32
        %mul3A_631 = arith.constant 16 : i32
        %mul3A_632 = arith.muli %add3A_630, %mul3A_631 : i32
        %get3A_633 = arith.index_cast %mul3A_632 : i32 to index
        %get3A_634 = tpu.vector_load %arg7[%get3A_633] {strides = array<i32>} : memref<10000xi32, #tpu.memory_space<vmem>>, vector<16xi32>,
        %eq3A_635 = arith.constant 0 : i32
        %eq3A_636 = vector.broadcast %eq3A_635 : i32 to vector<16xi32>
        %eq3A_637 = arith.cmpi eq, %get3A_634, %eq3A_636 : vector<16xi32>
        %mul3A_638 = arith.constant 25 : i32
        %mul3A_639 = arith.muli %scan3A_177, %mul3A_638 : i32
        %add3A_640 = arith.constant 6 : i32
        %add3A_641 = arith.addi %mul3A_639, %add3A_640 : i32
        %mul3A_642 = arith.constant 16 : i32
        %mul3A_643 = arith.muli %add3A_641, %mul3A_642 : i32
        %add3A_644 = arith.addi %mul3A_2, %mul3A_643 : i32
        %add3A_645 = vector.broadcast %add3A_644 : i32 to vector<16xi32>
        %add3A_646 = arith.addi %add3A_645, %iota3A : vector<16xi32>
        %add3A_647 = arith.addi %mul3A_7, %add3A_626 : vector<16xi32>
        tpu.vector_store_idx %arg9[%add3A_647], %add3A_646 masked %eq3A_637 : memref<10000xi32, #tpu.memory_space<vmem>>[vector<16xi32>], vector<16xi32>, vector<16xi1>
        %convert_element_type3A_648 = arith.extui %eq3A_637 : vector<16xi1> to vector<16xi32>
        %add3A_649 = arith.addi %add3A_626, %convert_element_type3A_648 : vector<16xi32>
        %mul3A_650 = arith.constant 25 : i32
        %mul3A_651 = arith.muli %scan3A_177, %mul3A_650 : i32
        %add3A_652 = arith.constant 7 : i32
        %add3A_653 = arith.addi %mul3A_651, %add3A_652 : i32
        %mul3A_654 = arith.constant 16 : i32
        %mul3A_655 = arith.muli %add3A_653, %mul3A_654 : i32
        %get3A_656 = arith.index_cast %mul3A_655 : i32 to index
        %get3A_657 = tpu.vector_load %arg7[%get3A_656] {strides = array<i32>} : memref<10000xi32, #tpu.memory_space<vmem>>, vector<16xi32>,
        %eq3A_658 = arith.constant 0 : i32
        %eq3A_659 = vector.broadcast %eq3A_658 : i32 to vector<16xi32>
        %eq3A_660 = arith.cmpi eq, %get3A_657, %eq3A_659 : vector<16xi32>
        %mul3A_661 = arith.constant 25 : i32
        %mul3A_662 = arith.muli %scan3A_177, %mul3A_661 : i32
        %add3A_663 = arith.constant 7 : i32
        %add3A_664 = arith.addi %mul3A_662, %add3A_663 : i32
        %mul3A_665 = arith.constant 16 : i32
        %mul3A_666 = arith.muli %add3A_664, %mul3A_665 : i32
        %add3A_667 = arith.addi %mul3A_2, %mul3A_666 : i32
        %add3A_668 = vector.broadcast %add3A_667 : i32 to vector<16xi32>
        %add3A_669 = arith.addi %add3A_668, %iota3A : vector<16xi32>
        %add3A_670 = arith.addi %mul3A_7, %add3A_649 : vector<16xi32>
        tpu.vector_store_idx %arg9[%add3A_670], %add3A_669 masked %eq3A_660 : memref<10000xi32, #tpu.memory_space<vmem>>[vector<16xi32>], vector<16xi32>, vector<16xi1>
        %convert_element_type3A_671 = arith.extui %eq3A_660 : vector<16xi1> to vector<16xi32>
        %add3A_672 = arith.addi %add3A_649, %convert_element_type3A_671 : vector<16xi32>
        %mul3A_673 = arith.constant 25 : i32
        %mul3A_674 = arith.muli %scan3A_177, %mul3A_673 : i32
        %add3A_675 = arith.constant 8 : i32
        %add3A_676 = arith.addi %mul3A_674, %add3A_675 : i32
        %mul3A_677 = arith.constant 16 : i32
        %mul3A_678 = arith.muli %add3A_676, %mul3A_677 : i32
        %get3A_679 = arith.index_cast %mul3A_678 : i32 to index
        %get3A_680 = tpu.vector_load %arg7[%get3A_679] {strides = array<i32>} : memref<10000xi32, #tpu.memory_space<vmem>>, vector<16xi32>,
        %eq3A_681 = arith.constant 0 : i32
        %eq3A_682 = vector.broadcast %eq3A_681 : i32 to vector<16xi32>
        %eq3A_683 = arith.cmpi eq, %get3A_680, %eq3A_682 : vector<16xi32>
        %mul3A_684 = arith.constant 25 : i32
        %mul3A_685 = arith.muli %scan3A_177, %mul3A_684 : i32
        %add3A_686 = arith.constant 8 : i32
        %add3A_687 = arith.addi %mul3A_685, %add3A_686 : i32
        %mul3A_688 = arith.constant 16 : i32
        %mul3A_689 = arith.muli %add3A_687, %mul3A_688 : i32
        %add3A_690 = arith.addi %mul3A_2, %mul3A_689 : i32
        %add3A_691 = vector.broadcast %add3A_690 : i32 to vector<16xi32>
        %add3A_692 = arith.addi %add3A_691, %iota3A : vector<16xi32>
        %add3A_693 = arith.addi %mul3A_7, %add3A_672 : vector<16xi32>
        tpu.vector_store_idx %arg9[%add3A_693], %add3A_692 masked %eq3A_683 : memref<10000xi32, #tpu.memory_space<vmem>>[vector<16xi32>], vector<16xi32>, vector<16xi1>
        %convert_element_type3A_694 = arith.extui %eq3A_683 : vector<16xi1> to vector<16xi32>
        %add3A_695 = arith.addi %add3A_672, %convert_element_type3A_694 : vector<16xi32>
        %mul3A_696 = arith.constant 25 : i32
        %mul3A_697 = arith.muli %scan3A_177, %mul3A_696 : i32
        %add3A_698 = arith.constant 9 : i32
        %add3A_699 = arith.addi %mul3A_697, %add3A_698 : i32
        %mul3A_700 = arith.constant 16 : i32
        %mul3A_701 = arith.muli %add3A_699, %mul3A_700 : i32
        %get3A_702 = arith.index_cast %mul3A_701 : i32 to index
        %get3A_703 = tpu.vector_load %arg7[%get3A_702] {strides = array<i32>} : memref<10000xi32, #tpu.memory_space<vmem>>, vector<16xi32>,
        %eq3A_704 = arith.constant 0 : i32
        %eq3A_705 = vector.broadcast %eq3A_704 : i32 to vector<16xi32>
        %eq3A_706 = arith.cmpi eq, %get3A_703, %eq3A_705 : vector<16xi32>
        %mul3A_707 = arith.constant 25 : i32
        %mul3A_708 = arith.muli %scan3A_177, %mul3A_707 : i32
        %add3A_709 = arith.constant 9 : i32
        %add3A_710 = arith.addi %mul3A_708, %add3A_709 : i32
        %mul3A_711 = arith.constant 16 : i32
        %mul3A_712 = arith.muli %add3A_710, %mul3A_711 : i32
        %add3A_713 = arith.addi %mul3A_2, %mul3A_712 : i32
        %add3A_714 = vector.broadcast %add3A_713 : i32 to vector<16xi32>
        %add3A_715 = arith.addi %add3A_714, %iota3A : vector<16xi32>
        %add3A_716 = arith.addi %mul3A_7, %add3A_695 : vector<16xi32>
        tpu.vector_store_idx %arg9[%add3A_716], %add3A_715 masked %eq3A_706 : memref<10000xi32, #tpu.memory_space<vmem>>[vector<16xi32>], vector<16xi32>, vector<16xi1>
        %convert_element_type3A_717 = arith.extui %eq3A_706 : vector<16xi1> to vector<16xi32>
        %add3A_718 = arith.addi %add3A_695, %convert_element_type3A_717 : vector<16xi32>
        %mul3A_719 = arith.constant 25 : i32
        %mul3A_720 = arith.muli %scan3A_177, %mul3A_719 : i32
        %add3A_721 = arith.constant 10 : i32
        %add3A_722 = arith.addi %mul3A_720, %add3A_721 : i32
        %mul3A_723 = arith.constant 16 : i32
        %mul3A_724 = arith.muli %add3A_722, %mul3A_723 : i32
        %get3A_725 = arith.index_cast %mul3A_724 : i32 to index
        %get3A_726 = tpu.vector_load %arg7[%get3A_725] {strides = array<i32>} : memref<10000xi32, #tpu.memory_space<vmem>>, vector<16xi32>,
        %eq3A_727 = arith.constant 0 : i32
        %eq3A_728 = vector.broadcast %eq3A_727 : i32 to vector<16xi32>
        %eq3A_729 = arith.cmpi eq, %get3A_726, %eq3A_728 : vector<16xi32>
        %mul3A_730 = arith.constant 25 : i32
        %mul3A_731 = arith.muli %scan3A_177, %mul3A_730 : i32
        %add3A_732 = arith.constant 10 : i32
        %add3A_733 = arith.addi %mul3A_731, %add3A_732 : i32
        %mul3A_734 = arith.constant 16 : i32
        %mul3A_735 = arith.muli %add3A_733, %mul3A_734 : i32
        %add3A_736 = arith.addi %mul3A_2, %mul3A_735 : i32
        %add3A_737 = vector.broadcast %add3A_736 : i32 to vector<16xi32>
        %add3A_738 = arith.addi %add3A_737, %iota3A : vector<16xi32>
        %add3A_739 = arith.addi %mul3A_7, %add3A_718 : vector<16xi32>
        tpu.vector_store_idx %arg9[%add3A_739], %add3A_738 masked %eq3A_729 : memref<10000xi32, #tpu.memory_space<vmem>>[vector<16xi32>], vector<16xi32>, vector<16xi1>
        %convert_element_type3A_740 = arith.extui %eq3A_729 : vector<16xi1> to vector<16xi32>
        %add3A_741 = arith.addi %add3A_718, %convert_element_type3A_740 : vector<16xi32>
        %mul3A_742 = arith.constant 25 : i32
        %mul3A_743 = arith.muli %scan3A_177, %mul3A_742 : i32
        %add3A_744 = arith.constant 11 : i32
        %add3A_745 = arith.addi %mul3A_743, %add3A_744 : i32
        %mul3A_746 = arith.constant 16 : i32
        %mul3A_747 = arith.muli %add3A_745, %mul3A_746 : i32
        %get3A_748 = arith.index_cast %mul3A_747 : i32 to index
        %get3A_749 = tpu.vector_load %arg7[%get3A_748] {strides = array<i32>} : memref<10000xi32, #tpu.memory_space<vmem>>, vector<16xi32>,
        %eq3A_750 = arith.constant 0 : i32
        %eq3A_751 = vector.broadcast %eq3A_750 : i32 to vector<16xi32>
        %eq3A_752 = arith.cmpi eq, %get3A_749, %eq3A_751 : vector<16xi32>
        %mul3A_753 = arith.constant 25 : i32
        %mul3A_754 = arith.muli %scan3A_177, %mul3A_753 : i32
        %add3A_755 = arith.constant 11 : i32
        %add3A_756 = arith.addi %mul3A_754, %add3A_755 : i32
        %mul3A_757 = arith.constant 16 : i32
        %mul3A_758 = arith.muli %add3A_756, %mul3A_757 : i32
        %add3A_759 = arith.addi %mul3A_2, %mul3A_758 : i32
        %add3A_760 = vector.broadcast %add3A_759 : i32 to vector<16xi32>
        %add3A_761 = arith.addi %add3A_760, %iota3A : vector<16xi32>
        %add3A_762 = arith.addi %mul3A_7, %add3A_741 : vector<16xi32>
        tpu.vector_store_idx %arg9[%add3A_762], %add3A_761 masked %eq3A_752 : memref<10000xi32, #tpu.memory_space<vmem>>[vector<16xi32>], vector<16xi32>, vector<16xi1>
        %convert_element_type3A_763 = arith.extui %eq3A_752 : vector<16xi1> to vector<16xi32>
        %add3A_764 = arith.addi %add3A_741, %convert_element_type3A_763 : vector<16xi32>
        %mul3A_765 = arith.constant 25 : i32
        %mul3A_766 = arith.muli %scan3A_177, %mul3A_765 : i32
        %add3A_767 = arith.constant 12 : i32
        %add3A_768 = arith.addi %mul3A_766, %add3A_767 : i32
        %mul3A_769 = arith.constant 16 : i32
        %mul3A_770 = arith.muli %add3A_768, %mul3A_769 : i32
        %get3A_771 = arith.index_cast %mul3A_770 : i32 to index
        %get3A_772 = tpu.vector_load %arg7[%get3A_771] {strides = array<i32>} : memref<10000xi32, #tpu.memory_space<vmem>>, vector<16xi32>,
        %eq3A_773 = arith.constant 0 : i32
        %eq3A_774 = vector.broadcast %eq3A_773 : i32 to vector<16xi32>
        %eq3A_775 = arith.cmpi eq, %get3A_772, %eq3A_774 : vector<16xi32>
        %mul3A_776 = arith.constant 25 : i32
        %mul3A_777 = arith.muli %scan3A_177, %mul3A_776 : i32
        %add3A_778 = arith.constant 12 : i32
        %add3A_779 = arith.addi %mul3A_777, %add3A_778 : i32
        %mul3A_780 = arith.constant 16 : i32
        %mul3A_781 = arith.muli %add3A_779, %mul3A_780 : i32
        %add3A_782 = arith.addi %mul3A_2, %mul3A_781 : i32
        %add3A_783 = vector.broadcast %add3A_782 : i32 to vector<16xi32>
        %add3A_784 = arith.addi %add3A_783, %iota3A : vector<16xi32>
        %add3A_785 = arith.addi %mul3A_7, %add3A_764 : vector<16xi32>
        tpu.vector_store_idx %arg9[%add3A_785], %add3A_784 masked %eq3A_775 : memref<10000xi32, #tpu.memory_space<vmem>>[vector<16xi32>], vector<16xi32>, vector<16xi1>
        %convert_element_type3A_786 = arith.extui %eq3A_775 : vector<16xi1> to vector<16xi32>
        %add3A_787 = arith.addi %add3A_764, %convert_element_type3A_786 : vector<16xi32>
        %mul3A_788 = arith.constant 25 : i32
        %mul3A_789 = arith.muli %scan3A_177, %mul3A_788 : i32
        %add3A_790 = arith.constant 13 : i32
        %add3A_791 = arith.addi %mul3A_789, %add3A_790 : i32
        %mul3A_792 = arith.constant 16 : i32
        %mul3A_793 = arith.muli %add3A_791, %mul3A_792 : i32
        %get3A_794 = arith.index_cast %mul3A_793 : i32 to index
        %get3A_795 = tpu.vector_load %arg7[%get3A_794] {strides = array<i32>} : memref<10000xi32, #tpu.memory_space<vmem>>, vector<16xi32>,
        %eq3A_796 = arith.constant 0 : i32
        %eq3A_797 = vector.broadcast %eq3A_796 : i32 to vector<16xi32>
        %eq3A_798 = arith.cmpi eq, %get3A_795, %eq3A_797 : vector<16xi32>
        %mul3A_799 = arith.constant 25 : i32
        %mul3A_800 = arith.muli %scan3A_177, %mul3A_799 : i32
        %add3A_801 = arith.constant 13 : i32
        %add3A_802 = arith.addi %mul3A_800, %add3A_801 : i32
        %mul3A_803 = arith.constant 16 : i32
        %mul3A_804 = arith.muli %add3A_802, %mul3A_803 : i32
        %add3A_805 = arith.addi %mul3A_2, %mul3A_804 : i32
        %add3A_806 = vector.broadcast %add3A_805 : i32 to vector<16xi32>
        %add3A_807 = arith.addi %add3A_806, %iota3A : vector<16xi32>
        %add3A_808 = arith.addi %mul3A_7, %add3A_787 : vector<16xi32>
        tpu.vector_store_idx %arg9[%add3A_808], %add3A_807 masked %eq3A_798 : memref<10000xi32, #tpu.memory_space<vmem>>[vector<16xi32>], vector<16xi32>, vector<16xi1>
        %convert_element_type3A_809 = arith.extui %eq3A_798 : vector<16xi1> to vector<16xi32>
        %add3A_810 = arith.addi %add3A_787, %convert_element_type3A_809 : vector<16xi32>
        %mul3A_811 = arith.constant 25 : i32
        %mul3A_812 = arith.muli %scan3A_177, %mul3A_811 : i32
        %add3A_813 = arith.constant 14 : i32
        %add3A_814 = arith.addi %mul3A_812, %add3A_813 : i32
        %mul3A_815 = arith.constant 16 : i32
        %mul3A_816 = arith.muli %add3A_814, %mul3A_815 : i32
        %get3A_817 = arith.index_cast %mul3A_816 : i32 to index
        %get3A_818 = tpu.vector_load %arg7[%get3A_817] {strides = array<i32>} : memref<10000xi32, #tpu.memory_space<vmem>>, vector<16xi32>,
        %eq3A_819 = arith.constant 0 : i32
        %eq3A_820 = vector.broadcast %eq3A_819 : i32 to vector<16xi32>
        %eq3A_821 = arith.cmpi eq, %get3A_818, %eq3A_820 : vector<16xi32>
        %mul3A_822 = arith.constant 25 : i32
        %mul3A_823 = arith.muli %scan3A_177, %mul3A_822 : i32
        %add3A_824 = arith.constant 14 : i32
        %add3A_825 = arith.addi %mul3A_823, %add3A_824 : i32
        %mul3A_826 = arith.constant 16 : i32
        %mul3A_827 = arith.muli %add3A_825, %mul3A_826 : i32
        %add3A_828 = arith.addi %mul3A_2, %mul3A_827 : i32
        %add3A_829 = vector.broadcast %add3A_828 : i32 to vector<16xi32>
        %add3A_830 = arith.addi %add3A_829, %iota3A : vector<16xi32>
        %add3A_831 = arith.addi %mul3A_7, %add3A_810 : vector<16xi32>
        tpu.vector_store_idx %arg9[%add3A_831], %add3A_830 masked %eq3A_821 : memref<10000xi32, #tpu.memory_space<vmem>>[vector<16xi32>], vector<16xi32>, vector<16xi1>
        %convert_element_type3A_832 = arith.extui %eq3A_821 : vector<16xi1> to vector<16xi32>
        %add3A_833 = arith.addi %add3A_810, %convert_element_type3A_832 : vector<16xi32>
        %mul3A_834 = arith.constant 25 : i32
        %mul3A_835 = arith.muli %scan3A_177, %mul3A_834 : i32
        %add3A_836 = arith.constant 15 : i32
        %add3A_837 = arith.addi %mul3A_835, %add3A_836 : i32
        %mul3A_838 = arith.constant 16 : i32
        %mul3A_839 = arith.muli %add3A_837, %mul3A_838 : i32
        %get3A_840 = arith.index_cast %mul3A_839 : i32 to index
        %get3A_841 = tpu.vector_load %arg7[%get3A_840] {strides = array<i32>} : memref<10000xi32, #tpu.memory_space<vmem>>, vector<16xi32>,
        %eq3A_842 = arith.constant 0 : i32
        %eq3A_843 = vector.broadcast %eq3A_842 : i32 to vector<16xi32>
        %eq3A_844 = arith.cmpi eq, %get3A_841, %eq3A_843 : vector<16xi32>
        %mul3A_845 = arith.constant 25 : i32
        %mul3A_846 = arith.muli %scan3A_177, %mul3A_845 : i32
        %add3A_847 = arith.constant 15 : i32
        %add3A_848 = arith.addi %mul3A_846, %add3A_847 : i32
        %mul3A_849 = arith.constant 16 : i32
        %mul3A_850 = arith.muli %add3A_848, %mul3A_849 : i32
        %add3A_851 = arith.addi %mul3A_2, %mul3A_850 : i32
        %add3A_852 = vector.broadcast %add3A_851 : i32 to vector<16xi32>
        %add3A_853 = arith.addi %add3A_852, %iota3A : vector<16xi32>
        %add3A_854 = arith.addi %mul3A_7, %add3A_833 : vector<16xi32>
        tpu.vector_store_idx %arg9[%add3A_854], %add3A_853 masked %eq3A_844 : memref<10000xi32, #tpu.memory_space<vmem>>[vector<16xi32>], vector<16xi32>, vector<16xi1>
        %convert_element_type3A_855 = arith.extui %eq3A_844 : vector<16xi1> to vector<16xi32>
        %add3A_856 = arith.addi %add3A_833, %convert_element_type3A_855 : vector<16xi32>
        %mul3A_857 = arith.constant 25 : i32
        %mul3A_858 = arith.muli %scan3A_177, %mul3A_857 : i32
        %add3A_859 = arith.constant 16 : i32
        %add3A_860 = arith.addi %mul3A_858, %add3A_859 : i32
        %mul3A_861 = arith.constant 16 : i32
        %mul3A_862 = arith.muli %add3A_860, %mul3A_861 : i32
        %get3A_863 = arith.index_cast %mul3A_862 : i32 to index
        %get3A_864 = tpu.vector_load %arg7[%get3A_863] {strides = array<i32>} : memref<10000xi32, #tpu.memory_space<vmem>>, vector<16xi32>,
        %eq3A_865 = arith.constant 0 : i32
        %eq3A_866 = vector.broadcast %eq3A_865 : i32 to vector<16xi32>
        %eq3A_867 = arith.cmpi eq, %get3A_864, %eq3A_866 : vector<16xi32>
        %mul3A_868 = arith.constant 25 : i32
        %mul3A_869 = arith.muli %scan3A_177, %mul3A_868 : i32
        %add3A_870 = arith.constant 16 : i32
        %add3A_871 = arith.addi %mul3A_869, %add3A_870 : i32
        %mul3A_872 = arith.constant 16 : i32
        %mul3A_873 = arith.muli %add3A_871, %mul3A_872 : i32
        %add3A_874 = arith.addi %mul3A_2, %mul3A_873 : i32
        %add3A_875 = vector.broadcast %add3A_874 : i32 to vector<16xi32>
        %add3A_876 = arith.addi %add3A_875, %iota3A : vector<16xi32>
        %add3A_877 = arith.addi %mul3A_7, %add3A_856 : vector<16xi32>
        tpu.vector_store_idx %arg9[%add3A_877], %add3A_876 masked %eq3A_867 : memref<10000xi32, #tpu.memory_space<vmem>>[vector<16xi32>], vector<16xi32>, vector<16xi1>
        %convert_element_type3A_878 = arith.extui %eq3A_867 : vector<16xi1> to vector<16xi32>
        %add3A_879 = arith.addi %add3A_856, %convert_element_type3A_878 : vector<16xi32>
        %mul3A_880 = arith.constant 25 : i32
        %mul3A_881 = arith.muli %scan3A_177, %mul3A_880 : i32
        %add3A_882 = arith.constant 17 : i32
        %add3A_883 = arith.addi %mul3A_881, %add3A_882 : i32
        %mul3A_884 = arith.constant 16 : i32
        %mul3A_885 = arith.muli %add3A_883, %mul3A_884 : i32
        %get3A_886 = arith.index_cast %mul3A_885 : i32 to index
        %get3A_887 = tpu.vector_load %arg7[%get3A_886] {strides = array<i32>} : memref<10000xi32, #tpu.memory_space<vmem>>, vector<16xi32>,
        %eq3A_888 = arith.constant 0 : i32
        %eq3A_889 = vector.broadcast %eq3A_888 : i32 to vector<16xi32>
        %eq3A_890 = arith.cmpi eq, %get3A_887, %eq3A_889 : vector<16xi32>
        %mul3A_891 = arith.constant 25 : i32
        %mul3A_892 = arith.muli %scan3A_177, %mul3A_891 : i32
        %add3A_893 = arith.constant 17 : i32
        %add3A_894 = arith.addi %mul3A_892, %add3A_893 : i32
        %mul3A_895 = arith.constant 16 : i32
        %mul3A_896 = arith.muli %add3A_894, %mul3A_895 : i32
        %add3A_897 = arith.addi %mul3A_2, %mul3A_896 : i32
        %add3A_898 = vector.broadcast %add3A_897 : i32 to vector<16xi32>
        %add3A_899 = arith.addi %add3A_898, %iota3A : vector<16xi32>
        %add3A_900 = arith.addi %mul3A_7, %add3A_879 : vector<16xi32>
        tpu.vector_store_idx %arg9[%add3A_900], %add3A_899 masked %eq3A_890 : memref<10000xi32, #tpu.memory_space<vmem>>[vector<16xi32>], vector<16xi32>, vector<16xi1>
        %convert_element_type3A_901 = arith.extui %eq3A_890 : vector<16xi1> to vector<16xi32>
        %add3A_902 = arith.addi %add3A_879, %convert_element_type3A_901 : vector<16xi32>
        %mul3A_903 = arith.constant 25 : i32
        %mul3A_904 = arith.muli %scan3A_177, %mul3A_903 : i32
        %add3A_905 = arith.constant 18 : i32
        %add3A_906 = arith.addi %mul3A_904, %add3A_905 : i32
        %mul3A_907 = arith.constant 16 : i32
        %mul3A_908 = arith.muli %add3A_906, %mul3A_907 : i32
        %get3A_909 = arith.index_cast %mul3A_908 : i32 to index
        %get3A_910 = tpu.vector_load %arg7[%get3A_909] {strides = array<i32>} : memref<10000xi32, #tpu.memory_space<vmem>>, vector<16xi32>,
        %eq3A_911 = arith.constant 0 : i32
        %eq3A_912 = vector.broadcast %eq3A_911 : i32 to vector<16xi32>
        %eq3A_913 = arith.cmpi eq, %get3A_910, %eq3A_912 : vector<16xi32>
        %mul3A_914 = arith.constant 25 : i32
        %mul3A_915 = arith.muli %scan3A_177, %mul3A_914 : i32
        %add3A_916 = arith.constant 18 : i32
        %add3A_917 = arith.addi %mul3A_915, %add3A_916 : i32
        %mul3A_918 = arith.constant 16 : i32
        %mul3A_919 = arith.muli %add3A_917, %mul3A_918 : i32
        %add3A_920 = arith.addi %mul3A_2, %mul3A_919 : i32
        %add3A_921 = vector.broadcast %add3A_920 : i32 to vector<16xi32>
        %add3A_922 = arith.addi %add3A_921, %iota3A : vector<16xi32>
        %add3A_923 = arith.addi %mul3A_7, %add3A_902 : vector<16xi32>
        tpu.vector_store_idx %arg9[%add3A_923], %add3A_922 masked %eq3A_913 : memref<10000xi32, #tpu.memory_space<vmem>>[vector<16xi32>], vector<16xi32>, vector<16xi1>
        %convert_element_type3A_924 = arith.extui %eq3A_913 : vector<16xi1> to vector<16xi32>
        %add3A_925 = arith.addi %add3A_902, %convert_element_type3A_924 : vector<16xi32>
        %mul3A_926 = arith.constant 25 : i32
        %mul3A_927 = arith.muli %scan3A_177, %mul3A_926 : i32
        %add3A_928 = arith.constant 19 : i32
        %add3A_929 = arith.addi %mul3A_927, %add3A_928 : i32
        %mul3A_930 = arith.constant 16 : i32
        %mul3A_931 = arith.muli %add3A_929, %mul3A_930 : i32
        %get3A_932 = arith.index_cast %mul3A_931 : i32 to index
        %get3A_933 = tpu.vector_load %arg7[%get3A_932] {strides = array<i32>} : memref<10000xi32, #tpu.memory_space<vmem>>, vector<16xi32>,
        %eq3A_934 = arith.constant 0 : i32
        %eq3A_935 = vector.broadcast %eq3A_934 : i32 to vector<16xi32>
        %eq3A_936 = arith.cmpi eq, %get3A_933, %eq3A_935 : vector<16xi32>
        %mul3A_937 = arith.constant 25 : i32
        %mul3A_938 = arith.muli %scan3A_177, %mul3A_937 : i32
        %add3A_939 = arith.constant 19 : i32
        %add3A_940 = arith.addi %mul3A_938, %add3A_939 : i32
        %mul3A_941 = arith.constant 16 : i32
        %mul3A_942 = arith.muli %add3A_940, %mul3A_941 : i32
        %add3A_943 = arith.addi %mul3A_2, %mul3A_942 : i32
        %add3A_944 = vector.broadcast %add3A_943 : i32 to vector<16xi32>
        %add3A_945 = arith.addi %add3A_944, %iota3A : vector<16xi32>
        %add3A_946 = arith.addi %mul3A_7, %add3A_925 : vector<16xi32>
        tpu.vector_store_idx %arg9[%add3A_946], %add3A_945 masked %eq3A_936 : memref<10000xi32, #tpu.memory_space<vmem>>[vector<16xi32>], vector<16xi32>, vector<16xi1>
        %convert_element_type3A_947 = arith.extui %eq3A_936 : vector<16xi1> to vector<16xi32>
        %add3A_948 = arith.addi %add3A_925, %convert_element_type3A_947 : vector<16xi32>
        %mul3A_949 = arith.constant 25 : i32
        %mul3A_950 = arith.muli %scan3A_177, %mul3A_949 : i32
        %add3A_951 = arith.constant 20 : i32
        %add3A_952 = arith.addi %mul3A_950, %add3A_951 : i32
        %mul3A_953 = arith.constant 16 : i32
        %mul3A_954 = arith.muli %add3A_952, %mul3A_953 : i32
        %get3A_955 = arith.index_cast %mul3A_954 : i32 to index
        %get3A_956 = tpu.vector_load %arg7[%get3A_955] {strides = array<i32>} : memref<10000xi32, #tpu.memory_space<vmem>>, vector<16xi32>,
        %eq3A_957 = arith.constant 0 : i32
        %eq3A_958 = vector.broadcast %eq3A_957 : i32 to vector<16xi32>
        %eq3A_959 = arith.cmpi eq, %get3A_956, %eq3A_958 : vector<16xi32>
        %mul3A_960 = arith.constant 25 : i32
        %mul3A_961 = arith.muli %scan3A_177, %mul3A_960 : i32
        %add3A_962 = arith.constant 20 : i32
        %add3A_963 = arith.addi %mul3A_961, %add3A_962 : i32
        %mul3A_964 = arith.constant 16 : i32
        %mul3A_965 = arith.muli %add3A_963, %mul3A_964 : i32
        %add3A_966 = arith.addi %mul3A_2, %mul3A_965 : i32
        %add3A_967 = vector.broadcast %add3A_966 : i32 to vector<16xi32>
        %add3A_968 = arith.addi %add3A_967, %iota3A : vector<16xi32>
        %add3A_969 = arith.addi %mul3A_7, %add3A_948 : vector<16xi32>
        tpu.vector_store_idx %arg9[%add3A_969], %add3A_968 masked %eq3A_959 : memref<10000xi32, #tpu.memory_space<vmem>>[vector<16xi32>], vector<16xi32>, vector<16xi1>
        %convert_element_type3A_970 = arith.extui %eq3A_959 : vector<16xi1> to vector<16xi32>
        %add3A_971 = arith.addi %add3A_948, %convert_element_type3A_970 : vector<16xi32>
        %mul3A_972 = arith.constant 25 : i32
        %mul3A_973 = arith.muli %scan3A_177, %mul3A_972 : i32
        %add3A_974 = arith.constant 21 : i32
        %add3A_975 = arith.addi %mul3A_973, %add3A_974 : i32
        %mul3A_976 = arith.constant 16 : i32
        %mul3A_977 = arith.muli %add3A_975, %mul3A_976 : i32
        %get3A_978 = arith.index_cast %mul3A_977 : i32 to index
        %get3A_979 = tpu.vector_load %arg7[%get3A_978] {strides = array<i32>} : memref<10000xi32, #tpu.memory_space<vmem>>, vector<16xi32>,
        %eq3A_980 = arith.constant 0 : i32
        %eq3A_981 = vector.broadcast %eq3A_980 : i32 to vector<16xi32>
        %eq3A_982 = arith.cmpi eq, %get3A_979, %eq3A_981 : vector<16xi32>
        %mul3A_983 = arith.constant 25 : i32
        %mul3A_984 = arith.muli %scan3A_177, %mul3A_983 : i32
        %add3A_985 = arith.constant 21 : i32
        %add3A_986 = arith.addi %mul3A_984, %add3A_985 : i32
        %mul3A_987 = arith.constant 16 : i32
        %mul3A_988 = arith.muli %add3A_986, %mul3A_987 : i32
        %add3A_989 = arith.addi %mul3A_2, %mul3A_988 : i32
        %add3A_990 = vector.broadcast %add3A_989 : i32 to vector<16xi32>
        %add3A_991 = arith.addi %add3A_990, %iota3A : vector<16xi32>
        %add3A_992 = arith.addi %mul3A_7, %add3A_971 : vector<16xi32>
        tpu.vector_store_idx %arg9[%add3A_992], %add3A_991 masked %eq3A_982 : memref<10000xi32, #tpu.memory_space<vmem>>[vector<16xi32>], vector<16xi32>, vector<16xi1>
        %convert_element_type3A_993 = arith.extui %eq3A_982 : vector<16xi1> to vector<16xi32>
        %add3A_994 = arith.addi %add3A_971, %convert_element_type3A_993 : vector<16xi32>
        %mul3A_995 = arith.constant 25 : i32
        %mul3A_996 = arith.muli %scan3A_177, %mul3A_995 : i32
        %add3A_997 = arith.constant 22 : i32
        %add3A_998 = arith.addi %mul3A_996, %add3A_997 : i32
        %mul3A_999 = arith.constant 16 : i32
        %mul3A_1000 = arith.muli %add3A_998, %mul3A_999 : i32
        %get3A_1001 = arith.index_cast %mul3A_1000 : i32 to index
        %get3A_1002 = tpu.vector_load %arg7[%get3A_1001] {strides = array<i32>} : memref<10000xi32, #tpu.memory_space<vmem>>, vector<16xi32>,
        %eq3A_1003 = arith.constant 0 : i32
        %eq3A_1004 = vector.broadcast %eq3A_1003 : i32 to vector<16xi32>
        %eq3A_1005 = arith.cmpi eq, %get3A_1002, %eq3A_1004 : vector<16xi32>
        %mul3A_1006 = arith.constant 25 : i32
        %mul3A_1007 = arith.muli %scan3A_177, %mul3A_1006 : i32
        %add3A_1008 = arith.constant 22 : i32
        %add3A_1009 = arith.addi %mul3A_1007, %add3A_1008 : i32
        %mul3A_1010 = arith.constant 16 : i32
        %mul3A_1011 = arith.muli %add3A_1009, %mul3A_1010 : i32
        %add3A_1012 = arith.addi %mul3A_2, %mul3A_1011 : i32
        %add3A_1013 = vector.broadcast %add3A_1012 : i32 to vector<16xi32>
        %add3A_1014 = arith.addi %add3A_1013, %iota3A : vector<16xi32>
        %add3A_1015 = arith.addi %mul3A_7, %add3A_994 : vector<16xi32>
        tpu.vector_store_idx %arg9[%add3A_1015], %add3A_1014 masked %eq3A_1005 : memref<10000xi32, #tpu.memory_space<vmem>>[vector<16xi32>], vector<16xi32>, vector<16xi1>
        %convert_element_type3A_1016 = arith.extui %eq3A_1005 : vector<16xi1> to vector<16xi32>
        %add3A_1017 = arith.addi %add3A_994, %convert_element_type3A_1016 : vector<16xi32>
        %mul3A_1018 = arith.constant 25 : i32
        %mul3A_1019 = arith.muli %scan3A_177, %mul3A_1018 : i32
        %add3A_1020 = arith.constant 23 : i32
        %add3A_1021 = arith.addi %mul3A_1019, %add3A_1020 : i32
        %mul3A_1022 = arith.constant 16 : i32
        %mul3A_1023 = arith.muli %add3A_1021, %mul3A_1022 : i32
        %get3A_1024 = arith.index_cast %mul3A_1023 : i32 to index
        %get3A_1025 = tpu.vector_load %arg7[%get3A_1024] {strides = array<i32>} : memref<10000xi32, #tpu.memory_space<vmem>>, vector<16xi32>,
        %eq3A_1026 = arith.constant 0 : i32
        %eq3A_1027 = vector.broadcast %eq3A_1026 : i32 to vector<16xi32>
        %eq3A_1028 = arith.cmpi eq, %get3A_1025, %eq3A_1027 : vector<16xi32>
        %mul3A_1029 = arith.constant 25 : i32
        %mul3A_1030 = arith.muli %scan3A_177, %mul3A_1029 : i32
        %add3A_1031 = arith.constant 23 : i32
        %add3A_1032 = arith.addi %mul3A_1030, %add3A_1031 : i32
        %mul3A_1033 = arith.constant 16 : i32
        %mul3A_1034 = arith.muli %add3A_1032, %mul3A_1033 : i32
        %add3A_1035 = arith.addi %mul3A_2, %mul3A_1034 : i32
        %add3A_1036 = vector.broadcast %add3A_1035 : i32 to vector<16xi32>
        %add3A_1037 = arith.addi %add3A_1036, %iota3A : vector<16xi32>
        %add3A_1038 = arith.addi %mul3A_7, %add3A_1017 : vector<16xi32>
        tpu.vector_store_idx %arg9[%add3A_1038], %add3A_1037 masked %eq3A_1028 : memref<10000xi32, #tpu.memory_space<vmem>>[vector<16xi32>], vector<16xi32>, vector<16xi1>
        %convert_element_type3A_1039 = arith.extui %eq3A_1028 : vector<16xi1> to vector<16xi32>
        %add3A_1040 = arith.addi %add3A_1017, %convert_element_type3A_1039 : vector<16xi32>
        %mul3A_1041 = arith.constant 25 : i32
        %mul3A_1042 = arith.muli %scan3A_177, %mul3A_1041 : i32
        %add3A_1043 = arith.constant 24 : i32
        %add3A_1044 = arith.addi %mul3A_1042, %add3A_1043 : i32
        %mul3A_1045 = arith.constant 16 : i32
        %mul3A_1046 = arith.muli %add3A_1044, %mul3A_1045 : i32
        %get3A_1047 = arith.index_cast %mul3A_1046 : i32 to index
        %get3A_1048 = tpu.vector_load %arg7[%get3A_1047] {strides = array<i32>} : memref<10000xi32, #tpu.memory_space<vmem>>, vector<16xi32>,
        %eq3A_1049 = arith.constant 0 : i32
        %eq3A_1050 = vector.broadcast %eq3A_1049 : i32 to vector<16xi32>
        %eq3A_1051 = arith.cmpi eq, %get3A_1048, %eq3A_1050 : vector<16xi32>
        %mul3A_1052 = arith.constant 25 : i32
        %mul3A_1053 = arith.muli %scan3A_177, %mul3A_1052 : i32
        %add3A_1054 = arith.constant 24 : i32
        %add3A_1055 = arith.addi %mul3A_1053, %add3A_1054 : i32
        %mul3A_1056 = arith.constant 16 : i32
        %mul3A_1057 = arith.muli %add3A_1055, %mul3A_1056 : i32
        %add3A_1058 = arith.addi %mul3A_2, %mul3A_1057 : i32
        %add3A_1059 = vector.broadcast %add3A_1058 : i32 to vector<16xi32>
        %add3A_1060 = arith.addi %add3A_1059, %iota3A : vector<16xi32>
        %add3A_1061 = arith.addi %mul3A_7, %add3A_1040 : vector<16xi32>
        tpu.vector_store_idx %arg9[%add3A_1061], %add3A_1060 masked %eq3A_1051 : memref<10000xi32, #tpu.memory_space<vmem>>[vector<16xi32>], vector<16xi32>, vector<16xi1>
        %convert_element_type3A_1062 = arith.extui %eq3A_1051 : vector<16xi1> to vector<16xi32>
        %add3A_1063 = arith.addi %add3A_1040, %convert_element_type3A_1062 : vector<16xi32>
        %swap3A_1064 = arith.constant 0 : index
        %swap3A_1065 = tpu.vector_load %arg11[%swap3A_1064] {strides = array<i32>} : memref<16xi32, #tpu.memory_space<vmem>>, vector<16xi32>,
        tpu.vector_store %arg11[%swap3A_1064], %add3A_1063 {strides = array<i32>} : memref<16xi32, #tpu.memory_space<vmem>>, vector<16xi32>,
      } else {
      }
      %scan3A_486 = arith.constant 0 : i32
      scf.yield %scan3A_486 : i32
    }
    %scan3A_15 = arith.constant 25 : i32
    %get3A = arith.constant 0 : index
    %get3A_16 = tpu.vector_load %arg11[%get3A] {strides = array<i32>} : memref<16xi32, #tpu.memory_space<vmem>>, vector<16xi32>,
    %reduce_sum3A = arith.constant true
    %reduce_sum3A_17 = vector.broadcast %reduce_sum3A : i1 to vector<16xi1>
    %reduce_sum3A_18 = tpu.scan <sum>, %get3A_16 masked %reduce_sum3A_17 : vector<16xi32>, vector<16xi1> -> vector<16xi32>
    %reduce_sum3A_19 = vector.extract %reduce_sum3A_18[15] : i32 from vector<16xi32>
    %broadcast_in_dim3A_20 = arith.constant true
    %broadcast_in_dim3A_21 = vector.broadcast %broadcast_in_dim3A_20 : i1 to vector<16xi1>
    %masked_cumsum3A = tpu.scan <sum>, %get3A_16 masked %broadcast_in_dim3A_21 : vector<16xi32>, vector<16xi1> -> vector<16xi32>
    %sub3A = arith.subi %masked_cumsum3A, %get3A_16 : vector<16xi32>
    %reduce_max3A = arith.constant true
    %reduce_max3A_22 = vector.broadcast %reduce_max3A : i1 to vector<16xi1>
    %reduce_max3A_23 = arith.constant -2147483648 : i32
    %reduce_max3A_24 = vector.broadcast %reduce_max3A_23 : i32 to vector<16xi32>
    %reduce_max3A_25 = arith.xori %get3A_16, %reduce_max3A_24 : vector<16xi32>
    %reduce_max3A_26 = tpu.scan <max>, %reduce_max3A_25 masked %reduce_max3A_22 : vector<16xi32>, vector<16xi1> -> vector<16xi32>
    %reduce_max3A_27 = arith.xori %reduce_max3A_26, %reduce_max3A_24 : vector<16xi32>
    %reduce_max3A_28 = vector.extract %reduce_max3A_27[15] : i32 from vector<16xi32>
    %while3A = arith.constant 0 : i32
    %while3A_29 = arith.constant 0 : i32
    %while3A_30 = arith.subi %reduce_max3A_28, %while3A : i32
    %while3A_31 = arith.addi %while3A, %while3A_30 : i32
    %while3A_32 = arith.constant 1 : i32
    %while3A_33 = arith.divsi %while3A_30, %while3A_32 : i32
    %while3A_34 = arith.muli %while3A_33, %while3A_32 : i32
    %while3A_35 = arith.addi %while3A, %while3A_34 : i32
    %while3A_36 = arith.constant 1 : i32
    %while3A_37 = scf.for %while3A_177 = %while3A to %while3A_35 step %while3A_36 iter_args(%while3A_178 = %while3A_29) -> (i32)  : i32 {
      %add3A_179 = vector.broadcast %while3A_177 : i32 to vector<16xi32>
      %add3A_180 = arith.addi %mul3A_7, %add3A_179 : vector<16xi32>
      %gather3A = tpu.vector_load_idx %arg9[%add3A_180] : memref<10000xi32, #tpu.memory_space<vmem>>[vector<16xi32>], vector<16xi32>,
      %add3A_181 = vector.broadcast %while3A_177 : i32 to vector<16xi32>
      %add3A_182 = arith.addi %sub3A, %add3A_181 : vector<16xi32>
      %gt3A = vector.broadcast %while3A_177 : i32 to vector<16xi32>
      %gt3A_183 = arith.cmpi sgt, %get3A_16, %gt3A : vector<16xi32>
      tpu.vector_store_idx %arg10[%add3A_182], %gather3A masked %gt3A_183 : memref<10000xi32, #tpu.memory_space<vmem>>[vector<16xi32>], vector<16xi32>, vector<16xi1>
      %while3A_184 = arith.constant 0 : i32
      scf.yield %while3A_184 : i32
    }
    %while3A_38 = arith.constant 1 : i32
    %while3A_39 = scf.for %while3A_177 = %while3A_35 to %while3A_31 step %while3A_38 iter_args(%while3A_178 = %while3A_37) -> (i32)  : i32 {
      %add3A_179 = vector.broadcast %while3A_177 : i32 to vector<16xi32>
      %add3A_180 = arith.addi %mul3A_7, %add3A_179 : vector<16xi32>
      %gather3A = tpu.vector_load_idx %arg9[%add3A_180] : memref<10000xi32, #tpu.memory_space<vmem>>[vector<16xi32>], vector<16xi32>,
      %add3A_181 = vector.broadcast %while3A_177 : i32 to vector<16xi32>
      %add3A_182 = arith.addi %sub3A, %add3A_181 : vector<16xi32>
      %gt3A = vector.broadcast %while3A_177 : i32 to vector<16xi32>
      %gt3A_183 = arith.cmpi sgt, %get3A_16, %gt3A : vector<16xi32>
      tpu.vector_store_idx %arg10[%add3A_182], %gather3A masked %gt3A_183 : memref<10000xi32, #tpu.memory_space<vmem>>[vector<16xi32>], vector<16xi32>, vector<16xi1>
      %while3A_184 = arith.constant 0 : i32
      scf.yield %while3A_184 : i32
    }
    %broadcast_in_dim3A_40 = arith.constant 0.000000e+00 : f32
    %broadcast_in_dim3A_41 = vector.broadcast %broadcast_in_dim3A_40 : f32 to vector<16xf32>
    %swap3A_42 = arith.constant 0 : index
    %swap3A_43 = tpu.vector_load %arg15[%swap3A_42] {strides = array<i32>} : memref<544xf32, #tpu.memory_space<vmem>>, vector<16xf32>,
    tpu.vector_store %arg15[%swap3A_42], %broadcast_in_dim3A_41 {strides = array<i32>} : memref<544xf32, #tpu.memory_space<vmem>>, vector<16xf32>,
    %swap3A_44 = arith.constant 16 : index
    %swap3A_45 = tpu.vector_load %arg15[%swap3A_44] {strides = array<i32>} : memref<544xf32, #tpu.memory_space<vmem>>, vector<16xf32>,
    tpu.vector_store %arg15[%swap3A_44], %broadcast_in_dim3A_41 {strides = array<i32>} : memref<544xf32, #tpu.memory_space<vmem>>, vector<16xf32>,
    %swap3A_46 = arith.constant 32 : index
    %swap3A_47 = tpu.vector_load %arg15[%swap3A_46] {strides = array<i32>} : memref<544xf32, #tpu.memory_space<vmem>>, vector<16xf32>,
    tpu.vector_store %arg15[%swap3A_46], %broadcast_in_dim3A_41 {strides = array<i32>} : memref<544xf32, #tpu.memory_space<vmem>>, vector<16xf32>,
    %swap3A_48 = arith.constant 48 : index
    %swap3A_49 = tpu.vector_load %arg15[%swap3A_48] {strides = array<i32>} : memref<544xf32, #tpu.memory_space<vmem>>, vector<16xf32>,
    tpu.vector_store %arg15[%swap3A_48], %broadcast_in_dim3A_41 {strides = array<i32>} : memref<544xf32, #tpu.memory_space<vmem>>, vector<16xf32>,
    %swap3A_50 = arith.constant 64 : index
    %swap3A_51 = tpu.vector_load %arg15[%swap3A_50] {strides = array<i32>} : memref<544xf32, #tpu.memory_space<vmem>>, vector<16xf32>,
    tpu.vector_store %arg15[%swap3A_50], %broadcast_in_dim3A_41 {strides = array<i32>} : memref<544xf32, #tpu.memory_space<vmem>>, vector<16xf32>,
    %swap3A_52 = arith.constant 80 : index
    %swap3A_53 = tpu.vector_load %arg15[%swap3A_52] {strides = array<i32>} : memref<544xf32, #tpu.memory_space<vmem>>, vector<16xf32>,
    tpu.vector_store %arg15[%swap3A_52], %broadcast_in_dim3A_41 {strides = array<i32>} : memref<544xf32, #tpu.memory_space<vmem>>, vector<16xf32>,
    %swap3A_54 = arith.constant 96 : index
    %swap3A_55 = tpu.vector_load %arg15[%swap3A_54] {strides = array<i32>} : memref<544xf32, #tpu.memory_space<vmem>>, vector<16xf32>,
    tpu.vector_store %arg15[%swap3A_54], %broadcast_in_dim3A_41 {strides = array<i32>} : memref<544xf32, #tpu.memory_space<vmem>>, vector<16xf32>,
    %swap3A_56 = arith.constant 112 : index
    %swap3A_57 = tpu.vector_load %arg15[%swap3A_56] {strides = array<i32>} : memref<544xf32, #tpu.memory_space<vmem>>, vector<16xf32>,
    tpu.vector_store %arg15[%swap3A_56], %broadcast_in_dim3A_41 {strides = array<i32>} : memref<544xf32, #tpu.memory_space<vmem>>, vector<16xf32>,
    %swap3A_58 = arith.constant 128 : index
    %swap3A_59 = tpu.vector_load %arg15[%swap3A_58] {strides = array<i32>} : memref<544xf32, #tpu.memory_space<vmem>>, vector<16xf32>,
    tpu.vector_store %arg15[%swap3A_58], %broadcast_in_dim3A_41 {strides = array<i32>} : memref<544xf32, #tpu.memory_space<vmem>>, vector<16xf32>,
    %swap3A_60 = arith.constant 144 : index
    %swap3A_61 = tpu.vector_load %arg15[%swap3A_60] {strides = array<i32>} : memref<544xf32, #tpu.memory_space<vmem>>, vector<16xf32>,
    tpu.vector_store %arg15[%swap3A_60], %broadcast_in_dim3A_41 {strides = array<i32>} : memref<544xf32, #tpu.memory_space<vmem>>, vector<16xf32>,
    %swap3A_62 = arith.constant 160 : index
    %swap3A_63 = tpu.vector_load %arg15[%swap3A_62] {strides = array<i32>} : memref<544xf32, #tpu.memory_space<vmem>>, vector<16xf32>,
    tpu.vector_store %arg15[%swap3A_62], %broadcast_in_dim3A_41 {strides = array<i32>} : memref<544xf32, #tpu.memory_space<vmem>>, vector<16xf32>,
    %swap3A_64 = arith.constant 176 : index
    %swap3A_65 = tpu.vector_load %arg15[%swap3A_64] {strides = array<i32>} : memref<544xf32, #tpu.memory_space<vmem>>, vector<16xf32>,
    tpu.vector_store %arg15[%swap3A_64], %broadcast_in_dim3A_41 {strides = array<i32>} : memref<544xf32, #tpu.memory_space<vmem>>, vector<16xf32>,
    %swap3A_66 = arith.constant 192 : index
    %swap3A_67 = tpu.vector_load %arg15[%swap3A_66] {strides = array<i32>} : memref<544xf32, #tpu.memory_space<vmem>>, vector<16xf32>,
    tpu.vector_store %arg15[%swap3A_66], %broadcast_in_dim3A_41 {strides = array<i32>} : memref<544xf32, #tpu.memory_space<vmem>>, vector<16xf32>,
    %swap3A_68 = arith.constant 208 : index
    %swap3A_69 = tpu.vector_load %arg15[%swap3A_68] {strides = array<i32>} : memref<544xf32, #tpu.memory_space<vmem>>, vector<16xf32>,
    tpu.vector_store %arg15[%swap3A_68], %broadcast_in_dim3A_41 {strides = array<i32>} : memref<544xf32, #tpu.memory_space<vmem>>, vector<16xf32>,
    %swap3A_70 = arith.constant 224 : index
    %swap3A_71 = tpu.vector_load %arg15[%swap3A_70] {strides = array<i32>} : memref<544xf32, #tpu.memory_space<vmem>>, vector<16xf32>,
    tpu.vector_store %arg15[%swap3A_70], %broadcast_in_dim3A_41 {strides = array<i32>} : memref<544xf32, #tpu.memory_space<vmem>>, vector<16xf32>,
    %swap3A_72 = arith.constant 240 : index
    %swap3A_73 = tpu.vector_load %arg15[%swap3A_72] {strides = array<i32>} : memref<544xf32, #tpu.memory_space<vmem>>, vector<16xf32>,
    tpu.vector_store %arg15[%swap3A_72], %broadcast_in_dim3A_41 {strides = array<i32>} : memref<544xf32, #tpu.memory_space<vmem>>, vector<16xf32>,
    %swap3A_74 = arith.constant 256 : index
    %swap3A_75 = tpu.vector_load %arg15[%swap3A_74] {strides = array<i32>} : memref<544xf32, #tpu.memory_space<vmem>>, vector<16xf32>,
    tpu.vector_store %arg15[%swap3A_74], %broadcast_in_dim3A_41 {strides = array<i32>} : memref<544xf32, #tpu.memory_space<vmem>>, vector<16xf32>,
    %swap3A_76 = arith.constant 272 : index
    %swap3A_77 = tpu.vector_load %arg15[%swap3A_76] {strides = array<i32>} : memref<544xf32, #tpu.memory_space<vmem>>, vector<16xf32>,
    tpu.vector_store %arg15[%swap3A_76], %broadcast_in_dim3A_41 {strides = array<i32>} : memref<544xf32, #tpu.memory_space<vmem>>, vector<16xf32>,
    %swap3A_78 = arith.constant 288 : index
    %swap3A_79 = tpu.vector_load %arg15[%swap3A_78] {strides = array<i32>} : memref<544xf32, #tpu.memory_space<vmem>>, vector<16xf32>,
    tpu.vector_store %arg15[%swap3A_78], %broadcast_in_dim3A_41 {strides = array<i32>} : memref<544xf32, #tpu.memory_space<vmem>>, vector<16xf32>,
    %swap3A_80 = arith.constant 304 : index
    %swap3A_81 = tpu.vector_load %arg15[%swap3A_80] {strides = array<i32>} : memref<544xf32, #tpu.memory_space<vmem>>, vector<16xf32>,
    tpu.vector_store %arg15[%swap3A_80], %broadcast_in_dim3A_41 {strides = array<i32>} : memref<544xf32, #tpu.memory_space<vmem>>, vector<16xf32>,
    %swap3A_82 = arith.constant 320 : index
    %swap3A_83 = tpu.vector_load %arg15[%swap3A_82] {strides = array<i32>} : memref<544xf32, #tpu.memory_space<vmem>>, vector<16xf32>,
    tpu.vector_store %arg15[%swap3A_82], %broadcast_in_dim3A_41 {strides = array<i32>} : memref<544xf32, #tpu.memory_space<vmem>>, vector<16xf32>,
    %swap3A_84 = arith.constant 336 : index
    %swap3A_85 = tpu.vector_load %arg15[%swap3A_84] {strides = array<i32>} : memref<544xf32, #tpu.memory_space<vmem>>, vector<16xf32>,
    tpu.vector_store %arg15[%swap3A_84], %broadcast_in_dim3A_41 {strides = array<i32>} : memref<544xf32, #tpu.memory_space<vmem>>, vector<16xf32>,
    %swap3A_86 = arith.constant 352 : index
    %swap3A_87 = tpu.vector_load %arg15[%swap3A_86] {strides = array<i32>} : memref<544xf32, #tpu.memory_space<vmem>>, vector<16xf32>,
    tpu.vector_store %arg15[%swap3A_86], %broadcast_in_dim3A_41 {strides = array<i32>} : memref<544xf32, #tpu.memory_space<vmem>>, vector<16xf32>,
    %swap3A_88 = arith.constant 368 : index
    %swap3A_89 = tpu.vector_load %arg15[%swap3A_88] {strides = array<i32>} : memref<544xf32, #tpu.memory_space<vmem>>, vector<16xf32>,
    tpu.vector_store %arg15[%swap3A_88], %broadcast_in_dim3A_41 {strides = array<i32>} : memref<544xf32, #tpu.memory_space<vmem>>, vector<16xf32>,
    %swap3A_90 = arith.constant 384 : index
    %swap3A_91 = tpu.vector_load %arg15[%swap3A_90] {strides = array<i32>} : memref<544xf32, #tpu.memory_space<vmem>>, vector<16xf32>,
    tpu.vector_store %arg15[%swap3A_90], %broadcast_in_dim3A_41 {strides = array<i32>} : memref<544xf32, #tpu.memory_space<vmem>>, vector<16xf32>,
    %swap3A_92 = arith.constant 400 : index
    %swap3A_93 = tpu.vector_load %arg15[%swap3A_92] {strides = array<i32>} : memref<544xf32, #tpu.memory_space<vmem>>, vector<16xf32>,
    tpu.vector_store %arg15[%swap3A_92], %broadcast_in_dim3A_41 {strides = array<i32>} : memref<544xf32, #tpu.memory_space<vmem>>, vector<16xf32>,
    %swap3A_94 = arith.constant 416 : index
    %swap3A_95 = tpu.vector_load %arg15[%swap3A_94] {strides = array<i32>} : memref<544xf32, #tpu.memory_space<vmem>>, vector<16xf32>,
    tpu.vector_store %arg15[%swap3A_94], %broadcast_in_dim3A_41 {strides = array<i32>} : memref<544xf32, #tpu.memory_space<vmem>>, vector<16xf32>,
    %swap3A_96 = arith.constant 432 : index
    %swap3A_97 = tpu.vector_load %arg15[%swap3A_96] {strides = array<i32>} : memref<544xf32, #tpu.memory_space<vmem>>, vector<16xf32>,
    tpu.vector_store %arg15[%swap3A_96], %broadcast_in_dim3A_41 {strides = array<i32>} : memref<544xf32, #tpu.memory_space<vmem>>, vector<16xf32>,
    %swap3A_98 = arith.constant 448 : index
    %swap3A_99 = tpu.vector_load %arg15[%swap3A_98] {strides = array<i32>} : memref<544xf32, #tpu.memory_space<vmem>>, vector<16xf32>,
    tpu.vector_store %arg15[%swap3A_98], %broadcast_in_dim3A_41 {strides = array<i32>} : memref<544xf32, #tpu.memory_space<vmem>>, vector<16xf32>,
    %swap3A_100 = arith.constant 464 : index
    %swap3A_101 = tpu.vector_load %arg15[%swap3A_100] {strides = array<i32>} : memref<544xf32, #tpu.memory_space<vmem>>, vector<16xf32>,
    tpu.vector_store %arg15[%swap3A_100], %broadcast_in_dim3A_41 {strides = array<i32>} : memref<544xf32, #tpu.memory_space<vmem>>, vector<16xf32>,
    %swap3A_102 = arith.constant 480 : index
    %swap3A_103 = tpu.vector_load %arg15[%swap3A_102] {strides = array<i32>} : memref<544xf32, #tpu.memory_space<vmem>>, vector<16xf32>,
    tpu.vector_store %arg15[%swap3A_102], %broadcast_in_dim3A_41 {strides = array<i32>} : memref<544xf32, #tpu.memory_space<vmem>>, vector<16xf32>,
    %swap3A_104 = arith.constant 496 : index
    %swap3A_105 = tpu.vector_load %arg15[%swap3A_104] {strides = array<i32>} : memref<544xf32, #tpu.memory_space<vmem>>, vector<16xf32>,
    tpu.vector_store %arg15[%swap3A_104], %broadcast_in_dim3A_41 {strides = array<i32>} : memref<544xf32, #tpu.memory_space<vmem>>, vector<16xf32>,
    tpu.wait_dma2 semaphore(%arg19 : memref<!tpu.dma_semaphore, #tpu.memory_space<semaphore_mem>>) src(%arg5 : memref<1024xf32, #tpu.memory_space<hbm>>) dst(%arg14 : memref<1024xf32, #tpu.memory_space<vmem>>)
    %get3A_106 = arith.constant 512 : index
    %get3A_107 = tpu.vector_load %arg14[%get3A_106] {strides = array<i32>} : memref<1024xf32, #tpu.memory_space<vmem>>, vector<16xf32>,
    %slice3A = vector.extract_strided_slice %get3A_107 {offsets = [0], sizes = [1], strides = [1]} : vector<16xf32> to vector<1xf32>
    %squeeze3A = vector.extract %slice3A[0] : f32 from vector<1xf32>
    %slice3A_108 = vector.extract_strided_slice %get3A_107 {offsets = [1], sizes = [1], strides = [1]} : vector<16xf32> to vector<1xf32>
    %squeeze3A_109 = vector.extract %slice3A_108[0] : f32 from vector<1xf32>
    %add3A_110 = arith.constant 16 : i32
    %add3A_111 = arith.addi %reduce_sum3A_19, %add3A_110 : i32
    %sub3A_112 = arith.constant 1 : i32
    %sub3A_113 = arith.subi %add3A_111, %sub3A_112 : i32
    %jit3A = arith.constant 16 : i32
    %div3A = arith.divsi %sub3A_113, %jit3A : i32
    %sign3A = arith.constant 0 : i32
    %sign3A_114 = arith.cmpi sgt, %sub3A_113, %sign3A : i32
    %sign3A_115 = arith.extui %sign3A_114 : i1 to i32
    %sign3A_116 = arith.constant 0 : i32
    %sign3A_117 = arith.cmpi slt, %sub3A_113, %sign3A_116 : i32
    %sign3A_118 = arith.extui %sign3A_117 : i1 to i32
    %sign3A_119 = arith.subi %sign3A_115, %sign3A_118 : i32
    %sign3A_120 = arith.constant 0 : i32
    %sign3A_121 = arith.cmpi sgt, %jit3A, %sign3A_120 : i32
    %sign3A_122 = arith.extui %sign3A_121 : i1 to i32
    %sign3A_123 = arith.constant 0 : i32
    %sign3A_124 = arith.cmpi slt, %jit3A, %sign3A_123 : i32
    %sign3A_125 = arith.extui %sign3A_124 : i1 to i32
    %sign3A_126 = arith.subi %sign3A_122, %sign3A_125 : i32
    %ne3A = arith.cmpi ne, %sign3A_119, %sign3A_126 : i32
    %rem3A = arith.remsi %sub3A_113, %jit3A : i32
    %ne3A_127 = arith.constant 0 : i32
    %ne3A_128 = arith.cmpi ne, %rem3A, %ne3A_127 : i32
    %and3A = arith.andi %ne3A, %ne3A_128 : i1
    %sub3A_129 = arith.constant 1 : i32
    %sub3A_130 = arith.subi %div3A, %sub3A_129 : i32
    %select_n3A = arith.select %and3A, %sub3A_130, %div3A : i32
    %while3A_131 = arith.constant 0 : i32
    %while3A_132 = arith.constant -1.000000e+30 : f32
    %while3A_133 = arith.constant -1.000000e+30 : f32
    %while3A_134 = arith.subi %select_n3A, %while3A_131 : i32
    %while3A_135 = arith.addi %while3A_131, %while3A_134 : i32
    %while3A_136 = arith.constant 1 : i32
    %while3A_137 = arith.divsi %while3A_134, %while3A_136 : i32
    %while3A_138 = arith.muli %while3A_137, %while3A_136 : i32
    %while3A_139 = arith.addi %while3A_131, %while3A_138 : i32
    %while3A_140 = arith.constant 1 : i32
    %while3A_141:4 = scf.for %while3A_177 = %while3A_131 to %while3A_139 step %while3A_140 iter_args(%while3A_178 = %while3A_132, %while3A_179 = %while3A_133, %while3A_180 = %broadcast_in_dim3A_41, %while3A_181 = %broadcast_in_dim3A_41) -> (f32, f32, vector<16xf32>, vector<16xf32>)  : i32 {
      %mul3A_182 = arith.constant 16 : i32
      %mul3A_183 = arith.muli %while3A_177, %mul3A_182 : i32
      %sub3A_184 = arith.subi %reduce_sum3A_19, %mul3A_183 : i32
      %lt3A = vector.broadcast %sub3A_184 : i32 to vector<16xi32>
      %lt3A_185 = arith.cmpi slt, %iota3A, %lt3A : vector<16xi32>
      %mul3A_186 = arith.constant 16 : i32
      %mul3A_187 = arith.muli %while3A_177, %mul3A_186 : i32
      %get3A_188 = arith.index_cast %mul3A_187 : i32 to index
      %get3A_189 = tpu.vector_load %arg10[%get3A_188] {strides = array<i32>} : memref<10000xi32, #tpu.memory_space<vmem>>, vector<16xi32>,
      %broadcast_in_dim3A_190 = vector.broadcast %mul3A_2 : i32 to vector<16xi32>
      %select_n3A_191 = arith.select %lt3A_185, %get3A_189, %broadcast_in_dim3A_190 : vector<16xi1>, vector<16xi32>
      %dma_start3A = arith.constant 0 : i32
      %dma_start3A_192 = tpu.memref_slice %arg2[%dma_start3A] : memref<640000xi32, #tpu.memory_space<hbm>> -> memref<640000xi32, #tpu.memory_space<hbm>>
      tpu.enqueue_indirect_dma source(%dma_start3A_192 : memref<640000xi32, #tpu.memory_space<hbm>>) target(%arg8 : memref<16xi32, #tpu.memory_space<vmem>>) offsets(%select_n3A_191 : vector<16xi32>) semaphore(%arg18 : memref<!tpu.dma_semaphore, #tpu.memory_space<semaphore_mem>>)
      %dma_start3A_193 = arith.constant 0 : i32
      %dma_start3A_194 = arith.constant 0 : i32
      %dma_start3A_195 = tpu.memref_slice %arg4[%dma_start3A_193, %dma_start3A_194] : memref<320000x128xf32, #tpu.memory_space<hbm>> -> memref<320000x128xf32, #tpu.memory_space<hbm>>
      tpu.enqueue_indirect_dma source(%dma_start3A_195 : memref<320000x128xf32, #tpu.memory_space<hbm>>) target(%arg13 : memref<16x128xf32, #tpu.memory_space<vmem>>) offsets(%select_n3A_191 : vector<16xi32>) semaphore(%arg21 : memref<!tpu.dma_semaphore, #tpu.memory_space<semaphore_mem>>)
      %dma_wait3A = arith.constant 0 : i32
      %dma_wait3A_196 = tpu.memref_slice %arg2[%dma_wait3A] : memref<640000xi32, #tpu.memory_space<hbm>> -> memref<640000xi32, #tpu.memory_space<hbm>>
      tpu.wait_indirect_dma semaphore(%arg18 : memref<!tpu.dma_semaphore, #tpu.memory_space<semaphore_mem>>) src(%dma_wait3A_196 : memref<640000xi32, #tpu.memory_space<hbm>>) dst(%arg8 : memref<16xi32, #tpu.memory_space<vmem>>)
      %get3A_197 = arith.constant 0 : index
      %get3A_198 = tpu.vector_load %arg8[%get3A_197] {strides = array<i32>} : memref<16xi32, #tpu.memory_space<vmem>>, vector<16xi32>,
      %dma_start3A_199 = arith.constant 0 : i32
      %dma_start3A_200 = arith.constant 0 : i32
      %dma_start3A_201 = tpu.memref_slice %arg3[%dma_start3A_199, %dma_start3A_200] : memref<10000x128xf32, #tpu.memory_space<hbm>> -> memref<10000x128xf32, #tpu.memory_space<hbm>>
      tpu.enqueue_indirect_dma source(%dma_start3A_201 : memref<10000x128xf32, #tpu.memory_space<hbm>>) target(%arg12 : memref<16x128xf32, #tpu.memory_space<vmem>>) offsets(%get3A_198 : vector<16xi32>) semaphore(%arg20 : memref<!tpu.dma_semaphore, #tpu.memory_space<semaphore_mem>>)
      %dma_wait3A_202 = arith.constant 0 : i32
      %dma_wait3A_203 = arith.constant 0 : i32
      %dma_wait3A_204 = tpu.memref_slice %arg3[%dma_wait3A_202, %dma_wait3A_203] : memref<10000x128xf32, #tpu.memory_space<hbm>> -> memref<10000x128xf32, #tpu.memory_space<hbm>>
      tpu.wait_indirect_dma semaphore(%arg20 : memref<!tpu.dma_semaphore, #tpu.memory_space<semaphore_mem>>) src(%dma_wait3A_204 : memref<10000x128xf32, #tpu.memory_space<hbm>>) dst(%arg12 : memref<16x128xf32, #tpu.memory_space<vmem>>)
      %dma_wait3A_205 = arith.constant 0 : i32
      %dma_wait3A_206 = arith.constant 0 : i32
      %dma_wait3A_207 = tpu.memref_slice %arg4[%dma_wait3A_205, %dma_wait3A_206] : memref<320000x128xf32, #tpu.memory_space<hbm>> -> memref<320000x128xf32, #tpu.memory_space<hbm>>
      tpu.wait_indirect_dma semaphore(%arg21 : memref<!tpu.dma_semaphore, #tpu.memory_space<semaphore_mem>>) src(%dma_wait3A_207 : memref<320000x128xf32, #tpu.memory_space<hbm>>) dst(%arg13 : memref<16x128xf32, #tpu.memory_space<vmem>>)
      %min3A = arith.constant 16 : i32
      %min3A_208 = arith.minsi %sub3A_184, %min3A : i32
      %broadcast_in_dim3A_209 = arith.constant -1.000000e+30 : f32
      %broadcast_in_dim3A_210 = vector.broadcast %broadcast_in_dim3A_209 : f32 to vector<16xf32>
      %while3A_211 = arith.constant 0 : i32
      %while3A_212 = arith.subi %min3A_208, %while3A_211 : i32
      %while3A_213 = arith.addi %while3A_211, %while3A_212 : i32
      %while3A_214 = arith.constant 1 : i32
      %while3A_215 = arith.divsi %while3A_212, %while3A_214 : i32
      %while3A_216 = arith.muli %while3A_215, %while3A_214 : i32
      %while3A_217 = arith.addi %while3A_211, %while3A_216 : i32
      %while3A_218 = arith.constant 1 : i32
      %while3A_219:2 = scf.for %while3A_444 = %while3A_211 to %while3A_217 step %while3A_218 iter_args(%while3A_445 = %broadcast_in_dim3A_210, %while3A_446 = %broadcast_in_dim3A_210) -> (vector<16xf32>, vector<16xf32>)  : i32 {
        %broadcast_in_dim3A_447 = vector.broadcast %while3A_444 : i32 to vector<16xi32>
        %add3A_448 = arith.constant 0 : i32
        %add3A_449 = vector.broadcast %add3A_448 : i32 to vector<16xi32>
        %add3A_450 = arith.addi %add3A_449, %iota3A : vector<16xi32>
        %gather3A = tpu.vector_load_idx %arg12[%broadcast_in_dim3A_447, %add3A_450] : memref<16x128xf32, #tpu.memory_space<vmem>>[vector<16xi32>, vector<16xi32>], vector<16xf32>,
        %gather3A_451 = tpu.vector_load_idx %arg13[%broadcast_in_dim3A_447, %add3A_450] : memref<16x128xf32, #tpu.memory_space<vmem>>[vector<16xi32>, vector<16xi32>], vector<16xf32>,
        %get3A_452 = arith.constant 0 : index
        %get3A_453 = tpu.vector_load %arg14[%get3A_452] {strides = array<i32>} : memref<1024xf32, #tpu.memory_space<vmem>>, vector<16xf32>,
        %mul3A_454 = arith.mulf %gather3A, %get3A_453 : vector<16xf32>
        %add3A_455 = arith.addf %broadcast_in_dim3A_41, %mul3A_454 : vector<16xf32>
        %get3A_456 = arith.constant 128 : index
        %get3A_457 = tpu.vector_load %arg14[%get3A_456] {strides = array<i32>} : memref<1024xf32, #tpu.memory_space<vmem>>, vector<16xf32>,
        %mul3A_458 = arith.mulf %gather3A, %get3A_457 : vector<16xf32>
        %add3A_459 = arith.addf %broadcast_in_dim3A_41, %mul3A_458 : vector<16xf32>
        %get3A_460 = arith.constant 256 : index
        %get3A_461 = tpu.vector_load %arg14[%get3A_460] {strides = array<i32>} : memref<1024xf32, #tpu.memory_space<vmem>>, vector<16xf32>,
        %mul3A_462 = arith.mulf %gather3A_451, %get3A_461 : vector<16xf32>
        %add3A_463 = arith.addf %broadcast_in_dim3A_41, %mul3A_462 : vector<16xf32>
        %get3A_464 = arith.constant 384 : index
        %get3A_465 = tpu.vector_load %arg14[%get3A_464] {strides = array<i32>} : memref<1024xf32, #tpu.memory_space<vmem>>, vector<16xf32>,
        %mul3A_466 = arith.mulf %gather3A_451, %get3A_465 : vector<16xf32>
        %add3A_467 = arith.addf %broadcast_in_dim3A_41, %mul3A_466 : vector<16xf32>
        %add3A_468 = arith.constant 16 : i32
        %add3A_469 = vector.broadcast %add3A_468 : i32 to vector<16xi32>
        %add3A_470 = arith.addi %add3A_469, %iota3A : vector<16xi32>
        %gather3A_471 = tpu.vector_load_idx %arg12[%broadcast_in_dim3A_447, %add3A_470] : memref<16x128xf32, #tpu.memory_space<vmem>>[vector<16xi32>, vector<16xi32>], vector<16xf32>,
        %gather3A_472 = tpu.vector_load_idx %arg13[%broadcast_in_dim3A_447, %add3A_470] : memref<16x128xf32, #tpu.memory_space<vmem>>[vector<16xi32>, vector<16xi32>], vector<16xf32>,
        %get3A_473 = arith.constant 16 : index
        %get3A_474 = tpu.vector_load %arg14[%get3A_473] {strides = array<i32>} : memref<1024xf32, #tpu.memory_space<vmem>>, vector<16xf32>,
        %mul3A_475 = arith.mulf %gather3A_471, %get3A_474 : vector<16xf32>
        %add3A_476 = arith.addf %add3A_455, %mul3A_475 : vector<16xf32>
        %get3A_477 = arith.constant 144 : index
        %get3A_478 = tpu.vector_load %arg14[%get3A_477] {strides = array<i32>} : memref<1024xf32, #tpu.memory_space<vmem>>, vector<16xf32>,
        %mul3A_479 = arith.mulf %gather3A_471, %get3A_478 : vector<16xf32>
        %add3A_480 = arith.addf %add3A_459, %mul3A_479 : vector<16xf32>
        %get3A_481 = arith.constant 272 : index
        %get3A_482 = tpu.vector_load %arg14[%get3A_481] {strides = array<i32>} : memref<1024xf32, #tpu.memory_space<vmem>>, vector<16xf32>,
        %mul3A_483 = arith.mulf %gather3A_472, %get3A_482 : vector<16xf32>
        %add3A_484 = arith.addf %add3A_463, %mul3A_483 : vector<16xf32>
        %get3A_485 = arith.constant 400 : index
        %get3A_486 = tpu.vector_load %arg14[%get3A_485] {strides = array<i32>} : memref<1024xf32, #tpu.memory_space<vmem>>, vector<16xf32>,
        %mul3A_487 = arith.mulf %gather3A_472, %get3A_486 : vector<16xf32>
        %add3A_488 = arith.addf %add3A_467, %mul3A_487 : vector<16xf32>
        %add3A_489 = arith.constant 32 : i32
        %add3A_490 = vector.broadcast %add3A_489 : i32 to vector<16xi32>
        %add3A_491 = arith.addi %add3A_490, %iota3A : vector<16xi32>
        %gather3A_492 = tpu.vector_load_idx %arg12[%broadcast_in_dim3A_447, %add3A_491] : memref<16x128xf32, #tpu.memory_space<vmem>>[vector<16xi32>, vector<16xi32>], vector<16xf32>,
        %gather3A_493 = tpu.vector_load_idx %arg13[%broadcast_in_dim3A_447, %add3A_491] : memref<16x128xf32, #tpu.memory_space<vmem>>[vector<16xi32>, vector<16xi32>], vector<16xf32>,
        %get3A_494 = arith.constant 32 : index
        %get3A_495 = tpu.vector_load %arg14[%get3A_494] {strides = array<i32>} : memref<1024xf32, #tpu.memory_space<vmem>>, vector<16xf32>,
        %mul3A_496 = arith.mulf %gather3A_492, %get3A_495 : vector<16xf32>
        %add3A_497 = arith.addf %add3A_476, %mul3A_496 : vector<16xf32>
        %get3A_498 = arith.constant 160 : index
        %get3A_499 = tpu.vector_load %arg14[%get3A_498] {strides = array<i32>} : memref<1024xf32, #tpu.memory_space<vmem>>, vector<16xf32>,
        %mul3A_500 = arith.mulf %gather3A_492, %get3A_499 : vector<16xf32>
        %add3A_501 = arith.addf %add3A_480, %mul3A_500 : vector<16xf32>
        %get3A_502 = arith.constant 288 : index
        %get3A_503 = tpu.vector_load %arg14[%get3A_502] {strides = array<i32>} : memref<1024xf32, #tpu.memory_space<vmem>>, vector<16xf32>,
        %mul3A_504 = arith.mulf %gather3A_493, %get3A_503 : vector<16xf32>
        %add3A_505 = arith.addf %add3A_484, %mul3A_504 : vector<16xf32>
        %get3A_506 = arith.constant 416 : index
        %get3A_507 = tpu.vector_load %arg14[%get3A_506] {strides = array<i32>} : memref<1024xf32, #tpu.memory_space<vmem>>, vector<16xf32>,
        %mul3A_508 = arith.mulf %gather3A_493, %get3A_507 : vector<16xf32>
        %add3A_509 = arith.addf %add3A_488, %mul3A_508 : vector<16xf32>
        %add3A_510 = arith.constant 48 : i32
        %add3A_511 = vector.broadcast %add3A_510 : i32 to vector<16xi32>
        %add3A_512 = arith.addi %add3A_511, %iota3A : vector<16xi32>
        %gather3A_513 = tpu.vector_load_idx %arg12[%broadcast_in_dim3A_447, %add3A_512] : memref<16x128xf32, #tpu.memory_space<vmem>>[vector<16xi32>, vector<16xi32>], vector<16xf32>,
        %gather3A_514 = tpu.vector_load_idx %arg13[%broadcast_in_dim3A_447, %add3A_512] : memref<16x128xf32, #tpu.memory_space<vmem>>[vector<16xi32>, vector<16xi32>], vector<16xf32>,
        %get3A_515 = arith.constant 48 : index
        %get3A_516 = tpu.vector_load %arg14[%get3A_515] {strides = array<i32>} : memref<1024xf32, #tpu.memory_space<vmem>>, vector<16xf32>,
        %mul3A_517 = arith.mulf %gather3A_513, %get3A_516 : vector<16xf32>
        %add3A_518 = arith.addf %add3A_497, %mul3A_517 : vector<16xf32>
        %get3A_519 = arith.constant 176 : index
        %get3A_520 = tpu.vector_load %arg14[%get3A_519] {strides = array<i32>} : memref<1024xf32, #tpu.memory_space<vmem>>, vector<16xf32>,
        %mul3A_521 = arith.mulf %gather3A_513, %get3A_520 : vector<16xf32>
        %add3A_522 = arith.addf %add3A_501, %mul3A_521 : vector<16xf32>
        %get3A_523 = arith.constant 304 : index
        %get3A_524 = tpu.vector_load %arg14[%get3A_523] {strides = array<i32>} : memref<1024xf32, #tpu.memory_space<vmem>>, vector<16xf32>,
        %mul3A_525 = arith.mulf %gather3A_514, %get3A_524 : vector<16xf32>
        %add3A_526 = arith.addf %add3A_505, %mul3A_525 : vector<16xf32>
        %get3A_527 = arith.constant 432 : index
        %get3A_528 = tpu.vector_load %arg14[%get3A_527] {strides = array<i32>} : memref<1024xf32, #tpu.memory_space<vmem>>, vector<16xf32>,
        %mul3A_529 = arith.mulf %gather3A_514, %get3A_528 : vector<16xf32>
        %add3A_530 = arith.addf %add3A_509, %mul3A_529 : vector<16xf32>
        %add3A_531 = arith.constant 64 : i32
        %add3A_532 = vector.broadcast %add3A_531 : i32 to vector<16xi32>
        %add3A_533 = arith.addi %add3A_532, %iota3A : vector<16xi32>
        %gather3A_534 = tpu.vector_load_idx %arg12[%broadcast_in_dim3A_447, %add3A_533] : memref<16x128xf32, #tpu.memory_space<vmem>>[vector<16xi32>, vector<16xi32>], vector<16xf32>,
        %gather3A_535 = tpu.vector_load_idx %arg13[%broadcast_in_dim3A_447, %add3A_533] : memref<16x128xf32, #tpu.memory_space<vmem>>[vector<16xi32>, vector<16xi32>], vector<16xf32>,
        %get3A_536 = arith.constant 64 : index
        %get3A_537 = tpu.vector_load %arg14[%get3A_536] {strides = array<i32>} : memref<1024xf32, #tpu.memory_space<vmem>>, vector<16xf32>,
        %mul3A_538 = arith.mulf %gather3A_534, %get3A_537 : vector<16xf32>
        %add3A_539 = arith.addf %add3A_518, %mul3A_538 : vector<16xf32>
        %get3A_540 = arith.constant 192 : index
        %get3A_541 = tpu.vector_load %arg14[%get3A_540] {strides = array<i32>} : memref<1024xf32, #tpu.memory_space<vmem>>, vector<16xf32>,
        %mul3A_542 = arith.mulf %gather3A_534, %get3A_541 : vector<16xf32>
        %add3A_543 = arith.addf %add3A_522, %mul3A_542 : vector<16xf32>
        %get3A_544 = arith.constant 320 : index
        %get3A_545 = tpu.vector_load %arg14[%get3A_544] {strides = array<i32>} : memref<1024xf32, #tpu.memory_space<vmem>>, vector<16xf32>,
        %mul3A_546 = arith.mulf %gather3A_535, %get3A_545 : vector<16xf32>
        %add3A_547 = arith.addf %add3A_526, %mul3A_546 : vector<16xf32>
        %get3A_548 = arith.constant 448 : index
        %get3A_549 = tpu.vector_load %arg14[%get3A_548] {strides = array<i32>} : memref<1024xf32, #tpu.memory_space<vmem>>, vector<16xf32>,
        %mul3A_550 = arith.mulf %gather3A_535, %get3A_549 : vector<16xf32>
        %add3A_551 = arith.addf %add3A_530, %mul3A_550 : vector<16xf32>
        %add3A_552 = arith.constant 80 : i32
        %add3A_553 = vector.broadcast %add3A_552 : i32 to vector<16xi32>
        %add3A_554 = arith.addi %add3A_553, %iota3A : vector<16xi32>
        %gather3A_555 = tpu.vector_load_idx %arg12[%broadcast_in_dim3A_447, %add3A_554] : memref<16x128xf32, #tpu.memory_space<vmem>>[vector<16xi32>, vector<16xi32>], vector<16xf32>,
        %gather3A_556 = tpu.vector_load_idx %arg13[%broadcast_in_dim3A_447, %add3A_554] : memref<16x128xf32, #tpu.memory_space<vmem>>[vector<16xi32>, vector<16xi32>], vector<16xf32>,
        %get3A_557 = arith.constant 80 : index
        %get3A_558 = tpu.vector_load %arg14[%get3A_557] {strides = array<i32>} : memref<1024xf32, #tpu.memory_space<vmem>>, vector<16xf32>,
        %mul3A_559 = arith.mulf %gather3A_555, %get3A_558 : vector<16xf32>
        %add3A_560 = arith.addf %add3A_539, %mul3A_559 : vector<16xf32>
        %get3A_561 = arith.constant 208 : index
        %get3A_562 = tpu.vector_load %arg14[%get3A_561] {strides = array<i32>} : memref<1024xf32, #tpu.memory_space<vmem>>, vector<16xf32>,
        %mul3A_563 = arith.mulf %gather3A_555, %get3A_562 : vector<16xf32>
        %add3A_564 = arith.addf %add3A_543, %mul3A_563 : vector<16xf32>
        %get3A_565 = arith.constant 336 : index
        %get3A_566 = tpu.vector_load %arg14[%get3A_565] {strides = array<i32>} : memref<1024xf32, #tpu.memory_space<vmem>>, vector<16xf32>,
        %mul3A_567 = arith.mulf %gather3A_556, %get3A_566 : vector<16xf32>
        %add3A_568 = arith.addf %add3A_547, %mul3A_567 : vector<16xf32>
        %get3A_569 = arith.constant 464 : index
        %get3A_570 = tpu.vector_load %arg14[%get3A_569] {strides = array<i32>} : memref<1024xf32, #tpu.memory_space<vmem>>, vector<16xf32>,
        %mul3A_571 = arith.mulf %gather3A_556, %get3A_570 : vector<16xf32>
        %add3A_572 = arith.addf %add3A_551, %mul3A_571 : vector<16xf32>
        %add3A_573 = arith.constant 96 : i32
        %add3A_574 = vector.broadcast %add3A_573 : i32 to vector<16xi32>
        %add3A_575 = arith.addi %add3A_574, %iota3A : vector<16xi32>
        %gather3A_576 = tpu.vector_load_idx %arg12[%broadcast_in_dim3A_447, %add3A_575] : memref<16x128xf32, #tpu.memory_space<vmem>>[vector<16xi32>, vector<16xi32>], vector<16xf32>,
        %gather3A_577 = tpu.vector_load_idx %arg13[%broadcast_in_dim3A_447, %add3A_575] : memref<16x128xf32, #tpu.memory_space<vmem>>[vector<16xi32>, vector<16xi32>], vector<16xf32>,
        %get3A_578 = arith.constant 96 : index
        %get3A_579 = tpu.vector_load %arg14[%get3A_578] {strides = array<i32>} : memref<1024xf32, #tpu.memory_space<vmem>>, vector<16xf32>,
        %mul3A_580 = arith.mulf %gather3A_576, %get3A_579 : vector<16xf32>
        %add3A_581 = arith.addf %add3A_560, %mul3A_580 : vector<16xf32>
        %get3A_582 = arith.constant 224 : index
        %get3A_583 = tpu.vector_load %arg14[%get3A_582] {strides = array<i32>} : memref<1024xf32, #tpu.memory_space<vmem>>, vector<16xf32>,
        %mul3A_584 = arith.mulf %gather3A_576, %get3A_583 : vector<16xf32>
        %add3A_585 = arith.addf %add3A_564, %mul3A_584 : vector<16xf32>
        %get3A_586 = arith.constant 352 : index
        %get3A_587 = tpu.vector_load %arg14[%get3A_586] {strides = array<i32>} : memref<1024xf32, #tpu.memory_space<vmem>>, vector<16xf32>,
        %mul3A_588 = arith.mulf %gather3A_577, %get3A_587 : vector<16xf32>
        %add3A_589 = arith.addf %add3A_568, %mul3A_588 : vector<16xf32>
        %get3A_590 = arith.constant 480 : index
        %get3A_591 = tpu.vector_load %arg14[%get3A_590] {strides = array<i32>} : memref<1024xf32, #tpu.memory_space<vmem>>, vector<16xf32>,
        %mul3A_592 = arith.mulf %gather3A_577, %get3A_591 : vector<16xf32>
        %add3A_593 = arith.addf %add3A_572, %mul3A_592 : vector<16xf32>
        %add3A_594 = arith.constant 112 : i32
        %add3A_595 = vector.broadcast %add3A_594 : i32 to vector<16xi32>
        %add3A_596 = arith.addi %add3A_595, %iota3A : vector<16xi32>
        %gather3A_597 = tpu.vector_load_idx %arg12[%broadcast_in_dim3A_447, %add3A_596] : memref<16x128xf32, #tpu.memory_space<vmem>>[vector<16xi32>, vector<16xi32>], vector<16xf32>,
        %gather3A_598 = tpu.vector_load_idx %arg13[%broadcast_in_dim3A_447, %add3A_596] : memref<16x128xf32, #tpu.memory_space<vmem>>[vector<16xi32>, vector<16xi32>], vector<16xf32>,
        %get3A_599 = arith.constant 112 : index
        %get3A_600 = tpu.vector_load %arg14[%get3A_599] {strides = array<i32>} : memref<1024xf32, #tpu.memory_space<vmem>>, vector<16xf32>,
        %mul3A_601 = arith.mulf %gather3A_597, %get3A_600 : vector<16xf32>
        %add3A_602 = arith.addf %add3A_581, %mul3A_601 : vector<16xf32>
        %get3A_603 = arith.constant 240 : index
        %get3A_604 = tpu.vector_load %arg14[%get3A_603] {strides = array<i32>} : memref<1024xf32, #tpu.memory_space<vmem>>, vector<16xf32>,
        %mul3A_605 = arith.mulf %gather3A_597, %get3A_604 : vector<16xf32>
        %add3A_606 = arith.addf %add3A_585, %mul3A_605 : vector<16xf32>
        %get3A_607 = arith.constant 368 : index
        %get3A_608 = tpu.vector_load %arg14[%get3A_607] {strides = array<i32>} : memref<1024xf32, #tpu.memory_space<vmem>>, vector<16xf32>,
        %mul3A_609 = arith.mulf %gather3A_598, %get3A_608 : vector<16xf32>
        %add3A_610 = arith.addf %add3A_589, %mul3A_609 : vector<16xf32>
        %get3A_611 = arith.constant 496 : index
        %get3A_612 = tpu.vector_load %arg14[%get3A_611] {strides = array<i32>} : memref<1024xf32, #tpu.memory_space<vmem>>, vector<16xf32>,
        %mul3A_613 = arith.mulf %gather3A_598, %get3A_612 : vector<16xf32>
        %add3A_614 = arith.addf %add3A_593, %mul3A_613 : vector<16xf32>
        %add3A_615 = arith.addf %add3A_602, %add3A_610 : vector<16xf32>
        %reduce_sum3A_616 = arith.constant true
        %reduce_sum3A_617 = vector.broadcast %reduce_sum3A_616 : i1 to vector<16xi1>
        %reduce_sum3A_618 = tpu.scan <sum>, %add3A_615 masked %reduce_sum3A_617 : vector<16xf32>, vector<16xi1> -> vector<16xf32>
        %reduce_sum3A_619 = vector.extract %reduce_sum3A_618[15] : f32 from vector<16xf32>
        %add3A_620 = arith.addf %reduce_sum3A_619, %squeeze3A : f32
        %add3A_621 = arith.addf %add3A_606, %add3A_614 : vector<16xf32>
        %reduce_sum3A_622 = arith.constant true
        %reduce_sum3A_623 = vector.broadcast %reduce_sum3A_622 : i1 to vector<16xi1>
        %reduce_sum3A_624 = tpu.scan <sum>, %add3A_621 masked %reduce_sum3A_623 : vector<16xf32>, vector<16xi1> -> vector<16xf32>
        %reduce_sum3A_625 = vector.extract %reduce_sum3A_624[15] : f32 from vector<16xf32>
        %add3A_626 = arith.addf %reduce_sum3A_625, %squeeze3A_109 : f32
        %eq3A_627 = vector.broadcast %while3A_444 : i32 to vector<16xi32>
        %eq3A_628 = arith.cmpi eq, %iota3A, %eq3A_627 : vector<16xi32>
        %broadcast_in_dim3A_629 = vector.broadcast %add3A_620 : f32 to vector<16xf32>
        %select_n3A_630 = arith.select %eq3A_628, %broadcast_in_dim3A_629, %while3A_445 : vector<16xi1>, vector<16xf32>
        %broadcast_in_dim3A_631 = vector.broadcast %add3A_626 : f32 to vector<16xf32>
        %select_n3A_632 = arith.select %eq3A_628, %broadcast_in_dim3A_631, %while3A_446 : vector<16xi1>, vector<16xf32>
        scf.yield %select_n3A_630, %select_n3A_632 : vector<16xf32>, vector<16xf32>
      }
      %while3A_220 = arith.constant 1 : i32
      %while3A_221:2 = scf.for %while3A_444 = %while3A_217 to %while3A_213 step %while3A_220 iter_args(%while3A_445 = %while3A_219#0, %while3A_446 = %while3A_219#1) -> (vector<16xf32>, vector<16xf32>)  : i32 {
        %broadcast_in_dim3A_447 = vector.broadcast %while3A_444 : i32 to vector<16xi32>
        %add3A_448 = arith.constant 0 : i32
        %add3A_449 = vector.broadcast %add3A_448 : i32 to vector<16xi32>
        %add3A_450 = arith.addi %add3A_449, %iota3A : vector<16xi32>
        %gather3A = tpu.vector_load_idx %arg12[%broadcast_in_dim3A_447, %add3A_450] : memref<16x128xf32, #tpu.memory_space<vmem>>[vector<16xi32>, vector<16xi32>], vector<16xf32>,
        %gather3A_451 = tpu.vector_load_idx %arg13[%broadcast_in_dim3A_447, %add3A_450] : memref<16x128xf32, #tpu.memory_space<vmem>>[vector<16xi32>, vector<16xi32>], vector<16xf32>,
        %get3A_452 = arith.constant 0 : index
        %get3A_453 = tpu.vector_load %arg14[%get3A_452] {strides = array<i32>} : memref<1024xf32, #tpu.memory_space<vmem>>, vector<16xf32>,
        %mul3A_454 = arith.mulf %gather3A, %get3A_453 : vector<16xf32>
        %add3A_455 = arith.addf %broadcast_in_dim3A_41, %mul3A_454 : vector<16xf32>
        %get3A_456 = arith.constant 128 : index
        %get3A_457 = tpu.vector_load %arg14[%get3A_456] {strides = array<i32>} : memref<1024xf32, #tpu.memory_space<vmem>>, vector<16xf32>,
        %mul3A_458 = arith.mulf %gather3A, %get3A_457 : vector<16xf32>
        %add3A_459 = arith.addf %broadcast_in_dim3A_41, %mul3A_458 : vector<16xf32>
        %get3A_460 = arith.constant 256 : index
        %get3A_461 = tpu.vector_load %arg14[%get3A_460] {strides = array<i32>} : memref<1024xf32, #tpu.memory_space<vmem>>, vector<16xf32>,
        %mul3A_462 = arith.mulf %gather3A_451, %get3A_461 : vector<16xf32>
        %add3A_463 = arith.addf %broadcast_in_dim3A_41, %mul3A_462 : vector<16xf32>
        %get3A_464 = arith.constant 384 : index
        %get3A_465 = tpu.vector_load %arg14[%get3A_464] {strides = array<i32>} : memref<1024xf32, #tpu.memory_space<vmem>>, vector<16xf32>,
        %mul3A_466 = arith.mulf %gather3A_451, %get3A_465 : vector<16xf32>
        %add3A_467 = arith.addf %broadcast_in_dim3A_41, %mul3A_466 : vector<16xf32>
        %add3A_468 = arith.constant 16 : i32
        %add3A_469 = vector.broadcast %add3A_468 : i32 to vector<16xi32>
        %add3A_470 = arith.addi %add3A_469, %iota3A : vector<16xi32>
        %gather3A_471 = tpu.vector_load_idx %arg12[%broadcast_in_dim3A_447, %add3A_470] : memref<16x128xf32, #tpu.memory_space<vmem>>[vector<16xi32>, vector<16xi32>], vector<16xf32>,
        %gather3A_472 = tpu.vector_load_idx %arg13[%broadcast_in_dim3A_447, %add3A_470] : memref<16x128xf32, #tpu.memory_space<vmem>>[vector<16xi32>, vector<16xi32>], vector<16xf32>,
        %get3A_473 = arith.constant 16 : index
        %get3A_474 = tpu.vector_load %arg14[%get3A_473] {strides = array<i32>} : memref<1024xf32, #tpu.memory_space<vmem>>, vector<16xf32>,
        %mul3A_475 = arith.mulf %gather3A_471, %get3A_474 : vector<16xf32>
        %add3A_476 = arith.addf %add3A_455, %mul3A_475 : vector<16xf32>
        %get3A_477 = arith.constant 144 : index
        %get3A_478 = tpu.vector_load %arg14[%get3A_477] {strides = array<i32>} : memref<1024xf32, #tpu.memory_space<vmem>>, vector<16xf32>,
        %mul3A_479 = arith.mulf %gather3A_471, %get3A_478 : vector<16xf32>
        %add3A_480 = arith.addf %add3A_459, %mul3A_479 : vector<16xf32>
        %get3A_481 = arith.constant 272 : index
        %get3A_482 = tpu.vector_load %arg14[%get3A_481] {strides = array<i32>} : memref<1024xf32, #tpu.memory_space<vmem>>, vector<16xf32>,
        %mul3A_483 = arith.mulf %gather3A_472, %get3A_482 : vector<16xf32>
        %add3A_484 = arith.addf %add3A_463, %mul3A_483 : vector<16xf32>
        %get3A_485 = arith.constant 400 : index
        %get3A_486 = tpu.vector_load %arg14[%get3A_485] {strides = array<i32>} : memref<1024xf32, #tpu.memory_space<vmem>>, vector<16xf32>,
        %mul3A_487 = arith.mulf %gather3A_472, %get3A_486 : vector<16xf32>
        %add3A_488 = arith.addf %add3A_467, %mul3A_487 : vector<16xf32>
        %add3A_489 = arith.constant 32 : i32
        %add3A_490 = vector.broadcast %add3A_489 : i32 to vector<16xi32>
        %add3A_491 = arith.addi %add3A_490, %iota3A : vector<16xi32>
        %gather3A_492 = tpu.vector_load_idx %arg12[%broadcast_in_dim3A_447, %add3A_491] : memref<16x128xf32, #tpu.memory_space<vmem>>[vector<16xi32>, vector<16xi32>], vector<16xf32>,
        %gather3A_493 = tpu.vector_load_idx %arg13[%broadcast_in_dim3A_447, %add3A_491] : memref<16x128xf32, #tpu.memory_space<vmem>>[vector<16xi32>, vector<16xi32>], vector<16xf32>,
        %get3A_494 = arith.constant 32 : index
        %get3A_495 = tpu.vector_load %arg14[%get3A_494] {strides = array<i32>} : memref<1024xf32, #tpu.memory_space<vmem>>, vector<16xf32>,
        %mul3A_496 = arith.mulf %gather3A_492, %get3A_495 : vector<16xf32>
        %add3A_497 = arith.addf %add3A_476, %mul3A_496 : vector<16xf32>
        %get3A_498 = arith.constant 160 : index
        %get3A_499 = tpu.vector_load %arg14[%get3A_498] {strides = array<i32>} : memref<1024xf32, #tpu.memory_space<vmem>>, vector<16xf32>,
        %mul3A_500 = arith.mulf %gather3A_492, %get3A_499 : vector<16xf32>
        %add3A_501 = arith.addf %add3A_480, %mul3A_500 : vector<16xf32>
        %get3A_502 = arith.constant 288 : index
        %get3A_503 = tpu.vector_load %arg14[%get3A_502] {strides = array<i32>} : memref<1024xf32, #tpu.memory_space<vmem>>, vector<16xf32>,
        %mul3A_504 = arith.mulf %gather3A_493, %get3A_503 : vector<16xf32>
        %add3A_505 = arith.addf %add3A_484, %mul3A_504 : vector<16xf32>
        %get3A_506 = arith.constant 416 : index
        %get3A_507 = tpu.vector_load %arg14[%get3A_506] {strides = array<i32>} : memref<1024xf32, #tpu.memory_space<vmem>>, vector<16xf32>,
        %mul3A_508 = arith.mulf %gather3A_493, %get3A_507 : vector<16xf32>
        %add3A_509 = arith.addf %add3A_488, %mul3A_508 : vector<16xf32>
        %add3A_510 = arith.constant 48 : i32
        %add3A_511 = vector.broadcast %add3A_510 : i32 to vector<16xi32>
        %add3A_512 = arith.addi %add3A_511, %iota3A : vector<16xi32>
        %gather3A_513 = tpu.vector_load_idx %arg12[%broadcast_in_dim3A_447, %add3A_512] : memref<16x128xf32, #tpu.memory_space<vmem>>[vector<16xi32>, vector<16xi32>], vector<16xf32>,
        %gather3A_514 = tpu.vector_load_idx %arg13[%broadcast_in_dim3A_447, %add3A_512] : memref<16x128xf32, #tpu.memory_space<vmem>>[vector<16xi32>, vector<16xi32>], vector<16xf32>,
        %get3A_515 = arith.constant 48 : index
        %get3A_516 = tpu.vector_load %arg14[%get3A_515] {strides = array<i32>} : memref<1024xf32, #tpu.memory_space<vmem>>, vector<16xf32>,
        %mul3A_517 = arith.mulf %gather3A_513, %get3A_516 : vector<16xf32>
        %add3A_518 = arith.addf %add3A_497, %mul3A_517 : vector<16xf32>
        %get3A_519 = arith.constant 176 : index
        %get3A_520 = tpu.vector_load %arg14[%get3A_519] {strides = array<i32>} : memref<1024xf32, #tpu.memory_space<vmem>>, vector<16xf32>,
        %mul3A_521 = arith.mulf %gather3A_513, %get3A_520 : vector<16xf32>
        %add3A_522 = arith.addf %add3A_501, %mul3A_521 : vector<16xf32>
        %get3A_523 = arith.constant 304 : index
        %get3A_524 = tpu.vector_load %arg14[%get3A_523] {strides = array<i32>} : memref<1024xf32, #tpu.memory_space<vmem>>, vector<16xf32>,
        %mul3A_525 = arith.mulf %gather3A_514, %get3A_524 : vector<16xf32>
        %add3A_526 = arith.addf %add3A_505, %mul3A_525 : vector<16xf32>
        %get3A_527 = arith.constant 432 : index
        %get3A_528 = tpu.vector_load %arg14[%get3A_527] {strides = array<i32>} : memref<1024xf32, #tpu.memory_space<vmem>>, vector<16xf32>,
        %mul3A_529 = arith.mulf %gather3A_514, %get3A_528 : vector<16xf32>
        %add3A_530 = arith.addf %add3A_509, %mul3A_529 : vector<16xf32>
        %add3A_531 = arith.constant 64 : i32
        %add3A_532 = vector.broadcast %add3A_531 : i32 to vector<16xi32>
        %add3A_533 = arith.addi %add3A_532, %iota3A : vector<16xi32>
        %gather3A_534 = tpu.vector_load_idx %arg12[%broadcast_in_dim3A_447, %add3A_533] : memref<16x128xf32, #tpu.memory_space<vmem>>[vector<16xi32>, vector<16xi32>], vector<16xf32>,
        %gather3A_535 = tpu.vector_load_idx %arg13[%broadcast_in_dim3A_447, %add3A_533] : memref<16x128xf32, #tpu.memory_space<vmem>>[vector<16xi32>, vector<16xi32>], vector<16xf32>,
        %get3A_536 = arith.constant 64 : index
        %get3A_537 = tpu.vector_load %arg14[%get3A_536] {strides = array<i32>} : memref<1024xf32, #tpu.memory_space<vmem>>, vector<16xf32>,
        %mul3A_538 = arith.mulf %gather3A_534, %get3A_537 : vector<16xf32>
        %add3A_539 = arith.addf %add3A_518, %mul3A_538 : vector<16xf32>
        %get3A_540 = arith.constant 192 : index
        %get3A_541 = tpu.vector_load %arg14[%get3A_540] {strides = array<i32>} : memref<1024xf32, #tpu.memory_space<vmem>>, vector<16xf32>,
        %mul3A_542 = arith.mulf %gather3A_534, %get3A_541 : vector<16xf32>
        %add3A_543 = arith.addf %add3A_522, %mul3A_542 : vector<16xf32>
        %get3A_544 = arith.constant 320 : index
        %get3A_545 = tpu.vector_load %arg14[%get3A_544] {strides = array<i32>} : memref<1024xf32, #tpu.memory_space<vmem>>, vector<16xf32>,
        %mul3A_546 = arith.mulf %gather3A_535, %get3A_545 : vector<16xf32>
        %add3A_547 = arith.addf %add3A_526, %mul3A_546 : vector<16xf32>
        %get3A_548 = arith.constant 448 : index
        %get3A_549 = tpu.vector_load %arg14[%get3A_548] {strides = array<i32>} : memref<1024xf32, #tpu.memory_space<vmem>>, vector<16xf32>,
        %mul3A_550 = arith.mulf %gather3A_535, %get3A_549 : vector<16xf32>
        %add3A_551 = arith.addf %add3A_530, %mul3A_550 : vector<16xf32>
        %add3A_552 = arith.constant 80 : i32
        %add3A_553 = vector.broadcast %add3A_552 : i32 to vector<16xi32>
        %add3A_554 = arith.addi %add3A_553, %iota3A : vector<16xi32>
        %gather3A_555 = tpu.vector_load_idx %arg12[%broadcast_in_dim3A_447, %add3A_554] : memref<16x128xf32, #tpu.memory_space<vmem>>[vector<16xi32>, vector<16xi32>], vector<16xf32>,
        %gather3A_556 = tpu.vector_load_idx %arg13[%broadcast_in_dim3A_447, %add3A_554] : memref<16x128xf32, #tpu.memory_space<vmem>>[vector<16xi32>, vector<16xi32>], vector<16xf32>,
        %get3A_557 = arith.constant 80 : index
        %get3A_558 = tpu.vector_load %arg14[%get3A_557] {strides = array<i32>} : memref<1024xf32, #tpu.memory_space<vmem>>, vector<16xf32>,
        %mul3A_559 = arith.mulf %gather3A_555, %get3A_558 : vector<16xf32>
        %add3A_560 = arith.addf %add3A_539, %mul3A_559 : vector<16xf32>
        %get3A_561 = arith.constant 208 : index
        %get3A_562 = tpu.vector_load %arg14[%get3A_561] {strides = array<i32>} : memref<1024xf32, #tpu.memory_space<vmem>>, vector<16xf32>,
        %mul3A_563 = arith.mulf %gather3A_555, %get3A_562 : vector<16xf32>
        %add3A_564 = arith.addf %add3A_543, %mul3A_563 : vector<16xf32>
        %get3A_565 = arith.constant 336 : index
        %get3A_566 = tpu.vector_load %arg14[%get3A_565] {strides = array<i32>} : memref<1024xf32, #tpu.memory_space<vmem>>, vector<16xf32>,
        %mul3A_567 = arith.mulf %gather3A_556, %get3A_566 : vector<16xf32>
        %add3A_568 = arith.addf %add3A_547, %mul3A_567 : vector<16xf32>
        %get3A_569 = arith.constant 464 : index
        %get3A_570 = tpu.vector_load %arg14[%get3A_569] {strides = array<i32>} : memref<1024xf32, #tpu.memory_space<vmem>>, vector<16xf32>,
        %mul3A_571 = arith.mulf %gather3A_556, %get3A_570 : vector<16xf32>
        %add3A_572 = arith.addf %add3A_551, %mul3A_571 : vector<16xf32>
        %add3A_573 = arith.constant 96 : i32
        %add3A_574 = vector.broadcast %add3A_573 : i32 to vector<16xi32>
        %add3A_575 = arith.addi %add3A_574, %iota3A : vector<16xi32>
        %gather3A_576 = tpu.vector_load_idx %arg12[%broadcast_in_dim3A_447, %add3A_575] : memref<16x128xf32, #tpu.memory_space<vmem>>[vector<16xi32>, vector<16xi32>], vector<16xf32>,
        %gather3A_577 = tpu.vector_load_idx %arg13[%broadcast_in_dim3A_447, %add3A_575] : memref<16x128xf32, #tpu.memory_space<vmem>>[vector<16xi32>, vector<16xi32>], vector<16xf32>,
        %get3A_578 = arith.constant 96 : index
        %get3A_579 = tpu.vector_load %arg14[%get3A_578] {strides = array<i32>} : memref<1024xf32, #tpu.memory_space<vmem>>, vector<16xf32>,
        %mul3A_580 = arith.mulf %gather3A_576, %get3A_579 : vector<16xf32>
        %add3A_581 = arith.addf %add3A_560, %mul3A_580 : vector<16xf32>
        %get3A_582 = arith.constant 224 : index
        %get3A_583 = tpu.vector_load %arg14[%get3A_582] {strides = array<i32>} : memref<1024xf32, #tpu.memory_space<vmem>>, vector<16xf32>,
        %mul3A_584 = arith.mulf %gather3A_576, %get3A_583 : vector<16xf32>
        %add3A_585 = arith.addf %add3A_564, %mul3A_584 : vector<16xf32>
        %get3A_586 = arith.constant 352 : index
        %get3A_587 = tpu.vector_load %arg14[%get3A_586] {strides = array<i32>} : memref<1024xf32, #tpu.memory_space<vmem>>, vector<16xf32>,
        %mul3A_588 = arith.mulf %gather3A_577, %get3A_587 : vector<16xf32>
        %add3A_589 = arith.addf %add3A_568, %mul3A_588 : vector<16xf32>
        %get3A_590 = arith.constant 480 : index
        %get3A_591 = tpu.vector_load %arg14[%get3A_590] {strides = array<i32>} : memref<1024xf32, #tpu.memory_space<vmem>>, vector<16xf32>,
        %mul3A_592 = arith.mulf %gather3A_577, %get3A_591 : vector<16xf32>
        %add3A_593 = arith.addf %add3A_572, %mul3A_592 : vector<16xf32>
        %add3A_594 = arith.constant 112 : i32
        %add3A_595 = vector.broadcast %add3A_594 : i32 to vector<16xi32>
        %add3A_596 = arith.addi %add3A_595, %iota3A : vector<16xi32>
        %gather3A_597 = tpu.vector_load_idx %arg12[%broadcast_in_dim3A_447, %add3A_596] : memref<16x128xf32, #tpu.memory_space<vmem>>[vector<16xi32>, vector<16xi32>], vector<16xf32>,
        %gather3A_598 = tpu.vector_load_idx %arg13[%broadcast_in_dim3A_447, %add3A_596] : memref<16x128xf32, #tpu.memory_space<vmem>>[vector<16xi32>, vector<16xi32>], vector<16xf32>,
        %get3A_599 = arith.constant 112 : index
        %get3A_600 = tpu.vector_load %arg14[%get3A_599] {strides = array<i32>} : memref<1024xf32, #tpu.memory_space<vmem>>, vector<16xf32>,
        %mul3A_601 = arith.mulf %gather3A_597, %get3A_600 : vector<16xf32>
        %add3A_602 = arith.addf %add3A_581, %mul3A_601 : vector<16xf32>
        %get3A_603 = arith.constant 240 : index
        %get3A_604 = tpu.vector_load %arg14[%get3A_603] {strides = array<i32>} : memref<1024xf32, #tpu.memory_space<vmem>>, vector<16xf32>,
        %mul3A_605 = arith.mulf %gather3A_597, %get3A_604 : vector<16xf32>
        %add3A_606 = arith.addf %add3A_585, %mul3A_605 : vector<16xf32>
        %get3A_607 = arith.constant 368 : index
        %get3A_608 = tpu.vector_load %arg14[%get3A_607] {strides = array<i32>} : memref<1024xf32, #tpu.memory_space<vmem>>, vector<16xf32>,
        %mul3A_609 = arith.mulf %gather3A_598, %get3A_608 : vector<16xf32>
        %add3A_610 = arith.addf %add3A_589, %mul3A_609 : vector<16xf32>
        %get3A_611 = arith.constant 496 : index
        %get3A_612 = tpu.vector_load %arg14[%get3A_611] {strides = array<i32>} : memref<1024xf32, #tpu.memory_space<vmem>>, vector<16xf32>,
        %mul3A_613 = arith.mulf %gather3A_598, %get3A_612 : vector<16xf32>
        %add3A_614 = arith.addf %add3A_593, %mul3A_613 : vector<16xf32>
        %add3A_615 = arith.addf %add3A_602, %add3A_610 : vector<16xf32>
        %reduce_sum3A_616 = arith.constant true
        %reduce_sum3A_617 = vector.broadcast %reduce_sum3A_616 : i1 to vector<16xi1>
        %reduce_sum3A_618 = tpu.scan <sum>, %add3A_615 masked %reduce_sum3A_617 : vector<16xf32>, vector<16xi1> -> vector<16xf32>
        %reduce_sum3A_619 = vector.extract %reduce_sum3A_618[15] : f32 from vector<16xf32>
        %add3A_620 = arith.addf %reduce_sum3A_619, %squeeze3A : f32
        %add3A_621 = arith.addf %add3A_606, %add3A_614 : vector<16xf32>
        %reduce_sum3A_622 = arith.constant true
        %reduce_sum3A_623 = vector.broadcast %reduce_sum3A_622 : i1 to vector<16xi1>
        %reduce_sum3A_624 = tpu.scan <sum>, %add3A_621 masked %reduce_sum3A_623 : vector<16xf32>, vector<16xi1> -> vector<16xf32>
        %reduce_sum3A_625 = vector.extract %reduce_sum3A_624[15] : f32 from vector<16xf32>
        %add3A_626 = arith.addf %reduce_sum3A_625, %squeeze3A_109 : f32
        %eq3A_627 = vector.broadcast %while3A_444 : i32 to vector<16xi32>
        %eq3A_628 = arith.cmpi eq, %iota3A, %eq3A_627 : vector<16xi32>
        %broadcast_in_dim3A_629 = vector.broadcast %add3A_620 : f32 to vector<16xf32>
        %select_n3A_630 = arith.select %eq3A_628, %broadcast_in_dim3A_629, %while3A_445 : vector<16xi1>, vector<16xf32>
        %broadcast_in_dim3A_631 = vector.broadcast %add3A_626 : f32 to vector<16xf32>
        %select_n3A_632 = arith.select %eq3A_628, %broadcast_in_dim3A_631, %while3A_446 : vector<16xi1>, vector<16xf32>
        scf.yield %select_n3A_630, %select_n3A_632 : vector<16xf32>, vector<16xf32>
      }
      %jit3A_222 = arith.constant -1.000000e+30 : f32
      %broadcast_in_dim3A_223 = vector.broadcast %jit3A_222 : f32 to vector<16xf32>
      %select_n3A_224 = arith.select %lt3A_185, %while3A_221#0, %broadcast_in_dim3A_223 : vector<16xi1>, vector<16xf32>
      %jit3A_225 = arith.constant -1.000000e+30 : f32
      %broadcast_in_dim3A_226 = vector.broadcast %jit3A_225 : f32 to vector<16xf32>
      %select_n3A_227 = arith.select %lt3A_185, %while3A_221#1, %broadcast_in_dim3A_226 : vector<16xi1>, vector<16xf32>
      %reduce_max3A_228 = arith.constant true
      %reduce_max3A_229 = vector.broadcast %reduce_max3A_228 : i1 to vector<16xi1>
      %reduce_max3A_230 = tpu.scan <max>, %select_n3A_224 masked %reduce_max3A_229 : vector<16xf32>, vector<16xi1> -> vector<16xf32>
      %reduce_max3A_231 = vector.extract %reduce_max3A_230[15] : f32 from vector<16xf32>
      %reduce_max3A_232 = arith.constant true
      %reduce_max3A_233 = vector.broadcast %reduce_max3A_232 : i1 to vector<16xi1>
      %reduce_max3A_234 = tpu.scan <max>, %select_n3A_227 masked %reduce_max3A_233 : vector<16xf32>, vector<16xi1> -> vector<16xf32>
      %reduce_max3A_235 = vector.extract %reduce_max3A_234[15] : f32 from vector<16xf32>
      %max3A = arith.maximumf %while3A_178, %reduce_max3A_231 : f32
      %max3A_236 = arith.maximumf %while3A_179, %reduce_max3A_235 : f32
      %sub3A_237 = arith.subf %while3A_178, %max3A : f32
      %broadcast_in_dim3A_238 = vector.broadcast %sub3A_237 : f32 to vector<16xf32>
      %exp3A = math.exp %broadcast_in_dim3A_238 : vector<16xf32>
      %sub3A_239 = arith.subf %while3A_179, %max3A_236 : f32
      %broadcast_in_dim3A_240 = vector.broadcast %sub3A_239 : f32 to vector<16xf32>
      %exp3A_241 = math.exp %broadcast_in_dim3A_240 : vector<16xf32>
      %sub3A_242 = vector.broadcast %max3A : f32 to vector<16xf32>
      %sub3A_243 = arith.subf %select_n3A_224, %sub3A_242 : vector<16xf32>
      %exp3A_244 = math.exp %sub3A_243 : vector<16xf32>
      %jit3A_245 = arith.constant 0.000000e+00 : f32
      %broadcast_in_dim3A_246 = vector.broadcast %jit3A_245 : f32 to vector<16xf32>
      %select_n3A_247 = arith.select %lt3A_185, %exp3A_244, %broadcast_in_dim3A_246 : vector<16xi1>, vector<16xf32>
      %sub3A_248 = vector.broadcast %max3A_236 : f32 to vector<16xf32>
      %sub3A_249 = arith.subf %select_n3A_227, %sub3A_248 : vector<16xf32>
      %exp3A_250 = math.exp %sub3A_249 : vector<16xf32>
      %jit3A_251 = arith.constant 0.000000e+00 : f32
      %broadcast_in_dim3A_252 = vector.broadcast %jit3A_251 : f32 to vector<16xf32>
      %select_n3A_253 = arith.select %lt3A_185, %exp3A_250, %broadcast_in_dim3A_252 : vector<16xi1>, vector<16xf32>
      %mul3A_254 = arith.mulf %while3A_180, %exp3A : vector<16xf32>
      %reduce_sum3A_255 = arith.constant true
      %reduce_sum3A_256 = vector.broadcast %reduce_sum3A_255 : i1 to vector<16xi1>
      %reduce_sum3A_257 = tpu.scan <sum>, %select_n3A_247 masked %reduce_sum3A_256 : vector<16xf32>, vector<16xi1> -> vector<16xf32>
      %reduce_sum3A_258 = vector.extract %reduce_sum3A_257[15] : f32 from vector<16xf32>
      %add3A_259 = vector.broadcast %reduce_sum3A_258 : f32 to vector<16xf32>
      %add3A_260 = arith.addf %mul3A_254, %add3A_259 : vector<16xf32>
      %mul3A_261 = arith.mulf %while3A_181, %exp3A_241 : vector<16xf32>
      %reduce_sum3A_262 = arith.constant true
      %reduce_sum3A_263 = vector.broadcast %reduce_sum3A_262 : i1 to vector<16xi1>
      %reduce_sum3A_264 = tpu.scan <sum>, %select_n3A_253 masked %reduce_sum3A_263 : vector<16xf32>, vector<16xi1> -> vector<16xf32>
      %reduce_sum3A_265 = vector.extract %reduce_sum3A_264[15] : f32 from vector<16xf32>
      %add3A_266 = vector.broadcast %reduce_sum3A_265 : f32 to vector<16xf32>
      %add3A_267 = arith.addf %mul3A_261, %add3A_266 : vector<16xf32>
      %swap3A_268 = arith.constant 0 : index
      %swap3A_269 = tpu.vector_load %arg16[%swap3A_268] {strides = array<i32>} : memref<16xf32, #tpu.memory_space<vmem>>, vector<16xf32>,
      tpu.vector_store %arg16[%swap3A_268], %select_n3A_247 {strides = array<i32>} : memref<16xf32, #tpu.memory_space<vmem>>, vector<16xf32>,
      %swap3A_270 = arith.constant 0 : index
      %swap3A_271 = tpu.vector_load %arg17[%swap3A_270] {strides = array<i32>} : memref<16xf32, #tpu.memory_space<vmem>>, vector<16xf32>,
      tpu.vector_store %arg17[%swap3A_270], %select_n3A_253 {strides = array<i32>} : memref<16xf32, #tpu.memory_space<vmem>>, vector<16xf32>,
      %get3A_272 = arith.constant 0 : index
      %get3A_273 = tpu.vector_load %arg15[%get3A_272] {strides = array<i32>} : memref<544xf32, #tpu.memory_space<vmem>>, vector<16xf32>,
      %mul3A_274 = arith.mulf %get3A_273, %exp3A : vector<16xf32>
      %swap3A_275 = arith.constant 0 : index
      %swap3A_276 = tpu.vector_load %arg15[%swap3A_275] {strides = array<i32>} : memref<544xf32, #tpu.memory_space<vmem>>, vector<16xf32>,
      tpu.vector_store %arg15[%swap3A_275], %mul3A_274 {strides = array<i32>} : memref<544xf32, #tpu.memory_space<vmem>>, vector<16xf32>,
      %get3A_277 = arith.constant 128 : index
      %get3A_278 = tpu.vector_load %arg15[%get3A_277] {strides = array<i32>} : memref<544xf32, #tpu.memory_space<vmem>>, vector<16xf32>,
      %mul3A_279 = arith.mulf %get3A_278, %exp3A_241 : vector<16xf32>
      %swap3A_280 = arith.constant 128 : index
      %swap3A_281 = tpu.vector_load %arg15[%swap3A_280] {strides = array<i32>} : memref<544xf32, #tpu.memory_space<vmem>>, vector<16xf32>,
      tpu.vector_store %arg15[%swap3A_280], %mul3A_279 {strides = array<i32>} : memref<544xf32, #tpu.memory_space<vmem>>, vector<16xf32>,
      %get3A_282 = arith.constant 256 : index
      %get3A_283 = tpu.vector_load %arg15[%get3A_282] {strides = array<i32>} : memref<544xf32, #tpu.memory_space<vmem>>, vector<16xf32>,
      %mul3A_284 = arith.mulf %get3A_283, %exp3A : vector<16xf32>
      %swap3A_285 = arith.constant 256 : index
      %swap3A_286 = tpu.vector_load %arg15[%swap3A_285] {strides = array<i32>} : memref<544xf32, #tpu.memory_space<vmem>>, vector<16xf32>,
      tpu.vector_store %arg15[%swap3A_285], %mul3A_284 {strides = array<i32>} : memref<544xf32, #tpu.memory_space<vmem>>, vector<16xf32>,
      %get3A_287 = arith.constant 384 : index
      %get3A_288 = tpu.vector_load %arg15[%get3A_287] {strides = array<i32>} : memref<544xf32, #tpu.memory_space<vmem>>, vector<16xf32>,
      %mul3A_289 = arith.mulf %get3A_288, %exp3A_241 : vector<16xf32>
      %swap3A_290 = arith.constant 384 : index
      %swap3A_291 = tpu.vector_load %arg15[%swap3A_290] {strides = array<i32>} : memref<544xf32, #tpu.memory_space<vmem>>, vector<16xf32>,
      tpu.vector_store %arg15[%swap3A_290], %mul3A_289 {strides = array<i32>} : memref<544xf32, #tpu.memory_space<vmem>>, vector<16xf32>,
      %get3A_292 = arith.constant 16 : index
      %get3A_293 = tpu.vector_load %arg15[%get3A_292] {strides = array<i32>} : memref<544xf32, #tpu.memory_space<vmem>>, vector<16xf32>,
      %mul3A_294 = arith.mulf %get3A_293, %exp3A : vector<16xf32>
      %swap3A_295 = arith.constant 16 : index
      %swap3A_296 = tpu.vector_load %arg15[%swap3A_295] {strides = array<i32>} : memref<544xf32, #tpu.memory_space<vmem>>, vector<16xf32>,
      tpu.vector_store %arg15[%swap3A_295], %mul3A_294 {strides = array<i32>} : memref<544xf32, #tpu.memory_space<vmem>>, vector<16xf32>,
      %get3A_297 = arith.constant 144 : index
      %get3A_298 = tpu.vector_load %arg15[%get3A_297] {strides = array<i32>} : memref<544xf32, #tpu.memory_space<vmem>>, vector<16xf32>,
      %mul3A_299 = arith.mulf %get3A_298, %exp3A_241 : vector<16xf32>
      %swap3A_300 = arith.constant 144 : index
      %swap3A_301 = tpu.vector_load %arg15[%swap3A_300] {strides = array<i32>} : memref<544xf32, #tpu.memory_space<vmem>>, vector<16xf32>,
      tpu.vector_store %arg15[%swap3A_300], %mul3A_299 {strides = array<i32>} : memref<544xf32, #tpu.memory_space<vmem>>, vector<16xf32>,
      %get3A_302 = arith.constant 272 : index
      %get3A_303 = tpu.vector_load %arg15[%get3A_302] {strides = array<i32>} : memref<544xf32, #tpu.memory_space<vmem>>, vector<16xf32>,
      %mul3A_304 = arith.mulf %get3A_303, %exp3A : vector<16xf32>
      %swap3A_305 = arith.constant 272 : index
      %swap3A_306 = tpu.vector_load %arg15[%swap3A_305] {strides = array<i32>} : memref<544xf32, #tpu.memory_space<vmem>>, vector<16xf32>,
      tpu.vector_store %arg15[%swap3A_305], %mul3A_304 {strides = array<i32>} : memref<544xf32, #tpu.memory_space<vmem>>, vector<16xf32>,
      %get3A_307 = arith.constant 400 : index
      %get3A_308 = tpu.vector_load %arg15[%get3A_307] {strides = array<i32>} : memref<544xf32, #tpu.memory_space<vmem>>, vector<16xf32>,
      %mul3A_309 = arith.mulf %get3A_308, %exp3A_241 : vector<16xf32>
      %swap3A_310 = arith.constant 400 : index
      %swap3A_311 = tpu.vector_load %arg15[%swap3A_310] {strides = array<i32>} : memref<544xf32, #tpu.memory_space<vmem>>, vector<16xf32>,
      tpu.vector_store %arg15[%swap3A_310], %mul3A_309 {strides = array<i32>} : memref<544xf32, #tpu.memory_space<vmem>>, vector<16xf32>,
      %get3A_312 = arith.constant 32 : index
      %get3A_313 = tpu.vector_load %arg15[%get3A_312] {strides = array<i32>} : memref<544xf32, #tpu.memory_space<vmem>>, vector<16xf32>,
      %mul3A_314 = arith.mulf %get3A_313, %exp3A : vector<16xf32>
      %swap3A_315 = arith.constant 32 : index
      %swap3A_316 = tpu.vector_load %arg15[%swap3A_315] {strides = array<i32>} : memref<544xf32, #tpu.memory_space<vmem>>, vector<16xf32>,
      tpu.vector_store %arg15[%swap3A_315], %mul3A_314 {strides = array<i32>} : memref<544xf32, #tpu.memory_space<vmem>>, vector<16xf32>,
      %get3A_317 = arith.constant 160 : index
      %get3A_318 = tpu.vector_load %arg15[%get3A_317] {strides = array<i32>} : memref<544xf32, #tpu.memory_space<vmem>>, vector<16xf32>,
      %mul3A_319 = arith.mulf %get3A_318, %exp3A_241 : vector<16xf32>
      %swap3A_320 = arith.constant 160 : index
      %swap3A_321 = tpu.vector_load %arg15[%swap3A_320] {strides = array<i32>} : memref<544xf32, #tpu.memory_space<vmem>>, vector<16xf32>,
      tpu.vector_store %arg15[%swap3A_320], %mul3A_319 {strides = array<i32>} : memref<544xf32, #tpu.memory_space<vmem>>, vector<16xf32>,
      %get3A_322 = arith.constant 288 : index
      %get3A_323 = tpu.vector_load %arg15[%get3A_322] {strides = array<i32>} : memref<544xf32, #tpu.memory_space<vmem>>, vector<16xf32>,
      %mul3A_324 = arith.mulf %get3A_323, %exp3A : vector<16xf32>
      %swap3A_325 = arith.constant 288 : index
      %swap3A_326 = tpu.vector_load %arg15[%swap3A_325] {strides = array<i32>} : memref<544xf32, #tpu.memory_space<vmem>>, vector<16xf32>,
      tpu.vector_store %arg15[%swap3A_325], %mul3A_324 {strides = array<i32>} : memref<544xf32, #tpu.memory_space<vmem>>, vector<16xf32>,
      %get3A_327 = arith.constant 416 : index
      %get3A_328 = tpu.vector_load %arg15[%get3A_327] {strides = array<i32>} : memref<544xf32, #tpu.memory_space<vmem>>, vector<16xf32>,
      %mul3A_329 = arith.mulf %get3A_328, %exp3A_241 : vector<16xf32>
      %swap3A_330 = arith.constant 416 : index
      %swap3A_331 = tpu.vector_load %arg15[%swap3A_330] {strides = array<i32>} : memref<544xf32, #tpu.memory_space<vmem>>, vector<16xf32>,
      tpu.vector_store %arg15[%swap3A_330], %mul3A_329 {strides = array<i32>} : memref<544xf32, #tpu.memory_space<vmem>>, vector<16xf32>,
      %get3A_332 = arith.constant 48 : index
      %get3A_333 = tpu.vector_load %arg15[%get3A_332] {strides = array<i32>} : memref<544xf32, #tpu.memory_space<vmem>>, vector<16xf32>,
      %mul3A_334 = arith.mulf %get3A_333, %exp3A : vector<16xf32>
      %swap3A_335 = arith.constant 48 : index
      %swap3A_336 = tpu.vector_load %arg15[%swap3A_335] {strides = array<i32>} : memref<544xf32, #tpu.memory_space<vmem>>, vector<16xf32>,
      tpu.vector_store %arg15[%swap3A_335], %mul3A_334 {strides = array<i32>} : memref<544xf32, #tpu.memory_space<vmem>>, vector<16xf32>,
      %get3A_337 = arith.constant 176 : index
      %get3A_338 = tpu.vector_load %arg15[%get3A_337] {strides = array<i32>} : memref<544xf32, #tpu.memory_space<vmem>>, vector<16xf32>,
      %mul3A_339 = arith.mulf %get3A_338, %exp3A_241 : vector<16xf32>
      %swap3A_340 = arith.constant 176 : index
      %swap3A_341 = tpu.vector_load %arg15[%swap3A_340] {strides = array<i32>} : memref<544xf32, #tpu.memory_space<vmem>>, vector<16xf32>,
      tpu.vector_store %arg15[%swap3A_340], %mul3A_339 {strides = array<i32>} : memref<544xf32, #tpu.memory_space<vmem>>, vector<16xf32>,
      %get3A_342 = arith.constant 304 : index
      %get3A_343 = tpu.vector_load %arg15[%get3A_342] {strides = array<i32>} : memref<544xf32, #tpu.memory_space<vmem>>, vector<16xf32>,
      %mul3A_344 = arith.mulf %get3A_343, %exp3A : vector<16xf32>
      %swap3A_345 = arith.constant 304 : index
      %swap3A_346 = tpu.vector_load %arg15[%swap3A_345] {strides = array<i32>} : memref<544xf32, #tpu.memory_space<vmem>>, vector<16xf32>,
      tpu.vector_store %arg15[%swap3A_345], %mul3A_344 {strides = array<i32>} : memref<544xf32, #tpu.memory_space<vmem>>, vector<16xf32>,
      %get3A_347 = arith.constant 432 : index
      %get3A_348 = tpu.vector_load %arg15[%get3A_347] {strides = array<i32>} : memref<544xf32, #tpu.memory_space<vmem>>, vector<16xf32>,
      %mul3A_349 = arith.mulf %get3A_348, %exp3A_241 : vector<16xf32>
      %swap3A_350 = arith.constant 432 : index
      %swap3A_351 = tpu.vector_load %arg15[%swap3A_350] {strides = array<i32>} : memref<544xf32, #tpu.memory_space<vmem>>, vector<16xf32>,
      tpu.vector_store %arg15[%swap3A_350], %mul3A_349 {strides = array<i32>} : memref<544xf32, #tpu.memory_space<vmem>>, vector<16xf32>,
      %get3A_352 = arith.constant 64 : index
      %get3A_353 = tpu.vector_load %arg15[%get3A_352] {strides = array<i32>} : memref<544xf32, #tpu.memory_space<vmem>>, vector<16xf32>,
      %mul3A_354 = arith.mulf %get3A_353, %exp3A : vector<16xf32>
      %swap3A_355 = arith.constant 64 : index
      %swap3A_356 = tpu.vector_load %arg15[%swap3A_355] {strides = array<i32>} : memref<544xf32, #tpu.memory_space<vmem>>, vector<16xf32>,
      tpu.vector_store %arg15[%swap3A_355], %mul3A_354 {strides = array<i32>} : memref<544xf32, #tpu.memory_space<vmem>>, vector<16xf32>,
      %get3A_357 = arith.constant 192 : index
      %get3A_358 = tpu.vector_load %arg15[%get3A_357] {strides = array<i32>} : memref<544xf32, #tpu.memory_space<vmem>>, vector<16xf32>,
      %mul3A_359 = arith.mulf %get3A_358, %exp3A_241 : vector<16xf32>
      %swap3A_360 = arith.constant 192 : index
      %swap3A_361 = tpu.vector_load %arg15[%swap3A_360] {strides = array<i32>} : memref<544xf32, #tpu.memory_space<vmem>>, vector<16xf32>,
      tpu.vector_store %arg15[%swap3A_360], %mul3A_359 {strides = array<i32>} : memref<544xf32, #tpu.memory_space<vmem>>, vector<16xf32>,
      %get3A_362 = arith.constant 320 : index
      %get3A_363 = tpu.vector_load %arg15[%get3A_362] {strides = array<i32>} : memref<544xf32, #tpu.memory_space<vmem>>, vector<16xf32>,
      %mul3A_364 = arith.mulf %get3A_363, %exp3A : vector<16xf32>
      %swap3A_365 = arith.constant 320 : index
      %swap3A_366 = tpu.vector_load %arg15[%swap3A_365] {strides = array<i32>} : memref<544xf32, #tpu.memory_space<vmem>>, vector<16xf32>,
      tpu.vector_store %arg15[%swap3A_365], %mul3A_364 {strides = array<i32>} : memref<544xf32, #tpu.memory_space<vmem>>, vector<16xf32>,
      %get3A_367 = arith.constant 448 : index
      %get3A_368 = tpu.vector_load %arg15[%get3A_367] {strides = array<i32>} : memref<544xf32, #tpu.memory_space<vmem>>, vector<16xf32>,
      %mul3A_369 = arith.mulf %get3A_368, %exp3A_241 : vector<16xf32>
      %swap3A_370 = arith.constant 448 : index
      %swap3A_371 = tpu.vector_load %arg15[%swap3A_370] {strides = array<i32>} : memref<544xf32, #tpu.memory_space<vmem>>, vector<16xf32>,
      tpu.vector_store %arg15[%swap3A_370], %mul3A_369 {strides = array<i32>} : memref<544xf32, #tpu.memory_space<vmem>>, vector<16xf32>,
      %get3A_372 = arith.constant 80 : index
      %get3A_373 = tpu.vector_load %arg15[%get3A_372] {strides = array<i32>} : memref<544xf32, #tpu.memory_space<vmem>>, vector<16xf32>,
      %mul3A_374 = arith.mulf %get3A_373, %exp3A : vector<16xf32>
      %swap3A_375 = arith.constant 80 : index
      %swap3A_376 = tpu.vector_load %arg15[%swap3A_375] {strides = array<i32>} : memref<544xf32, #tpu.memory_space<vmem>>, vector<16xf32>,
      tpu.vector_store %arg15[%swap3A_375], %mul3A_374 {strides = array<i32>} : memref<544xf32, #tpu.memory_space<vmem>>, vector<16xf32>,
      %get3A_377 = arith.constant 208 : index
      %get3A_378 = tpu.vector_load %arg15[%get3A_377] {strides = array<i32>} : memref<544xf32, #tpu.memory_space<vmem>>, vector<16xf32>,
      %mul3A_379 = arith.mulf %get3A_378, %exp3A_241 : vector<16xf32>
      %swap3A_380 = arith.constant 208 : index
      %swap3A_381 = tpu.vector_load %arg15[%swap3A_380] {strides = array<i32>} : memref<544xf32, #tpu.memory_space<vmem>>, vector<16xf32>,
      tpu.vector_store %arg15[%swap3A_380], %mul3A_379 {strides = array<i32>} : memref<544xf32, #tpu.memory_space<vmem>>, vector<16xf32>,
      %get3A_382 = arith.constant 336 : index
      %get3A_383 = tpu.vector_load %arg15[%get3A_382] {strides = array<i32>} : memref<544xf32, #tpu.memory_space<vmem>>, vector<16xf32>,
      %mul3A_384 = arith.mulf %get3A_383, %exp3A : vector<16xf32>
      %swap3A_385 = arith.constant 336 : index
      %swap3A_386 = tpu.vector_load %arg15[%swap3A_385] {strides = array<i32>} : memref<544xf32, #tpu.memory_space<vmem>>, vector<16xf32>,
      tpu.vector_store %arg15[%swap3A_385], %mul3A_384 {strides = array<i32>} : memref<544xf32, #tpu.memory_space<vmem>>, vector<16xf32>,
      %get3A_387 = arith.constant 464 : index
      %get3A_388 = tpu.vector_load %arg15[%get3A_387] {strides = array<i32>} : memref<544xf32, #tpu.memory_space<vmem>>, vector<16xf32>,
      %mul3A_389 = arith.mulf %get3A_388, %exp3A_241 : vector<16xf32>
      %swap3A_390 = arith.constant 464 : index
      %swap3A_391 = tpu.vector_load %arg15[%swap3A_390] {strides = array<i32>} : memref<544xf32, #tpu.memory_space<vmem>>, vector<16xf32>,
      tpu.vector_store %arg15[%swap3A_390], %mul3A_389 {strides = array<i32>} : memref<544xf32, #tpu.memory_space<vmem>>, vector<16xf32>,
      %get3A_392 = arith.constant 96 : index
      %get3A_393 = tpu.vector_load %arg15[%get3A_392] {strides = array<i32>} : memref<544xf32, #tpu.memory_space<vmem>>, vector<16xf32>,
      %mul3A_394 = arith.mulf %get3A_393, %exp3A : vector<16xf32>
      %swap3A_395 = arith.constant 96 : index
      %swap3A_396 = tpu.vector_load %arg15[%swap3A_395] {strides = array<i32>} : memref<544xf32, #tpu.memory_space<vmem>>, vector<16xf32>,
      tpu.vector_store %arg15[%swap3A_395], %mul3A_394 {strides = array<i32>} : memref<544xf32, #tpu.memory_space<vmem>>, vector<16xf32>,
      %get3A_397 = arith.constant 224 : index
      %get3A_398 = tpu.vector_load %arg15[%get3A_397] {strides = array<i32>} : memref<544xf32, #tpu.memory_space<vmem>>, vector<16xf32>,
      %mul3A_399 = arith.mulf %get3A_398, %exp3A_241 : vector<16xf32>
      %swap3A_400 = arith.constant 224 : index
      %swap3A_401 = tpu.vector_load %arg15[%swap3A_400] {strides = array<i32>} : memref<544xf32, #tpu.memory_space<vmem>>, vector<16xf32>,
      tpu.vector_store %arg15[%swap3A_400], %mul3A_399 {strides = array<i32>} : memref<544xf32, #tpu.memory_space<vmem>>, vector<16xf32>,
      %get3A_402 = arith.constant 352 : index
      %get3A_403 = tpu.vector_load %arg15[%get3A_402] {strides = array<i32>} : memref<544xf32, #tpu.memory_space<vmem>>, vector<16xf32>,
      %mul3A_404 = arith.mulf %get3A_403, %exp3A : vector<16xf32>
      %swap3A_405 = arith.constant 352 : index
      %swap3A_406 = tpu.vector_load %arg15[%swap3A_405] {strides = array<i32>} : memref<544xf32, #tpu.memory_space<vmem>>, vector<16xf32>,
      tpu.vector_store %arg15[%swap3A_405], %mul3A_404 {strides = array<i32>} : memref<544xf32, #tpu.memory_space<vmem>>, vector<16xf32>,
      %get3A_407 = arith.constant 480 : index
      %get3A_408 = tpu.vector_load %arg15[%get3A_407] {strides = array<i32>} : memref<544xf32, #tpu.memory_space<vmem>>, vector<16xf32>,
      %mul3A_409 = arith.mulf %get3A_408, %exp3A_241 : vector<16xf32>
      %swap3A_410 = arith.constant 480 : index
      %swap3A_411 = tpu.vector_load %arg15[%swap3A_410] {strides = array<i32>} : memref<544xf32, #tpu.memory_space<vmem>>, vector<16xf32>,
      tpu.vector_store %arg15[%swap3A_410], %mul3A_409 {strides = array<i32>} : memref<544xf32, #tpu.memory_space<vmem>>, vector<16xf32>,
      %get3A_412 = arith.constant 112 : index
      %get3A_413 = tpu.vector_load %arg15[%get3A_412] {strides = array<i32>} : memref<544xf32, #tpu.memory_space<vmem>>, vector<16xf32>,
      %mul3A_414 = arith.mulf %get3A_413, %exp3A : vector<16xf32>
      %swap3A_415 = arith.constant 112 : index
      %swap3A_416 = tpu.vector_load %arg15[%swap3A_415] {strides = array<i32>} : memref<544xf32, #tpu.memory_space<vmem>>, vector<16xf32>,
      tpu.vector_store %arg15[%swap3A_415], %mul3A_414 {strides = array<i32>} : memref<544xf32, #tpu.memory_space<vmem>>, vector<16xf32>,
      %get3A_417 = arith.constant 240 : index
      %get3A_418 = tpu.vector_load %arg15[%get3A_417] {strides = array<i32>} : memref<544xf32, #tpu.memory_space<vmem>>, vector<16xf32>,
      %mul3A_419 = arith.mulf %get3A_418, %exp3A_241 : vector<16xf32>
      %swap3A_420 = arith.constant 240 : index
      %swap3A_421 = tpu.vector_load %arg15[%swap3A_420] {strides = array<i32>} : memref<544xf32, #tpu.memory_space<vmem>>, vector<16xf32>,
      tpu.vector_store %arg15[%swap3A_420], %mul3A_419 {strides = array<i32>} : memref<544xf32, #tpu.memory_space<vmem>>, vector<16xf32>,
      %get3A_422 = arith.constant 368 : index
      %get3A_423 = tpu.vector_load %arg15[%get3A_422] {strides = array<i32>} : memref<544xf32, #tpu.memory_space<vmem>>, vector<16xf32>,
      %mul3A_424 = arith.mulf %get3A_423, %exp3A : vector<16xf32>
      %swap3A_425 = arith.constant 368 : index
      %swap3A_426 = tpu.vector_load %arg15[%swap3A_425] {strides = array<i32>} : memref<544xf32, #tpu.memory_space<vmem>>, vector<16xf32>,
      tpu.vector_store %arg15[%swap3A_425], %mul3A_424 {strides = array<i32>} : memref<544xf32, #tpu.memory_space<vmem>>, vector<16xf32>,
      %get3A_427 = arith.constant 496 : index
      %get3A_428 = tpu.vector_load %arg15[%get3A_427] {strides = array<i32>} : memref<544xf32, #tpu.memory_space<vmem>>, vector<16xf32>,
      %mul3A_429 = arith.mulf %get3A_428, %exp3A_241 : vector<16xf32>
      %swap3A_430 = arith.constant 496 : index
      %swap3A_431 = tpu.vector_load %arg15[%swap3A_430] {strides = array<i32>} : memref<544xf32, #tpu.memory_space<vmem>>, vector<16xf32>,
      tpu.vector_store %arg15[%swap3A_430], %mul3A_429 {strides = array<i32>} : memref<544xf32, #tpu.memory_space<vmem>>, vector<16xf32>,
      %while3A_432 = arith.constant 0 : i32
      %while3A_433 = arith.constant 0 : i32
      %while3A_434 = arith.subi %min3A_208, %while3A_432 : i32
      %while3A_435 = arith.addi %while3A_432, %while3A_434 : i32
      %while3A_436 = arith.constant 1 : i32
      %while3A_437 = arith.divsi %while3A_434, %while3A_436 : i32
      %while3A_438 = arith.muli %while3A_437, %while3A_436 : i32
      %while3A_439 = arith.addi %while3A_432, %while3A_438 : i32
      %while3A_440 = arith.constant 1 : i32
      %while3A_441 = scf.for %while3A_444 = %while3A_432 to %while3A_439 step %while3A_440 iter_args(%while3A_445 = %while3A_433) -> (i32)  : i32 {
        %broadcast_in_dim3A_446 = vector.broadcast %while3A_444 : i32 to vector<16xi32>
        %gather3A = tpu.vector_load_idx %arg16[%broadcast_in_dim3A_446] : memref<16xf32, #tpu.memory_space<vmem>>[vector<16xi32>], vector<16xf32>,
        %gather3A_447 = tpu.vector_load_idx %arg17[%broadcast_in_dim3A_446] : memref<16xf32, #tpu.memory_space<vmem>>[vector<16xi32>], vector<16xf32>,
        %add3A_448 = arith.constant 0 : i32
        %add3A_449 = vector.broadcast %add3A_448 : i32 to vector<16xi32>
        %add3A_450 = arith.addi %add3A_449, %iota3A : vector<16xi32>
        %gather3A_451 = tpu.vector_load_idx %arg12[%broadcast_in_dim3A_446, %add3A_450] : memref<16x128xf32, #tpu.memory_space<vmem>>[vector<16xi32>, vector<16xi32>], vector<16xf32>,
        %gather3A_452 = tpu.vector_load_idx %arg13[%broadcast_in_dim3A_446, %add3A_450] : memref<16x128xf32, #tpu.memory_space<vmem>>[vector<16xi32>, vector<16xi32>], vector<16xf32>,
        %mul3A_453 = arith.mulf %gather3A_451, %gather3A : vector<16xf32>
        %swap3A_454 = arith.constant 0 : index
        %swap3A_455 = tpu.vector_load %arg15[%swap3A_454] {strides = array<i32>} : memref<544xf32, #tpu.memory_space<vmem>>, vector<16xf32>,
        tpu.vector_store %arg15[%swap3A_454], %mul3A_453 {add = true, strides = array<i32>} : memref<544xf32, #tpu.memory_space<vmem>>, vector<16xf32>,
        %mul3A_456 = arith.mulf %gather3A_451, %gather3A_447 : vector<16xf32>
        %swap3A_457 = arith.constant 128 : index
        %swap3A_458 = tpu.vector_load %arg15[%swap3A_457] {strides = array<i32>} : memref<544xf32, #tpu.memory_space<vmem>>, vector<16xf32>,
        tpu.vector_store %arg15[%swap3A_457], %mul3A_456 {add = true, strides = array<i32>} : memref<544xf32, #tpu.memory_space<vmem>>, vector<16xf32>,
        %mul3A_459 = arith.mulf %gather3A_452, %gather3A : vector<16xf32>
        %swap3A_460 = arith.constant 256 : index
        %swap3A_461 = tpu.vector_load %arg15[%swap3A_460] {strides = array<i32>} : memref<544xf32, #tpu.memory_space<vmem>>, vector<16xf32>,
        tpu.vector_store %arg15[%swap3A_460], %mul3A_459 {add = true, strides = array<i32>} : memref<544xf32, #tpu.memory_space<vmem>>, vector<16xf32>,
        %mul3A_462 = arith.mulf %gather3A_452, %gather3A_447 : vector<16xf32>
        %swap3A_463 = arith.constant 384 : index
        %swap3A_464 = tpu.vector_load %arg15[%swap3A_463] {strides = array<i32>} : memref<544xf32, #tpu.memory_space<vmem>>, vector<16xf32>,
        tpu.vector_store %arg15[%swap3A_463], %mul3A_462 {add = true, strides = array<i32>} : memref<544xf32, #tpu.memory_space<vmem>>, vector<16xf32>,
        %add3A_465 = arith.constant 16 : i32
        %add3A_466 = vector.broadcast %add3A_465 : i32 to vector<16xi32>
        %add3A_467 = arith.addi %add3A_466, %iota3A : vector<16xi32>
        %gather3A_468 = tpu.vector_load_idx %arg12[%broadcast_in_dim3A_446, %add3A_467] : memref<16x128xf32, #tpu.memory_space<vmem>>[vector<16xi32>, vector<16xi32>], vector<16xf32>,
        %gather3A_469 = tpu.vector_load_idx %arg13[%broadcast_in_dim3A_446, %add3A_467] : memref<16x128xf32, #tpu.memory_space<vmem>>[vector<16xi32>, vector<16xi32>], vector<16xf32>,
        %mul3A_470 = arith.mulf %gather3A_468, %gather3A : vector<16xf32>
        %swap3A_471 = arith.constant 16 : index
        %swap3A_472 = tpu.vector_load %arg15[%swap3A_471] {strides = array<i32>} : memref<544xf32, #tpu.memory_space<vmem>>, vector<16xf32>,
        tpu.vector_store %arg15[%swap3A_471], %mul3A_470 {add = true, strides = array<i32>} : memref<544xf32, #tpu.memory_space<vmem>>, vector<16xf32>,
        %mul3A_473 = arith.mulf %gather3A_468, %gather3A_447 : vector<16xf32>
        %swap3A_474 = arith.constant 144 : index
        %swap3A_475 = tpu.vector_load %arg15[%swap3A_474] {strides = array<i32>} : memref<544xf32, #tpu.memory_space<vmem>>, vector<16xf32>,
        tpu.vector_store %arg15[%swap3A_474], %mul3A_473 {add = true, strides = array<i32>} : memref<544xf32, #tpu.memory_space<vmem>>, vector<16xf32>,
        %mul3A_476 = arith.mulf %gather3A_469, %gather3A : vector<16xf32>
        %swap3A_477 = arith.constant 272 : index
        %swap3A_478 = tpu.vector_load %arg15[%swap3A_477] {strides = array<i32>} : memref<544xf32, #tpu.memory_space<vmem>>, vector<16xf32>,
        tpu.vector_store %arg15[%swap3A_477], %mul3A_476 {add = true, strides = array<i32>} : memref<544xf32, #tpu.memory_space<vmem>>, vector<16xf32>,
        %mul3A_479 = arith.mulf %gather3A_469, %gather3A_447 : vector<16xf32>
        %swap3A_480 = arith.constant 400 : index
        %swap3A_481 = tpu.vector_load %arg15[%swap3A_480] {strides = array<i32>} : memref<544xf32, #tpu.memory_space<vmem>>, vector<16xf32>,
        tpu.vector_store %arg15[%swap3A_480], %mul3A_479 {add = true, strides = array<i32>} : memref<544xf32, #tpu.memory_space<vmem>>, vector<16xf32>,
        %add3A_482 = arith.constant 32 : i32
        %add3A_483 = vector.broadcast %add3A_482 : i32 to vector<16xi32>
        %add3A_484 = arith.addi %add3A_483, %iota3A : vector<16xi32>
        %gather3A_485 = tpu.vector_load_idx %arg12[%broadcast_in_dim3A_446, %add3A_484] : memref<16x128xf32, #tpu.memory_space<vmem>>[vector<16xi32>, vector<16xi32>], vector<16xf32>,
        %gather3A_486 = tpu.vector_load_idx %arg13[%broadcast_in_dim3A_446, %add3A_484] : memref<16x128xf32, #tpu.memory_space<vmem>>[vector<16xi32>, vector<16xi32>], vector<16xf32>,
        %mul3A_487 = arith.mulf %gather3A_485, %gather3A : vector<16xf32>
        %swap3A_488 = arith.constant 32 : index
        %swap3A_489 = tpu.vector_load %arg15[%swap3A_488] {strides = array<i32>} : memref<544xf32, #tpu.memory_space<vmem>>, vector<16xf32>,
        tpu.vector_store %arg15[%swap3A_488], %mul3A_487 {add = true, strides = array<i32>} : memref<544xf32, #tpu.memory_space<vmem>>, vector<16xf32>,
        %mul3A_490 = arith.mulf %gather3A_485, %gather3A_447 : vector<16xf32>
        %swap3A_491 = arith.constant 160 : index
        %swap3A_492 = tpu.vector_load %arg15[%swap3A_491] {strides = array<i32>} : memref<544xf32, #tpu.memory_space<vmem>>, vector<16xf32>,
        tpu.vector_store %arg15[%swap3A_491], %mul3A_490 {add = true, strides = array<i32>} : memref<544xf32, #tpu.memory_space<vmem>>, vector<16xf32>,
        %mul3A_493 = arith.mulf %gather3A_486, %gather3A : vector<16xf32>
        %swap3A_494 = arith.constant 288 : index
        %swap3A_495 = tpu.vector_load %arg15[%swap3A_494] {strides = array<i32>} : memref<544xf32, #tpu.memory_space<vmem>>, vector<16xf32>,
        tpu.vector_store %arg15[%swap3A_494], %mul3A_493 {add = true, strides = array<i32>} : memref<544xf32, #tpu.memory_space<vmem>>, vector<16xf32>,
        %mul3A_496 = arith.mulf %gather3A_486, %gather3A_447 : vector<16xf32>
        %swap3A_497 = arith.constant 416 : index
        %swap3A_498 = tpu.vector_load %arg15[%swap3A_497] {strides = array<i32>} : memref<544xf32, #tpu.memory_space<vmem>>, vector<16xf32>,
        tpu.vector_store %arg15[%swap3A_497], %mul3A_496 {add = true, strides = array<i32>} : memref<544xf32, #tpu.memory_space<vmem>>, vector<16xf32>,
        %add3A_499 = arith.constant 48 : i32
        %add3A_500 = vector.broadcast %add3A_499 : i32 to vector<16xi32>
        %add3A_501 = arith.addi %add3A_500, %iota3A : vector<16xi32>
        %gather3A_502 = tpu.vector_load_idx %arg12[%broadcast_in_dim3A_446, %add3A_501] : memref<16x128xf32, #tpu.memory_space<vmem>>[vector<16xi32>, vector<16xi32>], vector<16xf32>,
        %gather3A_503 = tpu.vector_load_idx %arg13[%broadcast_in_dim3A_446, %add3A_501] : memref<16x128xf32, #tpu.memory_space<vmem>>[vector<16xi32>, vector<16xi32>], vector<16xf32>,
        %mul3A_504 = arith.mulf %gather3A_502, %gather3A : vector<16xf32>
        %swap3A_505 = arith.constant 48 : index
        %swap3A_506 = tpu.vector_load %arg15[%swap3A_505] {strides = array<i32>} : memref<544xf32, #tpu.memory_space<vmem>>, vector<16xf32>,
        tpu.vector_store %arg15[%swap3A_505], %mul3A_504 {add = true, strides = array<i32>} : memref<544xf32, #tpu.memory_space<vmem>>, vector<16xf32>,
        %mul3A_507 = arith.mulf %gather3A_502, %gather3A_447 : vector<16xf32>
        %swap3A_508 = arith.constant 176 : index
        %swap3A_509 = tpu.vector_load %arg15[%swap3A_508] {strides = array<i32>} : memref<544xf32, #tpu.memory_space<vmem>>, vector<16xf32>,
        tpu.vector_store %arg15[%swap3A_508], %mul3A_507 {add = true, strides = array<i32>} : memref<544xf32, #tpu.memory_space<vmem>>, vector<16xf32>,
        %mul3A_510 = arith.mulf %gather3A_503, %gather3A : vector<16xf32>
        %swap3A_511 = arith.constant 304 : index
        %swap3A_512 = tpu.vector_load %arg15[%swap3A_511] {strides = array<i32>} : memref<544xf32, #tpu.memory_space<vmem>>, vector<16xf32>,
        tpu.vector_store %arg15[%swap3A_511], %mul3A_510 {add = true, strides = array<i32>} : memref<544xf32, #tpu.memory_space<vmem>>, vector<16xf32>,
        %mul3A_513 = arith.mulf %gather3A_503, %gather3A_447 : vector<16xf32>
        %swap3A_514 = arith.constant 432 : index
        %swap3A_515 = tpu.vector_load %arg15[%swap3A_514] {strides = array<i32>} : memref<544xf32, #tpu.memory_space<vmem>>, vector<16xf32>,
        tpu.vector_store %arg15[%swap3A_514], %mul3A_513 {add = true, strides = array<i32>} : memref<544xf32, #tpu.memory_space<vmem>>, vector<16xf32>,
        %add3A_516 = arith.constant 64 : i32
        %add3A_517 = vector.broadcast %add3A_516 : i32 to vector<16xi32>
        %add3A_518 = arith.addi %add3A_517, %iota3A : vector<16xi32>
        %gather3A_519 = tpu.vector_load_idx %arg12[%broadcast_in_dim3A_446, %add3A_518] : memref<16x128xf32, #tpu.memory_space<vmem>>[vector<16xi32>, vector<16xi32>], vector<16xf32>,
        %gather3A_520 = tpu.vector_load_idx %arg13[%broadcast_in_dim3A_446, %add3A_518] : memref<16x128xf32, #tpu.memory_space<vmem>>[vector<16xi32>, vector<16xi32>], vector<16xf32>,
        %mul3A_521 = arith.mulf %gather3A_519, %gather3A : vector<16xf32>
        %swap3A_522 = arith.constant 64 : index
        %swap3A_523 = tpu.vector_load %arg15[%swap3A_522] {strides = array<i32>} : memref<544xf32, #tpu.memory_space<vmem>>, vector<16xf32>,
        tpu.vector_store %arg15[%swap3A_522], %mul3A_521 {add = true, strides = array<i32>} : memref<544xf32, #tpu.memory_space<vmem>>, vector<16xf32>,
        %mul3A_524 = arith.mulf %gather3A_519, %gather3A_447 : vector<16xf32>
        %swap3A_525 = arith.constant 192 : index
        %swap3A_526 = tpu.vector_load %arg15[%swap3A_525] {strides = array<i32>} : memref<544xf32, #tpu.memory_space<vmem>>, vector<16xf32>,
        tpu.vector_store %arg15[%swap3A_525], %mul3A_524 {add = true, strides = array<i32>} : memref<544xf32, #tpu.memory_space<vmem>>, vector<16xf32>,
        %mul3A_527 = arith.mulf %gather3A_520, %gather3A : vector<16xf32>
        %swap3A_528 = arith.constant 320 : index
        %swap3A_529 = tpu.vector_load %arg15[%swap3A_528] {strides = array<i32>} : memref<544xf32, #tpu.memory_space<vmem>>, vector<16xf32>,
        tpu.vector_store %arg15[%swap3A_528], %mul3A_527 {add = true, strides = array<i32>} : memref<544xf32, #tpu.memory_space<vmem>>, vector<16xf32>,
        %mul3A_530 = arith.mulf %gather3A_520, %gather3A_447 : vector<16xf32>
        %swap3A_531 = arith.constant 448 : index
        %swap3A_532 = tpu.vector_load %arg15[%swap3A_531] {strides = array<i32>} : memref<544xf32, #tpu.memory_space<vmem>>, vector<16xf32>,
        tpu.vector_store %arg15[%swap3A_531], %mul3A_530 {add = true, strides = array<i32>} : memref<544xf32, #tpu.memory_space<vmem>>, vector<16xf32>,
        %add3A_533 = arith.constant 80 : i32
        %add3A_534 = vector.broadcast %add3A_533 : i32 to vector<16xi32>
        %add3A_535 = arith.addi %add3A_534, %iota3A : vector<16xi32>
        %gather3A_536 = tpu.vector_load_idx %arg12[%broadcast_in_dim3A_446, %add3A_535] : memref<16x128xf32, #tpu.memory_space<vmem>>[vector<16xi32>, vector<16xi32>], vector<16xf32>,
        %gather3A_537 = tpu.vector_load_idx %arg13[%broadcast_in_dim3A_446, %add3A_535] : memref<16x128xf32, #tpu.memory_space<vmem>>[vector<16xi32>, vector<16xi32>], vector<16xf32>,
        %mul3A_538 = arith.mulf %gather3A_536, %gather3A : vector<16xf32>
        %swap3A_539 = arith.constant 80 : index
        %swap3A_540 = tpu.vector_load %arg15[%swap3A_539] {strides = array<i32>} : memref<544xf32, #tpu.memory_space<vmem>>, vector<16xf32>,
        tpu.vector_store %arg15[%swap3A_539], %mul3A_538 {add = true, strides = array<i32>} : memref<544xf32, #tpu.memory_space<vmem>>, vector<16xf32>,
        %mul3A_541 = arith.mulf %gather3A_536, %gather3A_447 : vector<16xf32>
        %swap3A_542 = arith.constant 208 : index
        %swap3A_543 = tpu.vector_load %arg15[%swap3A_542] {strides = array<i32>} : memref<544xf32, #tpu.memory_space<vmem>>, vector<16xf32>,
        tpu.vector_store %arg15[%swap3A_542], %mul3A_541 {add = true, strides = array<i32>} : memref<544xf32, #tpu.memory_space<vmem>>, vector<16xf32>,
        %mul3A_544 = arith.mulf %gather3A_537, %gather3A : vector<16xf32>
        %swap3A_545 = arith.constant 336 : index
        %swap3A_546 = tpu.vector_load %arg15[%swap3A_545] {strides = array<i32>} : memref<544xf32, #tpu.memory_space<vmem>>, vector<16xf32>,
        tpu.vector_store %arg15[%swap3A_545], %mul3A_544 {add = true, strides = array<i32>} : memref<544xf32, #tpu.memory_space<vmem>>, vector<16xf32>,
        %mul3A_547 = arith.mulf %gather3A_537, %gather3A_447 : vector<16xf32>
        %swap3A_548 = arith.constant 464 : index
        %swap3A_549 = tpu.vector_load %arg15[%swap3A_548] {strides = array<i32>} : memref<544xf32, #tpu.memory_space<vmem>>, vector<16xf32>,
        tpu.vector_store %arg15[%swap3A_548], %mul3A_547 {add = true, strides = array<i32>} : memref<544xf32, #tpu.memory_space<vmem>>, vector<16xf32>,
        %add3A_550 = arith.constant 96 : i32
        %add3A_551 = vector.broadcast %add3A_550 : i32 to vector<16xi32>
        %add3A_552 = arith.addi %add3A_551, %iota3A : vector<16xi32>
        %gather3A_553 = tpu.vector_load_idx %arg12[%broadcast_in_dim3A_446, %add3A_552] : memref<16x128xf32, #tpu.memory_space<vmem>>[vector<16xi32>, vector<16xi32>], vector<16xf32>,
        %gather3A_554 = tpu.vector_load_idx %arg13[%broadcast_in_dim3A_446, %add3A_552] : memref<16x128xf32, #tpu.memory_space<vmem>>[vector<16xi32>, vector<16xi32>], vector<16xf32>,
        %mul3A_555 = arith.mulf %gather3A_553, %gather3A : vector<16xf32>
        %swap3A_556 = arith.constant 96 : index
        %swap3A_557 = tpu.vector_load %arg15[%swap3A_556] {strides = array<i32>} : memref<544xf32, #tpu.memory_space<vmem>>, vector<16xf32>,
        tpu.vector_store %arg15[%swap3A_556], %mul3A_555 {add = true, strides = array<i32>} : memref<544xf32, #tpu.memory_space<vmem>>, vector<16xf32>,
        %mul3A_558 = arith.mulf %gather3A_553, %gather3A_447 : vector<16xf32>
        %swap3A_559 = arith.constant 224 : index
        %swap3A_560 = tpu.vector_load %arg15[%swap3A_559] {strides = array<i32>} : memref<544xf32, #tpu.memory_space<vmem>>, vector<16xf32>,
        tpu.vector_store %arg15[%swap3A_559], %mul3A_558 {add = true, strides = array<i32>} : memref<544xf32, #tpu.memory_space<vmem>>, vector<16xf32>,
        %mul3A_561 = arith.mulf %gather3A_554, %gather3A : vector<16xf32>
        %swap3A_562 = arith.constant 352 : index
        %swap3A_563 = tpu.vector_load %arg15[%swap3A_562] {strides = array<i32>} : memref<544xf32, #tpu.memory_space<vmem>>, vector<16xf32>,
        tpu.vector_store %arg15[%swap3A_562], %mul3A_561 {add = true, strides = array<i32>} : memref<544xf32, #tpu.memory_space<vmem>>, vector<16xf32>,
        %mul3A_564 = arith.mulf %gather3A_554, %gather3A_447 : vector<16xf32>
        %swap3A_565 = arith.constant 480 : index
        %swap3A_566 = tpu.vector_load %arg15[%swap3A_565] {strides = array<i32>} : memref<544xf32, #tpu.memory_space<vmem>>, vector<16xf32>,
        tpu.vector_store %arg15[%swap3A_565], %mul3A_564 {add = true, strides = array<i32>} : memref<544xf32, #tpu.memory_space<vmem>>, vector<16xf32>,
        %add3A_567 = arith.constant 112 : i32
        %add3A_568 = vector.broadcast %add3A_567 : i32 to vector<16xi32>
        %add3A_569 = arith.addi %add3A_568, %iota3A : vector<16xi32>
        %gather3A_570 = tpu.vector_load_idx %arg12[%broadcast_in_dim3A_446, %add3A_569] : memref<16x128xf32, #tpu.memory_space<vmem>>[vector<16xi32>, vector<16xi32>], vector<16xf32>,
        %gather3A_571 = tpu.vector_load_idx %arg13[%broadcast_in_dim3A_446, %add3A_569] : memref<16x128xf32, #tpu.memory_space<vmem>>[vector<16xi32>, vector<16xi32>], vector<16xf32>,
        %mul3A_572 = arith.mulf %gather3A_570, %gather3A : vector<16xf32>
        %swap3A_573 = arith.constant 112 : index
        %swap3A_574 = tpu.vector_load %arg15[%swap3A_573] {strides = array<i32>} : memref<544xf32, #tpu.memory_space<vmem>>, vector<16xf32>,
        tpu.vector_store %arg15[%swap3A_573], %mul3A_572 {add = true, strides = array<i32>} : memref<544xf32, #tpu.memory_space<vmem>>, vector<16xf32>,
        %mul3A_575 = arith.mulf %gather3A_570, %gather3A_447 : vector<16xf32>
        %swap3A_576 = arith.constant 240 : index
        %swap3A_577 = tpu.vector_load %arg15[%swap3A_576] {strides = array<i32>} : memref<544xf32, #tpu.memory_space<vmem>>, vector<16xf32>,
        tpu.vector_store %arg15[%swap3A_576], %mul3A_575 {add = true, strides = array<i32>} : memref<544xf32, #tpu.memory_space<vmem>>, vector<16xf32>,
        %mul3A_578 = arith.mulf %gather3A_571, %gather3A : vector<16xf32>
        %swap3A_579 = arith.constant 368 : index
        %swap3A_580 = tpu.vector_load %arg15[%swap3A_579] {strides = array<i32>} : memref<544xf32, #tpu.memory_space<vmem>>, vector<16xf32>,
        tpu.vector_store %arg15[%swap3A_579], %mul3A_578 {add = true, strides = array<i32>} : memref<544xf32, #tpu.memory_space<vmem>>, vector<16xf32>,
        %mul3A_581 = arith.mulf %gather3A_571, %gather3A_447 : vector<16xf32>
        %swap3A_582 = arith.constant 496 : index
        %swap3A_583 = tpu.vector_load %arg15[%swap3A_582] {strides = array<i32>} : memref<544xf32, #tpu.memory_space<vmem>>, vector<16xf32>,
        tpu.vector_store %arg15[%swap3A_582], %mul3A_581 {add = true, strides = array<i32>} : memref<544xf32, #tpu.memory_space<vmem>>, vector<16xf32>,
        %while3A_584 = arith.constant 0 : i32
        scf.yield %while3A_584 : i32
      }
      %while3A_442 = arith.constant 1 : i32
      %while3A_443 = scf.for %while3A_444 = %while3A_439 to %while3A_435 step %while3A_442 iter_args(%while3A_445 = %while3A_441) -> (i32)  : i32 {
        %broadcast_in_dim3A_446 = vector.broadcast %while3A_444 : i32 to vector<16xi32>
        %gather3A = tpu.vector_load_idx %arg16[%broadcast_in_dim3A_446] : memref<16xf32, #tpu.memory_space<vmem>>[vector<16xi32>], vector<16xf32>,
        %gather3A_447 = tpu.vector_load_idx %arg17[%broadcast_in_dim3A_446] : memref<16xf32, #tpu.memory_space<vmem>>[vector<16xi32>], vector<16xf32>,
        %add3A_448 = arith.constant 0 : i32
        %add3A_449 = vector.broadcast %add3A_448 : i32 to vector<16xi32>
        %add3A_450 = arith.addi %add3A_449, %iota3A : vector<16xi32>
        %gather3A_451 = tpu.vector_load_idx %arg12[%broadcast_in_dim3A_446, %add3A_450] : memref<16x128xf32, #tpu.memory_space<vmem>>[vector<16xi32>, vector<16xi32>], vector<16xf32>,
        %gather3A_452 = tpu.vector_load_idx %arg13[%broadcast_in_dim3A_446, %add3A_450] : memref<16x128xf32, #tpu.memory_space<vmem>>[vector<16xi32>, vector<16xi32>], vector<16xf32>,
        %mul3A_453 = arith.mulf %gather3A_451, %gather3A : vector<16xf32>
        %swap3A_454 = arith.constant 0 : index
        %swap3A_455 = tpu.vector_load %arg15[%swap3A_454] {strides = array<i32>} : memref<544xf32, #tpu.memory_space<vmem>>, vector<16xf32>,
        tpu.vector_store %arg15[%swap3A_454], %mul3A_453 {add = true, strides = array<i32>} : memref<544xf32, #tpu.memory_space<vmem>>, vector<16xf32>,
        %mul3A_456 = arith.mulf %gather3A_451, %gather3A_447 : vector<16xf32>
        %swap3A_457 = arith.constant 128 : index
        %swap3A_458 = tpu.vector_load %arg15[%swap3A_457] {strides = array<i32>} : memref<544xf32, #tpu.memory_space<vmem>>, vector<16xf32>,
        tpu.vector_store %arg15[%swap3A_457], %mul3A_456 {add = true, strides = array<i32>} : memref<544xf32, #tpu.memory_space<vmem>>, vector<16xf32>,
        %mul3A_459 = arith.mulf %gather3A_452, %gather3A : vector<16xf32>
        %swap3A_460 = arith.constant 256 : index
        %swap3A_461 = tpu.vector_load %arg15[%swap3A_460] {strides = array<i32>} : memref<544xf32, #tpu.memory_space<vmem>>, vector<16xf32>,
        tpu.vector_store %arg15[%swap3A_460], %mul3A_459 {add = true, strides = array<i32>} : memref<544xf32, #tpu.memory_space<vmem>>, vector<16xf32>,
        %mul3A_462 = arith.mulf %gather3A_452, %gather3A_447 : vector<16xf32>
        %swap3A_463 = arith.constant 384 : index
        %swap3A_464 = tpu.vector_load %arg15[%swap3A_463] {strides = array<i32>} : memref<544xf32, #tpu.memory_space<vmem>>, vector<16xf32>,
        tpu.vector_store %arg15[%swap3A_463], %mul3A_462 {add = true, strides = array<i32>} : memref<544xf32, #tpu.memory_space<vmem>>, vector<16xf32>,
        %add3A_465 = arith.constant 16 : i32
        %add3A_466 = vector.broadcast %add3A_465 : i32 to vector<16xi32>
        %add3A_467 = arith.addi %add3A_466, %iota3A : vector<16xi32>
        %gather3A_468 = tpu.vector_load_idx %arg12[%broadcast_in_dim3A_446, %add3A_467] : memref<16x128xf32, #tpu.memory_space<vmem>>[vector<16xi32>, vector<16xi32>], vector<16xf32>,
        %gather3A_469 = tpu.vector_load_idx %arg13[%broadcast_in_dim3A_446, %add3A_467] : memref<16x128xf32, #tpu.memory_space<vmem>>[vector<16xi32>, vector<16xi32>], vector<16xf32>,
        %mul3A_470 = arith.mulf %gather3A_468, %gather3A : vector<16xf32>
        %swap3A_471 = arith.constant 16 : index
        %swap3A_472 = tpu.vector_load %arg15[%swap3A_471] {strides = array<i32>} : memref<544xf32, #tpu.memory_space<vmem>>, vector<16xf32>,
        tpu.vector_store %arg15[%swap3A_471], %mul3A_470 {add = true, strides = array<i32>} : memref<544xf32, #tpu.memory_space<vmem>>, vector<16xf32>,
        %mul3A_473 = arith.mulf %gather3A_468, %gather3A_447 : vector<16xf32>
        %swap3A_474 = arith.constant 144 : index
        %swap3A_475 = tpu.vector_load %arg15[%swap3A_474] {strides = array<i32>} : memref<544xf32, #tpu.memory_space<vmem>>, vector<16xf32>,
        tpu.vector_store %arg15[%swap3A_474], %mul3A_473 {add = true, strides = array<i32>} : memref<544xf32, #tpu.memory_space<vmem>>, vector<16xf32>,
        %mul3A_476 = arith.mulf %gather3A_469, %gather3A : vector<16xf32>
        %swap3A_477 = arith.constant 272 : index
        %swap3A_478 = tpu.vector_load %arg15[%swap3A_477] {strides = array<i32>} : memref<544xf32, #tpu.memory_space<vmem>>, vector<16xf32>,
        tpu.vector_store %arg15[%swap3A_477], %mul3A_476 {add = true, strides = array<i32>} : memref<544xf32, #tpu.memory_space<vmem>>, vector<16xf32>,
        %mul3A_479 = arith.mulf %gather3A_469, %gather3A_447 : vector<16xf32>
        %swap3A_480 = arith.constant 400 : index
        %swap3A_481 = tpu.vector_load %arg15[%swap3A_480] {strides = array<i32>} : memref<544xf32, #tpu.memory_space<vmem>>, vector<16xf32>,
        tpu.vector_store %arg15[%swap3A_480], %mul3A_479 {add = true, strides = array<i32>} : memref<544xf32, #tpu.memory_space<vmem>>, vector<16xf32>,
        %add3A_482 = arith.constant 32 : i32
        %add3A_483 = vector.broadcast %add3A_482 : i32 to vector<16xi32>
        %add3A_484 = arith.addi %add3A_483, %iota3A : vector<16xi32>
        %gather3A_485 = tpu.vector_load_idx %arg12[%broadcast_in_dim3A_446, %add3A_484] : memref<16x128xf32, #tpu.memory_space<vmem>>[vector<16xi32>, vector<16xi32>], vector<16xf32>,
        %gather3A_486 = tpu.vector_load_idx %arg13[%broadcast_in_dim3A_446, %add3A_484] : memref<16x128xf32, #tpu.memory_space<vmem>>[vector<16xi32>, vector<16xi32>], vector<16xf32>,
        %mul3A_487 = arith.mulf %gather3A_485, %gather3A : vector<16xf32>
        %swap3A_488 = arith.constant 32 : index
        %swap3A_489 = tpu.vector_load %arg15[%swap3A_488] {strides = array<i32>} : memref<544xf32, #tpu.memory_space<vmem>>, vector<16xf32>,
        tpu.vector_store %arg15[%swap3A_488], %mul3A_487 {add = true, strides = array<i32>} : memref<544xf32, #tpu.memory_space<vmem>>, vector<16xf32>,
        %mul3A_490 = arith.mulf %gather3A_485, %gather3A_447 : vector<16xf32>
        %swap3A_491 = arith.constant 160 : index
        %swap3A_492 = tpu.vector_load %arg15[%swap3A_491] {strides = array<i32>} : memref<544xf32, #tpu.memory_space<vmem>>, vector<16xf32>,
        tpu.vector_store %arg15[%swap3A_491], %mul3A_490 {add = true, strides = array<i32>} : memref<544xf32, #tpu.memory_space<vmem>>, vector<16xf32>,
        %mul3A_493 = arith.mulf %gather3A_486, %gather3A : vector<16xf32>
        %swap3A_494 = arith.constant 288 : index
        %swap3A_495 = tpu.vector_load %arg15[%swap3A_494] {strides = array<i32>} : memref<544xf32, #tpu.memory_space<vmem>>, vector<16xf32>,
        tpu.vector_store %arg15[%swap3A_494], %mul3A_493 {add = true, strides = array<i32>} : memref<544xf32, #tpu.memory_space<vmem>>, vector<16xf32>,
        %mul3A_496 = arith.mulf %gather3A_486, %gather3A_447 : vector<16xf32>
        %swap3A_497 = arith.constant 416 : index
        %swap3A_498 = tpu.vector_load %arg15[%swap3A_497] {strides = array<i32>} : memref<544xf32, #tpu.memory_space<vmem>>, vector<16xf32>,
        tpu.vector_store %arg15[%swap3A_497], %mul3A_496 {add = true, strides = array<i32>} : memref<544xf32, #tpu.memory_space<vmem>>, vector<16xf32>,
        %add3A_499 = arith.constant 48 : i32
        %add3A_500 = vector.broadcast %add3A_499 : i32 to vector<16xi32>
        %add3A_501 = arith.addi %add3A_500, %iota3A : vector<16xi32>
        %gather3A_502 = tpu.vector_load_idx %arg12[%broadcast_in_dim3A_446, %add3A_501] : memref<16x128xf32, #tpu.memory_space<vmem>>[vector<16xi32>, vector<16xi32>], vector<16xf32>,
        %gather3A_503 = tpu.vector_load_idx %arg13[%broadcast_in_dim3A_446, %add3A_501] : memref<16x128xf32, #tpu.memory_space<vmem>>[vector<16xi32>, vector<16xi32>], vector<16xf32>,
        %mul3A_504 = arith.mulf %gather3A_502, %gather3A : vector<16xf32>
        %swap3A_505 = arith.constant 48 : index
        %swap3A_506 = tpu.vector_load %arg15[%swap3A_505] {strides = array<i32>} : memref<544xf32, #tpu.memory_space<vmem>>, vector<16xf32>,
        tpu.vector_store %arg15[%swap3A_505], %mul3A_504 {add = true, strides = array<i32>} : memref<544xf32, #tpu.memory_space<vmem>>, vector<16xf32>,
        %mul3A_507 = arith.mulf %gather3A_502, %gather3A_447 : vector<16xf32>
        %swap3A_508 = arith.constant 176 : index
        %swap3A_509 = tpu.vector_load %arg15[%swap3A_508] {strides = array<i32>} : memref<544xf32, #tpu.memory_space<vmem>>, vector<16xf32>,
        tpu.vector_store %arg15[%swap3A_508], %mul3A_507 {add = true, strides = array<i32>} : memref<544xf32, #tpu.memory_space<vmem>>, vector<16xf32>,
        %mul3A_510 = arith.mulf %gather3A_503, %gather3A : vector<16xf32>
        %swap3A_511 = arith.constant 304 : index
        %swap3A_512 = tpu.vector_load %arg15[%swap3A_511] {strides = array<i32>} : memref<544xf32, #tpu.memory_space<vmem>>, vector<16xf32>,
        tpu.vector_store %arg15[%swap3A_511], %mul3A_510 {add = true, strides = array<i32>} : memref<544xf32, #tpu.memory_space<vmem>>, vector<16xf32>,
        %mul3A_513 = arith.mulf %gather3A_503, %gather3A_447 : vector<16xf32>
        %swap3A_514 = arith.constant 432 : index
        %swap3A_515 = tpu.vector_load %arg15[%swap3A_514] {strides = array<i32>} : memref<544xf32, #tpu.memory_space<vmem>>, vector<16xf32>,
        tpu.vector_store %arg15[%swap3A_514], %mul3A_513 {add = true, strides = array<i32>} : memref<544xf32, #tpu.memory_space<vmem>>, vector<16xf32>,
        %add3A_516 = arith.constant 64 : i32
        %add3A_517 = vector.broadcast %add3A_516 : i32 to vector<16xi32>
        %add3A_518 = arith.addi %add3A_517, %iota3A : vector<16xi32>
        %gather3A_519 = tpu.vector_load_idx %arg12[%broadcast_in_dim3A_446, %add3A_518] : memref<16x128xf32, #tpu.memory_space<vmem>>[vector<16xi32>, vector<16xi32>], vector<16xf32>,
        %gather3A_520 = tpu.vector_load_idx %arg13[%broadcast_in_dim3A_446, %add3A_518] : memref<16x128xf32, #tpu.memory_space<vmem>>[vector<16xi32>, vector<16xi32>], vector<16xf32>,
        %mul3A_521 = arith.mulf %gather3A_519, %gather3A : vector<16xf32>
        %swap3A_522 = arith.constant 64 : index
        %swap3A_523 = tpu.vector_load %arg15[%swap3A_522] {strides = array<i32>} : memref<544xf32, #tpu.memory_space<vmem>>, vector<16xf32>,
        tpu.vector_store %arg15[%swap3A_522], %mul3A_521 {add = true, strides = array<i32>} : memref<544xf32, #tpu.memory_space<vmem>>, vector<16xf32>,
        %mul3A_524 = arith.mulf %gather3A_519, %gather3A_447 : vector<16xf32>
        %swap3A_525 = arith.constant 192 : index
        %swap3A_526 = tpu.vector_load %arg15[%swap3A_525] {strides = array<i32>} : memref<544xf32, #tpu.memory_space<vmem>>, vector<16xf32>,
        tpu.vector_store %arg15[%swap3A_525], %mul3A_524 {add = true, strides = array<i32>} : memref<544xf32, #tpu.memory_space<vmem>>, vector<16xf32>,
        %mul3A_527 = arith.mulf %gather3A_520, %gather3A : vector<16xf32>
        %swap3A_528 = arith.constant 320 : index
        %swap3A_529 = tpu.vector_load %arg15[%swap3A_528] {strides = array<i32>} : memref<544xf32, #tpu.memory_space<vmem>>, vector<16xf32>,
        tpu.vector_store %arg15[%swap3A_528], %mul3A_527 {add = true, strides = array<i32>} : memref<544xf32, #tpu.memory_space<vmem>>, vector<16xf32>,
        %mul3A_530 = arith.mulf %gather3A_520, %gather3A_447 : vector<16xf32>
        %swap3A_531 = arith.constant 448 : index
        %swap3A_532 = tpu.vector_load %arg15[%swap3A_531] {strides = array<i32>} : memref<544xf32, #tpu.memory_space<vmem>>, vector<16xf32>,
        tpu.vector_store %arg15[%swap3A_531], %mul3A_530 {add = true, strides = array<i32>} : memref<544xf32, #tpu.memory_space<vmem>>, vector<16xf32>,
        %add3A_533 = arith.constant 80 : i32
        %add3A_534 = vector.broadcast %add3A_533 : i32 to vector<16xi32>
        %add3A_535 = arith.addi %add3A_534, %iota3A : vector<16xi32>
        %gather3A_536 = tpu.vector_load_idx %arg12[%broadcast_in_dim3A_446, %add3A_535] : memref<16x128xf32, #tpu.memory_space<vmem>>[vector<16xi32>, vector<16xi32>], vector<16xf32>,
        %gather3A_537 = tpu.vector_load_idx %arg13[%broadcast_in_dim3A_446, %add3A_535] : memref<16x128xf32, #tpu.memory_space<vmem>>[vector<16xi32>, vector<16xi32>], vector<16xf32>,
        %mul3A_538 = arith.mulf %gather3A_536, %gather3A : vector<16xf32>
        %swap3A_539 = arith.constant 80 : index
        %swap3A_540 = tpu.vector_load %arg15[%swap3A_539] {strides = array<i32>} : memref<544xf32, #tpu.memory_space<vmem>>, vector<16xf32>,
        tpu.vector_store %arg15[%swap3A_539], %mul3A_538 {add = true, strides = array<i32>} : memref<544xf32, #tpu.memory_space<vmem>>, vector<16xf32>,
        %mul3A_541 = arith.mulf %gather3A_536, %gather3A_447 : vector<16xf32>
        %swap3A_542 = arith.constant 208 : index
        %swap3A_543 = tpu.vector_load %arg15[%swap3A_542] {strides = array<i32>} : memref<544xf32, #tpu.memory_space<vmem>>, vector<16xf32>,
        tpu.vector_store %arg15[%swap3A_542], %mul3A_541 {add = true, strides = array<i32>} : memref<544xf32, #tpu.memory_space<vmem>>, vector<16xf32>,
        %mul3A_544 = arith.mulf %gather3A_537, %gather3A : vector<16xf32>
        %swap3A_545 = arith.constant 336 : index
        %swap3A_546 = tpu.vector_load %arg15[%swap3A_545] {strides = array<i32>} : memref<544xf32, #tpu.memory_space<vmem>>, vector<16xf32>,
        tpu.vector_store %arg15[%swap3A_545], %mul3A_544 {add = true, strides = array<i32>} : memref<544xf32, #tpu.memory_space<vmem>>, vector<16xf32>,
        %mul3A_547 = arith.mulf %gather3A_537, %gather3A_447 : vector<16xf32>
        %swap3A_548 = arith.constant 464 : index
        %swap3A_549 = tpu.vector_load %arg15[%swap3A_548] {strides = array<i32>} : memref<544xf32, #tpu.memory_space<vmem>>, vector<16xf32>,
        tpu.vector_store %arg15[%swap3A_548], %mul3A_547 {add = true, strides = array<i32>} : memref<544xf32, #tpu.memory_space<vmem>>, vector<16xf32>,
        %add3A_550 = arith.constant 96 : i32
        %add3A_551 = vector.broadcast %add3A_550 : i32 to vector<16xi32>
        %add3A_552 = arith.addi %add3A_551, %iota3A : vector<16xi32>
        %gather3A_553 = tpu.vector_load_idx %arg12[%broadcast_in_dim3A_446, %add3A_552] : memref<16x128xf32, #tpu.memory_space<vmem>>[vector<16xi32>, vector<16xi32>], vector<16xf32>,
        %gather3A_554 = tpu.vector_load_idx %arg13[%broadcast_in_dim3A_446, %add3A_552] : memref<16x128xf32, #tpu.memory_space<vmem>>[vector<16xi32>, vector<16xi32>], vector<16xf32>,
        %mul3A_555 = arith.mulf %gather3A_553, %gather3A : vector<16xf32>
        %swap3A_556 = arith.constant 96 : index
        %swap3A_557 = tpu.vector_load %arg15[%swap3A_556] {strides = array<i32>} : memref<544xf32, #tpu.memory_space<vmem>>, vector<16xf32>,
        tpu.vector_store %arg15[%swap3A_556], %mul3A_555 {add = true, strides = array<i32>} : memref<544xf32, #tpu.memory_space<vmem>>, vector<16xf32>,
        %mul3A_558 = arith.mulf %gather3A_553, %gather3A_447 : vector<16xf32>
        %swap3A_559 = arith.constant 224 : index
        %swap3A_560 = tpu.vector_load %arg15[%swap3A_559] {strides = array<i32>} : memref<544xf32, #tpu.memory_space<vmem>>, vector<16xf32>,
        tpu.vector_store %arg15[%swap3A_559], %mul3A_558 {add = true, strides = array<i32>} : memref<544xf32, #tpu.memory_space<vmem>>, vector<16xf32>,
        %mul3A_561 = arith.mulf %gather3A_554, %gather3A : vector<16xf32>
        %swap3A_562 = arith.constant 352 : index
        %swap3A_563 = tpu.vector_load %arg15[%swap3A_562] {strides = array<i32>} : memref<544xf32, #tpu.memory_space<vmem>>, vector<16xf32>,
        tpu.vector_store %arg15[%swap3A_562], %mul3A_561 {add = true, strides = array<i32>} : memref<544xf32, #tpu.memory_space<vmem>>, vector<16xf32>,
        %mul3A_564 = arith.mulf %gather3A_554, %gather3A_447 : vector<16xf32>
        %swap3A_565 = arith.constant 480 : index
        %swap3A_566 = tpu.vector_load %arg15[%swap3A_565] {strides = array<i32>} : memref<544xf32, #tpu.memory_space<vmem>>, vector<16xf32>,
        tpu.vector_store %arg15[%swap3A_565], %mul3A_564 {add = true, strides = array<i32>} : memref<544xf32, #tpu.memory_space<vmem>>, vector<16xf32>,
        %add3A_567 = arith.constant 112 : i32
        %add3A_568 = vector.broadcast %add3A_567 : i32 to vector<16xi32>
        %add3A_569 = arith.addi %add3A_568, %iota3A : vector<16xi32>
        %gather3A_570 = tpu.vector_load_idx %arg12[%broadcast_in_dim3A_446, %add3A_569] : memref<16x128xf32, #tpu.memory_space<vmem>>[vector<16xi32>, vector<16xi32>], vector<16xf32>,
        %gather3A_571 = tpu.vector_load_idx %arg13[%broadcast_in_dim3A_446, %add3A_569] : memref<16x128xf32, #tpu.memory_space<vmem>>[vector<16xi32>, vector<16xi32>], vector<16xf32>,
        %mul3A_572 = arith.mulf %gather3A_570, %gather3A : vector<16xf32>
        %swap3A_573 = arith.constant 112 : index
        %swap3A_574 = tpu.vector_load %arg15[%swap3A_573] {strides = array<i32>} : memref<544xf32, #tpu.memory_space<vmem>>, vector<16xf32>,
        tpu.vector_store %arg15[%swap3A_573], %mul3A_572 {add = true, strides = array<i32>} : memref<544xf32, #tpu.memory_space<vmem>>, vector<16xf32>,
        %mul3A_575 = arith.mulf %gather3A_570, %gather3A_447 : vector<16xf32>
        %swap3A_576 = arith.constant 240 : index
        %swap3A_577 = tpu.vector_load %arg15[%swap3A_576] {strides = array<i32>} : memref<544xf32, #tpu.memory_space<vmem>>, vector<16xf32>,
        tpu.vector_store %arg15[%swap3A_576], %mul3A_575 {add = true, strides = array<i32>} : memref<544xf32, #tpu.memory_space<vmem>>, vector<16xf32>,
        %mul3A_578 = arith.mulf %gather3A_571, %gather3A : vector<16xf32>
        %swap3A_579 = arith.constant 368 : index
        %swap3A_580 = tpu.vector_load %arg15[%swap3A_579] {strides = array<i32>} : memref<544xf32, #tpu.memory_space<vmem>>, vector<16xf32>,
        tpu.vector_store %arg15[%swap3A_579], %mul3A_578 {add = true, strides = array<i32>} : memref<544xf32, #tpu.memory_space<vmem>>, vector<16xf32>,
        %mul3A_581 = arith.mulf %gather3A_571, %gather3A_447 : vector<16xf32>
        %swap3A_582 = arith.constant 496 : index
        %swap3A_583 = tpu.vector_load %arg15[%swap3A_582] {strides = array<i32>} : memref<544xf32, #tpu.memory_space<vmem>>, vector<16xf32>,
        tpu.vector_store %arg15[%swap3A_582], %mul3A_581 {add = true, strides = array<i32>} : memref<544xf32, #tpu.memory_space<vmem>>, vector<16xf32>,
        %while3A_584 = arith.constant 0 : i32
        scf.yield %while3A_584 : i32
      }
      scf.yield %max3A, %max3A_236, %add3A_260, %add3A_267 : f32, f32, vector<16xf32>, vector<16xf32>
    }
    %while3A_142 = arith.constant 1 : i32
    %while3A_143:4 = scf.for %while3A_177 = %while3A_139 to %while3A_135 step %while3A_142 iter_args(%while3A_178 = %while3A_141#0, %while3A_179 = %while3A_141#1, %while3A_180 = %while3A_141#2, %while3A_181 = %while3A_141#3) -> (f32, f32, vector<16xf32>, vector<16xf32>)  : i32 {
      %mul3A_182 = arith.constant 16 : i32
      %mul3A_183 = arith.muli %while3A_177, %mul3A_182 : i32
      %sub3A_184 = arith.subi %reduce_sum3A_19, %mul3A_183 : i32
      %lt3A = vector.broadcast %sub3A_184 : i32 to vector<16xi32>
      %lt3A_185 = arith.cmpi slt, %iota3A, %lt3A : vector<16xi32>
      %mul3A_186 = arith.constant 16 : i32
      %mul3A_187 = arith.muli %while3A_177, %mul3A_186 : i32
      %get3A_188 = arith.index_cast %mul3A_187 : i32 to index
      %get3A_189 = tpu.vector_load %arg10[%get3A_188] {strides = array<i32>} : memref<10000xi32, #tpu.memory_space<vmem>>, vector<16xi32>,
      %broadcast_in_dim3A_190 = vector.broadcast %mul3A_2 : i32 to vector<16xi32>
      %select_n3A_191 = arith.select %lt3A_185, %get3A_189, %broadcast_in_dim3A_190 : vector<16xi1>, vector<16xi32>
      %dma_start3A = arith.constant 0 : i32
      %dma_start3A_192 = tpu.memref_slice %arg2[%dma_start3A] : memref<640000xi32, #tpu.memory_space<hbm>> -> memref<640000xi32, #tpu.memory_space<hbm>>
      tpu.enqueue_indirect_dma source(%dma_start3A_192 : memref<640000xi32, #tpu.memory_space<hbm>>) target(%arg8 : memref<16xi32, #tpu.memory_space<vmem>>) offsets(%select_n3A_191 : vector<16xi32>) semaphore(%arg18 : memref<!tpu.dma_semaphore, #tpu.memory_space<semaphore_mem>>)
      %dma_start3A_193 = arith.constant 0 : i32
      %dma_start3A_194 = arith.constant 0 : i32
      %dma_start3A_195 = tpu.memref_slice %arg4[%dma_start3A_193, %dma_start3A_194] : memref<320000x128xf32, #tpu.memory_space<hbm>> -> memref<320000x128xf32, #tpu.memory_space<hbm>>
      tpu.enqueue_indirect_dma source(%dma_start3A_195 : memref<320000x128xf32, #tpu.memory_space<hbm>>) target(%arg13 : memref<16x128xf32, #tpu.memory_space<vmem>>) offsets(%select_n3A_191 : vector<16xi32>) semaphore(%arg21 : memref<!tpu.dma_semaphore, #tpu.memory_space<semaphore_mem>>)
      %dma_wait3A = arith.constant 0 : i32
      %dma_wait3A_196 = tpu.memref_slice %arg2[%dma_wait3A] : memref<640000xi32, #tpu.memory_space<hbm>> -> memref<640000xi32, #tpu.memory_space<hbm>>
      tpu.wait_indirect_dma semaphore(%arg18 : memref<!tpu.dma_semaphore, #tpu.memory_space<semaphore_mem>>) src(%dma_wait3A_196 : memref<640000xi32, #tpu.memory_space<hbm>>) dst(%arg8 : memref<16xi32, #tpu.memory_space<vmem>>)
      %get3A_197 = arith.constant 0 : index
      %get3A_198 = tpu.vector_load %arg8[%get3A_197] {strides = array<i32>} : memref<16xi32, #tpu.memory_space<vmem>>, vector<16xi32>,
      %dma_start3A_199 = arith.constant 0 : i32
      %dma_start3A_200 = arith.constant 0 : i32
      %dma_start3A_201 = tpu.memref_slice %arg3[%dma_start3A_199, %dma_start3A_200] : memref<10000x128xf32, #tpu.memory_space<hbm>> -> memref<10000x128xf32, #tpu.memory_space<hbm>>
      tpu.enqueue_indirect_dma source(%dma_start3A_201 : memref<10000x128xf32, #tpu.memory_space<hbm>>) target(%arg12 : memref<16x128xf32, #tpu.memory_space<vmem>>) offsets(%get3A_198 : vector<16xi32>) semaphore(%arg20 : memref<!tpu.dma_semaphore, #tpu.memory_space<semaphore_mem>>)
      %dma_wait3A_202 = arith.constant 0 : i32
      %dma_wait3A_203 = arith.constant 0 : i32
      %dma_wait3A_204 = tpu.memref_slice %arg3[%dma_wait3A_202, %dma_wait3A_203] : memref<10000x128xf32, #tpu.memory_space<hbm>> -> memref<10000x128xf32, #tpu.memory_space<hbm>>
      tpu.wait_indirect_dma semaphore(%arg20 : memref<!tpu.dma_semaphore, #tpu.memory_space<semaphore_mem>>) src(%dma_wait3A_204 : memref<10000x128xf32, #tpu.memory_space<hbm>>) dst(%arg12 : memref<16x128xf32, #tpu.memory_space<vmem>>)
      %dma_wait3A_205 = arith.constant 0 : i32
      %dma_wait3A_206 = arith.constant 0 : i32
      %dma_wait3A_207 = tpu.memref_slice %arg4[%dma_wait3A_205, %dma_wait3A_206] : memref<320000x128xf32, #tpu.memory_space<hbm>> -> memref<320000x128xf32, #tpu.memory_space<hbm>>
      tpu.wait_indirect_dma semaphore(%arg21 : memref<!tpu.dma_semaphore, #tpu.memory_space<semaphore_mem>>) src(%dma_wait3A_207 : memref<320000x128xf32, #tpu.memory_space<hbm>>) dst(%arg13 : memref<16x128xf32, #tpu.memory_space<vmem>>)
      %min3A = arith.constant 16 : i32
      %min3A_208 = arith.minsi %sub3A_184, %min3A : i32
      %broadcast_in_dim3A_209 = arith.constant -1.000000e+30 : f32
      %broadcast_in_dim3A_210 = vector.broadcast %broadcast_in_dim3A_209 : f32 to vector<16xf32>
      %while3A_211 = arith.constant 0 : i32
      %while3A_212 = arith.subi %min3A_208, %while3A_211 : i32
      %while3A_213 = arith.addi %while3A_211, %while3A_212 : i32
      %while3A_214 = arith.constant 1 : i32
      %while3A_215 = arith.divsi %while3A_212, %while3A_214 : i32
      %while3A_216 = arith.muli %while3A_215, %while3A_214 : i32
      %while3A_217 = arith.addi %while3A_211, %while3A_216 : i32
      %while3A_218 = arith.constant 1 : i32
      %while3A_219:2 = scf.for %while3A_444 = %while3A_211 to %while3A_217 step %while3A_218 iter_args(%while3A_445 = %broadcast_in_dim3A_210, %while3A_446 = %broadcast_in_dim3A_210) -> (vector<16xf32>, vector<16xf32>)  : i32 {
        %broadcast_in_dim3A_447 = vector.broadcast %while3A_444 : i32 to vector<16xi32>
        %add3A_448 = arith.constant 0 : i32
        %add3A_449 = vector.broadcast %add3A_448 : i32 to vector<16xi32>
        %add3A_450 = arith.addi %add3A_449, %iota3A : vector<16xi32>
        %gather3A = tpu.vector_load_idx %arg12[%broadcast_in_dim3A_447, %add3A_450] : memref<16x128xf32, #tpu.memory_space<vmem>>[vector<16xi32>, vector<16xi32>], vector<16xf32>,
        %gather3A_451 = tpu.vector_load_idx %arg13[%broadcast_in_dim3A_447, %add3A_450] : memref<16x128xf32, #tpu.memory_space<vmem>>[vector<16xi32>, vector<16xi32>], vector<16xf32>,
        %get3A_452 = arith.constant 0 : index
        %get3A_453 = tpu.vector_load %arg14[%get3A_452] {strides = array<i32>} : memref<1024xf32, #tpu.memory_space<vmem>>, vector<16xf32>,
        %mul3A_454 = arith.mulf %gather3A, %get3A_453 : vector<16xf32>
        %add3A_455 = arith.addf %broadcast_in_dim3A_41, %mul3A_454 : vector<16xf32>
        %get3A_456 = arith.constant 128 : index
        %get3A_457 = tpu.vector_load %arg14[%get3A_456] {strides = array<i32>} : memref<1024xf32, #tpu.memory_space<vmem>>, vector<16xf32>,
        %mul3A_458 = arith.mulf %gather3A, %get3A_457 : vector<16xf32>
        %add3A_459 = arith.addf %broadcast_in_dim3A_41, %mul3A_458 : vector<16xf32>
        %get3A_460 = arith.constant 256 : index
        %get3A_461 = tpu.vector_load %arg14[%get3A_460] {strides = array<i32>} : memref<1024xf32, #tpu.memory_space<vmem>>, vector<16xf32>,
        %mul3A_462 = arith.mulf %gather3A_451, %get3A_461 : vector<16xf32>
        %add3A_463 = arith.addf %broadcast_in_dim3A_41, %mul3A_462 : vector<16xf32>
        %get3A_464 = arith.constant 384 : index
        %get3A_465 = tpu.vector_load %arg14[%get3A_464] {strides = array<i32>} : memref<1024xf32, #tpu.memory_space<vmem>>, vector<16xf32>,
        %mul3A_466 = arith.mulf %gather3A_451, %get3A_465 : vector<16xf32>
        %add3A_467 = arith.addf %broadcast_in_dim3A_41, %mul3A_466 : vector<16xf32>
        %add3A_468 = arith.constant 16 : i32
        %add3A_469 = vector.broadcast %add3A_468 : i32 to vector<16xi32>
        %add3A_470 = arith.addi %add3A_469, %iota3A : vector<16xi32>
        %gather3A_471 = tpu.vector_load_idx %arg12[%broadcast_in_dim3A_447, %add3A_470] : memref<16x128xf32, #tpu.memory_space<vmem>>[vector<16xi32>, vector<16xi32>], vector<16xf32>,
        %gather3A_472 = tpu.vector_load_idx %arg13[%broadcast_in_dim3A_447, %add3A_470] : memref<16x128xf32, #tpu.memory_space<vmem>>[vector<16xi32>, vector<16xi32>], vector<16xf32>,
        %get3A_473 = arith.constant 16 : index
        %get3A_474 = tpu.vector_load %arg14[%get3A_473] {strides = array<i32>} : memref<1024xf32, #tpu.memory_space<vmem>>, vector<16xf32>,
        %mul3A_475 = arith.mulf %gather3A_471, %get3A_474 : vector<16xf32>
        %add3A_476 = arith.addf %add3A_455, %mul3A_475 : vector<16xf32>
        %get3A_477 = arith.constant 144 : index
        %get3A_478 = tpu.vector_load %arg14[%get3A_477] {strides = array<i32>} : memref<1024xf32, #tpu.memory_space<vmem>>, vector<16xf32>,
        %mul3A_479 = arith.mulf %gather3A_471, %get3A_478 : vector<16xf32>
        %add3A_480 = arith.addf %add3A_459, %mul3A_479 : vector<16xf32>
        %get3A_481 = arith.constant 272 : index
        %get3A_482 = tpu.vector_load %arg14[%get3A_481] {strides = array<i32>} : memref<1024xf32, #tpu.memory_space<vmem>>, vector<16xf32>,
        %mul3A_483 = arith.mulf %gather3A_472, %get3A_482 : vector<16xf32>
        %add3A_484 = arith.addf %add3A_463, %mul3A_483 : vector<16xf32>
        %get3A_485 = arith.constant 400 : index
        %get3A_486 = tpu.vector_load %arg14[%get3A_485] {strides = array<i32>} : memref<1024xf32, #tpu.memory_space<vmem>>, vector<16xf32>,
        %mul3A_487 = arith.mulf %gather3A_472, %get3A_486 : vector<16xf32>
        %add3A_488 = arith.addf %add3A_467, %mul3A_487 : vector<16xf32>
        %add3A_489 = arith.constant 32 : i32
        %add3A_490 = vector.broadcast %add3A_489 : i32 to vector<16xi32>
        %add3A_491 = arith.addi %add3A_490, %iota3A : vector<16xi32>
        %gather3A_492 = tpu.vector_load_idx %arg12[%broadcast_in_dim3A_447, %add3A_491] : memref<16x128xf32, #tpu.memory_space<vmem>>[vector<16xi32>, vector<16xi32>], vector<16xf32>,
        %gather3A_493 = tpu.vector_load_idx %arg13[%broadcast_in_dim3A_447, %add3A_491] : memref<16x128xf32, #tpu.memory_space<vmem>>[vector<16xi32>, vector<16xi32>], vector<16xf32>,
        %get3A_494 = arith.constant 32 : index
        %get3A_495 = tpu.vector_load %arg14[%get3A_494] {strides = array<i32>} : memref<1024xf32, #tpu.memory_space<vmem>>, vector<16xf32>,
        %mul3A_496 = arith.mulf %gather3A_492, %get3A_495 : vector<16xf32>
        %add3A_497 = arith.addf %add3A_476, %mul3A_496 : vector<16xf32>
        %get3A_498 = arith.constant 160 : index
        %get3A_499 = tpu.vector_load %arg14[%get3A_498] {strides = array<i32>} : memref<1024xf32, #tpu.memory_space<vmem>>, vector<16xf32>,
        %mul3A_500 = arith.mulf %gather3A_492, %get3A_499 : vector<16xf32>
        %add3A_501 = arith.addf %add3A_480, %mul3A_500 : vector<16xf32>
        %get3A_502 = arith.constant 288 : index
        %get3A_503 = tpu.vector_load %arg14[%get3A_502] {strides = array<i32>} : memref<1024xf32, #tpu.memory_space<vmem>>, vector<16xf32>,
        %mul3A_504 = arith.mulf %gather3A_493, %get3A_503 : vector<16xf32>
        %add3A_505 = arith.addf %add3A_484, %mul3A_504 : vector<16xf32>
        %get3A_506 = arith.constant 416 : index
        %get3A_507 = tpu.vector_load %arg14[%get3A_506] {strides = array<i32>} : memref<1024xf32, #tpu.memory_space<vmem>>, vector<16xf32>,
        %mul3A_508 = arith.mulf %gather3A_493, %get3A_507 : vector<16xf32>
        %add3A_509 = arith.addf %add3A_488, %mul3A_508 : vector<16xf32>
        %add3A_510 = arith.constant 48 : i32
        %add3A_511 = vector.broadcast %add3A_510 : i32 to vector<16xi32>
        %add3A_512 = arith.addi %add3A_511, %iota3A : vector<16xi32>
        %gather3A_513 = tpu.vector_load_idx %arg12[%broadcast_in_dim3A_447, %add3A_512] : memref<16x128xf32, #tpu.memory_space<vmem>>[vector<16xi32>, vector<16xi32>], vector<16xf32>,
        %gather3A_514 = tpu.vector_load_idx %arg13[%broadcast_in_dim3A_447, %add3A_512] : memref<16x128xf32, #tpu.memory_space<vmem>>[vector<16xi32>, vector<16xi32>], vector<16xf32>,
        %get3A_515 = arith.constant 48 : index
        %get3A_516 = tpu.vector_load %arg14[%get3A_515] {strides = array<i32>} : memref<1024xf32, #tpu.memory_space<vmem>>, vector<16xf32>,
        %mul3A_517 = arith.mulf %gather3A_513, %get3A_516 : vector<16xf32>
        %add3A_518 = arith.addf %add3A_497, %mul3A_517 : vector<16xf32>
        %get3A_519 = arith.constant 176 : index
        %get3A_520 = tpu.vector_load %arg14[%get3A_519] {strides = array<i32>} : memref<1024xf32, #tpu.memory_space<vmem>>, vector<16xf32>,
        %mul3A_521 = arith.mulf %gather3A_513, %get3A_520 : vector<16xf32>
        %add3A_522 = arith.addf %add3A_501, %mul3A_521 : vector<16xf32>
        %get3A_523 = arith.constant 304 : index
        %get3A_524 = tpu.vector_load %arg14[%get3A_523] {strides = array<i32>} : memref<1024xf32, #tpu.memory_space<vmem>>, vector<16xf32>,
        %mul3A_525 = arith.mulf %gather3A_514, %get3A_524 : vector<16xf32>
        %add3A_526 = arith.addf %add3A_505, %mul3A_525 : vector<16xf32>
        %get3A_527 = arith.constant 432 : index
        %get3A_528 = tpu.vector_load %arg14[%get3A_527] {strides = array<i32>} : memref<1024xf32, #tpu.memory_space<vmem>>, vector<16xf32>,
        %mul3A_529 = arith.mulf %gather3A_514, %get3A_528 : vector<16xf32>
        %add3A_530 = arith.addf %add3A_509, %mul3A_529 : vector<16xf32>
        %add3A_531 = arith.constant 64 : i32
        %add3A_532 = vector.broadcast %add3A_531 : i32 to vector<16xi32>
        %add3A_533 = arith.addi %add3A_532, %iota3A : vector<16xi32>
        %gather3A_534 = tpu.vector_load_idx %arg12[%broadcast_in_dim3A_447, %add3A_533] : memref<16x128xf32, #tpu.memory_space<vmem>>[vector<16xi32>, vector<16xi32>], vector<16xf32>,
        %gather3A_535 = tpu.vector_load_idx %arg13[%broadcast_in_dim3A_447, %add3A_533] : memref<16x128xf32, #tpu.memory_space<vmem>>[vector<16xi32>, vector<16xi32>], vector<16xf32>,
        %get3A_536 = arith.constant 64 : index
        %get3A_537 = tpu.vector_load %arg14[%get3A_536] {strides = array<i32>} : memref<1024xf32, #tpu.memory_space<vmem>>, vector<16xf32>,
        %mul3A_538 = arith.mulf %gather3A_534, %get3A_537 : vector<16xf32>
        %add3A_539 = arith.addf %add3A_518, %mul3A_538 : vector<16xf32>
        %get3A_540 = arith.constant 192 : index
        %get3A_541 = tpu.vector_load %arg14[%get3A_540] {strides = array<i32>} : memref<1024xf32, #tpu.memory_space<vmem>>, vector<16xf32>,
        %mul3A_542 = arith.mulf %gather3A_534, %get3A_541 : vector<16xf32>
        %add3A_543 = arith.addf %add3A_522, %mul3A_542 : vector<16xf32>
        %get3A_544 = arith.constant 320 : index
        %get3A_545 = tpu.vector_load %arg14[%get3A_544] {strides = array<i32>} : memref<1024xf32, #tpu.memory_space<vmem>>, vector<16xf32>,
        %mul3A_546 = arith.mulf %gather3A_535, %get3A_545 : vector<16xf32>
        %add3A_547 = arith.addf %add3A_526, %mul3A_546 : vector<16xf32>
        %get3A_548 = arith.constant 448 : index
        %get3A_549 = tpu.vector_load %arg14[%get3A_548] {strides = array<i32>} : memref<1024xf32, #tpu.memory_space<vmem>>, vector<16xf32>,
        %mul3A_550 = arith.mulf %gather3A_535, %get3A_549 : vector<16xf32>
        %add3A_551 = arith.addf %add3A_530, %mul3A_550 : vector<16xf32>
        %add3A_552 = arith.constant 80 : i32
        %add3A_553 = vector.broadcast %add3A_552 : i32 to vector<16xi32>
        %add3A_554 = arith.addi %add3A_553, %iota3A : vector<16xi32>
        %gather3A_555 = tpu.vector_load_idx %arg12[%broadcast_in_dim3A_447, %add3A_554] : memref<16x128xf32, #tpu.memory_space<vmem>>[vector<16xi32>, vector<16xi32>], vector<16xf32>,
        %gather3A_556 = tpu.vector_load_idx %arg13[%broadcast_in_dim3A_447, %add3A_554] : memref<16x128xf32, #tpu.memory_space<vmem>>[vector<16xi32>, vector<16xi32>], vector<16xf32>,
        %get3A_557 = arith.constant 80 : index
        %get3A_558 = tpu.vector_load %arg14[%get3A_557] {strides = array<i32>} : memref<1024xf32, #tpu.memory_space<vmem>>, vector<16xf32>,
        %mul3A_559 = arith.mulf %gather3A_555, %get3A_558 : vector<16xf32>
        %add3A_560 = arith.addf %add3A_539, %mul3A_559 : vector<16xf32>
        %get3A_561 = arith.constant 208 : index
        %get3A_562 = tpu.vector_load %arg14[%get3A_561] {strides = array<i32>} : memref<1024xf32, #tpu.memory_space<vmem>>, vector<16xf32>,
        %mul3A_563 = arith.mulf %gather3A_555, %get3A_562 : vector<16xf32>
        %add3A_564 = arith.addf %add3A_543, %mul3A_563 : vector<16xf32>
        %get3A_565 = arith.constant 336 : index
        %get3A_566 = tpu.vector_load %arg14[%get3A_565] {strides = array<i32>} : memref<1024xf32, #tpu.memory_space<vmem>>, vector<16xf32>,
        %mul3A_567 = arith.mulf %gather3A_556, %get3A_566 : vector<16xf32>
        %add3A_568 = arith.addf %add3A_547, %mul3A_567 : vector<16xf32>
        %get3A_569 = arith.constant 464 : index
        %get3A_570 = tpu.vector_load %arg14[%get3A_569] {strides = array<i32>} : memref<1024xf32, #tpu.memory_space<vmem>>, vector<16xf32>,
        %mul3A_571 = arith.mulf %gather3A_556, %get3A_570 : vector<16xf32>
        %add3A_572 = arith.addf %add3A_551, %mul3A_571 : vector<16xf32>
        %add3A_573 = arith.constant 96 : i32
        %add3A_574 = vector.broadcast %add3A_573 : i32 to vector<16xi32>
        %add3A_575 = arith.addi %add3A_574, %iota3A : vector<16xi32>
        %gather3A_576 = tpu.vector_load_idx %arg12[%broadcast_in_dim3A_447, %add3A_575] : memref<16x128xf32, #tpu.memory_space<vmem>>[vector<16xi32>, vector<16xi32>], vector<16xf32>,
        %gather3A_577 = tpu.vector_load_idx %arg13[%broadcast_in_dim3A_447, %add3A_575] : memref<16x128xf32, #tpu.memory_space<vmem>>[vector<16xi32>, vector<16xi32>], vector<16xf32>,
        %get3A_578 = arith.constant 96 : index
        %get3A_579 = tpu.vector_load %arg14[%get3A_578] {strides = array<i32>} : memref<1024xf32, #tpu.memory_space<vmem>>, vector<16xf32>,
        %mul3A_580 = arith.mulf %gather3A_576, %get3A_579 : vector<16xf32>
        %add3A_581 = arith.addf %add3A_560, %mul3A_580 : vector<16xf32>
        %get3A_582 = arith.constant 224 : index
        %get3A_583 = tpu.vector_load %arg14[%get3A_582] {strides = array<i32>} : memref<1024xf32, #tpu.memory_space<vmem>>, vector<16xf32>,
        %mul3A_584 = arith.mulf %gather3A_576, %get3A_583 : vector<16xf32>
        %add3A_585 = arith.addf %add3A_564, %mul3A_584 : vector<16xf32>
        %get3A_586 = arith.constant 352 : index
        %get3A_587 = tpu.vector_load %arg14[%get3A_586] {strides = array<i32>} : memref<1024xf32, #tpu.memory_space<vmem>>, vector<16xf32>,
        %mul3A_588 = arith.mulf %gather3A_577, %get3A_587 : vector<16xf32>
        %add3A_589 = arith.addf %add3A_568, %mul3A_588 : vector<16xf32>
        %get3A_590 = arith.constant 480 : index
        %get3A_591 = tpu.vector_load %arg14[%get3A_590] {strides = array<i32>} : memref<1024xf32, #tpu.memory_space<vmem>>, vector<16xf32>,
        %mul3A_592 = arith.mulf %gather3A_577, %get3A_591 : vector<16xf32>
        %add3A_593 = arith.addf %add3A_572, %mul3A_592 : vector<16xf32>
        %add3A_594 = arith.constant 112 : i32
        %add3A_595 = vector.broadcast %add3A_594 : i32 to vector<16xi32>
        %add3A_596 = arith.addi %add3A_595, %iota3A : vector<16xi32>
        %gather3A_597 = tpu.vector_load_idx %arg12[%broadcast_in_dim3A_447, %add3A_596] : memref<16x128xf32, #tpu.memory_space<vmem>>[vector<16xi32>, vector<16xi32>], vector<16xf32>,
        %gather3A_598 = tpu.vector_load_idx %arg13[%broadcast_in_dim3A_447, %add3A_596] : memref<16x128xf32, #tpu.memory_space<vmem>>[vector<16xi32>, vector<16xi32>], vector<16xf32>,
        %get3A_599 = arith.constant 112 : index
        %get3A_600 = tpu.vector_load %arg14[%get3A_599] {strides = array<i32>} : memref<1024xf32, #tpu.memory_space<vmem>>, vector<16xf32>,
        %mul3A_601 = arith.mulf %gather3A_597, %get3A_600 : vector<16xf32>
        %add3A_602 = arith.addf %add3A_581, %mul3A_601 : vector<16xf32>
        %get3A_603 = arith.constant 240 : index
        %get3A_604 = tpu.vector_load %arg14[%get3A_603] {strides = array<i32>} : memref<1024xf32, #tpu.memory_space<vmem>>, vector<16xf32>,
        %mul3A_605 = arith.mulf %gather3A_597, %get3A_604 : vector<16xf32>
        %add3A_606 = arith.addf %add3A_585, %mul3A_605 : vector<16xf32>
        %get3A_607 = arith.constant 368 : index
        %get3A_608 = tpu.vector_load %arg14[%get3A_607] {strides = array<i32>} : memref<1024xf32, #tpu.memory_space<vmem>>, vector<16xf32>,
        %mul3A_609 = arith.mulf %gather3A_598, %get3A_608 : vector<16xf32>
        %add3A_610 = arith.addf %add3A_589, %mul3A_609 : vector<16xf32>
        %get3A_611 = arith.constant 496 : index
        %get3A_612 = tpu.vector_load %arg14[%get3A_611] {strides = array<i32>} : memref<1024xf32, #tpu.memory_space<vmem>>, vector<16xf32>,
        %mul3A_613 = arith.mulf %gather3A_598, %get3A_612 : vector<16xf32>
        %add3A_614 = arith.addf %add3A_593, %mul3A_613 : vector<16xf32>
        %add3A_615 = arith.addf %add3A_602, %add3A_610 : vector<16xf32>
        %reduce_sum3A_616 = arith.constant true
        %reduce_sum3A_617 = vector.broadcast %reduce_sum3A_616 : i1 to vector<16xi1>
        %reduce_sum3A_618 = tpu.scan <sum>, %add3A_615 masked %reduce_sum3A_617 : vector<16xf32>, vector<16xi1> -> vector<16xf32>
        %reduce_sum3A_619 = vector.extract %reduce_sum3A_618[15] : f32 from vector<16xf32>
        %add3A_620 = arith.addf %reduce_sum3A_619, %squeeze3A : f32
        %add3A_621 = arith.addf %add3A_606, %add3A_614 : vector<16xf32>
        %reduce_sum3A_622 = arith.constant true
        %reduce_sum3A_623 = vector.broadcast %reduce_sum3A_622 : i1 to vector<16xi1>
        %reduce_sum3A_624 = tpu.scan <sum>, %add3A_621 masked %reduce_sum3A_623 : vector<16xf32>, vector<16xi1> -> vector<16xf32>
        %reduce_sum3A_625 = vector.extract %reduce_sum3A_624[15] : f32 from vector<16xf32>
        %add3A_626 = arith.addf %reduce_sum3A_625, %squeeze3A_109 : f32
        %eq3A_627 = vector.broadcast %while3A_444 : i32 to vector<16xi32>
        %eq3A_628 = arith.cmpi eq, %iota3A, %eq3A_627 : vector<16xi32>
        %broadcast_in_dim3A_629 = vector.broadcast %add3A_620 : f32 to vector<16xf32>
        %select_n3A_630 = arith.select %eq3A_628, %broadcast_in_dim3A_629, %while3A_445 : vector<16xi1>, vector<16xf32>
        %broadcast_in_dim3A_631 = vector.broadcast %add3A_626 : f32 to vector<16xf32>
        %select_n3A_632 = arith.select %eq3A_628, %broadcast_in_dim3A_631, %while3A_446 : vector<16xi1>, vector<16xf32>
        scf.yield %select_n3A_630, %select_n3A_632 : vector<16xf32>, vector<16xf32>
      }
      %while3A_220 = arith.constant 1 : i32
      %while3A_221:2 = scf.for %while3A_444 = %while3A_217 to %while3A_213 step %while3A_220 iter_args(%while3A_445 = %while3A_219#0, %while3A_446 = %while3A_219#1) -> (vector<16xf32>, vector<16xf32>)  : i32 {
        %broadcast_in_dim3A_447 = vector.broadcast %while3A_444 : i32 to vector<16xi32>
        %add3A_448 = arith.constant 0 : i32
        %add3A_449 = vector.broadcast %add3A_448 : i32 to vector<16xi32>
        %add3A_450 = arith.addi %add3A_449, %iota3A : vector<16xi32>
        %gather3A = tpu.vector_load_idx %arg12[%broadcast_in_dim3A_447, %add3A_450] : memref<16x128xf32, #tpu.memory_space<vmem>>[vector<16xi32>, vector<16xi32>], vector<16xf32>,
        %gather3A_451 = tpu.vector_load_idx %arg13[%broadcast_in_dim3A_447, %add3A_450] : memref<16x128xf32, #tpu.memory_space<vmem>>[vector<16xi32>, vector<16xi32>], vector<16xf32>,
        %get3A_452 = arith.constant 0 : index
        %get3A_453 = tpu.vector_load %arg14[%get3A_452] {strides = array<i32>} : memref<1024xf32, #tpu.memory_space<vmem>>, vector<16xf32>,
        %mul3A_454 = arith.mulf %gather3A, %get3A_453 : vector<16xf32>
        %add3A_455 = arith.addf %broadcast_in_dim3A_41, %mul3A_454 : vector<16xf32>
        %get3A_456 = arith.constant 128 : index
        %get3A_457 = tpu.vector_load %arg14[%get3A_456] {strides = array<i32>} : memref<1024xf32, #tpu.memory_space<vmem>>, vector<16xf32>,
        %mul3A_458 = arith.mulf %gather3A, %get3A_457 : vector<16xf32>
        %add3A_459 = arith.addf %broadcast_in_dim3A_41, %mul3A_458 : vector<16xf32>
        %get3A_460 = arith.constant 256 : index
        %get3A_461 = tpu.vector_load %arg14[%get3A_460] {strides = array<i32>} : memref<1024xf32, #tpu.memory_space<vmem>>, vector<16xf32>,
        %mul3A_462 = arith.mulf %gather3A_451, %get3A_461 : vector<16xf32>
        %add3A_463 = arith.addf %broadcast_in_dim3A_41, %mul3A_462 : vector<16xf32>
        %get3A_464 = arith.constant 384 : index
        %get3A_465 = tpu.vector_load %arg14[%get3A_464] {strides = array<i32>} : memref<1024xf32, #tpu.memory_space<vmem>>, vector<16xf32>,
        %mul3A_466 = arith.mulf %gather3A_451, %get3A_465 : vector<16xf32>
        %add3A_467 = arith.addf %broadcast_in_dim3A_41, %mul3A_466 : vector<16xf32>
        %add3A_468 = arith.constant 16 : i32
        %add3A_469 = vector.broadcast %add3A_468 : i32 to vector<16xi32>
        %add3A_470 = arith.addi %add3A_469, %iota3A : vector<16xi32>
        %gather3A_471 = tpu.vector_load_idx %arg12[%broadcast_in_dim3A_447, %add3A_470] : memref<16x128xf32, #tpu.memory_space<vmem>>[vector<16xi32>, vector<16xi32>], vector<16xf32>,
        %gather3A_472 = tpu.vector_load_idx %arg13[%broadcast_in_dim3A_447, %add3A_470] : memref<16x128xf32, #tpu.memory_space<vmem>>[vector<16xi32>, vector<16xi32>], vector<16xf32>,
        %get3A_473 = arith.constant 16 : index
        %get3A_474 = tpu.vector_load %arg14[%get3A_473] {strides = array<i32>} : memref<1024xf32, #tpu.memory_space<vmem>>, vector<16xf32>,
        %mul3A_475 = arith.mulf %gather3A_471, %get3A_474 : vector<16xf32>
        %add3A_476 = arith.addf %add3A_455, %mul3A_475 : vector<16xf32>
        %get3A_477 = arith.constant 144 : index
        %get3A_478 = tpu.vector_load %arg14[%get3A_477] {strides = array<i32>} : memref<1024xf32, #tpu.memory_space<vmem>>, vector<16xf32>,
        %mul3A_479 = arith.mulf %gather3A_471, %get3A_478 : vector<16xf32>
        %add3A_480 = arith.addf %add3A_459, %mul3A_479 : vector<16xf32>
        %get3A_481 = arith.constant 272 : index
        %get3A_482 = tpu.vector_load %arg14[%get3A_481] {strides = array<i32>} : memref<1024xf32, #tpu.memory_space<vmem>>, vector<16xf32>,
        %mul3A_483 = arith.mulf %gather3A_472, %get3A_482 : vector<16xf32>
        %add3A_484 = arith.addf %add3A_463, %mul3A_483 : vector<16xf32>
        %get3A_485 = arith.constant 400 : index
        %get3A_486 = tpu.vector_load %arg14[%get3A_485] {strides = array<i32>} : memref<1024xf32, #tpu.memory_space<vmem>>, vector<16xf32>,
        %mul3A_487 = arith.mulf %gather3A_472, %get3A_486 : vector<16xf32>
        %add3A_488 = arith.addf %add3A_467, %mul3A_487 : vector<16xf32>
        %add3A_489 = arith.constant 32 : i32
        %add3A_490 = vector.broadcast %add3A_489 : i32 to vector<16xi32>
        %add3A_491 = arith.addi %add3A_490, %iota3A : vector<16xi32>
        %gather3A_492 = tpu.vector_load_idx %arg12[%broadcast_in_dim3A_447, %add3A_491] : memref<16x128xf32, #tpu.memory_space<vmem>>[vector<16xi32>, vector<16xi32>], vector<16xf32>,
        %gather3A_493 = tpu.vector_load_idx %arg13[%broadcast_in_dim3A_447, %add3A_491] : memref<16x128xf32, #tpu.memory_space<vmem>>[vector<16xi32>, vector<16xi32>], vector<16xf32>,
        %get3A_494 = arith.constant 32 : index
        %get3A_495 = tpu.vector_load %arg14[%get3A_494] {strides = array<i32>} : memref<1024xf32, #tpu.memory_space<vmem>>, vector<16xf32>,
        %mul3A_496 = arith.mulf %gather3A_492, %get3A_495 : vector<16xf32>
        %add3A_497 = arith.addf %add3A_476, %mul3A_496 : vector<16xf32>
        %get3A_498 = arith.constant 160 : index
        %get3A_499 = tpu.vector_load %arg14[%get3A_498] {strides = array<i32>} : memref<1024xf32, #tpu.memory_space<vmem>>, vector<16xf32>,
        %mul3A_500 = arith.mulf %gather3A_492, %get3A_499 : vector<16xf32>
        %add3A_501 = arith.addf %add3A_480, %mul3A_500 : vector<16xf32>
        %get3A_502 = arith.constant 288 : index
        %get3A_503 = tpu.vector_load %arg14[%get3A_502] {strides = array<i32>} : memref<1024xf32, #tpu.memory_space<vmem>>, vector<16xf32>,
        %mul3A_504 = arith.mulf %gather3A_493, %get3A_503 : vector<16xf32>
        %add3A_505 = arith.addf %add3A_484, %mul3A_504 : vector<16xf32>
        %get3A_506 = arith.constant 416 : index
        %get3A_507 = tpu.vector_load %arg14[%get3A_506] {strides = array<i32>} : memref<1024xf32, #tpu.memory_space<vmem>>, vector<16xf32>,
        %mul3A_508 = arith.mulf %gather3A_493, %get3A_507 : vector<16xf32>
        %add3A_509 = arith.addf %add3A_488, %mul3A_508 : vector<16xf32>
        %add3A_510 = arith.constant 48 : i32
        %add3A_511 = vector.broadcast %add3A_510 : i32 to vector<16xi32>
        %add3A_512 = arith.addi %add3A_511, %iota3A : vector<16xi32>
        %gather3A_513 = tpu.vector_load_idx %arg12[%broadcast_in_dim3A_447, %add3A_512] : memref<16x128xf32, #tpu.memory_space<vmem>>[vector<16xi32>, vector<16xi32>], vector<16xf32>,
        %gather3A_514 = tpu.vector_load_idx %arg13[%broadcast_in_dim3A_447, %add3A_512] : memref<16x128xf32, #tpu.memory_space<vmem>>[vector<16xi32>, vector<16xi32>], vector<16xf32>,
        %get3A_515 = arith.constant 48 : index
        %get3A_516 = tpu.vector_load %arg14[%get3A_515] {strides = array<i32>} : memref<1024xf32, #tpu.memory_space<vmem>>, vector<16xf32>,
        %mul3A_517 = arith.mulf %gather3A_513, %get3A_516 : vector<16xf32>
        %add3A_518 = arith.addf %add3A_497, %mul3A_517 : vector<16xf32>
        %get3A_519 = arith.constant 176 : index
        %get3A_520 = tpu.vector_load %arg14[%get3A_519] {strides = array<i32>} : memref<1024xf32, #tpu.memory_space<vmem>>, vector<16xf32>,
        %mul3A_521 = arith.mulf %gather3A_513, %get3A_520 : vector<16xf32>
        %add3A_522 = arith.addf %add3A_501, %mul3A_521 : vector<16xf32>
        %get3A_523 = arith.constant 304 : index
        %get3A_524 = tpu.vector_load %arg14[%get3A_523] {strides = array<i32>} : memref<1024xf32, #tpu.memory_space<vmem>>, vector<16xf32>,
        %mul3A_525 = arith.mulf %gather3A_514, %get3A_524 : vector<16xf32>
        %add3A_526 = arith.addf %add3A_505, %mul3A_525 : vector<16xf32>
        %get3A_527 = arith.constant 432 : index
        %get3A_528 = tpu.vector_load %arg14[%get3A_527] {strides = array<i32>} : memref<1024xf32, #tpu.memory_space<vmem>>, vector<16xf32>,
        %mul3A_529 = arith.mulf %gather3A_514, %get3A_528 : vector<16xf32>
        %add3A_530 = arith.addf %add3A_509, %mul3A_529 : vector<16xf32>
        %add3A_531 = arith.constant 64 : i32
        %add3A_532 = vector.broadcast %add3A_531 : i32 to vector<16xi32>
        %add3A_533 = arith.addi %add3A_532, %iota3A : vector<16xi32>
        %gather3A_534 = tpu.vector_load_idx %arg12[%broadcast_in_dim3A_447, %add3A_533] : memref<16x128xf32, #tpu.memory_space<vmem>>[vector<16xi32>, vector<16xi32>], vector<16xf32>,
        %gather3A_535 = tpu.vector_load_idx %arg13[%broadcast_in_dim3A_447, %add3A_533] : memref<16x128xf32, #tpu.memory_space<vmem>>[vector<16xi32>, vector<16xi32>], vector<16xf32>,
        %get3A_536 = arith.constant 64 : index
        %get3A_537 = tpu.vector_load %arg14[%get3A_536] {strides = array<i32>} : memref<1024xf32, #tpu.memory_space<vmem>>, vector<16xf32>,
        %mul3A_538 = arith.mulf %gather3A_534, %get3A_537 : vector<16xf32>
        %add3A_539 = arith.addf %add3A_518, %mul3A_538 : vector<16xf32>
        %get3A_540 = arith.constant 192 : index
        %get3A_541 = tpu.vector_load %arg14[%get3A_540] {strides = array<i32>} : memref<1024xf32, #tpu.memory_space<vmem>>, vector<16xf32>,
        %mul3A_542 = arith.mulf %gather3A_534, %get3A_541 : vector<16xf32>
        %add3A_543 = arith.addf %add3A_522, %mul3A_542 : vector<16xf32>
        %get3A_544 = arith.constant 320 : index
        %get3A_545 = tpu.vector_load %arg14[%get3A_544] {strides = array<i32>} : memref<1024xf32, #tpu.memory_space<vmem>>, vector<16xf32>,
        %mul3A_546 = arith.mulf %gather3A_535, %get3A_545 : vector<16xf32>
        %add3A_547 = arith.addf %add3A_526, %mul3A_546 : vector<16xf32>
        %get3A_548 = arith.constant 448 : index
        %get3A_549 = tpu.vector_load %arg14[%get3A_548] {strides = array<i32>} : memref<1024xf32, #tpu.memory_space<vmem>>, vector<16xf32>,
        %mul3A_550 = arith.mulf %gather3A_535, %get3A_549 : vector<16xf32>
        %add3A_551 = arith.addf %add3A_530, %mul3A_550 : vector<16xf32>
        %add3A_552 = arith.constant 80 : i32
        %add3A_553 = vector.broadcast %add3A_552 : i32 to vector<16xi32>
        %add3A_554 = arith.addi %add3A_553, %iota3A : vector<16xi32>
        %gather3A_555 = tpu.vector_load_idx %arg12[%broadcast_in_dim3A_447, %add3A_554] : memref<16x128xf32, #tpu.memory_space<vmem>>[vector<16xi32>, vector<16xi32>], vector<16xf32>,
        %gather3A_556 = tpu.vector_load_idx %arg13[%broadcast_in_dim3A_447, %add3A_554] : memref<16x128xf32, #tpu.memory_space<vmem>>[vector<16xi32>, vector<16xi32>], vector<16xf32>,
        %get3A_557 = arith.constant 80 : index
        %get3A_558 = tpu.vector_load %arg14[%get3A_557] {strides = array<i32>} : memref<1024xf32, #tpu.memory_space<vmem>>, vector<16xf32>,
        %mul3A_559 = arith.mulf %gather3A_555, %get3A_558 : vector<16xf32>
        %add3A_560 = arith.addf %add3A_539, %mul3A_559 : vector<16xf32>
        %get3A_561 = arith.constant 208 : index
        %get3A_562 = tpu.vector_load %arg14[%get3A_561] {strides = array<i32>} : memref<1024xf32, #tpu.memory_space<vmem>>, vector<16xf32>,
        %mul3A_563 = arith.mulf %gather3A_555, %get3A_562 : vector<16xf32>
        %add3A_564 = arith.addf %add3A_543, %mul3A_563 : vector<16xf32>
        %get3A_565 = arith.constant 336 : index
        %get3A_566 = tpu.vector_load %arg14[%get3A_565] {strides = array<i32>} : memref<1024xf32, #tpu.memory_space<vmem>>, vector<16xf32>,
        %mul3A_567 = arith.mulf %gather3A_556, %get3A_566 : vector<16xf32>
        %add3A_568 = arith.addf %add3A_547, %mul3A_567 : vector<16xf32>
        %get3A_569 = arith.constant 464 : index
        %get3A_570 = tpu.vector_load %arg14[%get3A_569] {strides = array<i32>} : memref<1024xf32, #tpu.memory_space<vmem>>, vector<16xf32>,
        %mul3A_571 = arith.mulf %gather3A_556, %get3A_570 : vector<16xf32>
        %add3A_572 = arith.addf %add3A_551, %mul3A_571 : vector<16xf32>
        %add3A_573 = arith.constant 96 : i32
        %add3A_574 = vector.broadcast %add3A_573 : i32 to vector<16xi32>
        %add3A_575 = arith.addi %add3A_574, %iota3A : vector<16xi32>
        %gather3A_576 = tpu.vector_load_idx %arg12[%broadcast_in_dim3A_447, %add3A_575] : memref<16x128xf32, #tpu.memory_space<vmem>>[vector<16xi32>, vector<16xi32>], vector<16xf32>,
        %gather3A_577 = tpu.vector_load_idx %arg13[%broadcast_in_dim3A_447, %add3A_575] : memref<16x128xf32, #tpu.memory_space<vmem>>[vector<16xi32>, vector<16xi32>], vector<16xf32>,
        %get3A_578 = arith.constant 96 : index
        %get3A_579 = tpu.vector_load %arg14[%get3A_578] {strides = array<i32>} : memref<1024xf32, #tpu.memory_space<vmem>>, vector<16xf32>,
        %mul3A_580 = arith.mulf %gather3A_576, %get3A_579 : vector<16xf32>
        %add3A_581 = arith.addf %add3A_560, %mul3A_580 : vector<16xf32>
        %get3A_582 = arith.constant 224 : index
        %get3A_583 = tpu.vector_load %arg14[%get3A_582] {strides = array<i32>} : memref<1024xf32, #tpu.memory_space<vmem>>, vector<16xf32>,
        %mul3A_584 = arith.mulf %gather3A_576, %get3A_583 : vector<16xf32>
        %add3A_585 = arith.addf %add3A_564, %mul3A_584 : vector<16xf32>
        %get3A_586 = arith.constant 352 : index
        %get3A_587 = tpu.vector_load %arg14[%get3A_586] {strides = array<i32>} : memref<1024xf32, #tpu.memory_space<vmem>>, vector<16xf32>,
        %mul3A_588 = arith.mulf %gather3A_577, %get3A_587 : vector<16xf32>
        %add3A_589 = arith.addf %add3A_568, %mul3A_588 : vector<16xf32>
        %get3A_590 = arith.constant 480 : index
        %get3A_591 = tpu.vector_load %arg14[%get3A_590] {strides = array<i32>} : memref<1024xf32, #tpu.memory_space<vmem>>, vector<16xf32>,
        %mul3A_592 = arith.mulf %gather3A_577, %get3A_591 : vector<16xf32>
        %add3A_593 = arith.addf %add3A_572, %mul3A_592 : vector<16xf32>
        %add3A_594 = arith.constant 112 : i32
        %add3A_595 = vector.broadcast %add3A_594 : i32 to vector<16xi32>
        %add3A_596 = arith.addi %add3A_595, %iota3A : vector<16xi32>
        %gather3A_597 = tpu.vector_load_idx %arg12[%broadcast_in_dim3A_447, %add3A_596] : memref<16x128xf32, #tpu.memory_space<vmem>>[vector<16xi32>, vector<16xi32>], vector<16xf32>,
        %gather3A_598 = tpu.vector_load_idx %arg13[%broadcast_in_dim3A_447, %add3A_596] : memref<16x128xf32, #tpu.memory_space<vmem>>[vector<16xi32>, vector<16xi32>], vector<16xf32>,
        %get3A_599 = arith.constant 112 : index
        %get3A_600 = tpu.vector_load %arg14[%get3A_599] {strides = array<i32>} : memref<1024xf32, #tpu.memory_space<vmem>>, vector<16xf32>,
        %mul3A_601 = arith.mulf %gather3A_597, %get3A_600 : vector<16xf32>
        %add3A_602 = arith.addf %add3A_581, %mul3A_601 : vector<16xf32>
        %get3A_603 = arith.constant 240 : index
        %get3A_604 = tpu.vector_load %arg14[%get3A_603] {strides = array<i32>} : memref<1024xf32, #tpu.memory_space<vmem>>, vector<16xf32>,
        %mul3A_605 = arith.mulf %gather3A_597, %get3A_604 : vector<16xf32>
        %add3A_606 = arith.addf %add3A_585, %mul3A_605 : vector<16xf32>
        %get3A_607 = arith.constant 368 : index
        %get3A_608 = tpu.vector_load %arg14[%get3A_607] {strides = array<i32>} : memref<1024xf32, #tpu.memory_space<vmem>>, vector<16xf32>,
        %mul3A_609 = arith.mulf %gather3A_598, %get3A_608 : vector<16xf32>
        %add3A_610 = arith.addf %add3A_589, %mul3A_609 : vector<16xf32>
        %get3A_611 = arith.constant 496 : index
        %get3A_612 = tpu.vector_load %arg14[%get3A_611] {strides = array<i32>} : memref<1024xf32, #tpu.memory_space<vmem>>, vector<16xf32>,
        %mul3A_613 = arith.mulf %gather3A_598, %get3A_612 : vector<16xf32>
        %add3A_614 = arith.addf %add3A_593, %mul3A_613 : vector<16xf32>
        %add3A_615 = arith.addf %add3A_602, %add3A_610 : vector<16xf32>
        %reduce_sum3A_616 = arith.constant true
        %reduce_sum3A_617 = vector.broadcast %reduce_sum3A_616 : i1 to vector<16xi1>
        %reduce_sum3A_618 = tpu.scan <sum>, %add3A_615 masked %reduce_sum3A_617 : vector<16xf32>, vector<16xi1> -> vector<16xf32>
        %reduce_sum3A_619 = vector.extract %reduce_sum3A_618[15] : f32 from vector<16xf32>
        %add3A_620 = arith.addf %reduce_sum3A_619, %squeeze3A : f32
        %add3A_621 = arith.addf %add3A_606, %add3A_614 : vector<16xf32>
        %reduce_sum3A_622 = arith.constant true
        %reduce_sum3A_623 = vector.broadcast %reduce_sum3A_622 : i1 to vector<16xi1>
        %reduce_sum3A_624 = tpu.scan <sum>, %add3A_621 masked %reduce_sum3A_623 : vector<16xf32>, vector<16xi1> -> vector<16xf32>
        %reduce_sum3A_625 = vector.extract %reduce_sum3A_624[15] : f32 from vector<16xf32>
        %add3A_626 = arith.addf %reduce_sum3A_625, %squeeze3A_109 : f32
        %eq3A_627 = vector.broadcast %while3A_444 : i32 to vector<16xi32>
        %eq3A_628 = arith.cmpi eq, %iota3A, %eq3A_627 : vector<16xi32>
        %broadcast_in_dim3A_629 = vector.broadcast %add3A_620 : f32 to vector<16xf32>
        %select_n3A_630 = arith.select %eq3A_628, %broadcast_in_dim3A_629, %while3A_445 : vector<16xi1>, vector<16xf32>
        %broadcast_in_dim3A_631 = vector.broadcast %add3A_626 : f32 to vector<16xf32>
        %select_n3A_632 = arith.select %eq3A_628, %broadcast_in_dim3A_631, %while3A_446 : vector<16xi1>, vector<16xf32>
        scf.yield %select_n3A_630, %select_n3A_632 : vector<16xf32>, vector<16xf32>
      }
      %jit3A_222 = arith.constant -1.000000e+30 : f32
      %broadcast_in_dim3A_223 = vector.broadcast %jit3A_222 : f32 to vector<16xf32>
      %select_n3A_224 = arith.select %lt3A_185, %while3A_221#0, %broadcast_in_dim3A_223 : vector<16xi1>, vector<16xf32>
      %jit3A_225 = arith.constant -1.000000e+30 : f32
      %broadcast_in_dim3A_226 = vector.broadcast %jit3A_225 : f32 to vector<16xf32>
      %select_n3A_227 = arith.select %lt3A_185, %while3A_221#1, %broadcast_in_dim3A_226 : vector<16xi1>, vector<16xf32>
      %reduce_max3A_228 = arith.constant true
      %reduce_max3A_229 = vector.broadcast %reduce_max3A_228 : i1 to vector<16xi1>
      %reduce_max3A_230 = tpu.scan <max>, %select_n3A_224 masked %reduce_max3A_229 : vector<16xf32>, vector<16xi1> -> vector<16xf32>
      %reduce_max3A_231 = vector.extract %reduce_max3A_230[15] : f32 from vector<16xf32>
      %reduce_max3A_232 = arith.constant true
      %reduce_max3A_233 = vector.broadcast %reduce_max3A_232 : i1 to vector<16xi1>
      %reduce_max3A_234 = tpu.scan <max>, %select_n3A_227 masked %reduce_max3A_233 : vector<16xf32>, vector<16xi1> -> vector<16xf32>
      %reduce_max3A_235 = vector.extract %reduce_max3A_234[15] : f32 from vector<16xf32>
      %max3A = arith.maximumf %while3A_178, %reduce_max3A_231 : f32
      %max3A_236 = arith.maximumf %while3A_179, %reduce_max3A_235 : f32
      %sub3A_237 = arith.subf %while3A_178, %max3A : f32
      %broadcast_in_dim3A_238 = vector.broadcast %sub3A_237 : f32 to vector<16xf32>
      %exp3A = math.exp %broadcast_in_dim3A_238 : vector<16xf32>
      %sub3A_239 = arith.subf %while3A_179, %max3A_236 : f32
      %broadcast_in_dim3A_240 = vector.broadcast %sub3A_239 : f32 to vector<16xf32>
      %exp3A_241 = math.exp %broadcast_in_dim3A_240 : vector<16xf32>
      %sub3A_242 = vector.broadcast %max3A : f32 to vector<16xf32>
      %sub3A_243 = arith.subf %select_n3A_224, %sub3A_242 : vector<16xf32>
      %exp3A_244 = math.exp %sub3A_243 : vector<16xf32>
      %jit3A_245 = arith.constant 0.000000e+00 : f32
      %broadcast_in_dim3A_246 = vector.broadcast %jit3A_245 : f32 to vector<16xf32>
      %select_n3A_247 = arith.select %lt3A_185, %exp3A_244, %broadcast_in_dim3A_246 : vector<16xi1>, vector<16xf32>
      %sub3A_248 = vector.broadcast %max3A_236 : f32 to vector<16xf32>
      %sub3A_249 = arith.subf %select_n3A_227, %sub3A_248 : vector<16xf32>
      %exp3A_250 = math.exp %sub3A_249 : vector<16xf32>
      %jit3A_251 = arith.constant 0.000000e+00 : f32
      %broadcast_in_dim3A_252 = vector.broadcast %jit3A_251 : f32 to vector<16xf32>
      %select_n3A_253 = arith.select %lt3A_185, %exp3A_250, %broadcast_in_dim3A_252 : vector<16xi1>, vector<16xf32>
      %mul3A_254 = arith.mulf %while3A_180, %exp3A : vector<16xf32>
      %reduce_sum3A_255 = arith.constant true
      %reduce_sum3A_256 = vector.broadcast %reduce_sum3A_255 : i1 to vector<16xi1>
      %reduce_sum3A_257 = tpu.scan <sum>, %select_n3A_247 masked %reduce_sum3A_256 : vector<16xf32>, vector<16xi1> -> vector<16xf32>
      %reduce_sum3A_258 = vector.extract %reduce_sum3A_257[15] : f32 from vector<16xf32>
      %add3A_259 = vector.broadcast %reduce_sum3A_258 : f32 to vector<16xf32>
      %add3A_260 = arith.addf %mul3A_254, %add3A_259 : vector<16xf32>
      %mul3A_261 = arith.mulf %while3A_181, %exp3A_241 : vector<16xf32>
      %reduce_sum3A_262 = arith.constant true
      %reduce_sum3A_263 = vector.broadcast %reduce_sum3A_262 : i1 to vector<16xi1>
      %reduce_sum3A_264 = tpu.scan <sum>, %select_n3A_253 masked %reduce_sum3A_263 : vector<16xf32>, vector<16xi1> -> vector<16xf32>
      %reduce_sum3A_265 = vector.extract %reduce_sum3A_264[15] : f32 from vector<16xf32>
      %add3A_266 = vector.broadcast %reduce_sum3A_265 : f32 to vector<16xf32>
      %add3A_267 = arith.addf %mul3A_261, %add3A_266 : vector<16xf32>
      %swap3A_268 = arith.constant 0 : index
      %swap3A_269 = tpu.vector_load %arg16[%swap3A_268] {strides = array<i32>} : memref<16xf32, #tpu.memory_space<vmem>>, vector<16xf32>,
      tpu.vector_store %arg16[%swap3A_268], %select_n3A_247 {strides = array<i32>} : memref<16xf32, #tpu.memory_space<vmem>>, vector<16xf32>,
      %swap3A_270 = arith.constant 0 : index
      %swap3A_271 = tpu.vector_load %arg17[%swap3A_270] {strides = array<i32>} : memref<16xf32, #tpu.memory_space<vmem>>, vector<16xf32>,
      tpu.vector_store %arg17[%swap3A_270], %select_n3A_253 {strides = array<i32>} : memref<16xf32, #tpu.memory_space<vmem>>, vector<16xf32>,
      %get3A_272 = arith.constant 0 : index
      %get3A_273 = tpu.vector_load %arg15[%get3A_272] {strides = array<i32>} : memref<544xf32, #tpu.memory_space<vmem>>, vector<16xf32>,
      %mul3A_274 = arith.mulf %get3A_273, %exp3A : vector<16xf32>
      %swap3A_275 = arith.constant 0 : index
      %swap3A_276 = tpu.vector_load %arg15[%swap3A_275] {strides = array<i32>} : memref<544xf32, #tpu.memory_space<vmem>>, vector<16xf32>,
      tpu.vector_store %arg15[%swap3A_275], %mul3A_274 {strides = array<i32>} : memref<544xf32, #tpu.memory_space<vmem>>, vector<16xf32>,
      %get3A_277 = arith.constant 128 : index
      %get3A_278 = tpu.vector_load %arg15[%get3A_277] {strides = array<i32>} : memref<544xf32, #tpu.memory_space<vmem>>, vector<16xf32>,
      %mul3A_279 = arith.mulf %get3A_278, %exp3A_241 : vector<16xf32>
      %swap3A_280 = arith.constant 128 : index
      %swap3A_281 = tpu.vector_load %arg15[%swap3A_280] {strides = array<i32>} : memref<544xf32, #tpu.memory_space<vmem>>, vector<16xf32>,
      tpu.vector_store %arg15[%swap3A_280], %mul3A_279 {strides = array<i32>} : memref<544xf32, #tpu.memory_space<vmem>>, vector<16xf32>,
      %get3A_282 = arith.constant 256 : index
      %get3A_283 = tpu.vector_load %arg15[%get3A_282] {strides = array<i32>} : memref<544xf32, #tpu.memory_space<vmem>>, vector<16xf32>,
      %mul3A_284 = arith.mulf %get3A_283, %exp3A : vector<16xf32>
      %swap3A_285 = arith.constant 256 : index
      %swap3A_286 = tpu.vector_load %arg15[%swap3A_285] {strides = array<i32>} : memref<544xf32, #tpu.memory_space<vmem>>, vector<16xf32>,
      tpu.vector_store %arg15[%swap3A_285], %mul3A_284 {strides = array<i32>} : memref<544xf32, #tpu.memory_space<vmem>>, vector<16xf32>,
      %get3A_287 = arith.constant 384 : index
      %get3A_288 = tpu.vector_load %arg15[%get3A_287] {strides = array<i32>} : memref<544xf32, #tpu.memory_space<vmem>>, vector<16xf32>,
      %mul3A_289 = arith.mulf %get3A_288, %exp3A_241 : vector<16xf32>
      %swap3A_290 = arith.constant 384 : index
      %swap3A_291 = tpu.vector_load %arg15[%swap3A_290] {strides = array<i32>} : memref<544xf32, #tpu.memory_space<vmem>>, vector<16xf32>,
      tpu.vector_store %arg15[%swap3A_290], %mul3A_289 {strides = array<i32>} : memref<544xf32, #tpu.memory_space<vmem>>, vector<16xf32>,
      %get3A_292 = arith.constant 16 : index
      %get3A_293 = tpu.vector_load %arg15[%get3A_292] {strides = array<i32>} : memref<544xf32, #tpu.memory_space<vmem>>, vector<16xf32>,
      %mul3A_294 = arith.mulf %get3A_293, %exp3A : vector<16xf32>
      %swap3A_295 = arith.constant 16 : index
      %swap3A_296 = tpu.vector_load %arg15[%swap3A_295] {strides = array<i32>} : memref<544xf32, #tpu.memory_space<vmem>>, vector<16xf32>,
      tpu.vector_store %arg15[%swap3A_295], %mul3A_294 {strides = array<i32>} : memref<544xf32, #tpu.memory_space<vmem>>, vector<16xf32>,
      %get3A_297 = arith.constant 144 : index
      %get3A_298 = tpu.vector_load %arg15[%get3A_297] {strides = array<i32>} : memref<544xf32, #tpu.memory_space<vmem>>, vector<16xf32>,
      %mul3A_299 = arith.mulf %get3A_298, %exp3A_241 : vector<16xf32>
      %swap3A_300 = arith.constant 144 : index
      %swap3A_301 = tpu.vector_load %arg15[%swap3A_300] {strides = array<i32>} : memref<544xf32, #tpu.memory_space<vmem>>, vector<16xf32>,
      tpu.vector_store %arg15[%swap3A_300], %mul3A_299 {strides = array<i32>} : memref<544xf32, #tpu.memory_space<vmem>>, vector<16xf32>,
      %get3A_302 = arith.constant 272 : index
      %get3A_303 = tpu.vector_load %arg15[%get3A_302] {strides = array<i32>} : memref<544xf32, #tpu.memory_space<vmem>>, vector<16xf32>,
      %mul3A_304 = arith.mulf %get3A_303, %exp3A : vector<16xf32>
      %swap3A_305 = arith.constant 272 : index
      %swap3A_306 = tpu.vector_load %arg15[%swap3A_305] {strides = array<i32>} : memref<544xf32, #tpu.memory_space<vmem>>, vector<16xf32>,
      tpu.vector_store %arg15[%swap3A_305], %mul3A_304 {strides = array<i32>} : memref<544xf32, #tpu.memory_space<vmem>>, vector<16xf32>,
      %get3A_307 = arith.constant 400 : index
      %get3A_308 = tpu.vector_load %arg15[%get3A_307] {strides = array<i32>} : memref<544xf32, #tpu.memory_space<vmem>>, vector<16xf32>,
      %mul3A_309 = arith.mulf %get3A_308, %exp3A_241 : vector<16xf32>
      %swap3A_310 = arith.constant 400 : index
      %swap3A_311 = tpu.vector_load %arg15[%swap3A_310] {strides = array<i32>} : memref<544xf32, #tpu.memory_space<vmem>>, vector<16xf32>,
      tpu.vector_store %arg15[%swap3A_310], %mul3A_309 {strides = array<i32>} : memref<544xf32, #tpu.memory_space<vmem>>, vector<16xf32>,
      %get3A_312 = arith.constant 32 : index
      %get3A_313 = tpu.vector_load %arg15[%get3A_312] {strides = array<i32>} : memref<544xf32, #tpu.memory_space<vmem>>, vector<16xf32>,
      %mul3A_314 = arith.mulf %get3A_313, %exp3A : vector<16xf32>
      %swap3A_315 = arith.constant 32 : index
      %swap3A_316 = tpu.vector_load %arg15[%swap3A_315] {strides = array<i32>} : memref<544xf32, #tpu.memory_space<vmem>>, vector<16xf32>,
      tpu.vector_store %arg15[%swap3A_315], %mul3A_314 {strides = array<i32>} : memref<544xf32, #tpu.memory_space<vmem>>, vector<16xf32>,
      %get3A_317 = arith.constant 160 : index
      %get3A_318 = tpu.vector_load %arg15[%get3A_317] {strides = array<i32>} : memref<544xf32, #tpu.memory_space<vmem>>, vector<16xf32>,
      %mul3A_319 = arith.mulf %get3A_318, %exp3A_241 : vector<16xf32>
      %swap3A_320 = arith.constant 160 : index
      %swap3A_321 = tpu.vector_load %arg15[%swap3A_320] {strides = array<i32>} : memref<544xf32, #tpu.memory_space<vmem>>, vector<16xf32>,
      tpu.vector_store %arg15[%swap3A_320], %mul3A_319 {strides = array<i32>} : memref<544xf32, #tpu.memory_space<vmem>>, vector<16xf32>,
      %get3A_322 = arith.constant 288 : index
      %get3A_323 = tpu.vector_load %arg15[%get3A_322] {strides = array<i32>} : memref<544xf32, #tpu.memory_space<vmem>>, vector<16xf32>,
      %mul3A_324 = arith.mulf %get3A_323, %exp3A : vector<16xf32>
      %swap3A_325 = arith.constant 288 : index
      %swap3A_326 = tpu.vector_load %arg15[%swap3A_325] {strides = array<i32>} : memref<544xf32, #tpu.memory_space<vmem>>, vector<16xf32>,
      tpu.vector_store %arg15[%swap3A_325], %mul3A_324 {strides = array<i32>} : memref<544xf32, #tpu.memory_space<vmem>>, vector<16xf32>,
      %get3A_327 = arith.constant 416 : index
      %get3A_328 = tpu.vector_load %arg15[%get3A_327] {strides = array<i32>} : memref<544xf32, #tpu.memory_space<vmem>>, vector<16xf32>,
      %mul3A_329 = arith.mulf %get3A_328, %exp3A_241 : vector<16xf32>
      %swap3A_330 = arith.constant 416 : index
      %swap3A_331 = tpu.vector_load %arg15[%swap3A_330] {strides = array<i32>} : memref<544xf32, #tpu.memory_space<vmem>>, vector<16xf32>,
      tpu.vector_store %arg15[%swap3A_330], %mul3A_329 {strides = array<i32>} : memref<544xf32, #tpu.memory_space<vmem>>, vector<16xf32>,
      %get3A_332 = arith.constant 48 : index
      %get3A_333 = tpu.vector_load %arg15[%get3A_332] {strides = array<i32>} : memref<544xf32, #tpu.memory_space<vmem>>, vector<16xf32>,
      %mul3A_334 = arith.mulf %get3A_333, %exp3A : vector<16xf32>
      %swap3A_335 = arith.constant 48 : index
      %swap3A_336 = tpu.vector_load %arg15[%swap3A_335] {strides = array<i32>} : memref<544xf32, #tpu.memory_space<vmem>>, vector<16xf32>,
      tpu.vector_store %arg15[%swap3A_335], %mul3A_334 {strides = array<i32>} : memref<544xf32, #tpu.memory_space<vmem>>, vector<16xf32>,
      %get3A_337 = arith.constant 176 : index
      %get3A_338 = tpu.vector_load %arg15[%get3A_337] {strides = array<i32>} : memref<544xf32, #tpu.memory_space<vmem>>, vector<16xf32>,
      %mul3A_339 = arith.mulf %get3A_338, %exp3A_241 : vector<16xf32>
      %swap3A_340 = arith.constant 176 : index
      %swap3A_341 = tpu.vector_load %arg15[%swap3A_340] {strides = array<i32>} : memref<544xf32, #tpu.memory_space<vmem>>, vector<16xf32>,
      tpu.vector_store %arg15[%swap3A_340], %mul3A_339 {strides = array<i32>} : memref<544xf32, #tpu.memory_space<vmem>>, vector<16xf32>,
      %get3A_342 = arith.constant 304 : index
      %get3A_343 = tpu.vector_load %arg15[%get3A_342] {strides = array<i32>} : memref<544xf32, #tpu.memory_space<vmem>>, vector<16xf32>,
      %mul3A_344 = arith.mulf %get3A_343, %exp3A : vector<16xf32>
      %swap3A_345 = arith.constant 304 : index
      %swap3A_346 = tpu.vector_load %arg15[%swap3A_345] {strides = array<i32>} : memref<544xf32, #tpu.memory_space<vmem>>, vector<16xf32>,
      tpu.vector_store %arg15[%swap3A_345], %mul3A_344 {strides = array<i32>} : memref<544xf32, #tpu.memory_space<vmem>>, vector<16xf32>,
      %get3A_347 = arith.constant 432 : index
      %get3A_348 = tpu.vector_load %arg15[%get3A_347] {strides = array<i32>} : memref<544xf32, #tpu.memory_space<vmem>>, vector<16xf32>,
      %mul3A_349 = arith.mulf %get3A_348, %exp3A_241 : vector<16xf32>
      %swap3A_350 = arith.constant 432 : index
      %swap3A_351 = tpu.vector_load %arg15[%swap3A_350] {strides = array<i32>} : memref<544xf32, #tpu.memory_space<vmem>>, vector<16xf32>,
      tpu.vector_store %arg15[%swap3A_350], %mul3A_349 {strides = array<i32>} : memref<544xf32, #tpu.memory_space<vmem>>, vector<16xf32>,
      %get3A_352 = arith.constant 64 : index
      %get3A_353 = tpu.vector_load %arg15[%get3A_352] {strides = array<i32>} : memref<544xf32, #tpu.memory_space<vmem>>, vector<16xf32>,
      %mul3A_354 = arith.mulf %get3A_353, %exp3A : vector<16xf32>
      %swap3A_355 = arith.constant 64 : index
      %swap3A_356 = tpu.vector_load %arg15[%swap3A_355] {strides = array<i32>} : memref<544xf32, #tpu.memory_space<vmem>>, vector<16xf32>,
      tpu.vector_store %arg15[%swap3A_355], %mul3A_354 {strides = array<i32>} : memref<544xf32, #tpu.memory_space<vmem>>, vector<16xf32>,
      %get3A_357 = arith.constant 192 : index
      %get3A_358 = tpu.vector_load %arg15[%get3A_357] {strides = array<i32>} : memref<544xf32, #tpu.memory_space<vmem>>, vector<16xf32>,
      %mul3A_359 = arith.mulf %get3A_358, %exp3A_241 : vector<16xf32>
      %swap3A_360 = arith.constant 192 : index
      %swap3A_361 = tpu.vector_load %arg15[%swap3A_360] {strides = array<i32>} : memref<544xf32, #tpu.memory_space<vmem>>, vector<16xf32>,
      tpu.vector_store %arg15[%swap3A_360], %mul3A_359 {strides = array<i32>} : memref<544xf32, #tpu.memory_space<vmem>>, vector<16xf32>,
      %get3A_362 = arith.constant 320 : index
      %get3A_363 = tpu.vector_load %arg15[%get3A_362] {strides = array<i32>} : memref<544xf32, #tpu.memory_space<vmem>>, vector<16xf32>,
      %mul3A_364 = arith.mulf %get3A_363, %exp3A : vector<16xf32>
      %swap3A_365 = arith.constant 320 : index
      %swap3A_366 = tpu.vector_load %arg15[%swap3A_365] {strides = array<i32>} : memref<544xf32, #tpu.memory_space<vmem>>, vector<16xf32>,
      tpu.vector_store %arg15[%swap3A_365], %mul3A_364 {strides = array<i32>} : memref<544xf32, #tpu.memory_space<vmem>>, vector<16xf32>,
      %get3A_367 = arith.constant 448 : index
      %get3A_368 = tpu.vector_load %arg15[%get3A_367] {strides = array<i32>} : memref<544xf32, #tpu.memory_space<vmem>>, vector<16xf32>,
      %mul3A_369 = arith.mulf %get3A_368, %exp3A_241 : vector<16xf32>
      %swap3A_370 = arith.constant 448 : index
      %swap3A_371 = tpu.vector_load %arg15[%swap3A_370] {strides = array<i32>} : memref<544xf32, #tpu.memory_space<vmem>>, vector<16xf32>,
      tpu.vector_store %arg15[%swap3A_370], %mul3A_369 {strides = array<i32>} : memref<544xf32, #tpu.memory_space<vmem>>, vector<16xf32>,
      %get3A_372 = arith.constant 80 : index
      %get3A_373 = tpu.vector_load %arg15[%get3A_372] {strides = array<i32>} : memref<544xf32, #tpu.memory_space<vmem>>, vector<16xf32>,
      %mul3A_374 = arith.mulf %get3A_373, %exp3A : vector<16xf32>
      %swap3A_375 = arith.constant 80 : index
      %swap3A_376 = tpu.vector_load %arg15[%swap3A_375] {strides = array<i32>} : memref<544xf32, #tpu.memory_space<vmem>>, vector<16xf32>,
      tpu.vector_store %arg15[%swap3A_375], %mul3A_374 {strides = array<i32>} : memref<544xf32, #tpu.memory_space<vmem>>, vector<16xf32>,
      %get3A_377 = arith.constant 208 : index
      %get3A_378 = tpu.vector_load %arg15[%get3A_377] {strides = array<i32>} : memref<544xf32, #tpu.memory_space<vmem>>, vector<16xf32>,
      %mul3A_379 = arith.mulf %get3A_378, %exp3A_241 : vector<16xf32>
      %swap3A_380 = arith.constant 208 : index
      %swap3A_381 = tpu.vector_load %arg15[%swap3A_380] {strides = array<i32>} : memref<544xf32, #tpu.memory_space<vmem>>, vector<16xf32>,
      tpu.vector_store %arg15[%swap3A_380], %mul3A_379 {strides = array<i32>} : memref<544xf32, #tpu.memory_space<vmem>>, vector<16xf32>,
      %get3A_382 = arith.constant 336 : index
      %get3A_383 = tpu.vector_load %arg15[%get3A_382] {strides = array<i32>} : memref<544xf32, #tpu.memory_space<vmem>>, vector<16xf32>,
      %mul3A_384 = arith.mulf %get3A_383, %exp3A : vector<16xf32>
      %swap3A_385 = arith.constant 336 : index
      %swap3A_386 = tpu.vector_load %arg15[%swap3A_385] {strides = array<i32>} : memref<544xf32, #tpu.memory_space<vmem>>, vector<16xf32>,
      tpu.vector_store %arg15[%swap3A_385], %mul3A_384 {strides = array<i32>} : memref<544xf32, #tpu.memory_space<vmem>>, vector<16xf32>,
      %get3A_387 = arith.constant 464 : index
      %get3A_388 = tpu.vector_load %arg15[%get3A_387] {strides = array<i32>} : memref<544xf32, #tpu.memory_space<vmem>>, vector<16xf32>,
      %mul3A_389 = arith.mulf %get3A_388, %exp3A_241 : vector<16xf32>
      %swap3A_390 = arith.constant 464 : index
      %swap3A_391 = tpu.vector_load %arg15[%swap3A_390] {strides = array<i32>} : memref<544xf32, #tpu.memory_space<vmem>>, vector<16xf32>,
      tpu.vector_store %arg15[%swap3A_390], %mul3A_389 {strides = array<i32>} : memref<544xf32, #tpu.memory_space<vmem>>, vector<16xf32>,
      %get3A_392 = arith.constant 96 : index
      %get3A_393 = tpu.vector_load %arg15[%get3A_392] {strides = array<i32>} : memref<544xf32, #tpu.memory_space<vmem>>, vector<16xf32>,
      %mul3A_394 = arith.mulf %get3A_393, %exp3A : vector<16xf32>
      %swap3A_395 = arith.constant 96 : index
      %swap3A_396 = tpu.vector_load %arg15[%swap3A_395] {strides = array<i32>} : memref<544xf32, #tpu.memory_space<vmem>>, vector<16xf32>,
      tpu.vector_store %arg15[%swap3A_395], %mul3A_394 {strides = array<i32>} : memref<544xf32, #tpu.memory_space<vmem>>, vector<16xf32>,
      %get3A_397 = arith.constant 224 : index
      %get3A_398 = tpu.vector_load %arg15[%get3A_397] {strides = array<i32>} : memref<544xf32, #tpu.memory_space<vmem>>, vector<16xf32>,
      %mul3A_399 = arith.mulf %get3A_398, %exp3A_241 : vector<16xf32>
      %swap3A_400 = arith.constant 224 : index
      %swap3A_401 = tpu.vector_load %arg15[%swap3A_400] {strides = array<i32>} : memref<544xf32, #tpu.memory_space<vmem>>, vector<16xf32>,
      tpu.vector_store %arg15[%swap3A_400], %mul3A_399 {strides = array<i32>} : memref<544xf32, #tpu.memory_space<vmem>>, vector<16xf32>,
      %get3A_402 = arith.constant 352 : index
      %get3A_403 = tpu.vector_load %arg15[%get3A_402] {strides = array<i32>} : memref<544xf32, #tpu.memory_space<vmem>>, vector<16xf32>,
      %mul3A_404 = arith.mulf %get3A_403, %exp3A : vector<16xf32>
      %swap3A_405 = arith.constant 352 : index
      %swap3A_406 = tpu.vector_load %arg15[%swap3A_405] {strides = array<i32>} : memref<544xf32, #tpu.memory_space<vmem>>, vector<16xf32>,
      tpu.vector_store %arg15[%swap3A_405], %mul3A_404 {strides = array<i32>} : memref<544xf32, #tpu.memory_space<vmem>>, vector<16xf32>,
      %get3A_407 = arith.constant 480 : index
      %get3A_408 = tpu.vector_load %arg15[%get3A_407] {strides = array<i32>} : memref<544xf32, #tpu.memory_space<vmem>>, vector<16xf32>,
      %mul3A_409 = arith.mulf %get3A_408, %exp3A_241 : vector<16xf32>
      %swap3A_410 = arith.constant 480 : index
      %swap3A_411 = tpu.vector_load %arg15[%swap3A_410] {strides = array<i32>} : memref<544xf32, #tpu.memory_space<vmem>>, vector<16xf32>,
      tpu.vector_store %arg15[%swap3A_410], %mul3A_409 {strides = array<i32>} : memref<544xf32, #tpu.memory_space<vmem>>, vector<16xf32>,
      %get3A_412 = arith.constant 112 : index
      %get3A_413 = tpu.vector_load %arg15[%get3A_412] {strides = array<i32>} : memref<544xf32, #tpu.memory_space<vmem>>, vector<16xf32>,
      %mul3A_414 = arith.mulf %get3A_413, %exp3A : vector<16xf32>
      %swap3A_415 = arith.constant 112 : index
      %swap3A_416 = tpu.vector_load %arg15[%swap3A_415] {strides = array<i32>} : memref<544xf32, #tpu.memory_space<vmem>>, vector<16xf32>,
      tpu.vector_store %arg15[%swap3A_415], %mul3A_414 {strides = array<i32>} : memref<544xf32, #tpu.memory_space<vmem>>, vector<16xf32>,
      %get3A_417 = arith.constant 240 : index
      %get3A_418 = tpu.vector_load %arg15[%get3A_417] {strides = array<i32>} : memref<544xf32, #tpu.memory_space<vmem>>, vector<16xf32>,
      %mul3A_419 = arith.mulf %get3A_418, %exp3A_241 : vector<16xf32>
      %swap3A_420 = arith.constant 240 : index
      %swap3A_421 = tpu.vector_load %arg15[%swap3A_420] {strides = array<i32>} : memref<544xf32, #tpu.memory_space<vmem>>, vector<16xf32>,
      tpu.vector_store %arg15[%swap3A_420], %mul3A_419 {strides = array<i32>} : memref<544xf32, #tpu.memory_space<vmem>>, vector<16xf32>,
      %get3A_422 = arith.constant 368 : index
      %get3A_423 = tpu.vector_load %arg15[%get3A_422] {strides = array<i32>} : memref<544xf32, #tpu.memory_space<vmem>>, vector<16xf32>,
      %mul3A_424 = arith.mulf %get3A_423, %exp3A : vector<16xf32>
      %swap3A_425 = arith.constant 368 : index
      %swap3A_426 = tpu.vector_load %arg15[%swap3A_425] {strides = array<i32>} : memref<544xf32, #tpu.memory_space<vmem>>, vector<16xf32>,
      tpu.vector_store %arg15[%swap3A_425], %mul3A_424 {strides = array<i32>} : memref<544xf32, #tpu.memory_space<vmem>>, vector<16xf32>,
      %get3A_427 = arith.constant 496 : index
      %get3A_428 = tpu.vector_load %arg15[%get3A_427] {strides = array<i32>} : memref<544xf32, #tpu.memory_space<vmem>>, vector<16xf32>,
      %mul3A_429 = arith.mulf %get3A_428, %exp3A_241 : vector<16xf32>
      %swap3A_430 = arith.constant 496 : index
      %swap3A_431 = tpu.vector_load %arg15[%swap3A_430] {strides = array<i32>} : memref<544xf32, #tpu.memory_space<vmem>>, vector<16xf32>,
      tpu.vector_store %arg15[%swap3A_430], %mul3A_429 {strides = array<i32>} : memref<544xf32, #tpu.memory_space<vmem>>, vector<16xf32>,
      %while3A_432 = arith.constant 0 : i32
      %while3A_433 = arith.constant 0 : i32
      %while3A_434 = arith.subi %min3A_208, %while3A_432 : i32
      %while3A_435 = arith.addi %while3A_432, %while3A_434 : i32
      %while3A_436 = arith.constant 1 : i32
      %while3A_437 = arith.divsi %while3A_434, %while3A_436 : i32
      %while3A_438 = arith.muli %while3A_437, %while3A_436 : i32
      %while3A_439 = arith.addi %while3A_432, %while3A_438 : i32
      %while3A_440 = arith.constant 1 : i32
      %while3A_441 = scf.for %while3A_444 = %while3A_432 to %while3A_439 step %while3A_440 iter_args(%while3A_445 = %while3A_433) -> (i32)  : i32 {
        %broadcast_in_dim3A_446 = vector.broadcast %while3A_444 : i32 to vector<16xi32>
        %gather3A = tpu.vector_load_idx %arg16[%broadcast_in_dim3A_446] : memref<16xf32, #tpu.memory_space<vmem>>[vector<16xi32>], vector<16xf32>,
        %gather3A_447 = tpu.vector_load_idx %arg17[%broadcast_in_dim3A_446] : memref<16xf32, #tpu.memory_space<vmem>>[vector<16xi32>], vector<16xf32>,
        %add3A_448 = arith.constant 0 : i32
        %add3A_449 = vector.broadcast %add3A_448 : i32 to vector<16xi32>
        %add3A_450 = arith.addi %add3A_449, %iota3A : vector<16xi32>
        %gather3A_451 = tpu.vector_load_idx %arg12[%broadcast_in_dim3A_446, %add3A_450] : memref<16x128xf32, #tpu.memory_space<vmem>>[vector<16xi32>, vector<16xi32>], vector<16xf32>,
        %gather3A_452 = tpu.vector_load_idx %arg13[%broadcast_in_dim3A_446, %add3A_450] : memref<16x128xf32, #tpu.memory_space<vmem>>[vector<16xi32>, vector<16xi32>], vector<16xf32>,
        %mul3A_453 = arith.mulf %gather3A_451, %gather3A : vector<16xf32>
        %swap3A_454 = arith.constant 0 : index
        %swap3A_455 = tpu.vector_load %arg15[%swap3A_454] {strides = array<i32>} : memref<544xf32, #tpu.memory_space<vmem>>, vector<16xf32>,
        tpu.vector_store %arg15[%swap3A_454], %mul3A_453 {add = true, strides = array<i32>} : memref<544xf32, #tpu.memory_space<vmem>>, vector<16xf32>,
        %mul3A_456 = arith.mulf %gather3A_451, %gather3A_447 : vector<16xf32>
        %swap3A_457 = arith.constant 128 : index
        %swap3A_458 = tpu.vector_load %arg15[%swap3A_457] {strides = array<i32>} : memref<544xf32, #tpu.memory_space<vmem>>, vector<16xf32>,
        tpu.vector_store %arg15[%swap3A_457], %mul3A_456 {add = true, strides = array<i32>} : memref<544xf32, #tpu.memory_space<vmem>>, vector<16xf32>,
        %mul3A_459 = arith.mulf %gather3A_452, %gather3A : vector<16xf32>
        %swap3A_460 = arith.constant 256 : index
        %swap3A_461 = tpu.vector_load %arg15[%swap3A_460] {strides = array<i32>} : memref<544xf32, #tpu.memory_space<vmem>>, vector<16xf32>,
        tpu.vector_store %arg15[%swap3A_460], %mul3A_459 {add = true, strides = array<i32>} : memref<544xf32, #tpu.memory_space<vmem>>, vector<16xf32>,
        %mul3A_462 = arith.mulf %gather3A_452, %gather3A_447 : vector<16xf32>
        %swap3A_463 = arith.constant 384 : index
        %swap3A_464 = tpu.vector_load %arg15[%swap3A_463] {strides = array<i32>} : memref<544xf32, #tpu.memory_space<vmem>>, vector<16xf32>,
        tpu.vector_store %arg15[%swap3A_463], %mul3A_462 {add = true, strides = array<i32>} : memref<544xf32, #tpu.memory_space<vmem>>, vector<16xf32>,
        %add3A_465 = arith.constant 16 : i32
        %add3A_466 = vector.broadcast %add3A_465 : i32 to vector<16xi32>
        %add3A_467 = arith.addi %add3A_466, %iota3A : vector<16xi32>
        %gather3A_468 = tpu.vector_load_idx %arg12[%broadcast_in_dim3A_446, %add3A_467] : memref<16x128xf32, #tpu.memory_space<vmem>>[vector<16xi32>, vector<16xi32>], vector<16xf32>,
        %gather3A_469 = tpu.vector_load_idx %arg13[%broadcast_in_dim3A_446, %add3A_467] : memref<16x128xf32, #tpu.memory_space<vmem>>[vector<16xi32>, vector<16xi32>], vector<16xf32>,
        %mul3A_470 = arith.mulf %gather3A_468, %gather3A : vector<16xf32>
        %swap3A_471 = arith.constant 16 : index
        %swap3A_472 = tpu.vector_load %arg15[%swap3A_471] {strides = array<i32>} : memref<544xf32, #tpu.memory_space<vmem>>, vector<16xf32>,
        tpu.vector_store %arg15[%swap3A_471], %mul3A_470 {add = true, strides = array<i32>} : memref<544xf32, #tpu.memory_space<vmem>>, vector<16xf32>,
        %mul3A_473 = arith.mulf %gather3A_468, %gather3A_447 : vector<16xf32>
        %swap3A_474 = arith.constant 144 : index
        %swap3A_475 = tpu.vector_load %arg15[%swap3A_474] {strides = array<i32>} : memref<544xf32, #tpu.memory_space<vmem>>, vector<16xf32>,
        tpu.vector_store %arg15[%swap3A_474], %mul3A_473 {add = true, strides = array<i32>} : memref<544xf32, #tpu.memory_space<vmem>>, vector<16xf32>,
        %mul3A_476 = arith.mulf %gather3A_469, %gather3A : vector<16xf32>
        %swap3A_477 = arith.constant 272 : index
        %swap3A_478 = tpu.vector_load %arg15[%swap3A_477] {strides = array<i32>} : memref<544xf32, #tpu.memory_space<vmem>>, vector<16xf32>,
        tpu.vector_store %arg15[%swap3A_477], %mul3A_476 {add = true, strides = array<i32>} : memref<544xf32, #tpu.memory_space<vmem>>, vector<16xf32>,
        %mul3A_479 = arith.mulf %gather3A_469, %gather3A_447 : vector<16xf32>
        %swap3A_480 = arith.constant 400 : index
        %swap3A_481 = tpu.vector_load %arg15[%swap3A_480] {strides = array<i32>} : memref<544xf32, #tpu.memory_space<vmem>>, vector<16xf32>,
        tpu.vector_store %arg15[%swap3A_480], %mul3A_479 {add = true, strides = array<i32>} : memref<544xf32, #tpu.memory_space<vmem>>, vector<16xf32>,
        %add3A_482 = arith.constant 32 : i32
        %add3A_483 = vector.broadcast %add3A_482 : i32 to vector<16xi32>
        %add3A_484 = arith.addi %add3A_483, %iota3A : vector<16xi32>
        %gather3A_485 = tpu.vector_load_idx %arg12[%broadcast_in_dim3A_446, %add3A_484] : memref<16x128xf32, #tpu.memory_space<vmem>>[vector<16xi32>, vector<16xi32>], vector<16xf32>,
        %gather3A_486 = tpu.vector_load_idx %arg13[%broadcast_in_dim3A_446, %add3A_484] : memref<16x128xf32, #tpu.memory_space<vmem>>[vector<16xi32>, vector<16xi32>], vector<16xf32>,
        %mul3A_487 = arith.mulf %gather3A_485, %gather3A : vector<16xf32>
        %swap3A_488 = arith.constant 32 : index
        %swap3A_489 = tpu.vector_load %arg15[%swap3A_488] {strides = array<i32>} : memref<544xf32, #tpu.memory_space<vmem>>, vector<16xf32>,
        tpu.vector_store %arg15[%swap3A_488], %mul3A_487 {add = true, strides = array<i32>} : memref<544xf32, #tpu.memory_space<vmem>>, vector<16xf32>,
        %mul3A_490 = arith.mulf %gather3A_485, %gather3A_447 : vector<16xf32>
        %swap3A_491 = arith.constant 160 : index
        %swap3A_492 = tpu.vector_load %arg15[%swap3A_491] {strides = array<i32>} : memref<544xf32, #tpu.memory_space<vmem>>, vector<16xf32>,
        tpu.vector_store %arg15[%swap3A_491], %mul3A_490 {add = true, strides = array<i32>} : memref<544xf32, #tpu.memory_space<vmem>>, vector<16xf32>,
        %mul3A_493 = arith.mulf %gather3A_486, %gather3A : vector<16xf32>
        %swap3A_494 = arith.constant 288 : index
        %swap3A_495 = tpu.vector_load %arg15[%swap3A_494] {strides = array<i32>} : memref<544xf32, #tpu.memory_space<vmem>>, vector<16xf32>,
        tpu.vector_store %arg15[%swap3A_494], %mul3A_493 {add = true, strides = array<i32>} : memref<544xf32, #tpu.memory_space<vmem>>, vector<16xf32>,
        %mul3A_496 = arith.mulf %gather3A_486, %gather3A_447 : vector<16xf32>
        %swap3A_497 = arith.constant 416 : index
        %swap3A_498 = tpu.vector_load %arg15[%swap3A_497] {strides = array<i32>} : memref<544xf32, #tpu.memory_space<vmem>>, vector<16xf32>,
        tpu.vector_store %arg15[%swap3A_497], %mul3A_496 {add = true, strides = array<i32>} : memref<544xf32, #tpu.memory_space<vmem>>, vector<16xf32>,
        %add3A_499 = arith.constant 48 : i32
        %add3A_500 = vector.broadcast %add3A_499 : i32 to vector<16xi32>
        %add3A_501 = arith.addi %add3A_500, %iota3A : vector<16xi32>
        %gather3A_502 = tpu.vector_load_idx %arg12[%broadcast_in_dim3A_446, %add3A_501] : memref<16x128xf32, #tpu.memory_space<vmem>>[vector<16xi32>, vector<16xi32>], vector<16xf32>,
        %gather3A_503 = tpu.vector_load_idx %arg13[%broadcast_in_dim3A_446, %add3A_501] : memref<16x128xf32, #tpu.memory_space<vmem>>[vector<16xi32>, vector<16xi32>], vector<16xf32>,
        %mul3A_504 = arith.mulf %gather3A_502, %gather3A : vector<16xf32>
        %swap3A_505 = arith.constant 48 : index
        %swap3A_506 = tpu.vector_load %arg15[%swap3A_505] {strides = array<i32>} : memref<544xf32, #tpu.memory_space<vmem>>, vector<16xf32>,
        tpu.vector_store %arg15[%swap3A_505], %mul3A_504 {add = true, strides = array<i32>} : memref<544xf32, #tpu.memory_space<vmem>>, vector<16xf32>,
        %mul3A_507 = arith.mulf %gather3A_502, %gather3A_447 : vector<16xf32>
        %swap3A_508 = arith.constant 176 : index
        %swap3A_509 = tpu.vector_load %arg15[%swap3A_508] {strides = array<i32>} : memref<544xf32, #tpu.memory_space<vmem>>, vector<16xf32>,
        tpu.vector_store %arg15[%swap3A_508], %mul3A_507 {add = true, strides = array<i32>} : memref<544xf32, #tpu.memory_space<vmem>>, vector<16xf32>,
        %mul3A_510 = arith.mulf %gather3A_503, %gather3A : vector<16xf32>
        %swap3A_511 = arith.constant 304 : index
        %swap3A_512 = tpu.vector_load %arg15[%swap3A_511] {strides = array<i32>} : memref<544xf32, #tpu.memory_space<vmem>>, vector<16xf32>,
        tpu.vector_store %arg15[%swap3A_511], %mul3A_510 {add = true, strides = array<i32>} : memref<544xf32, #tpu.memory_space<vmem>>, vector<16xf32>,
        %mul3A_513 = arith.mulf %gather3A_503, %gather3A_447 : vector<16xf32>
        %swap3A_514 = arith.constant 432 : index
        %swap3A_515 = tpu.vector_load %arg15[%swap3A_514] {strides = array<i32>} : memref<544xf32, #tpu.memory_space<vmem>>, vector<16xf32>,
        tpu.vector_store %arg15[%swap3A_514], %mul3A_513 {add = true, strides = array<i32>} : memref<544xf32, #tpu.memory_space<vmem>>, vector<16xf32>,
        %add3A_516 = arith.constant 64 : i32
        %add3A_517 = vector.broadcast %add3A_516 : i32 to vector<16xi32>
        %add3A_518 = arith.addi %add3A_517, %iota3A : vector<16xi32>
        %gather3A_519 = tpu.vector_load_idx %arg12[%broadcast_in_dim3A_446, %add3A_518] : memref<16x128xf32, #tpu.memory_space<vmem>>[vector<16xi32>, vector<16xi32>], vector<16xf32>,
        %gather3A_520 = tpu.vector_load_idx %arg13[%broadcast_in_dim3A_446, %add3A_518] : memref<16x128xf32, #tpu.memory_space<vmem>>[vector<16xi32>, vector<16xi32>], vector<16xf32>,
        %mul3A_521 = arith.mulf %gather3A_519, %gather3A : vector<16xf32>
        %swap3A_522 = arith.constant 64 : index
        %swap3A_523 = tpu.vector_load %arg15[%swap3A_522] {strides = array<i32>} : memref<544xf32, #tpu.memory_space<vmem>>, vector<16xf32>,
        tpu.vector_store %arg15[%swap3A_522], %mul3A_521 {add = true, strides = array<i32>} : memref<544xf32, #tpu.memory_space<vmem>>, vector<16xf32>,
        %mul3A_524 = arith.mulf %gather3A_519, %gather3A_447 : vector<16xf32>
        %swap3A_525 = arith.constant 192 : index
        %swap3A_526 = tpu.vector_load %arg15[%swap3A_525] {strides = array<i32>} : memref<544xf32, #tpu.memory_space<vmem>>, vector<16xf32>,
        tpu.vector_store %arg15[%swap3A_525], %mul3A_524 {add = true, strides = array<i32>} : memref<544xf32, #tpu.memory_space<vmem>>, vector<16xf32>,
        %mul3A_527 = arith.mulf %gather3A_520, %gather3A : vector<16xf32>
        %swap3A_528 = arith.constant 320 : index
        %swap3A_529 = tpu.vector_load %arg15[%swap3A_528] {strides = array<i32>} : memref<544xf32, #tpu.memory_space<vmem>>, vector<16xf32>,
        tpu.vector_store %arg15[%swap3A_528], %mul3A_527 {add = true, strides = array<i32>} : memref<544xf32, #tpu.memory_space<vmem>>, vector<16xf32>,
        %mul3A_530 = arith.mulf %gather3A_520, %gather3A_447 : vector<16xf32>
        %swap3A_531 = arith.constant 448 : index
        %swap3A_532 = tpu.vector_load %arg15[%swap3A_531] {strides = array<i32>} : memref<544xf32, #tpu.memory_space<vmem>>, vector<16xf32>,
        tpu.vector_store %arg15[%swap3A_531], %mul3A_530 {add = true, strides = array<i32>} : memref<544xf32, #tpu.memory_space<vmem>>, vector<16xf32>,
        %add3A_533 = arith.constant 80 : i32
        %add3A_534 = vector.broadcast %add3A_533 : i32 to vector<16xi32>
        %add3A_535 = arith.addi %add3A_534, %iota3A : vector<16xi32>
        %gather3A_536 = tpu.vector_load_idx %arg12[%broadcast_in_dim3A_446, %add3A_535] : memref<16x128xf32, #tpu.memory_space<vmem>>[vector<16xi32>, vector<16xi32>], vector<16xf32>,
        %gather3A_537 = tpu.vector_load_idx %arg13[%broadcast_in_dim3A_446, %add3A_535] : memref<16x128xf32, #tpu.memory_space<vmem>>[vector<16xi32>, vector<16xi32>], vector<16xf32>,
        %mul3A_538 = arith.mulf %gather3A_536, %gather3A : vector<16xf32>
        %swap3A_539 = arith.constant 80 : index
        %swap3A_540 = tpu.vector_load %arg15[%swap3A_539] {strides = array<i32>} : memref<544xf32, #tpu.memory_space<vmem>>, vector<16xf32>,
        tpu.vector_store %arg15[%swap3A_539], %mul3A_538 {add = true, strides = array<i32>} : memref<544xf32, #tpu.memory_space<vmem>>, vector<16xf32>,
        %mul3A_541 = arith.mulf %gather3A_536, %gather3A_447 : vector<16xf32>
        %swap3A_542 = arith.constant 208 : index
        %swap3A_543 = tpu.vector_load %arg15[%swap3A_542] {strides = array<i32>} : memref<544xf32, #tpu.memory_space<vmem>>, vector<16xf32>,
        tpu.vector_store %arg15[%swap3A_542], %mul3A_541 {add = true, strides = array<i32>} : memref<544xf32, #tpu.memory_space<vmem>>, vector<16xf32>,
        %mul3A_544 = arith.mulf %gather3A_537, %gather3A : vector<16xf32>
        %swap3A_545 = arith.constant 336 : index
        %swap3A_546 = tpu.vector_load %arg15[%swap3A_545] {strides = array<i32>} : memref<544xf32, #tpu.memory_space<vmem>>, vector<16xf32>,
        tpu.vector_store %arg15[%swap3A_545], %mul3A_544 {add = true, strides = array<i32>} : memref<544xf32, #tpu.memory_space<vmem>>, vector<16xf32>,
        %mul3A_547 = arith.mulf %gather3A_537, %gather3A_447 : vector<16xf32>
        %swap3A_548 = arith.constant 464 : index
        %swap3A_549 = tpu.vector_load %arg15[%swap3A_548] {strides = array<i32>} : memref<544xf32, #tpu.memory_space<vmem>>, vector<16xf32>,
        tpu.vector_store %arg15[%swap3A_548], %mul3A_547 {add = true, strides = array<i32>} : memref<544xf32, #tpu.memory_space<vmem>>, vector<16xf32>,
        %add3A_550 = arith.constant 96 : i32
        %add3A_551 = vector.broadcast %add3A_550 : i32 to vector<16xi32>
        %add3A_552 = arith.addi %add3A_551, %iota3A : vector<16xi32>
        %gather3A_553 = tpu.vector_load_idx %arg12[%broadcast_in_dim3A_446, %add3A_552] : memref<16x128xf32, #tpu.memory_space<vmem>>[vector<16xi32>, vector<16xi32>], vector<16xf32>,
        %gather3A_554 = tpu.vector_load_idx %arg13[%broadcast_in_dim3A_446, %add3A_552] : memref<16x128xf32, #tpu.memory_space<vmem>>[vector<16xi32>, vector<16xi32>], vector<16xf32>,
        %mul3A_555 = arith.mulf %gather3A_553, %gather3A : vector<16xf32>
        %swap3A_556 = arith.constant 96 : index
        %swap3A_557 = tpu.vector_load %arg15[%swap3A_556] {strides = array<i32>} : memref<544xf32, #tpu.memory_space<vmem>>, vector<16xf32>,
        tpu.vector_store %arg15[%swap3A_556], %mul3A_555 {add = true, strides = array<i32>} : memref<544xf32, #tpu.memory_space<vmem>>, vector<16xf32>,
        %mul3A_558 = arith.mulf %gather3A_553, %gather3A_447 : vector<16xf32>
        %swap3A_559 = arith.constant 224 : index
        %swap3A_560 = tpu.vector_load %arg15[%swap3A_559] {strides = array<i32>} : memref<544xf32, #tpu.memory_space<vmem>>, vector<16xf32>,
        tpu.vector_store %arg15[%swap3A_559], %mul3A_558 {add = true, strides = array<i32>} : memref<544xf32, #tpu.memory_space<vmem>>, vector<16xf32>,
        %mul3A_561 = arith.mulf %gather3A_554, %gather3A : vector<16xf32>
        %swap3A_562 = arith.constant 352 : index
        %swap3A_563 = tpu.vector_load %arg15[%swap3A_562] {strides = array<i32>} : memref<544xf32, #tpu.memory_space<vmem>>, vector<16xf32>,
        tpu.vector_store %arg15[%swap3A_562], %mul3A_561 {add = true, strides = array<i32>} : memref<544xf32, #tpu.memory_space<vmem>>, vector<16xf32>,
        %mul3A_564 = arith.mulf %gather3A_554, %gather3A_447 : vector<16xf32>
        %swap3A_565 = arith.constant 480 : index
        %swap3A_566 = tpu.vector_load %arg15[%swap3A_565] {strides = array<i32>} : memref<544xf32, #tpu.memory_space<vmem>>, vector<16xf32>,
        tpu.vector_store %arg15[%swap3A_565], %mul3A_564 {add = true, strides = array<i32>} : memref<544xf32, #tpu.memory_space<vmem>>, vector<16xf32>,
        %add3A_567 = arith.constant 112 : i32
        %add3A_568 = vector.broadcast %add3A_567 : i32 to vector<16xi32>
        %add3A_569 = arith.addi %add3A_568, %iota3A : vector<16xi32>
        %gather3A_570 = tpu.vector_load_idx %arg12[%broadcast_in_dim3A_446, %add3A_569] : memref<16x128xf32, #tpu.memory_space<vmem>>[vector<16xi32>, vector<16xi32>], vector<16xf32>,
        %gather3A_571 = tpu.vector_load_idx %arg13[%broadcast_in_dim3A_446, %add3A_569] : memref<16x128xf32, #tpu.memory_space<vmem>>[vector<16xi32>, vector<16xi32>], vector<16xf32>,
        %mul3A_572 = arith.mulf %gather3A_570, %gather3A : vector<16xf32>
        %swap3A_573 = arith.constant 112 : index
        %swap3A_574 = tpu.vector_load %arg15[%swap3A_573] {strides = array<i32>} : memref<544xf32, #tpu.memory_space<vmem>>, vector<16xf32>,
        tpu.vector_store %arg15[%swap3A_573], %mul3A_572 {add = true, strides = array<i32>} : memref<544xf32, #tpu.memory_space<vmem>>, vector<16xf32>,
        %mul3A_575 = arith.mulf %gather3A_570, %gather3A_447 : vector<16xf32>
        %swap3A_576 = arith.constant 240 : index
        %swap3A_577 = tpu.vector_load %arg15[%swap3A_576] {strides = array<i32>} : memref<544xf32, #tpu.memory_space<vmem>>, vector<16xf32>,
        tpu.vector_store %arg15[%swap3A_576], %mul3A_575 {add = true, strides = array<i32>} : memref<544xf32, #tpu.memory_space<vmem>>, vector<16xf32>,
        %mul3A_578 = arith.mulf %gather3A_571, %gather3A : vector<16xf32>
        %swap3A_579 = arith.constant 368 : index
        %swap3A_580 = tpu.vector_load %arg15[%swap3A_579] {strides = array<i32>} : memref<544xf32, #tpu.memory_space<vmem>>, vector<16xf32>,
        tpu.vector_store %arg15[%swap3A_579], %mul3A_578 {add = true, strides = array<i32>} : memref<544xf32, #tpu.memory_space<vmem>>, vector<16xf32>,
        %mul3A_581 = arith.mulf %gather3A_571, %gather3A_447 : vector<16xf32>
        %swap3A_582 = arith.constant 496 : index
        %swap3A_583 = tpu.vector_load %arg15[%swap3A_582] {strides = array<i32>} : memref<544xf32, #tpu.memory_space<vmem>>, vector<16xf32>,
        tpu.vector_store %arg15[%swap3A_582], %mul3A_581 {add = true, strides = array<i32>} : memref<544xf32, #tpu.memory_space<vmem>>, vector<16xf32>,
        %while3A_584 = arith.constant 0 : i32
        scf.yield %while3A_584 : i32
      }
      %while3A_442 = arith.constant 1 : i32
      %while3A_443 = scf.for %while3A_444 = %while3A_439 to %while3A_435 step %while3A_442 iter_args(%while3A_445 = %while3A_441) -> (i32)  : i32 {
        %broadcast_in_dim3A_446 = vector.broadcast %while3A_444 : i32 to vector<16xi32>
        %gather3A = tpu.vector_load_idx %arg16[%broadcast_in_dim3A_446] : memref<16xf32, #tpu.memory_space<vmem>>[vector<16xi32>], vector<16xf32>,
        %gather3A_447 = tpu.vector_load_idx %arg17[%broadcast_in_dim3A_446] : memref<16xf32, #tpu.memory_space<vmem>>[vector<16xi32>], vector<16xf32>,
        %add3A_448 = arith.constant 0 : i32
        %add3A_449 = vector.broadcast %add3A_448 : i32 to vector<16xi32>
        %add3A_450 = arith.addi %add3A_449, %iota3A : vector<16xi32>
        %gather3A_451 = tpu.vector_load_idx %arg12[%broadcast_in_dim3A_446, %add3A_450] : memref<16x128xf32, #tpu.memory_space<vmem>>[vector<16xi32>, vector<16xi32>], vector<16xf32>,
        %gather3A_452 = tpu.vector_load_idx %arg13[%broadcast_in_dim3A_446, %add3A_450] : memref<16x128xf32, #tpu.memory_space<vmem>>[vector<16xi32>, vector<16xi32>], vector<16xf32>,
        %mul3A_453 = arith.mulf %gather3A_451, %gather3A : vector<16xf32>
        %swap3A_454 = arith.constant 0 : index
        %swap3A_455 = tpu.vector_load %arg15[%swap3A_454] {strides = array<i32>} : memref<544xf32, #tpu.memory_space<vmem>>, vector<16xf32>,
        tpu.vector_store %arg15[%swap3A_454], %mul3A_453 {add = true, strides = array<i32>} : memref<544xf32, #tpu.memory_space<vmem>>, vector<16xf32>,
        %mul3A_456 = arith.mulf %gather3A_451, %gather3A_447 : vector<16xf32>
        %swap3A_457 = arith.constant 128 : index
        %swap3A_458 = tpu.vector_load %arg15[%swap3A_457] {strides = array<i32>} : memref<544xf32, #tpu.memory_space<vmem>>, vector<16xf32>,
        tpu.vector_store %arg15[%swap3A_457], %mul3A_456 {add = true, strides = array<i32>} : memref<544xf32, #tpu.memory_space<vmem>>, vector<16xf32>,
        %mul3A_459 = arith.mulf %gather3A_452, %gather3A : vector<16xf32>
        %swap3A_460 = arith.constant 256 : index
        %swap3A_461 = tpu.vector_load %arg15[%swap3A_460] {strides = array<i32>} : memref<544xf32, #tpu.memory_space<vmem>>, vector<16xf32>,
        tpu.vector_store %arg15[%swap3A_460], %mul3A_459 {add = true, strides = array<i32>} : memref<544xf32, #tpu.memory_space<vmem>>, vector<16xf32>,
        %mul3A_462 = arith.mulf %gather3A_452, %gather3A_447 : vector<16xf32>
        %swap3A_463 = arith.constant 384 : index
        %swap3A_464 = tpu.vector_load %arg15[%swap3A_463] {strides = array<i32>} : memref<544xf32, #tpu.memory_space<vmem>>, vector<16xf32>,
        tpu.vector_store %arg15[%swap3A_463], %mul3A_462 {add = true, strides = array<i32>} : memref<544xf32, #tpu.memory_space<vmem>>, vector<16xf32>,
        %add3A_465 = arith.constant 16 : i32
        %add3A_466 = vector.broadcast %add3A_465 : i32 to vector<16xi32>
        %add3A_467 = arith.addi %add3A_466, %iota3A : vector<16xi32>
        %gather3A_468 = tpu.vector_load_idx %arg12[%broadcast_in_dim3A_446, %add3A_467] : memref<16x128xf32, #tpu.memory_space<vmem>>[vector<16xi32>, vector<16xi32>], vector<16xf32>,
        %gather3A_469 = tpu.vector_load_idx %arg13[%broadcast_in_dim3A_446, %add3A_467] : memref<16x128xf32, #tpu.memory_space<vmem>>[vector<16xi32>, vector<16xi32>], vector<16xf32>,
        %mul3A_470 = arith.mulf %gather3A_468, %gather3A : vector<16xf32>
        %swap3A_471 = arith.constant 16 : index
        %swap3A_472 = tpu.vector_load %arg15[%swap3A_471] {strides = array<i32>} : memref<544xf32, #tpu.memory_space<vmem>>, vector<16xf32>,
        tpu.vector_store %arg15[%swap3A_471], %mul3A_470 {add = true, strides = array<i32>} : memref<544xf32, #tpu.memory_space<vmem>>, vector<16xf32>,
        %mul3A_473 = arith.mulf %gather3A_468, %gather3A_447 : vector<16xf32>
        %swap3A_474 = arith.constant 144 : index
        %swap3A_475 = tpu.vector_load %arg15[%swap3A_474] {strides = array<i32>} : memref<544xf32, #tpu.memory_space<vmem>>, vector<16xf32>,
        tpu.vector_store %arg15[%swap3A_474], %mul3A_473 {add = true, strides = array<i32>} : memref<544xf32, #tpu.memory_space<vmem>>, vector<16xf32>,
        %mul3A_476 = arith.mulf %gather3A_469, %gather3A : vector<16xf32>
        %swap3A_477 = arith.constant 272 : index
        %swap3A_478 = tpu.vector_load %arg15[%swap3A_477] {strides = array<i32>} : memref<544xf32, #tpu.memory_space<vmem>>, vector<16xf32>,
        tpu.vector_store %arg15[%swap3A_477], %mul3A_476 {add = true, strides = array<i32>} : memref<544xf32, #tpu.memory_space<vmem>>, vector<16xf32>,
        %mul3A_479 = arith.mulf %gather3A_469, %gather3A_447 : vector<16xf32>
        %swap3A_480 = arith.constant 400 : index
        %swap3A_481 = tpu.vector_load %arg15[%swap3A_480] {strides = array<i32>} : memref<544xf32, #tpu.memory_space<vmem>>, vector<16xf32>,
        tpu.vector_store %arg15[%swap3A_480], %mul3A_479 {add = true, strides = array<i32>} : memref<544xf32, #tpu.memory_space<vmem>>, vector<16xf32>,
        %add3A_482 = arith.constant 32 : i32
        %add3A_483 = vector.broadcast %add3A_482 : i32 to vector<16xi32>
        %add3A_484 = arith.addi %add3A_483, %iota3A : vector<16xi32>
        %gather3A_485 = tpu.vector_load_idx %arg12[%broadcast_in_dim3A_446, %add3A_484] : memref<16x128xf32, #tpu.memory_space<vmem>>[vector<16xi32>, vector<16xi32>], vector<16xf32>,
        %gather3A_486 = tpu.vector_load_idx %arg13[%broadcast_in_dim3A_446, %add3A_484] : memref<16x128xf32, #tpu.memory_space<vmem>>[vector<16xi32>, vector<16xi32>], vector<16xf32>,
        %mul3A_487 = arith.mulf %gather3A_485, %gather3A : vector<16xf32>
        %swap3A_488 = arith.constant 32 : index
        %swap3A_489 = tpu.vector_load %arg15[%swap3A_488] {strides = array<i32>} : memref<544xf32, #tpu.memory_space<vmem>>, vector<16xf32>,
        tpu.vector_store %arg15[%swap3A_488], %mul3A_487 {add = true, strides = array<i32>} : memref<544xf32, #tpu.memory_space<vmem>>, vector<16xf32>,
        %mul3A_490 = arith.mulf %gather3A_485, %gather3A_447 : vector<16xf32>
        %swap3A_491 = arith.constant 160 : index
        %swap3A_492 = tpu.vector_load %arg15[%swap3A_491] {strides = array<i32>} : memref<544xf32, #tpu.memory_space<vmem>>, vector<16xf32>,
        tpu.vector_store %arg15[%swap3A_491], %mul3A_490 {add = true, strides = array<i32>} : memref<544xf32, #tpu.memory_space<vmem>>, vector<16xf32>,
        %mul3A_493 = arith.mulf %gather3A_486, %gather3A : vector<16xf32>
        %swap3A_494 = arith.constant 288 : index
        %swap3A_495 = tpu.vector_load %arg15[%swap3A_494] {strides = array<i32>} : memref<544xf32, #tpu.memory_space<vmem>>, vector<16xf32>,
        tpu.vector_store %arg15[%swap3A_494], %mul3A_493 {add = true, strides = array<i32>} : memref<544xf32, #tpu.memory_space<vmem>>, vector<16xf32>,
        %mul3A_496 = arith.mulf %gather3A_486, %gather3A_447 : vector<16xf32>
        %swap3A_497 = arith.constant 416 : index
        %swap3A_498 = tpu.vector_load %arg15[%swap3A_497] {strides = array<i32>} : memref<544xf32, #tpu.memory_space<vmem>>, vector<16xf32>,
        tpu.vector_store %arg15[%swap3A_497], %mul3A_496 {add = true, strides = array<i32>} : memref<544xf32, #tpu.memory_space<vmem>>, vector<16xf32>,
        %add3A_499 = arith.constant 48 : i32
        %add3A_500 = vector.broadcast %add3A_499 : i32 to vector<16xi32>
        %add3A_501 = arith.addi %add3A_500, %iota3A : vector<16xi32>
        %gather3A_502 = tpu.vector_load_idx %arg12[%broadcast_in_dim3A_446, %add3A_501] : memref<16x128xf32, #tpu.memory_space<vmem>>[vector<16xi32>, vector<16xi32>], vector<16xf32>,
        %gather3A_503 = tpu.vector_load_idx %arg13[%broadcast_in_dim3A_446, %add3A_501] : memref<16x128xf32, #tpu.memory_space<vmem>>[vector<16xi32>, vector<16xi32>], vector<16xf32>,
        %mul3A_504 = arith.mulf %gather3A_502, %gather3A : vector<16xf32>
        %swap3A_505 = arith.constant 48 : index
        %swap3A_506 = tpu.vector_load %arg15[%swap3A_505] {strides = array<i32>} : memref<544xf32, #tpu.memory_space<vmem>>, vector<16xf32>,
        tpu.vector_store %arg15[%swap3A_505], %mul3A_504 {add = true, strides = array<i32>} : memref<544xf32, #tpu.memory_space<vmem>>, vector<16xf32>,
        %mul3A_507 = arith.mulf %gather3A_502, %gather3A_447 : vector<16xf32>
        %swap3A_508 = arith.constant 176 : index
        %swap3A_509 = tpu.vector_load %arg15[%swap3A_508] {strides = array<i32>} : memref<544xf32, #tpu.memory_space<vmem>>, vector<16xf32>,
        tpu.vector_store %arg15[%swap3A_508], %mul3A_507 {add = true, strides = array<i32>} : memref<544xf32, #tpu.memory_space<vmem>>, vector<16xf32>,
        %mul3A_510 = arith.mulf %gather3A_503, %gather3A : vector<16xf32>
        %swap3A_511 = arith.constant 304 : index
        %swap3A_512 = tpu.vector_load %arg15[%swap3A_511] {strides = array<i32>} : memref<544xf32, #tpu.memory_space<vmem>>, vector<16xf32>,
        tpu.vector_store %arg15[%swap3A_511], %mul3A_510 {add = true, strides = array<i32>} : memref<544xf32, #tpu.memory_space<vmem>>, vector<16xf32>,
        %mul3A_513 = arith.mulf %gather3A_503, %gather3A_447 : vector<16xf32>
        %swap3A_514 = arith.constant 432 : index
        %swap3A_515 = tpu.vector_load %arg15[%swap3A_514] {strides = array<i32>} : memref<544xf32, #tpu.memory_space<vmem>>, vector<16xf32>,
        tpu.vector_store %arg15[%swap3A_514], %mul3A_513 {add = true, strides = array<i32>} : memref<544xf32, #tpu.memory_space<vmem>>, vector<16xf32>,
        %add3A_516 = arith.constant 64 : i32
        %add3A_517 = vector.broadcast %add3A_516 : i32 to vector<16xi32>
        %add3A_518 = arith.addi %add3A_517, %iota3A : vector<16xi32>
        %gather3A_519 = tpu.vector_load_idx %arg12[%broadcast_in_dim3A_446, %add3A_518] : memref<16x128xf32, #tpu.memory_space<vmem>>[vector<16xi32>, vector<16xi32>], vector<16xf32>,
        %gather3A_520 = tpu.vector_load_idx %arg13[%broadcast_in_dim3A_446, %add3A_518] : memref<16x128xf32, #tpu.memory_space<vmem>>[vector<16xi32>, vector<16xi32>], vector<16xf32>,
        %mul3A_521 = arith.mulf %gather3A_519, %gather3A : vector<16xf32>
        %swap3A_522 = arith.constant 64 : index
        %swap3A_523 = tpu.vector_load %arg15[%swap3A_522] {strides = array<i32>} : memref<544xf32, #tpu.memory_space<vmem>>, vector<16xf32>,
        tpu.vector_store %arg15[%swap3A_522], %mul3A_521 {add = true, strides = array<i32>} : memref<544xf32, #tpu.memory_space<vmem>>, vector<16xf32>,
        %mul3A_524 = arith.mulf %gather3A_519, %gather3A_447 : vector<16xf32>
        %swap3A_525 = arith.constant 192 : index
        %swap3A_526 = tpu.vector_load %arg15[%swap3A_525] {strides = array<i32>} : memref<544xf32, #tpu.memory_space<vmem>>, vector<16xf32>,
        tpu.vector_store %arg15[%swap3A_525], %mul3A_524 {add = true, strides = array<i32>} : memref<544xf32, #tpu.memory_space<vmem>>, vector<16xf32>,
        %mul3A_527 = arith.mulf %gather3A_520, %gather3A : vector<16xf32>
        %swap3A_528 = arith.constant 320 : index
        %swap3A_529 = tpu.vector_load %arg15[%swap3A_528] {strides = array<i32>} : memref<544xf32, #tpu.memory_space<vmem>>, vector<16xf32>,
        tpu.vector_store %arg15[%swap3A_528], %mul3A_527 {add = true, strides = array<i32>} : memref<544xf32, #tpu.memory_space<vmem>>, vector<16xf32>,
        %mul3A_530 = arith.mulf %gather3A_520, %gather3A_447 : vector<16xf32>
        %swap3A_531 = arith.constant 448 : index
        %swap3A_532 = tpu.vector_load %arg15[%swap3A_531] {strides = array<i32>} : memref<544xf32, #tpu.memory_space<vmem>>, vector<16xf32>,
        tpu.vector_store %arg15[%swap3A_531], %mul3A_530 {add = true, strides = array<i32>} : memref<544xf32, #tpu.memory_space<vmem>>, vector<16xf32>,
        %add3A_533 = arith.constant 80 : i32
        %add3A_534 = vector.broadcast %add3A_533 : i32 to vector<16xi32>
        %add3A_535 = arith.addi %add3A_534, %iota3A : vector<16xi32>
        %gather3A_536 = tpu.vector_load_idx %arg12[%broadcast_in_dim3A_446, %add3A_535] : memref<16x128xf32, #tpu.memory_space<vmem>>[vector<16xi32>, vector<16xi32>], vector<16xf32>,
        %gather3A_537 = tpu.vector_load_idx %arg13[%broadcast_in_dim3A_446, %add3A_535] : memref<16x128xf32, #tpu.memory_space<vmem>>[vector<16xi32>, vector<16xi32>], vector<16xf32>,
        %mul3A_538 = arith.mulf %gather3A_536, %gather3A : vector<16xf32>
        %swap3A_539 = arith.constant 80 : index
        %swap3A_540 = tpu.vector_load %arg15[%swap3A_539] {strides = array<i32>} : memref<544xf32, #tpu.memory_space<vmem>>, vector<16xf32>,
        tpu.vector_store %arg15[%swap3A_539], %mul3A_538 {add = true, strides = array<i32>} : memref<544xf32, #tpu.memory_space<vmem>>, vector<16xf32>,
        %mul3A_541 = arith.mulf %gather3A_536, %gather3A_447 : vector<16xf32>
        %swap3A_542 = arith.constant 208 : index
        %swap3A_543 = tpu.vector_load %arg15[%swap3A_542] {strides = array<i32>} : memref<544xf32, #tpu.memory_space<vmem>>, vector<16xf32>,
        tpu.vector_store %arg15[%swap3A_542], %mul3A_541 {add = true, strides = array<i32>} : memref<544xf32, #tpu.memory_space<vmem>>, vector<16xf32>,
        %mul3A_544 = arith.mulf %gather3A_537, %gather3A : vector<16xf32>
        %swap3A_545 = arith.constant 336 : index
        %swap3A_546 = tpu.vector_load %arg15[%swap3A_545] {strides = array<i32>} : memref<544xf32, #tpu.memory_space<vmem>>, vector<16xf32>,
        tpu.vector_store %arg15[%swap3A_545], %mul3A_544 {add = true, strides = array<i32>} : memref<544xf32, #tpu.memory_space<vmem>>, vector<16xf32>,
        %mul3A_547 = arith.mulf %gather3A_537, %gather3A_447 : vector<16xf32>
        %swap3A_548 = arith.constant 464 : index
        %swap3A_549 = tpu.vector_load %arg15[%swap3A_548] {strides = array<i32>} : memref<544xf32, #tpu.memory_space<vmem>>, vector<16xf32>,
        tpu.vector_store %arg15[%swap3A_548], %mul3A_547 {add = true, strides = array<i32>} : memref<544xf32, #tpu.memory_space<vmem>>, vector<16xf32>,
        %add3A_550 = arith.constant 96 : i32
        %add3A_551 = vector.broadcast %add3A_550 : i32 to vector<16xi32>
        %add3A_552 = arith.addi %add3A_551, %iota3A : vector<16xi32>
        %gather3A_553 = tpu.vector_load_idx %arg12[%broadcast_in_dim3A_446, %add3A_552] : memref<16x128xf32, #tpu.memory_space<vmem>>[vector<16xi32>, vector<16xi32>], vector<16xf32>,
        %gather3A_554 = tpu.vector_load_idx %arg13[%broadcast_in_dim3A_446, %add3A_552] : memref<16x128xf32, #tpu.memory_space<vmem>>[vector<16xi32>, vector<16xi32>], vector<16xf32>,
        %mul3A_555 = arith.mulf %gather3A_553, %gather3A : vector<16xf32>
        %swap3A_556 = arith.constant 96 : index
        %swap3A_557 = tpu.vector_load %arg15[%swap3A_556] {strides = array<i32>} : memref<544xf32, #tpu.memory_space<vmem>>, vector<16xf32>,
        tpu.vector_store %arg15[%swap3A_556], %mul3A_555 {add = true, strides = array<i32>} : memref<544xf32, #tpu.memory_space<vmem>>, vector<16xf32>,
        %mul3A_558 = arith.mulf %gather3A_553, %gather3A_447 : vector<16xf32>
        %swap3A_559 = arith.constant 224 : index
        %swap3A_560 = tpu.vector_load %arg15[%swap3A_559] {strides = array<i32>} : memref<544xf32, #tpu.memory_space<vmem>>, vector<16xf32>,
        tpu.vector_store %arg15[%swap3A_559], %mul3A_558 {add = true, strides = array<i32>} : memref<544xf32, #tpu.memory_space<vmem>>, vector<16xf32>,
        %mul3A_561 = arith.mulf %gather3A_554, %gather3A : vector<16xf32>
        %swap3A_562 = arith.constant 352 : index
        %swap3A_563 = tpu.vector_load %arg15[%swap3A_562] {strides = array<i32>} : memref<544xf32, #tpu.memory_space<vmem>>, vector<16xf32>,
        tpu.vector_store %arg15[%swap3A_562], %mul3A_561 {add = true, strides = array<i32>} : memref<544xf32, #tpu.memory_space<vmem>>, vector<16xf32>,
        %mul3A_564 = arith.mulf %gather3A_554, %gather3A_447 : vector<16xf32>
        %swap3A_565 = arith.constant 480 : index
        %swap3A_566 = tpu.vector_load %arg15[%swap3A_565] {strides = array<i32>} : memref<544xf32, #tpu.memory_space<vmem>>, vector<16xf32>,
        tpu.vector_store %arg15[%swap3A_565], %mul3A_564 {add = true, strides = array<i32>} : memref<544xf32, #tpu.memory_space<vmem>>, vector<16xf32>,
        %add3A_567 = arith.constant 112 : i32
        %add3A_568 = vector.broadcast %add3A_567 : i32 to vector<16xi32>
        %add3A_569 = arith.addi %add3A_568, %iota3A : vector<16xi32>
        %gather3A_570 = tpu.vector_load_idx %arg12[%broadcast_in_dim3A_446, %add3A_569] : memref<16x128xf32, #tpu.memory_space<vmem>>[vector<16xi32>, vector<16xi32>], vector<16xf32>,
        %gather3A_571 = tpu.vector_load_idx %arg13[%broadcast_in_dim3A_446, %add3A_569] : memref<16x128xf32, #tpu.memory_space<vmem>>[vector<16xi32>, vector<16xi32>], vector<16xf32>,
        %mul3A_572 = arith.mulf %gather3A_570, %gather3A : vector<16xf32>
        %swap3A_573 = arith.constant 112 : index
        %swap3A_574 = tpu.vector_load %arg15[%swap3A_573] {strides = array<i32>} : memref<544xf32, #tpu.memory_space<vmem>>, vector<16xf32>,
        tpu.vector_store %arg15[%swap3A_573], %mul3A_572 {add = true, strides = array<i32>} : memref<544xf32, #tpu.memory_space<vmem>>, vector<16xf32>,
        %mul3A_575 = arith.mulf %gather3A_570, %gather3A_447 : vector<16xf32>
        %swap3A_576 = arith.constant 240 : index
        %swap3A_577 = tpu.vector_load %arg15[%swap3A_576] {strides = array<i32>} : memref<544xf32, #tpu.memory_space<vmem>>, vector<16xf32>,
        tpu.vector_store %arg15[%swap3A_576], %mul3A_575 {add = true, strides = array<i32>} : memref<544xf32, #tpu.memory_space<vmem>>, vector<16xf32>,
        %mul3A_578 = arith.mulf %gather3A_571, %gather3A : vector<16xf32>
        %swap3A_579 = arith.constant 368 : index
        %swap3A_580 = tpu.vector_load %arg15[%swap3A_579] {strides = array<i32>} : memref<544xf32, #tpu.memory_space<vmem>>, vector<16xf32>,
        tpu.vector_store %arg15[%swap3A_579], %mul3A_578 {add = true, strides = array<i32>} : memref<544xf32, #tpu.memory_space<vmem>>, vector<16xf32>,
        %mul3A_581 = arith.mulf %gather3A_571, %gather3A_447 : vector<16xf32>
        %swap3A_582 = arith.constant 496 : index
        %swap3A_583 = tpu.vector_load %arg15[%swap3A_582] {strides = array<i32>} : memref<544xf32, #tpu.memory_space<vmem>>, vector<16xf32>,
        tpu.vector_store %arg15[%swap3A_582], %mul3A_581 {add = true, strides = array<i32>} : memref<544xf32, #tpu.memory_space<vmem>>, vector<16xf32>,
        %while3A_584 = arith.constant 0 : i32
        scf.yield %while3A_584 : i32
      }
      scf.yield %max3A, %max3A_236, %add3A_260, %add3A_267 : f32, f32, vector<16xf32>, vector<16xf32>
    }
    %reduce_max3A_144 = arith.constant true
    %reduce_max3A_145 = vector.broadcast %reduce_max3A_144 : i1 to vector<16xi1>
    %reduce_max3A_146 = tpu.scan <max>, %while3A_143#2 masked %reduce_max3A_145 : vector<16xf32>, vector<16xi1> -> vector<16xf32>
    %reduce_max3A_147 = vector.extract %reduce_max3A_146[15] : f32 from vector<16xf32>
    %reduce_max3A_148 = arith.constant true
    %reduce_max3A_149 = vector.broadcast %reduce_max3A_148 : i1 to vector<16xi1>
    %reduce_max3A_150 = tpu.scan <max>, %while3A_143#3 masked %reduce_max3A_149 : vector<16xf32>, vector<16xi1> -> vector<16xf32>
    %reduce_max3A_151 = vector.extract %reduce_max3A_150[15] : f32 from vector<16xf32>
    %eq3A = arith.constant 0 : i32
    %eq3A_152 = vector.broadcast %eq3A : i32 to vector<16xi32>
    %eq3A_153 = arith.cmpi eq, %iota3A, %eq3A_152 : vector<16xi32>
    %eq3A_154 = arith.constant 1 : i32
    %eq3A_155 = vector.broadcast %eq3A_154 : i32 to vector<16xi32>
    %eq3A_156 = arith.cmpi eq, %iota3A, %eq3A_155 : vector<16xi32>
    %eq3A_157 = arith.constant 2 : i32
    %eq3A_158 = vector.broadcast %eq3A_157 : i32 to vector<16xi32>
    %eq3A_159 = arith.cmpi eq, %iota3A, %eq3A_158 : vector<16xi32>
    %eq3A_160 = arith.constant 3 : i32
    %eq3A_161 = vector.broadcast %eq3A_160 : i32 to vector<16xi32>
    %eq3A_162 = arith.cmpi eq, %iota3A, %eq3A_161 : vector<16xi32>
    %jit3A_163 = arith.constant 0.000000e+00 : f32
    %broadcast_in_dim3A_164 = vector.broadcast %reduce_max3A_151 : f32 to vector<16xf32>
    %broadcast_in_dim3A_165 = vector.broadcast %jit3A_163 : f32 to vector<16xf32>
    %select_n3A_166 = arith.select %eq3A_162, %broadcast_in_dim3A_164, %broadcast_in_dim3A_165 : vector<16xi1>, vector<16xf32>
    %broadcast_in_dim3A_167 = vector.broadcast %reduce_max3A_147 : f32 to vector<16xf32>
    %select_n3A_168 = arith.select %eq3A_159, %broadcast_in_dim3A_167, %select_n3A_166 : vector<16xi1>, vector<16xf32>
    %broadcast_in_dim3A_169 = vector.broadcast %while3A_143#1 : f32 to vector<16xf32>
    %select_n3A_170 = arith.select %eq3A_156, %broadcast_in_dim3A_169, %select_n3A_168 : vector<16xi1>, vector<16xf32>
    %broadcast_in_dim3A_171 = vector.broadcast %while3A_143#0 : f32 to vector<16xf32>
    %select_n3A_172 = arith.select %eq3A_153, %broadcast_in_dim3A_171, %select_n3A_170 : vector<16xi1>, vector<16xf32>
    %swap3A_173 = arith.constant 512 : index
    %swap3A_174 = tpu.vector_load %arg15[%swap3A_173] {strides = array<i32>} : memref<544xf32, #tpu.memory_space<vmem>>, vector<16xf32>,
    tpu.vector_store %arg15[%swap3A_173], %select_n3A_172 {strides = array<i32>} : memref<544xf32, #tpu.memory_space<vmem>>, vector<16xf32>,
    %swap3A_175 = arith.constant 528 : index
    %swap3A_176 = tpu.vector_load %arg15[%swap3A_175] {strides = array<i32>} : memref<544xf32, #tpu.memory_space<vmem>>, vector<16xf32>,
    tpu.vector_store %arg15[%swap3A_175], %broadcast_in_dim3A_41 {strides = array<i32>} : memref<544xf32, #tpu.memory_space<vmem>>, vector<16xf32>,
    "tpu.region"() ({
      %run_scoped3A = tpu.sem_alloc : memref<!tpu.dma_semaphore, #tpu.memory_space<semaphore_mem>>
      %dma_start3A = arith.constant 0 : i32
      %dma_start3A_177 = tpu.memref_slice %arg6[%add3A, %dma_start3A] : memref<32x544xf32, #tpu.memory_space<hbm>> -> memref<1x544xf32, #tpu.memory_space<hbm>>
      %dma_start3A_178 = tpu.memref_squeeze %dma_start3A_177 : memref<1x544xf32, #tpu.memory_space<hbm>> -> memref<544xf32, #tpu.memory_space<hbm>>
      %dma_start3A_179 = arith.constant 0 : i32
      %dma_start3A_180 = tpu.memref_slice %arg6[%add3A, %dma_start3A_179] : memref<32x544xf32, #tpu.memory_space<hbm>> -> memref<1x544xf32, #tpu.memory_space<hbm>>
      %dma_start3A_181 = tpu.memref_squeeze %dma_start3A_180 : memref<1x544xf32, #tpu.memory_space<hbm>> -> memref<544xf32, #tpu.memory_space<hbm>>
      tpu.enqueue_dma source(%arg15 : memref<544xf32, #tpu.memory_space<vmem>>) target(%dma_start3A_181 : memref<544xf32, #tpu.memory_space<hbm>>) target_semaphore(%run_scoped3A : memref<!tpu.dma_semaphore, #tpu.memory_space<semaphore_mem>>)
      %dma_wait3A = arith.constant 0 : i32
      %dma_wait3A_182 = tpu.memref_slice %arg6[%add3A, %dma_wait3A] : memref<32x544xf32, #tpu.memory_space<hbm>> -> memref<1x544xf32, #tpu.memory_space<hbm>>
      %dma_wait3A_183 = tpu.memref_squeeze %dma_wait3A_182 : memref<1x544xf32, #tpu.memory_space<hbm>> -> memref<544xf32, #tpu.memory_space<hbm>>
      %dma_wait3A_184 = arith.constant 0 : i32
      %dma_wait3A_185 = tpu.memref_slice %arg6[%add3A, %dma_wait3A_184] : memref<32x544xf32, #tpu.memory_space<hbm>> -> memref<1x544xf32, #tpu.memory_space<hbm>>
      %dma_wait3A_186 = tpu.memref_squeeze %dma_wait3A_185 : memref<1x544xf32, #tpu.memory_space<hbm>> -> memref<544xf32, #tpu.memory_space<hbm>>
      tpu.wait_dma2 semaphore(%run_scoped3A : memref<!tpu.dma_semaphore, #tpu.memory_space<semaphore_mem>>) src(%arg15 : memref<544xf32, #tpu.memory_space<vmem>>) dst(%dma_wait3A_186 : memref<544xf32, #tpu.memory_space<hbm>>)
      tpu.yield
    }) : () -> ()
    return
  }
}

module attributes {stable_mosaic.version = 14 : i64} {
  func.func @_pre_body(%arg0: memref<1x128xf32, #tpu.memory_space<vmem>>, %arg1: memref<128x128xf32, #tpu.memory_space<vmem>>, %arg2: memref<1x128xf32, #tpu.memory_space<vmem>>, %arg3: memref<128x128xf32, #tpu.memory_space<vmem>>, %arg4: memref<1x128xf32, #tpu.memory_space<vmem>>, %arg5: memref<128x128xf32, #tpu.memory_space<vmem>>, %arg6: memref<8x128xf32, #tpu.memory_space<vmem>>) attributes {dimension_semantics = [], scalar_prefetch = 0 : i64, scratch_operands = 0 : i64, tpu.core_type = #tpu.core_type<tc>} {
    %get3A = arith.constant 0 : index
    %get3A_0 = arith.constant 0 : index
    %get3A_1 = vector.load %arg0[%get3A, %get3A_0] : memref<1x128xf32, #tpu.memory_space<vmem>>, vector<1x128xf32>
    %get3A_2 = arith.constant 0 : index
    %get3A_3 = arith.constant 0 : index
    %get3A_4 = vector.load %arg1[%get3A_2, %get3A_3] : memref<128x128xf32, #tpu.memory_space<vmem>>, vector<128x128xf32>
    %dot_general3A = arith.constant dense<0.000000e+00> : vector<1x128xf32>
    %dot_general3A_5 = tpu.matmul %get3A_1, %get3A_4, %dot_general3A {dimension_numbers = #tpu.dot_dimension_numbers<[1], [0], [0], [1], [0, 0, 1, 1], [], []>, transpose_lhs_hint = false} : vector<1x128xf32>, vector<128x128xf32>, vector<1x128xf32> -> vector<1x128xf32>
    %get3A_6 = arith.constant 0 : index
    %get3A_7 = arith.constant 0 : index
    %get3A_8 = vector.load %arg2[%get3A_6, %get3A_7] : memref<1x128xf32, #tpu.memory_space<vmem>>, vector<1x128xf32>
    %add3A = arith.addf %dot_general3A_5, %get3A_8 : vector<1x128xf32>
    %slice3A = vector.extract_strided_slice %add3A {offsets = [0, 0], sizes = [1, 64], strides = [1, 1]} : vector<1x128xf32> to vector<1x64xf32>
    %slice3A_9 = vector.extract_strided_slice %add3A {offsets = [0, 64], sizes = [1, 64], strides = [1, 1]} : vector<1x128xf32> to vector<1x64xf32>
    %get3A_10 = arith.constant 0 : index
    %get3A_11 = arith.constant 0 : index
    %get3A_12 = vector.load %arg3[%get3A_10, %get3A_11] : memref<128x128xf32, #tpu.memory_space<vmem>>, vector<128x128xf32>
    %get3A_13 = arith.constant 0 : index
    %get3A_14 = arith.constant 0 : index
    %get3A_15 = vector.load %arg5[%get3A_13, %get3A_14] : memref<128x128xf32, #tpu.memory_space<vmem>>, vector<128x128xf32>
    %slice3A_16 = vector.extract_strided_slice %get3A_12 {offsets = [0, 0], sizes = [128, 64], strides = [1, 1]} : vector<128x128xf32> to vector<128x64xf32>
    %dot_general3A_17 = arith.constant dense<0.000000e+00> : vector<1x128xf32>
    %dot_general3A_18 = tpu.matmul %slice3A, %slice3A_16, %dot_general3A_17 {dimension_numbers = #tpu.dot_dimension_numbers<[1], [1], [0], [0], [0, 0, 1, 0], [], []>, transpose_lhs_hint = false} : vector<1x64xf32>, vector<128x64xf32>, vector<1x128xf32> -> vector<1x128xf32>
    %mul3A = arith.constant 1.250000e-01 : f32
    %mul3A_19 = vector.broadcast %mul3A : f32 to vector<1x128xf32>
    %mul3A_20 = arith.mulf %dot_general3A_18, %mul3A_19 : vector<1x128xf32>
    %swap3A = arith.constant 0 : index
    %swap3A_21 = arith.constant 0 : index
    %swap3A_22 = vector.load %arg6[%swap3A, %swap3A_21] : memref<8x128xf32, #tpu.memory_space<vmem>>, vector<1x128xf32>
    tpu.vector_store %arg6[%swap3A, %swap3A_21], %mul3A_20 {strides = array<i32>} : memref<8x128xf32, #tpu.memory_space<vmem>>, vector<1x128xf32>,
    %slice3A_23 = vector.extract_strided_slice %get3A_12 {offsets = [0, 64], sizes = [128, 64], strides = [1, 1]} : vector<128x128xf32> to vector<128x64xf32>
    %dot_general3A_24 = arith.constant dense<0.000000e+00> : vector<1x128xf32>
    %dot_general3A_25 = tpu.matmul %slice3A_9, %slice3A_23, %dot_general3A_24 {dimension_numbers = #tpu.dot_dimension_numbers<[1], [1], [0], [0], [0, 0, 1, 0], [], []>, transpose_lhs_hint = false} : vector<1x64xf32>, vector<128x64xf32>, vector<1x128xf32> -> vector<1x128xf32>
    %mul3A_26 = arith.constant 1.250000e-01 : f32
    %mul3A_27 = vector.broadcast %mul3A_26 : f32 to vector<1x128xf32>
    %mul3A_28 = arith.mulf %dot_general3A_25, %mul3A_27 : vector<1x128xf32>
    %swap3A_29 = arith.constant 1 : index
    %swap3A_30 = arith.constant 0 : index
    %swap3A_31 = vector.load %arg6[%swap3A_29, %swap3A_30] : memref<8x128xf32, #tpu.memory_space<vmem>>, vector<1x128xf32>
    tpu.vector_store %arg6[%swap3A_29, %swap3A_30], %mul3A_28 {strides = array<i32>} : memref<8x128xf32, #tpu.memory_space<vmem>>, vector<1x128xf32>,
    %slice3A_32 = vector.extract_strided_slice %get3A_15 {offsets = [0, 0], sizes = [128, 64], strides = [1, 1]} : vector<128x128xf32> to vector<128x64xf32>
    %dot_general3A_33 = arith.constant dense<0.000000e+00> : vector<1x128xf32>
    %dot_general3A_34 = tpu.matmul %slice3A, %slice3A_32, %dot_general3A_33 {dimension_numbers = #tpu.dot_dimension_numbers<[1], [1], [0], [0], [0, 0, 1, 0], [], []>, transpose_lhs_hint = false} : vector<1x64xf32>, vector<128x64xf32>, vector<1x128xf32> -> vector<1x128xf32>
    %mul3A_35 = arith.constant 1.250000e-01 : f32
    %mul3A_36 = vector.broadcast %mul3A_35 : f32 to vector<1x128xf32>
    %mul3A_37 = arith.mulf %dot_general3A_34, %mul3A_36 : vector<1x128xf32>
    %swap3A_38 = arith.constant 2 : index
    %swap3A_39 = arith.constant 0 : index
    %swap3A_40 = vector.load %arg6[%swap3A_38, %swap3A_39] : memref<8x128xf32, #tpu.memory_space<vmem>>, vector<1x128xf32>
    tpu.vector_store %arg6[%swap3A_38, %swap3A_39], %mul3A_37 {strides = array<i32>} : memref<8x128xf32, #tpu.memory_space<vmem>>, vector<1x128xf32>,
    %slice3A_41 = vector.extract_strided_slice %get3A_15 {offsets = [0, 64], sizes = [128, 64], strides = [1, 1]} : vector<128x128xf32> to vector<128x64xf32>
    %dot_general3A_42 = arith.constant dense<0.000000e+00> : vector<1x128xf32>
    %dot_general3A_43 = tpu.matmul %slice3A_9, %slice3A_41, %dot_general3A_42 {dimension_numbers = #tpu.dot_dimension_numbers<[1], [1], [0], [0], [0, 0, 1, 0], [], []>, transpose_lhs_hint = false} : vector<1x64xf32>, vector<128x64xf32>, vector<1x128xf32> -> vector<1x128xf32>
    %mul3A_44 = arith.constant 1.250000e-01 : f32
    %mul3A_45 = vector.broadcast %mul3A_44 : f32 to vector<1x128xf32>
    %mul3A_46 = arith.mulf %dot_general3A_43, %mul3A_45 : vector<1x128xf32>
    %swap3A_47 = arith.constant 3 : index
    %swap3A_48 = arith.constant 0 : index
    %swap3A_49 = vector.load %arg6[%swap3A_47, %swap3A_48] : memref<8x128xf32, #tpu.memory_space<vmem>>, vector<1x128xf32>
    tpu.vector_store %arg6[%swap3A_47, %swap3A_48], %mul3A_46 {strides = array<i32>} : memref<8x128xf32, #tpu.memory_space<vmem>>, vector<1x128xf32>,
    %get3A_50 = arith.constant 0 : index
    %get3A_51 = arith.constant 0 : index
    %get3A_52 = vector.load %arg4[%get3A_50, %get3A_51] : memref<1x128xf32, #tpu.memory_space<vmem>>, vector<1x64xf32>
    %mul3A_53 = arith.mulf %get3A_52, %slice3A : vector<1x64xf32>
    %reduce_sum3A = vector.shape_cast %mul3A_53 : vector<1x64xf32> to vector<1x1x64xf32>
    %reduce_sum3A_54 = arith.constant dense<0.000000e+00> : vector<1xf32>
    %reduce_sum3A_55 = vector.multi_reduction <add>, %reduce_sum3A, %reduce_sum3A_54 [1, 2] : vector<1x1x64xf32> to vector<1xf32>
    %reduce_sum3A_56 = vector.shape_cast %reduce_sum3A_55 : vector<1xf32> to vector<1x1x1xf32>
    %reduce_sum3A_57 = vector.extract %reduce_sum3A_56[0, 0, 0] : f32 from vector<1x1x1xf32>
    %mul3A_58 = arith.constant 1.250000e-01 : f32
    %mul3A_59 = arith.mulf %reduce_sum3A_57, %mul3A_58 : f32
    %get3A_60 = arith.constant 0 : index
    %get3A_61 = arith.constant 64 : index
    %get3A_62 = vector.load %arg4[%get3A_60, %get3A_61] : memref<1x128xf32, #tpu.memory_space<vmem>>, vector<1x64xf32>
    %mul3A_63 = arith.mulf %get3A_62, %slice3A_9 : vector<1x64xf32>
    %reduce_sum3A_64 = vector.shape_cast %mul3A_63 : vector<1x64xf32> to vector<1x1x64xf32>
    %reduce_sum3A_65 = arith.constant dense<0.000000e+00> : vector<1xf32>
    %reduce_sum3A_66 = vector.multi_reduction <add>, %reduce_sum3A_64, %reduce_sum3A_65 [1, 2] : vector<1x1x64xf32> to vector<1xf32>
    %reduce_sum3A_67 = vector.shape_cast %reduce_sum3A_66 : vector<1xf32> to vector<1x1x1xf32>
    %reduce_sum3A_68 = vector.extract %reduce_sum3A_67[0, 0, 0] : f32 from vector<1x1x1xf32>
    %mul3A_69 = arith.constant 1.250000e-01 : f32
    %mul3A_70 = arith.mulf %reduce_sum3A_68, %mul3A_69 : f32
    %iota3A = tpu.iota {dimensions = array<i32: 1>} : vector<1x128xi32>
    %eq3A = arith.constant 0 : i32
    %eq3A_71 = vector.broadcast %eq3A : i32 to vector<1x128xi32>
    %eq3A_72 = arith.cmpi eq, %iota3A, %eq3A_71 : vector<1x128xi32>
    %eq3A_73 = arith.constant 1 : i32
    %eq3A_74 = vector.broadcast %eq3A_73 : i32 to vector<1x128xi32>
    %eq3A_75 = arith.cmpi eq, %iota3A, %eq3A_74 : vector<1x128xi32>
    %jit3A = arith.constant 0.000000e+00 : f32
    %broadcast_in_dim3A = vector.broadcast %mul3A_70 : f32 to vector<1x128xf32>
    %broadcast_in_dim3A_76 = vector.broadcast %jit3A : f32 to vector<1x128xf32>
    %select_n3A = arith.select %eq3A_75, %broadcast_in_dim3A, %broadcast_in_dim3A_76 : vector<1x128xi1>, vector<1x128xf32>
    %broadcast_in_dim3A_77 = vector.broadcast %mul3A_59 : f32 to vector<1x128xf32>
    %select_n3A_78 = arith.select %eq3A_72, %broadcast_in_dim3A_77, %select_n3A : vector<1x128xi1>, vector<1x128xf32>
    %swap3A_79 = arith.constant 4 : index
    %swap3A_80 = arith.constant 0 : index
    %swap3A_81 = vector.load %arg6[%swap3A_79, %swap3A_80] : memref<8x128xf32, #tpu.memory_space<vmem>>, vector<1x128xf32>
    tpu.vector_store %arg6[%swap3A_79, %swap3A_80], %select_n3A_78 {strides = array<i32>} : memref<8x128xf32, #tpu.memory_space<vmem>>, vector<1x128xf32>,
    %broadcast_in_dim3A_82 = arith.constant 0.000000e+00 : f32
    %broadcast_in_dim3A_83 = vector.broadcast %broadcast_in_dim3A_82 : f32 to vector<3x128xf32>
    %swap3A_84 = arith.constant 5 : index
    %swap3A_85 = arith.constant 0 : index
    %swap3A_86 = vector.load %arg6[%swap3A_84, %swap3A_85] : memref<8x128xf32, #tpu.memory_space<vmem>>, vector<3x128xf32>
    tpu.vector_store %arg6[%swap3A_84, %swap3A_85], %broadcast_in_dim3A_83 {strides = array<i32>} : memref<8x128xf32, #tpu.memory_space<vmem>>, vector<3x128xf32>,
    return
  }
}

module attributes {stable_mosaic.version = 14 : i64} {
  func.func @_post_body(%arg0: memref<32x544xf32, #tpu.memory_space<vmem>>, %arg1: memref<1x128xf32, #tpu.memory_space<vmem>>, %arg2: memref<128x128xf32, #tpu.memory_space<vmem>>, %arg3: memref<1x128xf32, #tpu.memory_space<vmem>>, %arg4: memref<128x128xf32, #tpu.memory_space<vmem>>, %arg5: memref<128x128xf32, #tpu.memory_space<vmem>>, %arg6: memref<1x128xf32, #tpu.memory_space<vmem>>, %arg7: memref<128x128xf32, #tpu.memory_space<vmem>>, %arg8: memref<1x128xf32, #tpu.memory_space<vmem>>, %arg9: memref<1x128xf32, #tpu.memory_space<vmem>>) attributes {dimension_semantics = [], scalar_prefetch = 0 : i64, scratch_operands = 0 : i64, tpu.core_type = #tpu.core_type<tc>} {
    %get3A = arith.constant 0 : index
    %get3A_0 = arith.constant 0 : index
    %get3A_1 = vector.load %arg0[%get3A, %get3A_0] : memref<32x544xf32, #tpu.memory_space<vmem>>, vector<32x544xf32>
    %slice3A = vector.extract_strided_slice %get3A_1 {offsets = [0, 512], sizes = [32, 1], strides = [1, 1]} : vector<32x544xf32> to vector<32x1xf32>
    %slice3A_2 = vector.extract_strided_slice %get3A_1 {offsets = [0, 513], sizes = [32, 1], strides = [1, 1]} : vector<32x544xf32> to vector<32x1xf32>
    %slice3A_3 = vector.extract_strided_slice %get3A_1 {offsets = [0, 514], sizes = [32, 1], strides = [1, 1]} : vector<32x544xf32> to vector<32x1xf32>
    %slice3A_4 = vector.extract_strided_slice %get3A_1 {offsets = [0, 515], sizes = [32, 1], strides = [1, 1]} : vector<32x544xf32> to vector<32x1xf32>
    %reduce_max3A = vector.shape_cast %slice3A : vector<32x1xf32> to vector<1x32x1xf32>
    %reduce_max3A_5 = arith.constant dense<0xFF800000> : vector<1xf32>
    %reduce_max3A_6 = vector.multi_reduction <maximumf>, %reduce_max3A, %reduce_max3A_5 [1, 2] : vector<1x32x1xf32> to vector<1xf32>
    %reduce_max3A_7 = vector.shape_cast %reduce_max3A_6 : vector<1xf32> to vector<1x1x1xf32>
    %reduce_max3A_8 = vector.extract %reduce_max3A_7[0, 0, 0] : f32 from vector<1x1x1xf32>
    %reduce_max3A_9 = vector.shape_cast %slice3A_2 : vector<32x1xf32> to vector<1x32x1xf32>
    %reduce_max3A_10 = arith.constant dense<0xFF800000> : vector<1xf32>
    %reduce_max3A_11 = vector.multi_reduction <maximumf>, %reduce_max3A_9, %reduce_max3A_10 [1, 2] : vector<1x32x1xf32> to vector<1xf32>
    %reduce_max3A_12 = vector.shape_cast %reduce_max3A_11 : vector<1xf32> to vector<1x1x1xf32>
    %reduce_max3A_13 = vector.extract %reduce_max3A_12[0, 0, 0] : f32 from vector<1x1x1xf32>
    %sub3A = vector.broadcast %reduce_max3A_8 : f32 to vector<32x1xf32>
    %sub3A_14 = arith.subf %slice3A, %sub3A : vector<32x1xf32>
    %exp3A = math.exp %sub3A_14 : vector<32x1xf32>
    %sub3A_15 = vector.broadcast %reduce_max3A_13 : f32 to vector<32x1xf32>
    %sub3A_16 = arith.subf %slice3A_2, %sub3A_15 : vector<32x1xf32>
    %exp3A_17 = math.exp %sub3A_16 : vector<32x1xf32>
    %mul3A = arith.mulf %slice3A_3, %exp3A : vector<32x1xf32>
    %reduce_sum3A = vector.shape_cast %mul3A : vector<32x1xf32> to vector<1x32x1xf32>
    %reduce_sum3A_18 = arith.constant dense<0.000000e+00> : vector<1xf32>
    %reduce_sum3A_19 = vector.multi_reduction <add>, %reduce_sum3A, %reduce_sum3A_18 [1, 2] : vector<1x32x1xf32> to vector<1xf32>
    %reduce_sum3A_20 = vector.shape_cast %reduce_sum3A_19 : vector<1xf32> to vector<1x1x1xf32>
    %reduce_sum3A_21 = vector.extract %reduce_sum3A_20[0, 0, 0] : f32 from vector<1x1x1xf32>
    %mul3A_22 = arith.mulf %slice3A_4, %exp3A_17 : vector<32x1xf32>
    %reduce_sum3A_23 = vector.shape_cast %mul3A_22 : vector<32x1xf32> to vector<1x32x1xf32>
    %reduce_sum3A_24 = arith.constant dense<0.000000e+00> : vector<1xf32>
    %reduce_sum3A_25 = vector.multi_reduction <add>, %reduce_sum3A_23, %reduce_sum3A_24 [1, 2] : vector<1x32x1xf32> to vector<1xf32>
    %reduce_sum3A_26 = vector.shape_cast %reduce_sum3A_25 : vector<1xf32> to vector<1x1x1xf32>
    %reduce_sum3A_27 = vector.extract %reduce_sum3A_26[0, 0, 0] : f32 from vector<1x1x1xf32>
    %slice3A_28 = vector.extract_strided_slice %get3A_1 {offsets = [0, 0], sizes = [32, 128], strides = [1, 1]} : vector<32x544xf32> to vector<32x128xf32>
    %mul3A_29 = vector.broadcast %exp3A : vector<32x1xf32> to vector<32x128xf32>
    %mul3A_30 = arith.mulf %slice3A_28, %mul3A_29 : vector<32x128xf32>
    %reduce_sum3A_31 = arith.constant dense<0.000000e+00> : vector<128xf32>
    %reduce_sum3A_32 = vector.multi_reduction <add>, %mul3A_30, %reduce_sum3A_31 [0] : vector<32x128xf32> to vector<128xf32>
    %broadcast_in_dim3A = vector.shape_cast %reduce_sum3A_32 : vector<128xf32> to vector<1x128xf32>
    %slice3A_33 = vector.extract_strided_slice %get3A_1 {offsets = [0, 128], sizes = [32, 128], strides = [1, 1]} : vector<32x544xf32> to vector<32x128xf32>
    %mul3A_34 = vector.broadcast %exp3A_17 : vector<32x1xf32> to vector<32x128xf32>
    %mul3A_35 = arith.mulf %slice3A_33, %mul3A_34 : vector<32x128xf32>
    %reduce_sum3A_36 = arith.constant dense<0.000000e+00> : vector<128xf32>
    %reduce_sum3A_37 = vector.multi_reduction <add>, %mul3A_35, %reduce_sum3A_36 [0] : vector<32x128xf32> to vector<128xf32>
    %broadcast_in_dim3A_38 = vector.shape_cast %reduce_sum3A_37 : vector<128xf32> to vector<1x128xf32>
    %slice3A_39 = vector.extract_strided_slice %get3A_1 {offsets = [0, 256], sizes = [32, 128], strides = [1, 1]} : vector<32x544xf32> to vector<32x128xf32>
    %mul3A_40 = vector.broadcast %exp3A : vector<32x1xf32> to vector<32x128xf32>
    %mul3A_41 = arith.mulf %slice3A_39, %mul3A_40 : vector<32x128xf32>
    %reduce_sum3A_42 = arith.constant dense<0.000000e+00> : vector<128xf32>
    %reduce_sum3A_43 = vector.multi_reduction <add>, %mul3A_41, %reduce_sum3A_42 [0] : vector<32x128xf32> to vector<128xf32>
    %broadcast_in_dim3A_44 = vector.shape_cast %reduce_sum3A_43 : vector<128xf32> to vector<1x128xf32>
    %slice3A_45 = vector.extract_strided_slice %get3A_1 {offsets = [0, 384], sizes = [32, 128], strides = [1, 1]} : vector<32x544xf32> to vector<32x128xf32>
    %mul3A_46 = vector.broadcast %exp3A_17 : vector<32x1xf32> to vector<32x128xf32>
    %mul3A_47 = arith.mulf %slice3A_45, %mul3A_46 : vector<32x128xf32>
    %reduce_sum3A_48 = arith.constant dense<0.000000e+00> : vector<128xf32>
    %reduce_sum3A_49 = vector.multi_reduction <add>, %mul3A_47, %reduce_sum3A_48 [0] : vector<32x128xf32> to vector<128xf32>
    %broadcast_in_dim3A_50 = vector.shape_cast %reduce_sum3A_49 : vector<128xf32> to vector<1x128xf32>
    %get3A_51 = arith.constant 0 : index
    %get3A_52 = arith.constant 0 : index
    %get3A_53 = vector.load %arg2[%get3A_51, %get3A_52] : memref<128x128xf32, #tpu.memory_space<vmem>>, vector<128x128xf32>
    %get3A_54 = arith.constant 0 : index
    %get3A_55 = arith.constant 0 : index
    %get3A_56 = vector.load %arg4[%get3A_54, %get3A_55] : memref<128x128xf32, #tpu.memory_space<vmem>>, vector<128x128xf32>
    %get3A_57 = arith.constant 0 : index
    %get3A_58 = arith.constant 0 : index
    %get3A_59 = vector.load %arg3[%get3A_57, %get3A_58] : memref<1x128xf32, #tpu.memory_space<vmem>>, vector<1x128xf32>
    %slice3A_60 = vector.extract_strided_slice %get3A_53 {offsets = [0, 0], sizes = [128, 64], strides = [1, 1]} : vector<128x128xf32> to vector<128x64xf32>
    %dot_general3A = arith.constant dense<0.000000e+00> : vector<1x64xf32>
    %dot_general3A_61 = tpu.matmul %broadcast_in_dim3A, %slice3A_60, %dot_general3A {dimension_numbers = #tpu.dot_dimension_numbers<[1], [0], [0], [1], [0, 0, 1, 1], [], []>, transpose_lhs_hint = false} : vector<1x128xf32>, vector<128x64xf32>, vector<1x64xf32> -> vector<1x64xf32>
    %slice3A_62 = vector.extract_strided_slice %get3A_56 {offsets = [0, 0], sizes = [128, 64], strides = [1, 1]} : vector<128x128xf32> to vector<128x64xf32>
    %dot_general3A_63 = arith.constant dense<0.000000e+00> : vector<1x64xf32>
    %dot_general3A_64 = tpu.matmul %broadcast_in_dim3A_44, %slice3A_62, %dot_general3A_63 {dimension_numbers = #tpu.dot_dimension_numbers<[1], [0], [0], [1], [0, 0, 1, 1], [], []>, transpose_lhs_hint = false} : vector<1x128xf32>, vector<128x64xf32>, vector<1x64xf32> -> vector<1x64xf32>
    %add3A = arith.addf %dot_general3A_61, %dot_general3A_64 : vector<1x64xf32>
    %slice3A_65 = vector.extract_strided_slice %get3A_59 {offsets = [0, 0], sizes = [1, 64], strides = [1, 1]} : vector<1x128xf32> to vector<1x64xf32>
    %mul3A_66 = vector.broadcast %reduce_sum3A_21 : f32 to vector<1x64xf32>
    %mul3A_67 = arith.mulf %mul3A_66, %slice3A_65 : vector<1x64xf32>
    %add3A_68 = arith.addf %add3A, %mul3A_67 : vector<1x64xf32>
    %add3A_69 = arith.constant 1.000000e-16 : f32
    %add3A_70 = arith.addf %reduce_sum3A_21, %add3A_69 : f32
    %div3A = vector.broadcast %add3A_70 : f32 to vector<1x64xf32>
    %div3A_71 = arith.divf %add3A_68, %div3A : vector<1x64xf32>
    %slice3A_72 = vector.extract_strided_slice %get3A_53 {offsets = [0, 64], sizes = [128, 64], strides = [1, 1]} : vector<128x128xf32> to vector<128x64xf32>
    %dot_general3A_73 = arith.constant dense<0.000000e+00> : vector<1x64xf32>
    %dot_general3A_74 = tpu.matmul %broadcast_in_dim3A_38, %slice3A_72, %dot_general3A_73 {dimension_numbers = #tpu.dot_dimension_numbers<[1], [0], [0], [1], [0, 0, 1, 1], [], []>, transpose_lhs_hint = false} : vector<1x128xf32>, vector<128x64xf32>, vector<1x64xf32> -> vector<1x64xf32>
    %slice3A_75 = vector.extract_strided_slice %get3A_56 {offsets = [0, 64], sizes = [128, 64], strides = [1, 1]} : vector<128x128xf32> to vector<128x64xf32>
    %dot_general3A_76 = arith.constant dense<0.000000e+00> : vector<1x64xf32>
    %dot_general3A_77 = tpu.matmul %broadcast_in_dim3A_50, %slice3A_75, %dot_general3A_76 {dimension_numbers = #tpu.dot_dimension_numbers<[1], [0], [0], [1], [0, 0, 1, 1], [], []>, transpose_lhs_hint = false} : vector<1x128xf32>, vector<128x64xf32>, vector<1x64xf32> -> vector<1x64xf32>
    %add3A_78 = arith.addf %dot_general3A_74, %dot_general3A_77 : vector<1x64xf32>
    %slice3A_79 = vector.extract_strided_slice %get3A_59 {offsets = [0, 64], sizes = [1, 64], strides = [1, 1]} : vector<1x128xf32> to vector<1x64xf32>
    %mul3A_80 = vector.broadcast %reduce_sum3A_27 : f32 to vector<1x64xf32>
    %mul3A_81 = arith.mulf %mul3A_80, %slice3A_79 : vector<1x64xf32>
    %add3A_82 = arith.addf %add3A_78, %mul3A_81 : vector<1x64xf32>
    %add3A_83 = arith.constant 1.000000e-16 : f32
    %add3A_84 = arith.addf %reduce_sum3A_27, %add3A_83 : f32
    %div3A_85 = vector.broadcast %add3A_84 : f32 to vector<1x64xf32>
    %div3A_86 = arith.divf %add3A_82, %div3A_85 : vector<1x64xf32>
    %concatenate3A = tpu.concatenate %div3A_71, %div3A_86 in 1 : vector<1x64xf32>, vector<1x64xf32> -> vector<1x128xf32>
    %get3A_87 = arith.constant 0 : index
    %get3A_88 = arith.constant 0 : index
    %get3A_89 = vector.load %arg1[%get3A_87, %get3A_88] : memref<1x128xf32, #tpu.memory_space<vmem>>, vector<1x128xf32>
    %get3A_90 = arith.constant 0 : index
    %get3A_91 = arith.constant 0 : index
    %get3A_92 = vector.load %arg5[%get3A_90, %get3A_91] : memref<128x128xf32, #tpu.memory_space<vmem>>, vector<128x128xf32>
    %dot_general3A_93 = arith.constant dense<0.000000e+00> : vector<1x128xf32>
    %dot_general3A_94 = tpu.matmul %get3A_89, %get3A_92, %dot_general3A_93 {dimension_numbers = #tpu.dot_dimension_numbers<[1], [0], [0], [1], [0, 0, 1, 1], [], []>, transpose_lhs_hint = false} : vector<1x128xf32>, vector<128x128xf32>, vector<1x128xf32> -> vector<1x128xf32>
    %add3A_95 = arith.addf %concatenate3A, %dot_general3A_94 : vector<1x128xf32>
    %get3A_96 = arith.constant 0 : index
    %get3A_97 = arith.constant 0 : index
    %get3A_98 = vector.load %arg6[%get3A_96, %get3A_97] : memref<1x128xf32, #tpu.memory_space<vmem>>, vector<1x128xf32>
    %add3A_99 = arith.addf %add3A_95, %get3A_98 : vector<1x128xf32>
    %get3A_100 = arith.constant 0 : index
    %get3A_101 = arith.constant 0 : index
    %get3A_102 = vector.load %arg7[%get3A_100, %get3A_101] : memref<128x128xf32, #tpu.memory_space<vmem>>, vector<128x128xf32>
    %dot_general3A_103 = arith.constant dense<0.000000e+00> : vector<1x128xf32>
    %dot_general3A_104 = tpu.matmul %add3A_99, %get3A_102, %dot_general3A_103 {dimension_numbers = #tpu.dot_dimension_numbers<[1], [0], [0], [1], [0, 0, 1, 1], [], []>, transpose_lhs_hint = false} : vector<1x128xf32>, vector<128x128xf32>, vector<1x128xf32> -> vector<1x128xf32>
    %get3A_105 = arith.constant 0 : index
    %get3A_106 = arith.constant 0 : index
    %get3A_107 = vector.load %arg8[%get3A_105, %get3A_106] : memref<1x128xf32, #tpu.memory_space<vmem>>, vector<1x128xf32>
    %add3A_108 = arith.addf %dot_general3A_104, %get3A_107 : vector<1x128xf32>
    %swap3A = arith.constant 0 : index
    %swap3A_109 = arith.constant 0 : index
    %swap3A_110 = vector.load %arg9[%swap3A, %swap3A_109] : memref<1x128xf32, #tpu.memory_space<vmem>>, vector<1x128xf32>
    tpu.vector_store %arg9[%swap3A, %swap3A_109], %add3A_108 {strides = array<i32>} : memref<1x128xf32, #tpu.memory_space<vmem>>, vector<1x128xf32>,
    return
  }
}

</mosaic_0001>

<sc_bundles>
// kernel: kernel.5.cloned.1.call-start
scs
__scs_entry_jumppad:
0x0: {  	(pc) =	sbr.rel $0x88, $3  }
0x1: {  	(tag) =	ssettag $0x0;
	lr =	simm.s32 $0x1  }
0x2: {  	[smem:$0x3F93] =	sst lr;
	_ =	strace $0xD0000000  }
0x3: {  	_ = 	snop  }
0x4: {  	_ = 	snop  }
0x5: {  	_ = 	snop  }
0x6: {  	_ = 	snop  }
0x7: {  	_ = 	snop  }
__scs_overlays_trampoline_lowered:
0x8: {  	[smem:$0x3FA2] =	sst s0  }
0x9: {  	[smem:$0x3FA3] =	sst s1  }
0xa: {  	[smem:$0x3FA4] =	sst s2  }
0xb: {  	[smem:$0x3FA5] =	sst s3  }
0xc: {  	[smem:$0x3FA6] =	sst s4  }
0xd: {  	[smem:$0x3FA7] =	sst s5  }
0xe: {  	[smem:$0x3FA8] =	sst s6  }
0xf: {  	[smem:$0x3FA9] =	sst s7  }
0x10: {  	[smem:$0x3FAA] =	sst s8  }
0x11: {  	[smem:$0x3FAB] =	sst s9;
	s0 =	simm.s32 @!p0 $0x0  }
0x12: {  	s1 =	sld [smem:$0x3F91];
	s0 =	simm.s32 @p0 $0x1  }
0x13: {  	[smem:$0x3FAC] =	sst s0;
	s0 =	simm.s32 @!p1 $0x0  }
0x14: {  	s2 =	sld [smem:$0x3F90];
	s0 =	simm.s32 @p1 $0x1  }
0x15: {  	[smem:$0x3FAD] =	sst s0;
	s0 =	simm.s32 @!p2 $0x0  }
0x16: {  	s3 =	sld [smem:$0x3FDB];
	s0 =	simm.s32 @p2 $0x1  }
0x17: {  	s4 =	simm.s32 $0x1BF5;
	[smem:$0x3FAF] =	sst s0  }
0x18: {  	s0 =	sld [smem:$0x3F92];
	_ =	swait.ge [sflag:s4], $0x0  }
0x19: {  	s7 =	sld [smem:$0x3F93]  }
0x1a: {  	s8 =	sadd.s32 $0xFFFFE003, lr  }
0x1b: {  	s9 =	sadd.s32 $0xFFFFFEF7, lr;
	s5 =	simm.s32 $0xFFFFFFFF;
	p2 =	slt.u32 s8, $0xFFFFF086  }
0x1c: {  	p1 =	slt.u32 s9, $0xF7A;
	s5 =	simm.s32 @!p2 $0x0  }
0x1d: {  	s5 =	simm.s32 @p1 $0x1;
	p0 =	seq.s32 s7, s2  }
0x1e: {  	s7 =	smul.u32 @!p0 $0xF7A, s2;
	p2 =	seq.s32 @!p0 s5, $0x0  }
0x1f: {  	s9 =	smul.u32 $0xF7A, s1;
	s8 =	simm.s32 @!p0 $0x1BF5;
	p2 =	por !p2, p0  }
0x20: {  	[sflag:s8] =	ssyncset.s32 @!p0 $0xFFFFF086;
	s6 =	sadd.s32 @!p0 s3, s7;
	s7 =	simm.s32 @!p0 $0x108  }
0x21: {  	s3 =	sadd.s32 s3, s9;
	s6 =	sadd.s32 @!p0 $0x88, s6;
	s7 =	simm.s32 @p2 $0x1082  }
0x22: {  	[simem:s7], [sflag:s8] =	dma.local @!p0 [hbm:s6], $0xF7A  }
0x23: {  	s9 =	sor.u32 $0xD0000000, s2;
	s6 =	simm.s32 $0x108;
	_ =	swait.ge @!p0 [sflag:s8], $0x0  }
0x24: {  	s3 =	sadd.s32 $0x88, s3;
	s6 =	simm.s32 @!p1 $0x1082;
	[sflag:s4] =	ssyncset.s32 $0xFFFFF086  }
0x25: {  	[simem:s6], [sflag:s4] =	dma.local [hbm:s3], $0xF7A  }
0x26: {  	[smem:$0x3F93] =	sst s1;
	(tag) =	ssettag s2;
	_ =	strace s9  }
0x27: {  	s1 =	sld [smem:$0x3FA3]  }
0x28: {  	s2 =	sld [smem:$0x3FA4]  }
0x29: {  	s4 =	sld [smem:$0x3FA6]  }
0x2a: {  	p0 =	seq.s32 s5, $0x0;
	s5 =	sld [smem:$0x3FA7]  }
0x2b: {  	s6 =	sld [smem:$0x3FA8]  }
0x2c: {  	s7 =	sld [smem:$0x3FA9]  }
0x2d: {  	s3 =	simm.s32 $0x108;
	s8 =	sld [smem:$0x3FAA]  }
0x2e: {  	s3 =	simm.s32 @!p0 $0x1082;
	s9 =	sld [smem:$0x3FAB]  }
0x2f: {  	lr =	sadd.s32 s0, s3;
	s0 =	sld [smem:$0x3FA2]  }
0x30: {  	s3 =	sld [smem:$0x3FA5]  }
0x31: {  	[smem:$0x3FAE] =	sst s10  }
0x32: {  	s10 =	sld [smem:$0x3FAC];
	_ =	sdelay $0x3  }
0x33: {  	p0 =	seq.s32 s10, $0x1;
	s10 =	sld [smem:$0x3FAE];
	_ =	sdelay $0x3  }
0x34: {  	[smem:$0x3FAE] =	sst s10  }
0x35: {  	s10 =	sld [smem:$0x3FAD];
	_ =	sdelay $0x3  }
0x36: {  	p1 =	seq.s32 s10, $0x1;
	s10 =	sld [smem:$0x3FAE];
	_ =	sdelay $0x3  }
0x37: {  	[smem:$0x3FAE] =	sst s10  }
0x38: {  	s10 =	sld [smem:$0x3FAF]  }
0x39: {  	_ = 	snop;
	(pc) =	sbr.ind lr, $3  }
0x3a: {  	_ = 	snop  }
0x3b: {  	_ = 	snop  }
0x3c: {  	p2 =	seq.s32 s10, $0x1;
	s10 =	sld [smem:$0x3FAE]  }
0x3d: {  	_ =	shalt  }
0x3e: {  	_ =	shalt  }
0x3f: {  	_ =	shalt  }
0x40: {  	_ =	shalt  }
0x41: {  	_ =	shalt  }
0x42: {  	_ =	shalt  }
0x43: {  	_ =	shalt  }
0x44: {  	_ =	shalt  }
0x45: {  	_ =	shalt  }
0x46: {  	_ =	shalt  }
0x47: {  	_ =	shalt  }
0x48: {  	_ =	shalt  }
0x49: {  	_ =	shalt  }
0x4a: {  	_ =	shalt  }
0x4b: {  	_ =	shalt  }
0x4c: {  	_ =	shalt  }
0x4d: {  	_ =	shalt  }
0x4e: {  	_ =	shalt  }
0x4f: {  	_ =	shalt  }
0x50: {  	_ =	shalt  }
0x51: {  	_ =	shalt  }
0x52: {  	_ =	shalt  }
0x53: {  	_ =	shalt  }
0x54: {  	_ =	shalt  }
0x55: {  	_ =	shalt  }
0x56: {  	_ =	shalt  }
0x57: {  	_ =	shalt  }
0x58: {  	_ =	shalt  }
0x59: {  	_ =	shalt  }
0x5a: {  	_ =	shalt  }
0x5b: {  	_ =	shalt  }
0x5c: {  	_ =	shalt  }
0x5d: {  	_ =	shalt  }
0x5e: {  	_ =	shalt  }
0x5f: {  	_ =	shalt  }
0x60: {  	_ =	shalt  }
0x61: {  	_ =	shalt  }
0x62: {  	_ =	shalt  }
0x63: {  	_ =	shalt  }
0x64: {  	_ =	shalt  }
0x65: {  	_ =	shalt  }
0x66: {  	_ =	shalt  }
0x67: {  	_ =	shalt  }
0x68: {  	_ =	shalt  }
0x69: {  	_ =	shalt  }
0x6a: {  	_ =	shalt  }
0x6b: {  	_ =	shalt  }
0x6c: {  	_ =	shalt  }
0x6d: {  	_ =	shalt  }
0x6e: {  	_ =	shalt  }
0x6f: {  	_ =	shalt  }
0x70: {  	_ =	shalt  }
0x71: {  	_ =	shalt  }
0x72: {  	_ =	shalt  }
0x73: {  	_ =	shalt  }
0x74: {  	_ =	shalt  }
0x75: {  	_ =	shalt  }
0x76: {  	_ =	shalt  }
0x77: {  	_ =	shalt  }
0x78: {  	_ =	shalt  }
0x79: {  	_ =	shalt  }
0x7a: {  	_ =	shalt  }
0x7b: {  	_ =	shalt  }
0x7c: {  	_ =	shalt  }
0x7d: {  	_ =	shalt  }
0x7e: {  	_ =	shalt  }
0x7f: {  	_ =	shalt  }
0x80: {  	_ =	shalt  }
0x81: {  	_ =	shalt  }
0x82: {  	_ =	shalt  }
0x83: {  	_ =	shalt  }
0x84: {  	_ =	shalt  }
0x85: {  	_ =	shalt  }
0x86: {  	_ =	shalt  }
0x87: {  	_ =	shalt  }
.Lfunc_end0:
.L_simem_size_0:
called_computation_lowered:
.L_overlay_start_0:
0x88: {  	s2 =	sld [smem:$0x3FD9]  }
0x89: {  	s3 =	sld [smem:$0x3FFE];
	_ =	sdelay $0x1  }
0x8a: {  	s1 =	srdreg.scid  }
0x8b: {  	s0 =	sand.u32 $0x1, s1  }
0x8c: {  	s17 =	sshll.u32 s0, $0xA;
	s2 =	sadd.s32 s3, s2  }
0x8d: {  	s2 =	sadd.s32 s2, s17  }
0x8e: {  	[smem:$0x3FBA] =	sst s2  }
0x8f: {  	_ = 	snop  }
0x90: {  	s2 =	sld [smem:$0x3FC9]  }
0x91: {  	s18 =	sld [smem:$0x3FC7];
	(tm) =	ssettm $0x1  }
0x92: {  	s4 =	sld [smem:$0x3FFB];
	_ =	sdelay $0x3  }
0x93: {  	_ =	strace s4  }
0x94: {  	s4 =	sld [smem:$0x3FFC];
	_ =	sdelay $0x3  }
0x95: {  	_ =	strace s4  }
0x96: {  	s4 =	sld [smem:$0x3FFD];
	_ =	sdelay $0x3  }
0x97: {  	_ =	strace s4  }
0x98: {  	_ =	strace $0x8FFFFFFF  }
0x99: {  	s19 =	sld [smem:$0x3FDB];
	_ =	sdelay $0x1  }
0x9a: {  	s5 =	simm.s32 $_scs_section_size  }
0x9b: {  	s6 =	simm.s32 $_size__tile_overlayer_lowered;
	s7 =	simm.s32 $_tile_overlayer_lowered  }
0x9c: {  	s22 =	simm.s32 $0x1BFF;
	s21 =	sshll.u32 s7, $0x1;
	s4 =	sadd.s32 s5, s19  }
0x9d: {  	s8 =	simm.s32 $0x0;
	s20 =	sshll.u32 s6, $0x1;
	s6 =	sadd.s32 s21, s4  }
0x9e: {  	[timem:s8], [sflag:s22] =	dma.local [hbm:s6], s20  }
0x9f: {  	_ =	swait.ge [sflag:s22], s20  }
0xa0: {  	s5 =	ssub.s32 $0x0, s20;
	[sflag:s22] =	ssyncset.done $0x0  }
0xa1: {  	[sflag:s22] =	ssyncadd.s32 s5;
	_ =	sdelay $0x1  }
0xa2: {  	s23 =	simm.s32 $0x1B8B  }
0xa3: {  	_ =	swait.ge [sflag:s23], $0x1  }
0xa4: {  	[sflag:s23] =	ssyncset.done $0x0  }
0xa5: {  	s25 =	simm.s32 $0x1B8E;
	s24 =	sld [smem:$0x3FFE];
	[sflag:s23] =	ssyncadd.s32 $0xFFFFFFFF  }
0xa6: {  	s26 =	simm.s32 $execute0_lowered;
	[smem:$0x3FD2] =	sst s25  }
0xa7: {  	s6 =	sshll.u32 s26, $0x1;
	_ =	strace $0x80000046;
	[dreg:$0x1] =	wrdreg $0xFFFFFFFF  }
0xa8: {  	s28 =	simm.s32 $_size_execute0_lowered;
	s4 =	sadd.s32 s4, s6;
	[dreg:$0x0] =	wrdreg $0x0  }
0xa9: {  	s6 =	sshll.u32 s28, $0x1;
	[dreg:$0x2] =	wrdreg s4  }
0xaa: {  	[dreg:$0x3] =	wrdreg s6  }
0xab: {  	[dreg:$0x4] =	wrdreg $0xC0  }
0xac: {  	_ =	task [dreg:s8], $0x5FFFF  }
0xad: {  	[dreg:$0x1] =	wrdreg $0xFFFFFFFF  }
0xae: {  	[dreg:$0x0] =	wrdreg $0x60  }
0xaf: {  	[dreg:$0x2] =	wrdreg s24  }
0xb0: {  	[dreg:$0x3] =	wrdreg s2  }
0xb1: {  	[dreg:$0x4] =	wrdreg s18  }
0xb2: {  	[dreg:$0x5] =	wrdreg $0x9  }
0xb3: {  	_ =	task.clear_ibuf [dreg:s8], $0x6FFFF;
	_ =	strace $0x90000046  }
0xb4: {  	s29 =	simm.s32 $0x9;
	_ =	strace $0x80000048  }
0xb5: {  	_ =	swait.ge [sflag:s29], $0x1  }
0xb6: {  	[sflag:s29] =	ssyncadd.s32 $0xFFFFFFFF  }
0xb7: {  	_ =	strace $0x90000048  }
0xb8: {  	_ =	sfence  }
0xb9: {  	s30 =	sld [smem:$0x0];
	_ =	sdelay $0x2  }
0xba: {  	s31 =	sshll.u32 s1, $0xD;
	s1 =	sshrl.u32 s1, $0x2  }
0xbb: {  	s3 =	sand.u32 $0x4000, s31;
	s1 =	sadd.s32 s1, s30  }
0xbc: {  	s0 =	sor.u32 s3, s0;
	s1 =	sshll.u32 s1, $0x11  }
0xbd: {  	s0 =	sor.u32 s1, s0  }
0xbe: {  	s0 =	sadd.s32 $0x8F2B, s0  }
0xbf: {  	[sflag:s0] =	ssyncadd.remote.s32 $0x1  }
0xc0: {  	_ =	sfence.sel $0xFFFF  }
0xc1: {  	[dreg:$0x0] =	wrdreg $0xFFFFFFFF;
	(pc) =	sbr.abs _section_cstart, $3  }
0xc2: {  	[dreg:$0x1] =	wrdreg $0xFFFFFFFF  }
0xc3: {  	_ =	task.clear_ibuf [dreg:s8], $0x2FFFF;
	_ =	strace $0x9FFFFFFF  }
0xc4: {  	(tm) =	ssettm $0x7FFFFFFF  }
0xc5: {  	_ =	shalt  }
tec
execute0_lowered:
.L_overlay_start_1:
0x0: {  	(tag) =	ssettag $0x1  }
0x1: {  	s0 =	rddreg [dreg:$0x0]  }
0x2: {  	s1 =	srdreg.scid;
	s6 =	stileid.u32  }
0x3: {  	s5 =	simm.s32 $0x0;
	s22 =	simm.s32 $0x5;
	s26 =	simm.s32 $0x2800  }
0x4: {  	s20 =	simm.s32 $0x8E00;
	s21 =	simm.s32 $0x8E80;
	s23 =	simm.s32 $0x8C00  }
0x5: {  	s24 =	simm.s32 $0x8C80;
	s25 =	simm.s32 $0x8D00;
	s29 =	simm.s32 $0x8B90  }
0x6: {  	s30 =	simm.s32 $0x8C10;
	[smem:$0x7FF] =	sst s5;
	s13 =	sadd.s32 $0x15800, s0  }
0x7: {  	s7 =	sadd.s32 $0x1E00, s0;
	_ =	strace $0x80000047;
	[dreg:$0xd] =	wrdreg s13  }
0x8: {  	s31 =	simm.s32 $0x8C90;
	s28 =	simm.s32 $0x8B80;
	[dreg:$0xc] =	wrdreg s7  }
0x9: {  	s11 =	simm.s32 $0x8C30;
	s8 =	simm.s32 $0x8C40;
	[dreg:$0x4] =	wrdreg s20  }
0xa: {  	s9 =	simm.s32 $0x8CC0;
	s12 =	simm.s32 $0x8BD0;
	[dreg:$0x5] =	wrdreg s21  }
0xb: {  	s10 =	simm.s32 $0x8BE0;
	s1 =	sand.u32 $0x1, s1;
	[dreg:$0x6] =	wrdreg s23  }
0xc: {  	s2 =	sshll.u32 s6, $0x1;
	s3 =	sshrl.u32 s6, $0x2;
	[dreg:$0x7] =	wrdreg s24  }
0xd: {  	s6 =	smul.u32 $0x4E20, s6;
	s5 =	simm.s32 $0x8C60;
	[dreg:$0x8] =	wrdreg s25  }
0xe: {  	s2 =	sor.u32 s1, s2;
	s3 =	smul.u32 $0x1400, s3;
	[dreg:$0x9] =	wrdreg s29  }
0xf: {  	s14 =	ssub.s32 $0x2, s1;
	s1 =	smul.u32 $0x2710, s1;
	[dreg:$0xa] =	wrdreg s30  }
0x10: {  	[dreg:$0xb] =	wrdreg s31;
	s20 =	simm.s32 $0x8D60;
	s4 =	sshll.u32 s2, $0x7  }
0x11: {  	s2 =	smul.u32 $0x2710, s2;
	s15 =	sshrl.u32 s14, $0x1;
	s4 =	sand.u32 $0x380, s4  }
0x12: {  	s19 =	sadd.s32 s1, s6;
	s6 =	simm.s32 $0x8D30;
	s3 =	sor.u32 s3, s4  }
0x13: {  	s16 =	sshrl.u32 s2, $0x3;
	[dreg:$0x11] =	wrdreg s19;
	s19 =	simm.s32 $0x7780  }
0x14: {  	v0 =	vmov s2;
	s2 =	simm.s32 $0x8C50;
	s3 =	sshrl.u32 s3, $0x3;
	s17 =	sadd.s32 s7, s16  }
0x15: {  	s7 =	simm.s32 $0x8BC0;
	s16 =	simm.s32 $0x8CE0;
	s0 =	sadd.s32 s3, s0  }
.Ltmp0:
0x16: {  	v1 =	vimm.s32 $0x0;
	v2 =	vlaneseq.u32;
	s3 =	ssub.s32 s14, s15;
	s4 =	sadd.s32 $0x9C40, s17;
	(pc) =	sbr.rel .LBB2_1-.Ltmp0, $4  }
0x17: {  	v3 =	vimm.f32 $0.0e+00;
	vm0 =	vmmov $0xffff;
	vm1 =	vcmask $0xF0C;
	s15 =	simm.s32 $0x8D40;
	s17 =	simm.s32 $0x8D50;
	s14 =	simm.s32 $0x0  }
0x18: {  	vm2 =	vcmask $0x3F0C;
	v4 =	vmul.u32 $0x271, v2;
	v5 =	vor.u32 $0x10, v2;
	[dreg:$0xe] =	wrdreg s4;
	s0 =	sadd.s32 $0x15A00, s0;
	s18 =	smax.u32 s3, $0x1  }
0x19: {  	v6 =	vor.u32 $0x20, v2;
	v7 =	vor.u32 $0x30, v2;
	v8 =	vor.u32 $0x40, v2;
	s4 =	simm.s32 $0x8CB0;
	s3 =	simm.s32 $0x8CD0;
	[dreg:$0xf] =	wrdreg s0  }
0x1a: {  	v9 =	vor.u32 $0x50, v2;
	v10 =	vor.u32 $0x60, v2;
	v11 =	vor.u32 $0x70, v2;
	[dreg:$0x10] =	wrdreg s18;
	s18 =	simm.s32 $0x7F80;
	s0 =	simm.s32 $0x8BB0  }
.LBB2_28:
0x1b: {  	(xrf0) =	vmax.scan.msk.f32 $0xffff, v13  }
0x1c: {  	(xrf0) =	vmax.scan.msk.f32 $0xffff, v12;
	_ =	sdelay $0x4  }
0x1d: {  	v62, _, _ =	vpop (xrf0)  }
0x1e: {  	v63, _, _ =	vpop (xrf0)  }
0x1f: {  	v13 =	vbroadcast v63, $0xF  }
0x20: {  	v12 =	vbroadcast v62, $0xF  }
0x21: {  	v13 =	vnsel vm1, $0x0, v13  }
0x22: {  	vm3 =	veq.s32 v2, $0x0;
	v12 =	vsel vm2, v13, v12  }
0x23: {  	v12 =	vsel vm3, s1, v12;
	vm3 =	veq.s32 v2, $0x1  }
0x24: {  	[tilespmem:$0x8D90] =	vst v3;
	s13 =	rddreg [dreg:$0xf];
	v12 =	vsel vm3, s31, v12  }
0x25: {  	s14 =	simm.s32 $0x80;
	s21 =	simm.s32 $0x400;
	s22 =	simm.s32 $0x5;
	[tilespmem:$0x8D80] =	vst v12  }
0x26: {  	[hbm4b:s13+s14] =	stream.strided.scatter [tilespmem:s28], [sflag:$0x5], $0x280, s21, s14, $0x38;
	[tilespmem:$0x8F00] =	vst v63  }
0x27: {  	_ =	swait.ge [sflag:s22], $0x280  }
0x28: {  	s30 =	rddreg [dreg:$0x12]  }
0x29: {  	s31 =	rddreg [dreg:$0x10];
	s14 =	sadd.s32 $0x1, s30  }
0x2a: {  	p0 =	sne.s32 s14, s31  }
.Ltmp1:
0x2b: {  	_ = 	snop;
	(pc) =	sbr.rel @!p0 .LBB2_29-.Ltmp1, $3  }
0x2c: {  	_ =	sdelay $0x1  }
0x2d: {  	[sflag:s22] =	ssyncset.done $0x0  }
0x2e: {  	[sflag:s22] =	ssyncadd.s32 $0xFFFFFD80  }
.LBB2_1:
0x2f: {  	s13 =	simm.s32 $0x0;
	s30 =	rddreg [dreg:$0xd];
	s21 =	simm.s32 $0x8780  }
0x30: {  	[tilespmem:s21], [sflag:$0x2] =	stream.linear.gather [hbm4b:s30+s13], $0x400, $0x38;
	[tilespmem:$0x8F00] =	vst v63  }
0x31: {  	s31 =	rddreg [dreg:$0xe]  }
0x32: {  	[tilespmem:s13], [sflag:$0x5] =	stream.linear.gather [hbm4b:s31+s13], $0x2710, $0x38;
	[tilespmem:$0x8F00] =	vst v63  }
.Ltmp2:
0x33: {  	[dreg:$0x12] =	wrdreg s14;
	(pc) =	sbr.rel .LBB2_2-.Ltmp2, $4  }
0x34: {  	_ =	swait.ge [sflag:s22], $0x2710  }
0x35: {  	[sflag:s22] =	ssyncset.done $0x0  }
0x36: {  	[sflag:s22] =	ssyncadd.s32 $0xFFFFD8F0  }
0x37: {  	s14 =	simm.s32 $0xC0;
	s13 =	simm.s32 $0x180;
	[tilespmem:$0x7700] =	vst v1  }
.LBB2_4:
0x38: {  	s13 =	sadd.s32 $0x190, s13  }
0x39: {  	p0 =	sne.s32 s13, $0x2890  }
.Ltmp3:
0x3a: {  	_ = 	snop;
	(pc) =	sbr.rel @!p0 .LBB2_5-.Ltmp3, $2  }
0x3b: {  	_ =	sdelay $0x2  }
0x3c: {  	s14 =	sadd.s32 $0x190, s14  }
.LBB2_2:
0x3d: {  	v12 =	vld [tilespmem:s14+$0xFFFFFF50]  }
0x3e: {  	v13 =	vld [tilespmem:s14+$0xFFFFFF60]  }
0x3f: {  	v14 =	vld [tilespmem:s14+$0xFFFFFF70]  }
0x40: {  	v15 =	vld [tilespmem:s14+$0xFFFFFF80]  }
0x41: {  	s21 =	sadd.s32 $0xFFFFFE80, s13;
	v16 =	vld [tilespmem:s14+$0xFFFFFF90];
	s22 =	sadd.s32 $0xFFFFFF00, s13  }
0x42: {  	v17 =	vld [tilespmem:s14+$0xFFFFFFA0];
	s22 =	sand.u32 $0x7F80, s22;
	s21 =	sand.u32 $0x70, s21  }
0x43: {  	v44 =	vld [tilespmem:s14+$0xFFFFFFB0];
	s24 =	sor.u32 s21, s22;
	vm3 =	veq.s32 v12, $0x0;
	vm4 =	veq.s32 v13, $0x0  }
0x44: {  	v45 =	vld [tilespmem:s24+$0x0];
	vm3 =	vmor vm3, vm4;
	vm4 =	veq.s32 v14, $0x0  }
0x45: {  	v46 =	vld [tilespmem:s14+$0xFFFFFFD0];
	vm3 =	vmor vm3, vm4;
	vm4 =	veq.s32 v15, $0x0  }
0x46: {  	v47 =	vld [tilespmem:s14+$0xFFFFFFE0];
	vm3 =	vmor vm3, vm4;
	vm4 =	veq.s32 v16, $0x0  }
0x47: {  	v48 =	vld [tilespmem:s14+$0xFFFFFFF0];
	vm3 =	vmor vm3, vm4;
	vm4 =	veq.s32 v17, $0x0  }
0x48: {  	v49 =	vld [tilespmem:s14+$0x0];
	vm3 =	vmor vm3, vm4;
	vm4 =	veq.s32 v44, $0x0  }
0x49: {  	v50 =	vld [tilespmem:s14+$0x10];
	s29 =	sadd.s32 $0xFFFFFF80, s13;
	vm3 =	vmor vm3, vm4;
	vm4 =	veq.s32 v45, $0x0  }
0x4a: {  	v51 =	vld [tilespmem:s14+$0x20];
	s22 =	sand.u32 $0x7F80, s29;
	vm3 =	vmor vm3, vm4;
	vm4 =	veq.s32 v46, $0x0  }
0x4b: {  	v52 =	vld [tilespmem:s14+$0x30];
	s23 =	sor.u32 s21, s22;
	vm3 =	vmor vm3, vm4;
	vm4 =	veq.s32 v47, $0x0  }
0x4c: {  	v53 =	vld [tilespmem:s23+$0x0];
	vm3 =	vmor vm3, vm4;
	vm4 =	veq.s32 v48, $0x0  }
0x4d: {  	v54 =	vld [tilespmem:s14+$0x50];
	vm3 =	vmor vm3, vm4;
	vm4 =	veq.s32 v49, $0x0  }
0x4e: {  	v55 =	vld [tilespmem:s14+$0x60];
	vm3 =	vmor vm3, vm4;
	vm4 =	veq.s32 v50, $0x0  }
0x4f: {  	v56 =	vld [tilespmem:s14+$0x70];
	vm3 =	vmor vm3, vm4;
	vm4 =	veq.s32 v51, $0x0  }
0x50: {  	v57 =	vld [tilespmem:s14+$0x80];
	vm3 =	vmor vm3, vm4;
	vm4 =	veq.s32 v52, $0x0  }
0x51: {  	v58 =	vld [tilespmem:s14+$0x90];
	vm3 =	vmor vm3, vm4;
	vm4 =	veq.s32 v53, $0x0  }
0x52: {  	v59 =	vld [tilespmem:s14+$0xA0];
	s30 =	sand.u32 $0x7F80, s13;
	vm3 =	vmor vm3, vm4;
	vm4 =	veq.s32 v54, $0x0  }
0x53: {  	v60 =	vld [tilespmem:s14+$0xB0];
	s21 =	sor.u32 s21, s30;
	vm3 =	vmor vm3, vm4;
	vm4 =	veq.s32 v55, $0x0  }
0x54: {  	v61 =	vld [tilespmem:s21+$0x0];
	vm3 =	vmor vm3, vm4;
	vm4 =	veq.s32 v56, $0x0  }
0x55: {  	v62 =	vld [tilespmem:s14+$0xFFFFFF40];
	vm3 =	vmor vm3, vm4;
	vm4 =	veq.s32 v57, $0x0  }
0x56: {  	vm5 =	veq.s32 v58, $0x0;
	vm3 =	vmor vm3, vm4  }
0x57: {  	vm4 =	veq.s32 v59, $0x0;
	vm3 =	vmor vm3, vm5  }
0x58: {  	vm5 =	veq.s32 v60, $0x0;
	vm3 =	vmor vm3, vm4  }
0x59: {  	vm4 =	veq.s32 v61, $0x0;
	vm5 =	vmor vm3, vm5  }
0x5a: {  	vm3 =	veq.s32 v62, $0x0;
	vm4 =	vmor vm5, vm4  }
0x5b: {  	vm4 =	vmor vm3, vm4  }
0x5c: {  	v63 =	vsel vm4, $0x3F800000, v3  }
0x5d: {  	(xrf0) =	vmax.scan.msk.f32 $0xffff, v63;
	_ =	sdelay $0x5  }
0x5e: {  	v12, _, _ =	vpop (xrf0)  }
0x5f: {  	(v2sf) =	vpush v12, $0xF;
	_ =	sdelay $0xe  }
0x60: {  	s31 =	spop (v2sf)  }
0x61: {  	p0 =	sgt.f32 s31, $0.0e+00  }
.Ltmp4:
0x62: {  	_ = 	snop;
	(pc) =	sbr.rel @!p0 .LBB2_4-.Ltmp4, $1  }
0x63: {  	_ =	sdelay $0x3  }
0x64: {  	v12 =	vld [tilespmem:$0x7700];
	_ =	sdelay $0x4  }
0x65: {  	v13 =	vadd.s32 v4, v12  }
0x66: {  	s22 =	rddreg [dreg:$0x11]  }
0x67: {  	s22 =	sadd.s32 s13, s22  }
0x68: {  	s25 =	sadd.s32 $0xFFFFFE80, s22  }
0x69: {  	v14 =	vor.u32 s25, v2  }
0x6a: {  	[tilespmem:v13+s26+$0x0] =	vst.idx.msk vm3, v14  }
0x6b: {  	v13 =	vld [tilespmem:s14+$0xFFFFFF50];
	_ =	sdelay $0x3  }
0x6c: {  	v40 =	vsel vm3, $0x1, v1  }
0x6d: {  	v12 =	vadd.s32 v40, v12;
	vm3 =	veq.s32 v13, $0x0  }
0x6e: {  	v41 =	vadd.s32 v4, v12;
	_ =	sdelay $0x2  }
0x6f: {  	s29 =	sadd.s32 $0xFFFFFE90, s22  }
0x70: {  	v42 =	vor.u32 s29, v2  }
0x71: {  	[tilespmem:v41+s26+$0x0] =	vst.idx.msk vm3, v42  }
0x72: {  	v13 =	vld [tilespmem:s14+$0xFFFFFF60];
	_ =	sdelay $0x3  }
0x73: {  	v43 =	vsel vm3, $0x1, v1  }
0x74: {  	v12 =	vadd.s32 v43, v12;
	vm3 =	veq.s32 v13, $0x0  }
0x75: {  	v44 =	vadd.s32 v4, v12;
	_ =	sdelay $0x2  }
0x76: {  	s30 =	sadd.s32 $0xFFFFFEA0, s22  }
0x77: {  	v45 =	vor.u32 s30, v2  }
0x78: {  	[tilespmem:v44+s26+$0x0] =	vst.idx.msk vm3, v45  }
0x79: {  	v13 =	vld [tilespmem:s14+$0xFFFFFF70];
	_ =	sdelay $0x3  }
0x7a: {  	v46 =	vsel vm3, $0x1, v1  }
0x7b: {  	v12 =	vadd.s32 v46, v12;
	vm3 =	veq.s32 v13, $0x0  }
0x7c: {  	v47 =	vadd.s32 v4, v12;
	_ =	sdelay $0x2  }
0x7d: {  	s31 =	sadd.s32 $0xFFFFFEB0, s22  }
0x7e: {  	v48 =	vor.u32 s31, v2  }
0x7f: {  	[tilespmem:v47+s26+$0x0] =	vst.idx.msk vm3, v48  }
0x80: {  	v13 =	vld [tilespmem:s14+$0xFFFFFF80];
	_ =	sdelay $0x3  }
0x81: {  	v49 =	vsel vm3, $0x1, v1  }
0x82: {  	v12 =	vadd.s32 v49, v12;
	vm3 =	veq.s32 v13, $0x0  }
0x83: {  	v50 =	vadd.s32 v4, v12;
	_ =	sdelay $0x2  }
0x84: {  	s1 =	sadd.s32 $0xFFFFFEC0, s22  }
0x85: {  	v51 =	vor.u32 s1, v2  }
0x86: {  	[tilespmem:v50+s26+$0x0] =	vst.idx.msk vm3, v51  }
0x87: {  	v13 =	vld [tilespmem:s14+$0xFFFFFF90];
	_ =	sdelay $0x3  }
0x88: {  	v52 =	vsel vm3, $0x1, v1  }
0x89: {  	v12 =	vadd.s32 v52, v12;
	vm3 =	veq.s32 v13, $0x0  }
0x8a: {  	v53 =	vadd.s32 v4, v12;
	_ =	sdelay $0x2  }
0x8b: {  	s29 =	sadd.s32 $0xFFFFFED0, s22  }
0x8c: {  	v54 =	vor.u32 s29, v2  }
0x8d: {  	[tilespmem:v53+s26+$0x0] =	vst.idx.msk vm3, v54  }
0x8e: {  	v13 =	vld [tilespmem:s14+$0xFFFFFFA0];
	_ =	sdelay $0x3  }
0x8f: {  	v55 =	vsel vm3, $0x1, v1  }
0x90: {  	v12 =	vadd.s32 v55, v12;
	vm3 =	veq.s32 v13, $0x0  }
0x91: {  	v56 =	vadd.s32 v4, v12;
	_ =	sdelay $0x2  }
0x92: {  	s30 =	sadd.s32 $0xFFFFFEE0, s22  }
0x93: {  	v57 =	vor.u32 s30, v2  }
0x94: {  	[tilespmem:v56+s26+$0x0] =	vst.idx.msk vm3, v57  }
0x95: {  	v13 =	vld [tilespmem:s14+$0xFFFFFFB0];
	_ =	sdelay $0x3  }
0x96: {  	v58 =	vsel vm3, $0x1, v1  }
0x97: {  	v12 =	vadd.s32 v58, v12;
	vm3 =	veq.s32 v13, $0x0  }
0x98: {  	v59 =	vadd.s32 v4, v12;
	_ =	sdelay $0x2  }
0x99: {  	s31 =	sadd.s32 $0xFFFFFEF0, s22  }
0x9a: {  	v60 =	vor.u32 s31, v2  }
0x9b: {  	[tilespmem:v59+s26+$0x0] =	vst.idx.msk vm3, v60  }
0x9c: {  	v13 =	vld [tilespmem:s24+$0x0];
	_ =	sdelay $0x3  }
0x9d: {  	v61 =	vsel vm3, $0x1, v1  }
0x9e: {  	v12 =	vadd.s32 v61, v12;
	vm3 =	veq.s32 v13, $0x0  }
0x9f: {  	v62 =	vadd.s32 v4, v12;
	_ =	sdelay $0x2  }
0xa0: {  	s1 =	sadd.s32 $0xFFFFFF00, s22  }
0xa1: {  	v63 =	vor.u32 s1, v2  }
0xa2: {  	[tilespmem:v62+s26+$0x0] =	vst.idx.msk vm3, v63  }
0xa3: {  	v13 =	vld [tilespmem:s14+$0xFFFFFFD0];
	_ =	sdelay $0x3  }
0xa4: {  	v16 =	vsel vm3, $0x1, v1  }
0xa5: {  	v12 =	vadd.s32 v16, v12;
	vm3 =	veq.s32 v13, $0x0  }
0xa6: {  	v17 =	vadd.s32 v4, v12;
	_ =	sdelay $0x2  }
0xa7: {  	s25 =	sadd.s32 $0xFFFFFF10, s22  }
0xa8: {  	v18 =	vor.u32 s25, v2  }
0xa9: {  	[tilespmem:v17+s26+$0x0] =	vst.idx.msk vm3, v18  }
0xaa: {  	v13 =	vld [tilespmem:s14+$0xFFFFFFE0];
	_ =	sdelay $0x3  }
0xab: {  	v19 =	vsel vm3, $0x1, v1  }
0xac: {  	v12 =	vadd.s32 v19, v12;
	vm3 =	veq.s32 v13, $0x0  }
0xad: {  	v20 =	vadd.s32 v4, v12;
	_ =	sdelay $0x2  }
0xae: {  	s29 =	sadd.s32 $0xFFFFFF20, s22  }
0xaf: {  	v21 =	vor.u32 s29, v2  }
0xb0: {  	[tilespmem:v20+s26+$0x0] =	vst.idx.msk vm3, v21  }
0xb1: {  	v13 =	vld [tilespmem:s14+$0xFFFFFFF0];
	_ =	sdelay $0x3  }
0xb2: {  	v22 =	vsel vm3, $0x1, v1  }
0xb3: {  	v12 =	vadd.s32 v22, v12;
	vm3 =	veq.s32 v13, $0x0  }
0xb4: {  	v23 =	vadd.s32 v4, v12;
	_ =	sdelay $0x2  }
0xb5: {  	s30 =	sadd.s32 $0xFFFFFF30, s22  }
0xb6: {  	v24 =	vor.u32 s30, v2  }
0xb7: {  	[tilespmem:v23+s26+$0x0] =	vst.idx.msk vm3, v24  }
0xb8: {  	v13 =	vld [tilespmem:s14+$0x0];
	_ =	sdelay $0x3  }
0xb9: {  	v25 =	vsel vm3, $0x1, v1  }
0xba: {  	v12 =	vadd.s32 v25, v12;
	vm3 =	veq.s32 v13, $0x0  }
0xbb: {  	v26 =	vadd.s32 v4, v12;
	_ =	sdelay $0x2  }
0xbc: {  	s31 =	sadd.s32 $0xFFFFFF40, s22  }
0xbd: {  	v27 =	vor.u32 s31, v2  }
0xbe: {  	[tilespmem:v26+s26+$0x0] =	vst.idx.msk vm3, v27  }
0xbf: {  	v13 =	vld [tilespmem:s14+$0x10];
	_ =	sdelay $0x3  }
0xc0: {  	v28 =	vsel vm3, $0x1, v1  }
0xc1: {  	v12 =	vadd.s32 v28, v12;
	vm3 =	veq.s32 v13, $0x0  }
0xc2: {  	v29 =	vadd.s32 v4, v12;
	_ =	sdelay $0x2  }
0xc3: {  	s1 =	sadd.s32 $0xFFFFFF50, s22  }
0xc4: {  	v30 =	vor.u32 s1, v2  }
0xc5: {  	[tilespmem:v29+s26+$0x0] =	vst.idx.msk vm3, v30  }
0xc6: {  	v13 =	vld [tilespmem:s14+$0x20];
	_ =	sdelay $0x3  }
0xc7: {  	v31 =	vsel vm3, $0x1, v1  }
0xc8: {  	v12 =	vadd.s32 v31, v12;
	vm3 =	veq.s32 v13, $0x0  }
0xc9: {  	v32 =	vadd.s32 v4, v12;
	_ =	sdelay $0x2  }
0xca: {  	s25 =	sadd.s32 $0xFFFFFF60, s22  }
0xcb: {  	v33 =	vor.u32 s25, v2  }
0xcc: {  	[tilespmem:v32+s26+$0x0] =	vst.idx.msk vm3, v33  }
0xcd: {  	v13 =	vld [tilespmem:s14+$0x30];
	_ =	sdelay $0x3  }
0xce: {  	v34 =	vsel vm3, $0x1, v1  }
0xcf: {  	v12 =	vadd.s32 v34, v12;
	vm3 =	veq.s32 v13, $0x0  }
0xd0: {  	v35 =	vadd.s32 v4, v12;
	_ =	sdelay $0x2  }
0xd1: {  	s29 =	sadd.s32 $0xFFFFFF70, s22  }
0xd2: {  	v36 =	vor.u32 s29, v2  }
0xd3: {  	[tilespmem:v35+s26+$0x0] =	vst.idx.msk vm3, v36  }
0xd4: {  	v13 =	vld [tilespmem:s23+$0x0];
	_ =	sdelay $0x3  }
0xd5: {  	v37 =	vsel vm3, $0x1, v1  }
0xd6: {  	v12 =	vadd.s32 v37, v12;
	vm3 =	veq.s32 v13, $0x0  }
0xd7: {  	v38 =	vadd.s32 v4, v12;
	_ =	sdelay $0x2  }
0xd8: {  	s30 =	sadd.s32 $0xFFFFFF80, s22  }
0xd9: {  	v39 =	vor.u32 s30, v2  }
0xda: {  	[tilespmem:v38+s26+$0x0] =	vst.idx.msk vm3, v39  }
0xdb: {  	v13 =	vld [tilespmem:s14+$0x50];
	_ =	sdelay $0x3  }
0xdc: {  	v40 =	vsel vm3, $0x1, v1  }
0xdd: {  	v12 =	vadd.s32 v40, v12;
	vm3 =	veq.s32 v13, $0x0  }
0xde: {  	v41 =	vadd.s32 v4, v12;
	_ =	sdelay $0x2  }
0xdf: {  	s31 =	sadd.s32 $0xFFFFFF90, s22  }
0xe0: {  	v42 =	vor.u32 s31, v2  }
0xe1: {  	[tilespmem:v41+s26+$0x0] =	vst.idx.msk vm3, v42  }
0xe2: {  	v13 =	vld [tilespmem:s14+$0x60];
	_ =	sdelay $0x3  }
0xe3: {  	v43 =	vsel vm3, $0x1, v1  }
0xe4: {  	v12 =	vadd.s32 v43, v12;
	vm3 =	veq.s32 v13, $0x0  }
0xe5: {  	v44 =	vadd.s32 v4, v12;
	_ =	sdelay $0x2  }
0xe6: {  	s1 =	sadd.s32 $0xFFFFFFA0, s22  }
0xe7: {  	v45 =	vor.u32 s1, v2  }
0xe8: {  	[tilespmem:v44+s26+$0x0] =	vst.idx.msk vm3, v45  }
0xe9: {  	v13 =	vld [tilespmem:s14+$0x70];
	_ =	sdelay $0x3  }
0xea: {  	v46 =	vsel vm3, $0x1, v1  }
0xeb: {  	v12 =	vadd.s32 v46, v12;
	vm3 =	veq.s32 v13, $0x0  }
0xec: {  	v47 =	vadd.s32 v4, v12;
	_ =	sdelay $0x2  }
0xed: {  	s24 =	sadd.s32 $0xFFFFFFB0, s22  }
0xee: {  	v48 =	vor.u32 s24, v2  }
0xef: {  	[tilespmem:v47+s26+$0x0] =	vst.idx.msk vm3, v48  }
0xf0: {  	v13 =	vld [tilespmem:s14+$0x80];
	_ =	sdelay $0x3  }
0xf1: {  	v49 =	vsel vm3, $0x1, v1  }
0xf2: {  	v12 =	vadd.s32 v49, v12;
	vm3 =	veq.s32 v13, $0x0  }
0xf3: {  	v50 =	vadd.s32 v4, v12;
	_ =	sdelay $0x2  }
0xf4: {  	s25 =	sadd.s32 $0xFFFFFFC0, s22  }
0xf5: {  	v51 =	vor.u32 s25, v2  }
0xf6: {  	[tilespmem:v50+s26+$0x0] =	vst.idx.msk vm3, v51  }
0xf7: {  	v13 =	vld [tilespmem:s14+$0x90];
	_ =	sdelay $0x3  }
0xf8: {  	v52 =	vsel vm3, $0x1, v1  }
0xf9: {  	v12 =	vadd.s32 v52, v12;
	vm3 =	veq.s32 v13, $0x0  }
0xfa: {  	v53 =	vadd.s32 v4, v12;
	_ =	sdelay $0x2  }
0xfb: {  	s29 =	sadd.s32 $0xFFFFFFD0, s22  }
0xfc: {  	v54 =	vor.u32 s29, v2  }
0xfd: {  	[tilespmem:v53+s26+$0x0] =	vst.idx.msk vm3, v54  }
0xfe: {  	v13 =	vld [tilespmem:s14+$0xA0];
	_ =	sdelay $0x3  }
0xff: {  	v55 =	vsel vm3, $0x1, v1  }
0x100: {  	v12 =	vadd.s32 v55, v12;
	vm3 =	veq.s32 v13, $0x0  }
0x101: {  	v56 =	vadd.s32 v4, v12;
	_ =	sdelay $0x2  }
0x102: {  	s30 =	sadd.s32 $0xFFFFFFE0, s22  }
0x103: {  	v57 =	vor.u32 s30, v2  }
0x104: {  	[tilespmem:v56+s26+$0x0] =	vst.idx.msk vm3, v57  }
0x105: {  	v13 =	vld [tilespmem:s14+$0xB0];
	_ =	sdelay $0x3  }
0x106: {  	v58 =	vsel vm3, $0x1, v1  }
0x107: {  	v12 =	vadd.s32 v58, v12;
	vm3 =	veq.s32 v13, $0x0  }
0x108: {  	v59 =	vadd.s32 v4, v12;
	_ =	sdelay $0x2  }
0x109: {  	s31 =	sadd.s32 $0xFFFFFFF0, s22  }
0x10a: {  	v60 =	vor.u32 s31, v2  }
0x10b: {  	[tilespmem:v59+s26+$0x0] =	vst.idx.msk vm3, v60  }
0x10c: {  	v13 =	vld [tilespmem:s21+$0x0];
	_ =	sdelay $0x3  }
0x10d: {  	v61 =	vsel vm3, $0x1, v1  }
0x10e: {  	v12 =	vadd.s32 v61, v12;
	vm3 =	veq.s32 v13, $0x0  }
0x10f: {  	v62 =	vadd.s32 v4, v12;
	_ =	sdelay $0x1  }
.Ltmp5:
0x110: {  	_ = 	snop;
	(pc) =	sbr.rel .LBB2_4-.Ltmp5, $4  }
0x111: {  	_ = 	snop  }
0x112: {  	v63 =	vor.u32 s22, v2;
	v15 =	vsel vm3, $0x1, v1  }
0x113: {  	v12 =	vadd.s32 v15, v12;
	[tilespmem:v62+s26+$0x0] =	vst.idx.msk vm3, v63  }
0x114: {  	[tilespmem:$0x7700] =	vst v12  }
.LBB2_5:
0x115: {  	v12 =	vld [tilespmem:$0x7700];
	_ =	sdelay $0x4  }
0x116: {  	(xrf0) =	vadd.scan.msk.s32 $0xffff, v12;
	v13 =	vxor.u32 $0x80000000, v12  }
0x117: {  	(xrf0) =	vmax.scan.msk.u32 $0xffff, v13;
	_ =	sdelay $0x4  }
0x118: {  	v13, _, _ =	vpop (xrf0)  }
0x119: {  	(v2sf) =	vpush v13, $0xF;
	v14, _, _ =	vpop (xrf0)  }
0x11a: {  	(v2sf) =	vpush v14, $0xF;
	_ =	sdelay $0xd  }
0x11b: {  	s13 =	spop (v2sf)  }
0x11c: {  	s31 =	spop (v2sf)  }
0x11d: {  	[dreg:$0x13] =	wrdreg s13;
	s13 =	sxor.u32 $0x80000000, s31  }
0x11e: {  	p0 =	slt.s32 s13, $0x1  }
.Ltmp6:
0x11f: {  	_ = 	snop;
	(pc) =	sbr.rel @p0 .LBB2_9-.Ltmp6, $2  }
0x120: {  	_ =	sdelay $0x2  }
0x121: {  	s22 =	simm.s32 $0x4F80  }
0x122: {  	s21 =	simm.s32 $0x0  }
0x123: {  	p0 =	sne.s32 s13, $0x1;
	v14 =	vadd.s32 s21, v4  }
.Ltmp7:
0x124: {  	_ = 	snop;
	(pc) =	sbr.rel @!p0 .LBB2_8-.Ltmp7, $3  }
0x125: {  	_ =	sdelay $0x1  }
0x126: {  	v13 =	vsub.s32 v13, v12;
	vm3 =	vgt.s32 v12, s21  }
0x127: {  	s14 =	simm.s32 $0x1;
	v15 =	vadd.s32 s21, v13;
	v14 =	vld.idx.msk [tilespmem:v14+s26+$0x0], $0xffff  }
.LBB2_7:
0x128: {  	v16 =	vadd.s32 s14, v4;
	s21 =	smov.u32 s14;
	s14 =	sadd.s32 $0x1, s14  }
0x129: {  	p0 =	sne.s32 s13, s14  }
.Ltmp8:
0x12a: {  	(pc) =	sbr.rel @p0 .LBB2_7-.Ltmp8, $4  }
0x12b: {  	_ = 	snop  }
0x12c: {  	[tilespmem:v15+s22+$0x0] =	vst.idx.msk vm3, v14  }
0x12d: {  	vm3 =	vgt.s32 v12, s21;
	v14 =	vld.idx.msk [tilespmem:v16+s26+$0x0], $0xffff  }
0x12e: {  	v15 =	vadd.s32 s21, v13  }
.LBB2_8:
0x12f: {  	_ =	sdelay $0x4  }
0x130: {  	[tilespmem:v15+s22+$0x0] =	vst.idx.msk vm3, v14  }
.LBB2_9:
0x131: {  	v12 =	vimm.f32 $0.0e+00  }
0x132: {  	[tilespmem:$0x8B80] =	vst v12  }
0x133: {  	[tilespmem:$0x8B90] =	vst v12  }
0x134: {  	[tilespmem:$0x8BA0] =	vst v12  }
0x135: {  	[tilespmem:$0x8BB0] =	vst v12  }
0x136: {  	[tilespmem:$0x8BC0] =	vst v12  }
0x137: {  	[tilespmem:$0x8BD0] =	vst v12  }
0x138: {  	[tilespmem:$0x8BE0] =	vst v12  }
0x139: {  	[tilespmem:$0x8BF0] =	vst v12  }
0x13a: {  	[tilespmem:$0x8C00] =	vst v12  }
0x13b: {  	[tilespmem:$0x8C10] =	vst v12  }
0x13c: {  	[tilespmem:$0x8C20] =	vst v12  }
0x13d: {  	[tilespmem:$0x8C30] =	vst v12  }
0x13e: {  	[tilespmem:$0x8C40] =	vst v12  }
0x13f: {  	[tilespmem:$0x8C50] =	vst v12  }
0x140: {  	[tilespmem:$0x8C60] =	vst v12  }
0x141: {  	[tilespmem:$0x8C70] =	vst v12  }
0x142: {  	[tilespmem:$0x8C80] =	vst v12  }
0x143: {  	[tilespmem:$0x8C90] =	vst v12  }
0x144: {  	[tilespmem:$0x8CA0] =	vst v12  }
0x145: {  	[tilespmem:$0x8CB0] =	vst v12  }
0x146: {  	[tilespmem:$0x8CC0] =	vst v12  }
0x147: {  	[tilespmem:$0x8CD0] =	vst v12  }
0x148: {  	[tilespmem:$0x8CE0] =	vst v12  }
0x149: {  	[tilespmem:$0x8CF0] =	vst v12  }
0x14a: {  	[tilespmem:$0x8D00] =	vst v12  }
0x14b: {  	[tilespmem:$0x8D10] =	vst v12  }
0x14c: {  	[tilespmem:$0x8D20] =	vst v12  }
0x14d: {  	[tilespmem:$0x8D30] =	vst v12  }
0x14e: {  	[tilespmem:$0x8D40] =	vst v12  }
0x14f: {  	[tilespmem:$0x8D50] =	vst v12  }
0x150: {  	[tilespmem:$0x8D60] =	vst v12  }
0x151: {  	s13 =	simm.s32 $0x2;
	[tilespmem:$0x8D70] =	vst v12  }
0x152: {  	_ =	swait.ge [sflag:s13], $0x400  }
0x153: {  	[sflag:s13] =	ssyncset.done $0x0  }
0x154: {  	[sflag:s13] =	ssyncadd.s32 $0xFFFFFC00  }
0x155: {  	v13 =	vld [tilespmem:$0x8980];
	_ =	sdelay $0x4  }
0x156: {  	(v2sf) =	vpush v13, $0x0  }
0x157: {  	(v2sf) =	vpush v13, $0x1;
	_ =	sdelay $0x2  }
0x158: {  	s30 =	rddreg [dreg:$0x13]  }
0x159: {  	s24 =	sadd.s32 $0xF, s30  }
0x15a: {  	s14 =	sand.u32 $0xF, s24  }
0x15b: {  	s21 =	sshra.s32 s24, $0x1F;
	p0 =	slt.s32 s24, $0x1;
	p1 =	sne.s32 s14, $0x0  }
0x15c: {  	s25 =	sshrl.u32 s21, $0x1C;
	p0 =	por !p0, !p1  }
0x15d: {  	s14 =	simm.s32 $0x1;
	s13 =	sadd.s32 s25, s24;
	p0 =	por !p0, !p0  }
0x15e: {  	s13 =	sshra.s32 s13, $0x4;
	s14 =	simm.s32 @!p0 $0x0  }
0x15f: {  	s13 =	ssub.s32 s13, s14  }
0x160: {  	p0 =	slt.s32 s13, $0x1  }
.Ltmp9:
0x161: {  	_ = 	snop;
	(pc) =	sbr.rel @!p0 .LBB2_10-.Ltmp9, $4  }
.Ltmp10:
0x162: {  	s31 =	simm.f32 $-1.000000020e+30;
	s1 =	simm.f32 $-1.000000020e+30;
	(pc) =	sbr.rel @p0 .LBB2_28-.Ltmp10, $4  }
0x163: {  	s22 =	simm.s32 $0x0;
	[dreg:$0x15] =	wrdreg s13;
	s25 =	spop (v2sf)  }
0x164: {  	s21 =	simm.s32 $0x8BF0;
	s29 =	spop (v2sf);
	[dreg:$0x14] =	wrdreg s25  }
0x165: {  	s24 =	simm.s32 $0x8D10;
	s14 =	simm.s32 $0x8C70;
	v13 =	vimm.f32 $0.0e+00;
	[dreg:$0x16] =	wrdreg s29  }
0x166: {  	_ = 	snop  }
.LBB2_21:
0x167: {  	s30 =	simm.s32 $0x8C20;
	s31 =	simm.s32 $0x8CA0;
	s1 =	simm.s32 $0x8D20  }
.LBB2_26:
0x168: {  	_ =	sdelay $0x1  }
0x169: {  	s13 =	simm.s32 $0x8D70  }
0x16a: {  	[tilespmem:s13+$0x0] =	vst.add.f32.msk @p0 $0xffff, v19  }
0x16b: {  	v19 =	vld.idx.msk [tilespmem:v21+s25+$0x0], $0xffff  }
0x16c: {  	v20 =	vld.idx.msk [tilespmem:v22+s19+$0x0], $0xffff  }
0x16d: {  	v43 =	vld.idx.msk [tilespmem:v21+s22+$0x0], $0xffff  }
0x16e: {  	v44 =	vld.idx.msk [tilespmem:v22+s18+$0x0], $0xffff;
	_ =	sdelay $0x2  }
0x16f: {  	v23 =	vmul.f32 v20, v19  }
0x170: {  	v24 =	vor.u32 v5, v18;
	v20 =	vmul.f32 v20, v43  }
0x171: {  	s13 =	rddreg [dreg:$0x6];
	v45 =	vmul.f32 v44, v19;
	[tilespmem:s28+$0x0] =	vst.add.f32.msk $0xffff, v23  }
0x172: {  	s22 =	rddreg [dreg:$0x7];
	v22 =	vmul.f32 v44, v43;
	[tilespmem:s13+$0x0] =	vst.add.f32.msk $0xffff, v20  }
0x173: {  	s23 =	rddreg [dreg:$0x8];
	[tilespmem:s22+$0x0] =	vst.add.f32.msk $0xffff, v45  }
0x174: {  	[tilespmem:s23+$0x0] =	vst.add.f32.msk $0xffff, v22  }
0x175: {  	v20 =	vld.idx.msk [tilespmem:v24+s19+$0x0], $0xffff;
	_ =	sdelay $0x1  }
0x176: {  	v22 =	vld.idx.msk [tilespmem:v24+s18+$0x0], $0xffff;
	_ =	sdelay $0x2  }
0x177: {  	v46 =	vmul.f32 v20, v19  }
0x178: {  	v47 =	vor.u32 v6, v18;
	s13 =	rddreg [dreg:$0x9];
	v20 =	vmul.f32 v20, v43  }
0x179: {  	s22 =	rddreg [dreg:$0xa];
	v48 =	vmul.f32 v22, v19;
	[tilespmem:s13+$0x0] =	vst.add.f32.msk $0xffff, v46  }
0x17a: {  	s23 =	rddreg [dreg:$0xb];
	v49 =	vmul.f32 v22, v43;
	[tilespmem:s22+$0x0] =	vst.add.f32.msk $0xffff, v20  }
0x17b: {  	[tilespmem:s23+$0x0] =	vst.add.f32.msk $0xffff, v48  }
0x17c: {  	[tilespmem:s24+$0x0] =	vst.add.f32.msk $0xffff, v49  }
0x17d: {  	v20 =	vld.idx.msk [tilespmem:v47+s19+$0x0], $0xffff;
	_ =	sdelay $0x1  }
0x17e: {  	v50 =	vld.idx.msk [tilespmem:v47+s18+$0x0], $0xffff;
	_ =	sdelay $0x2  }
0x17f: {  	v51 =	vmul.f32 v20, v19  }
0x180: {  	v52 =	vor.u32 v7, v18;
	v20 =	vmul.f32 v20, v43  }
0x181: {  	v53 =	vmul.f32 v50, v19;
	[tilespmem:s29+$0x0] =	vst.add.f32.msk $0xffff, v51  }
0x182: {  	v22 =	vmul.f32 v50, v43;
	[tilespmem:s30+$0x0] =	vst.add.f32.msk $0xffff, v20  }
0x183: {  	[tilespmem:s31+$0x0] =	vst.add.f32.msk $0xffff, v53  }
0x184: {  	[tilespmem:s1+$0x0] =	vst.add.f32.msk $0xffff, v22  }
0x185: {  	v20 =	vld.idx.msk [tilespmem:v52+s19+$0x0], $0xffff;
	_ =	sdelay $0x1  }
0x186: {  	v22 =	vld.idx.msk [tilespmem:v52+s18+$0x0], $0xffff;
	_ =	sdelay $0x2  }
0x187: {  	v54 =	vmul.f32 v20, v19  }
0x188: {  	v55 =	vor.u32 v8, v18;
	v20 =	vmul.f32 v20, v43  }
0x189: {  	v56 =	vmul.f32 v22, v19;
	[tilespmem:s0+$0x0] =	vst.add.f32.msk $0xffff, v54  }
0x18a: {  	v22 =	vmul.f32 v22, v43;
	[tilespmem:s11+$0x0] =	vst.add.f32.msk $0xffff, v20  }
0x18b: {  	[tilespmem:s4+$0x0] =	vst.add.f32.msk $0xffff, v56  }
0x18c: {  	[tilespmem:s6+$0x0] =	vst.add.f32.msk $0xffff, v22  }
0x18d: {  	v20 =	vld.idx.msk [tilespmem:v55+s19+$0x0], $0xffff;
	_ =	sdelay $0x1  }
0x18e: {  	v22 =	vld.idx.msk [tilespmem:v55+s18+$0x0], $0xffff;
	_ =	sdelay $0x2  }
0x18f: {  	v57 =	vmul.f32 v20, v19  }
0x190: {  	v58 =	vor.u32 v9, v18;
	v20 =	vmul.f32 v20, v43  }
0x191: {  	v59 =	vmul.f32 v22, v19;
	[tilespmem:s7+$0x0] =	vst.add.f32.msk $0xffff, v57  }
0x192: {  	v22 =	vmul.f32 v22, v43;
	[tilespmem:s8+$0x0] =	vst.add.f32.msk $0xffff, v20  }
0x193: {  	[tilespmem:s9+$0x0] =	vst.add.f32.msk $0xffff, v59  }
0x194: {  	[tilespmem:s15+$0x0] =	vst.add.f32.msk $0xffff, v22  }
0x195: {  	v20 =	vld.idx.msk [tilespmem:v58+s19+$0x0], $0xffff;
	_ =	sdelay $0x1  }
0x196: {  	v22 =	vld.idx.msk [tilespmem:v58+s18+$0x0], $0xffff;
	_ =	sdelay $0x2  }
0x197: {  	v60 =	vmul.f32 v20, v19  }
0x198: {  	v61 =	vor.u32 v10, v18;
	v20 =	vmul.f32 v20, v43  }
0x199: {  	v25 =	vmul.f32 v22, v19;
	[tilespmem:s12+$0x0] =	vst.add.f32.msk $0xffff, v60  }
0x19a: {  	v22 =	vmul.f32 v22, v43;
	[tilespmem:s2+$0x0] =	vst.add.f32.msk $0xffff, v20  }
0x19b: {  	[tilespmem:s3+$0x0] =	vst.add.f32.msk $0xffff, v25  }
0x19c: {  	[tilespmem:s17+$0x0] =	vst.add.f32.msk $0xffff, v22  }
0x19d: {  	v20 =	vld.idx.msk [tilespmem:v61+s19+$0x0], $0xffff;
	_ =	sdelay $0x1  }
0x19e: {  	v22 =	vld.idx.msk [tilespmem:v61+s18+$0x0], $0xffff;
	_ =	sdelay $0x2  }
0x19f: {  	v62 =	vmul.f32 v20, v19  }
0x1a0: {  	v18 =	vor.u32 v11, v18;
	v20 =	vmul.f32 v20, v43  }
0x1a1: {  	v24 =	vmul.f32 v22, v19;
	[tilespmem:s10+$0x0] =	vst.add.f32.msk $0xffff, v62  }
0x1a2: {  	v22 =	vmul.f32 v22, v43;
	[tilespmem:s5+$0x0] =	vst.add.f32.msk $0xffff, v20  }
0x1a3: {  	[tilespmem:s16+$0x0] =	vst.add.f32.msk $0xffff, v24  }
0x1a4: {  	[tilespmem:s20+$0x0] =	vst.add.f32.msk $0xffff, v22  }
0x1a5: {  	v20 =	vld.idx.msk [tilespmem:v18+s19+$0x0], $0xffff;
	_ =	sdelay $0x1  }
0x1a6: {  	v18 =	vld.idx.msk [tilespmem:v18+s18+$0x0], $0xffff;
	_ =	sdelay $0x2  }
0x1a7: {  	v63 =	vmul.f32 v20, v19  }
0x1a8: {  	v20 =	vmul.f32 v20, v43  }
0x1a9: {  	v19 =	vmul.f32 v18, v19;
	[tilespmem:s21+$0x0] =	vst.add.f32.msk $0xffff, v63  }
0x1aa: {  	s31 =	simm.s32 $0x8CF0;
	v18 =	vmul.f32 v18, v43;
	[tilespmem:s14+$0x0] =	vst.add.f32.msk $0xffff, v20  }
0x1ab: {  	s25 =	simm.s32 $0x8D70;
	[tilespmem:s31+$0x0] =	vst.add.f32.msk $0xffff, v19  }
0x1ac: {  	[tilespmem:s25+$0x0] =	vst.add.f32.msk $0xffff, v18;
	s25 =	rddreg [dreg:$0x14]  }
.LBB2_27:
0x1ad: {  	s22 =	rddreg [dreg:$0x18]  }
0x1ae: {  	s13 =	rddreg [dreg:$0x15];
	s22 =	sadd.s32 $0x1, s22  }
0x1af: {  	p0 =	sne.s32 s22, s13  }
.Ltmp11:
0x1b0: {  	_ = 	snop;
	(pc) =	sbr.rel @!p0 .LBB2_28-.Ltmp11, $4  }
0x1b1: {  	v13 =	vmul.f32 v14, v13;
	v14 =	vbroadcast v16, $0xF  }
0x1b2: {  	s30 =	rddreg [dreg:$0x17];
	v12 =	vmul.f32 v15, v12;
	v15 =	vbroadcast v17, $0xF  }
0x1b3: {  	s31 =	rddreg [dreg:$0x1a];
	v13 =	vadd.f32 v14, v13  }
0x1b4: {  	s1 =	rddreg [dreg:$0x19];
	s30 =	sadd.s32 $0xFFFFFFF0, s30;
	v12 =	vadd.f32 v15, v12  }
.LBB2_10:
0x1b5: {  	s13 =	sshll.u32 s22, $0x4  }
0x1b6: {  	v14 =	vld [tilespmem:s13+$0x4F80]  }
0x1b7: {  	s23 =	rddreg [dreg:$0x13]  }
0x1b8: {  	s13 =	ssub.s32 s23, s13  }
0x1b9: {  	v15 =	vmov s13  }
0x1ba: {  	vm3 =	vgt.s32 v15, v2  }
0x1bb: {  	v14 =	vsel vm3, v14, v0;
	_ =	sdelay $0x2  }
0x1bc: {  	[dreg:$0x18] =	wrdreg s22  }
0x1bd: {  	s22 =	rddreg [dreg:$0xc];
	s29 =	simm.s32 $0x0;
	s23 =	simm.s32 $0x2780  }
0x1be: {  	[tilespmem:s23], [sflag:$0x1] =	stream.indirect_vreg.gather [hbm4b:s22+s29], $0x1, v14, vm0, $0xb8;
	[tilespmem:$0x8F00] =	vst v63  }
0x1bf: {  	s23 =	rddreg [dreg:$0x2]  }
0x1c0: {  	[tilespmem:s18], [sflag:$0x4] =	stream.indirect_vreg.gather [hbm4b:s23+s29], $0x80, v14, vm0, $0xb8;
	[tilespmem:$0x8F00] =	vst v63  }
0x1c1: {  	s23 =	simm.s32 $0x1  }
0x1c2: {  	_ =	swait.ge [sflag:s23], $0x10  }
0x1c3: {  	[sflag:s23] =	ssyncset.done $0x0  }
0x1c4: {  	[sflag:s23] =	ssyncadd.s32 $0xFFFFFFF0  }
0x1c5: {  	v14 =	vld [tilespmem:$0x2780];
	_ =	sdelay $0x6  }
0x1c6: {  	s23 =	simm.s32 $0x3;
	s22 =	rddreg [dreg:$0x1]  }
0x1c7: {  	[tilespmem:s19], [sflag:$0x3] =	stream.indirect_vreg.gather [hbm4b:s22+s29], $0x80, v14, vm0, $0xb8;
	[tilespmem:$0x8F00] =	vst v63  }
0x1c8: {  	p0 =	sgt.s32 s30, $0x1;
	_ =	swait.ge [sflag:s23], $0x800  }
0x1c9: {  	[dreg:$0x17] =	wrdreg s30;
	s30 =	simm.s32 @!p0 $0x1;
	p0 =	slt.s32 s13, $0x1  }
.Ltmp12:
0x1ca: {  	[sflag:s23] =	ssyncset.done $0x0;
	(pc) =	sbr.rel @p0 .LBB2_11-.Ltmp12, $4  }
0x1cb: {  	s22 =	simm.s32 $0x4;
	[sflag:s23] =	ssyncadd.s32 $0xFFFFF800  }
0x1cc: {  	_ =	swait.ge [sflag:s22], $0x800  }
0x1cd: {  	[sflag:s22] =	ssyncset.done $0x0  }
0x1ce: {  	v14 =	vimm.f32 $-1.000000020e+30;
	s13 =	smin.u32 s30, $0x10;
	[sflag:s22] =	ssyncadd.s32 $0xFFFFF800  }
0x1cf: {  	v28 =	vld [tilespmem:$0x87F0]  }
0x1d0: {  	v29 =	vld [tilespmem:$0x87E0]  }
0x1d1: {  	v15 =	vld [tilespmem:$0x87C0]  }
0x1d2: {  	v16 =	vld [tilespmem:$0x87B0]  }
0x1d3: {  	v17 =	vld [tilespmem:$0x87A0]  }
0x1d4: {  	v18 =	vld [tilespmem:$0x88A0]  }
0x1d5: {  	v19 =	vld [tilespmem:$0x8790]  }
0x1d6: {  	v26 =	vld [tilespmem:$0x8890]  }
0x1d7: {  	v20 =	vld [tilespmem:$0x8780]  }
0x1d8: {  	v22 =	vld [tilespmem:$0x8880]  }
0x1d9: {  	v31 =	vld [tilespmem:$0x8870]  }
0x1da: {  	v30 =	vld [tilespmem:$0x8860]  }
0x1db: {  	v33 =	vld [tilespmem:$0x8960]  }
0x1dc: {  	v32 =	vld [tilespmem:$0x8850]  }
0x1dd: {  	v34 =	vld [tilespmem:$0x8950]  }
0x1de: {  	v27 =	vld [tilespmem:$0x8840]  }
0x1df: {  	v23 =	vld [tilespmem:$0x8830]  }
0x1e0: {  	v25 =	vmov s29;
	v24 =	vld [tilespmem:$0x8930]  }
0x1e1: {  	v36 =	vld [tilespmem:$0x8820];
	v21 =	vshll.u32 v25, $0x7  }
0x1e2: {  	v38 =	vld [tilespmem:$0x8920];
	v37 =	vor.u32 v2, v21  }
0x1e3: {  	v39 =	vld [tilespmem:$0x8810]  }
0x1e4: {  	v41 =	vld [tilespmem:$0x8910];
	v40 =	vor.u32 v5, v21  }
0x1e5: {  	v42 =	vld [tilespmem:$0x8800]  }
0x1e6: {  	v43 =	vld [tilespmem:$0x8900];
	v44 =	vor.u32 v6, v21  }
0x1e7: {  	v45 =	vld.idx.msk [tilespmem:v37+s19+$0x0], $0xffff  }
0x1e8: {  	v46 =	vor.u32 v7, v21;
	v37 =	vld.idx.msk [tilespmem:v37+s18+$0x0], $0xffff  }
0x1e9: {  	v47 =	vld.idx.msk [tilespmem:v40+s19+$0x0], $0xffff  }
0x1ea: {  	v40 =	vld.idx.msk [tilespmem:v40+s18+$0x0], $0xffff  }
0x1eb: {  	v48 =	vor.u32 v8, v21;
	v49 =	vld.idx.msk [tilespmem:v44+s19+$0x0], $0xffff  }
0x1ec: {  	v44 =	vld.idx.msk [tilespmem:v44+s18+$0x0], $0xffff  }
0x1ed: {  	v51 =	vld.idx.msk [tilespmem:v46+s19+$0x0], $0xffff  }
0x1ee: {  	v50 =	vor.u32 v9, v21;
	v46 =	vld.idx.msk [tilespmem:v46+s18+$0x0], $0xffff;
	v42 =	vmul.f32 v42, v45;
	v43 =	vmul.f32 v43, v37  }
0x1ef: {  	v35 =	vld [tilespmem:$0x8940];
	v52 =	vor.u32 v10, v21;
	v20 =	vmul.f32 v20, v45;
	v39 =	vmul.f32 v39, v47  }
0x1f0: {  	v53 =	vor.u32 v11, v21;
	v21 =	vld.idx.msk [tilespmem:v48+s18+$0x0], $0xffff;
	v41 =	vmul.f32 v41, v40;
	v37 =	vmul.f32 v22, v37  }
0x1f1: {  	v61 =	vld [tilespmem:$0x88B0];
	v36 =	vmul.f32 v36, v49;
	v38 =	vmul.f32 v38, v44  }
0x1f2: {  	v45 =	vld.idx.msk [tilespmem:v48+s19+$0x0], $0xffff;
	v19 =	vmul.f32 v19, v47;
	v42 =	vadd.f32 $0.0e+00, v42;
	v43 =	vadd.f32 $0.0e+00, v43  }
0x1f3: {  	v22 =	vld.idx.msk [tilespmem:v50+s18+$0x0], $0xffff;
	v56 =	vmul.f32 v23, v51;
	v57 =	vmul.f32 v24, v46  }
0x1f4: {  	v24 =	vld.idx.msk [tilespmem:v52+s18+$0x0], $0xffff;
	v40 =	vmul.f32 v26, v40;
	v39 =	vadd.f32 v39, v42;
	v41 =	vadd.f32 v41, v43  }
0x1f5: {  	v35 =	vmul.f32 v35, v21;
	v17 =	vmul.f32 v17, v49;
	v55 =	vadd.f32 $0.0e+00, v20;
	v20 =	vld.idx.msk [tilespmem:v50+s19+$0x0], $0xffff  }
0x1f6: {  	v23 =	vld.idx.msk [tilespmem:v52+s19+$0x0], $0xffff;
	v18 =	vmul.f32 v18, v44;
	v36 =	vadd.f32 v36, v39;
	v38 =	vadd.f32 v38, v41  }
0x1f7: {  	v60 =	vld [tilespmem:$0x8970];
	v16 =	vmul.f32 v16, v51;
	v37 =	vadd.f32 $0.0e+00, v37;
	v19 =	vadd.f32 v19, v55  }
0x1f8: {  	v26 =	vld.idx.msk [tilespmem:v53+s19+$0x0], $0xffff;
	v58 =	vmul.f32 v27, v45;
	v36 =	vadd.f32 v56, v36;
	v38 =	vadd.f32 v57, v38  }
0x1f9: {  	p2 =	sne.s32 s13, $0x1;
	v37 =	vadd.f32 v40, v37;
	v27 =	vld.idx.msk [tilespmem:v53+s18+$0x0], $0xffff;
	v34 =	vmul.f32 v34, v22;
	v63 =	vmul.f32 v33, v24  }
.Ltmp13:
0x1fa: {  	v33 =	vld [tilespmem:$0x88D0];
	v59 =	vmul.f32 v32, v20;
	v36 =	vadd.f32 v58, v36;
	v35 =	vadd.f32 v35, v38;
	(pc) =	sbr.rel @!p2 .LBB2_13-.Ltmp13, $4  }
0x1fb: {  	v42 =	vmul.f32 v61, v46;
	v17 =	vadd.f32 v17, v19;
	v19 =	vmul.f32 v30, v23;
	v30 =	vld [tilespmem:$0x87D0]  }
0x1fc: {  	v41 =	vmul.f32 v15, v45;
	v32 =	vld [tilespmem:$0x88C0];
	v62 =	vadd.f32 v59, v36;
	v34 =	vadd.f32 v34, v35  }
0x1fd: {  	v40 =	vadd.f32 v16, v17;
	v35 =	vadd.f32 v18, v37;
	v36 =	vmul.f32 v31, v26;
	v31 =	vld [tilespmem:$0x88E0]  }
0x1fe: {  	s22 =	simm.s32 $0x1;
	p1 =	por $0x0, $0x0;
	v39 =	vmul.f32 v60, v27;
	v37 =	vadd.f32 v19, v62;
	v38 =	vadd.f32 v63, v34;
	v34 =	vld [tilespmem:$0x88F0]  }
0x1ff: {  	v15 =	vld [tilespmem:$0x87F0]  }
0x200: {  	v16 =	vld [tilespmem:$0x87E0];
	v17 =	vadd.f32 v36, v37;
	v18 =	vadd.f32 v39, v38  }
0x201: {  	v19 =	vld [tilespmem:$0x87C0]  }
0x202: {  	v62 =	vld [tilespmem:$0x8880];
	v17 =	vadd.f32 v18, v17  }
0x203: {  	v63 =	vld [tilespmem:$0x8810]  }
0x204: {  	v57 =	vld [tilespmem:$0x8910];
	v18 =	vadd.f32 v42, v35;
	(xrf2) =	vadd.scan.msk.f32 $0xffff, v17;
	v17 =	vmul.f32 v32, v21  }
0x205: {  	v22 =	vmul.f32 v33, v22;
	v43 =	vld [tilespmem:$0x8800]  }
0x206: {  	v44 =	vld [tilespmem:$0x8900];
	v20 =	vmul.f32 v30, v20;
	v21 =	vadd.f32 v41, v40;
	v17 =	vadd.f32 v17, v18  }
0x207: {  	v36 =	vld [tilespmem:$0x87B0];
	v18 =	vmul.f32 v29, v23  }
0x208: {  	v37 =	vld [tilespmem:$0x87A0];
	v20 =	vadd.f32 v20, v21;
	v21 =	vmul.f32 v31, v24;
	v17 =	vadd.f32 v22, v17  }
0x209: {  	v38 =	vld [tilespmem:$0x88A0];
	v22 =	vmul.f32 v28, v26  }
0x20a: {  	v39 =	vld [tilespmem:$0x8790];
	v18 =	vadd.f32 v18, v20;
	v20 =	vmul.f32 v34, v27;
	v17 =	vadd.f32 v21, v17  }
0x20b: {  	v30 =	vld [tilespmem:$0x8780]  }
0x20c: {  	v35 =	vld [tilespmem:$0x8950];
	v18 =	vadd.f32 v22, v18;
	v17 =	vadd.f32 v20, v17  }
0x20d: {  	v32 =	vld [tilespmem:$0x8890]  }
0x20e: {  	v29 =	vld [tilespmem:$0x8870];
	v17 =	vadd.f32 v17, v18  }
0x20f: {  	v31 =	vld [tilespmem:$0x8860];
	v18 =	vmov s22  }
0x210: {  	v23 =	vld [tilespmem:$0x8830];
	v21, _, _ =	vpop (xrf2);
	(xrf2) =	vadd.scan.msk.f32 $0xffff, v17;
	v17 =	vshll.u32 v18, $0x7  }
0x211: {  	v24 =	vld [tilespmem:$0x8930];
	(v2sf) =	vpush v21, $0xF;
	v21 =	vor.u32 v2, v17  }
0x212: {  	v28 =	vld [tilespmem:$0x8960]  }
0x213: {  	v34 =	vld [tilespmem:$0x8850];
	v56 =	vor.u32 v5, v17  }
0x214: {  	v22 =	vld [tilespmem:$0x8920]  }
0x215: {  	v20 =	vld [tilespmem:$0x8820];
	v45 =	vor.u32 v6, v17  }
0x216: {  	v46 =	vld.idx.msk [tilespmem:v21+s19+$0x0], $0xffff  }
0x217: {  	v47 =	vld.idx.msk [tilespmem:v21+s18+$0x0], $0xffff  }
0x218: {  	v49 =	vor.u32 v8, v17;
	v48 =	vld.idx.msk [tilespmem:v56+s19+$0x0], $0xffff  }
0x219: {  	v41 =	vld.idx.msk [tilespmem:v56+s18+$0x0], $0xffff  }
0x21a: {  	v21 =	vor.u32 v7, v17;
	v51 =	vld.idx.msk [tilespmem:v45+s19+$0x0], $0xffff  }
0x21b: {  	v45 =	vld.idx.msk [tilespmem:v45+s18+$0x0], $0xffff  }
0x21c: {  	vm4 =	veq.s32 v25, v2;
	v26 =	vld [tilespmem:$0x8840]  }
0x21d: {  	v58 =	vor.u32 v9, v17;
	v53 =	vld.idx.msk [tilespmem:v49+s19+$0x0], $0xffff;
	v50, _, _ =	vpop (xrf2);
	v30 =	vmul.f32 v30, v46;
	v25 =	vmul.f32 v43, v46  }
0x21e: {  	v27 =	vld [tilespmem:$0x8940];
	(v2sf) =	vpush v50, $0xF;
	v59 =	vmul.f32 v44, v47;
	v40 =	vmul.f32 v63, v48  }
0x21f: {  	v54 =	vor.u32 v11, v17;
	v52 =	vld.idx.msk [tilespmem:v21+s19+$0x0], $0xffff;
	v42 =	vmul.f32 v57, v41;
	v33 =	vmul.f32 v62, v47  }
0x220: {  	v60 =	vor.u32 v10, v17;
	v44 =	vld.idx.msk [tilespmem:v21+s18+$0x0], $0xffff;
	v61 =	vmul.f32 v20, v51;
	v63 =	vmul.f32 v22, v45  }
0x221: {  	v21 =	vld.idx.msk [tilespmem:v49+s18+$0x0], $0xffff;
	v39 =	vmul.f32 v39, v48;
	v25 =	vadd.f32 $0.0e+00, v25;
	v43 =	vadd.f32 $0.0e+00, v59  }
0x222: {  	v20 =	vld.idx.msk [tilespmem:v58+s19+$0x0], $0xffff;
	v32 =	vmul.f32 v32, v41;
	v55 =	vmul.f32 v26, v53  }
0x223: {  	v22 =	vld.idx.msk [tilespmem:v58+s18+$0x0], $0xffff;
	v37 =	vmul.f32 v37, v51;
	v25 =	vadd.f32 v40, v25;
	v62 =	vadd.f32 v42, v43  }
0x224: {  	v26 =	vld.idx.msk [tilespmem:v54+s19+$0x0], $0xffff;
	v41 =	vmul.f32 v19, v53;
	v49 =	vmul.f32 v23, v52  }
0x225: {  	v23 =	vld.idx.msk [tilespmem:v60+s19+$0x0], $0xffff;
	v50 =	vmul.f32 v24, v44;
	v25 =	vadd.f32 v61, v25;
	v40 =	vadd.f32 v63, v62  }
0x226: {  	v19 =	vimm.f32 $-1.000000020e+30;
	v30 =	vadd.f32 $0.0e+00, v30;
	v33 =	vadd.f32 $0.0e+00, v33;
	v24 =	vld.idx.msk [tilespmem:v60+s18+$0x0], $0xffff  }
0x227: {  	v57 =	vld [tilespmem:$0x8970];
	v56 =	vmul.f32 v27, v21;
	v25 =	vadd.f32 v49, v25;
	v40 =	vadd.f32 v50, v40  }
0x228: {  	v30 =	vadd.f32 v39, v30;
	v33 =	vadd.f32 v32, v33;
	v27 =	vld.idx.msk [tilespmem:v54+s18+$0x0], $0xffff;
	v34 =	vmul.f32 v34, v20  }
0x229: {  	p2 =	sne.s32 s13, $0x2;
	v58 =	vld [tilespmem:$0x88B0];
	v35 =	vmul.f32 v35, v22;
	v25 =	vadd.f32 v55, v25;
	v59 =	vadd.f32 v56, v40  }
.Ltmp14:
0x22a: {  	v32 =	vld [tilespmem:$0x88C0];
	v60 =	vadd.f32 v37, v30;
	v61 =	vmul.f32 v38, v45;
	v31 =	vmul.f32 v31, v23;
	(pc) =	sbr.rel @!p2 .LBB2_15-.Ltmp14, $4  }
0x22b: {  	s24 =	rddreg [dreg:$0x16];
	s30 =	spop (v2sf);
	v30 =	vld [tilespmem:$0x87D0];
	v28 =	vmul.f32 v28, v24;
	v25 =	vadd.f32 v34, v25;
	v62 =	vadd.f32 v35, v59  }
0x22c: {  	s22 =	sadd.f32 s30, s24;
	v63 =	vmul.f32 v36, v52;
	v36 =	vmul.f32 v29, v26;
	v35 =	vadd.f32 v61, v33;
	v33 =	vld [tilespmem:$0x88D0]  }
0x22d: {  	p1 =	por $0x1, $0x1;
	v39 =	vmul.f32 v57, v27;
	v37 =	vadd.f32 v31, v25;
	v31 =	vld [tilespmem:$0x88E0];
	v38 =	vadd.f32 v28, v62;
	s23 =	spop (v2sf)  }
0x22e: {  	s29 =	simm.s32 $0x8BA0;
	v42 =	vmul.f32 v58, v44;
	v17 =	vsel vm4, s22, v14;
	s22 =	simm.s32 $0x2;
	v40 =	vadd.f32 v63, v60;
	v34 =	vld [tilespmem:$0x88F0];
	s23 =	sadd.f32 s23, s25  }
.LBB2_16:
0x22f: {  	v43 =	vld [tilespmem:$0x87F0];
	v21 =	vmul.f32 v32, v21;
	v28 =	vadd.f32 v36, v37;
	v29 =	vadd.f32 v39, v38  }
0x230: {  	v32 =	vld [tilespmem:$0x87E0];
	v35 =	vadd.f32 v42, v35;
	v36 =	vadd.f32 v41, v40;
	v20 =	vmul.f32 v30, v20  }
0x231: {  	v16 =	vmul.f32 v16, v23;
	v25 =	vld [tilespmem:$0x87C0];
	v22 =	vmul.f32 v33, v22;
	v23 =	vadd.f32 v29, v28  }
0x232: {  	v28 =	vld [tilespmem:$0x87B0];
	v21 =	vadd.f32 v21, v35;
	v20 =	vadd.f32 v20, v36;
	v24 =	vmul.f32 v31, v24  }
0x233: {  	v26 =	vmul.f32 v15, v26;
	v19 =	vsel vm4, s23, v19;
	v30 =	vld [tilespmem:$0x87A0];
	v27 =	vmul.f32 v34, v27;
	(xrf2) =	vadd.scan.msk.f32 $0xffff, v23  }
0x234: {  	v29 =	vld [tilespmem:$0x88A0];
	v21 =	vadd.f32 v22, v21;
	v20 =	vadd.f32 v16, v20;
	v15 =	vmov v43  }
0x235: {  	v23 =	vld [tilespmem:$0x8790];
	v16 =	vmov v32  }
0x236: {  	v32 =	vld [tilespmem:$0x8890];
	v21 =	vadd.f32 v24, v21;
	v20 =	vadd.f32 v26, v20  }
0x237: {  	v22 =	vld [tilespmem:$0x8780]  }
0x238: {  	v24 =	vld [tilespmem:$0x8880];
	v21 =	vadd.f32 v27, v21  }
0x239: {  	v31 =	vld [tilespmem:$0x8870]  }
0x23a: {  	v33 =	vld [tilespmem:$0x8860];
	v21 =	vadd.f32 v21, v20  }
0x23b: {  	v34 =	vld [tilespmem:$0x8960]  }
0x23c: {  	v35 =	vld [tilespmem:$0x8850];
	(xrf2) =	vadd.scan.msk.f32 $0xffff, v21  }
0x23d: {  	v36 =	vld [tilespmem:$0x8950];
	v20, _, _ =	vpop (xrf2)  }
0x23e: {  	v26 =	vld [tilespmem:$0x8840];
	(v2sf) =	vpush v20, $0xF  }
0x23f: {  	v27 =	vld [tilespmem:$0x8940]  }
0x240: {  	v37 =	vld [tilespmem:$0x8830]  }
0x241: {  	v20 =	vmov s22;
	v38 =	vld [tilespmem:$0x8930]  }
0x242: {  	s22 =	sadd.s32 $0x1, s22;
	v21 =	vshll.u32 v20, $0x7;
	v39 =	vld [tilespmem:$0x8820]  }
0x243: {  	p2 =	sne.s32 s13, s22;
	v40 =	vor.u32 v2, v21;
	v41 =	vld [tilespmem:$0x8920]  }
0x244: {  	v42 =	vld [tilespmem:$0x8810]  }
0x245: {  	v43 =	vor.u32 v5, v21;
	v44 =	vld [tilespmem:$0x8910]  }
0x246: {  	v45 =	vld [tilespmem:$0x8800];
	v46, _, _ =	vpop (xrf2)  }
0x247: {  	v48 =	vor.u32 v6, v21;
	v47 =	vld [tilespmem:$0x8900];
	(v2sf) =	vpush v46, $0xF  }
0x248: {  	v46 =	vld.idx.msk [tilespmem:v40+s19+$0x0], $0xffff  }
0x249: {  	v49 =	vor.u32 v7, v21;
	v40 =	vld.idx.msk [tilespmem:v40+s18+$0x0], $0xffff  }
0x24a: {  	v50 =	vld.idx.msk [tilespmem:v43+s19+$0x0], $0xffff  }
0x24b: {  	v51 =	vor.u32 v8, v21;
	v43 =	vld.idx.msk [tilespmem:v43+s18+$0x0], $0xffff  }
0x24c: {  	v52 =	vld.idx.msk [tilespmem:v48+s19+$0x0], $0xffff  }
0x24d: {  	v53 =	vor.u32 v9, v21;
	v48 =	vld.idx.msk [tilespmem:v48+s18+$0x0], $0xffff;
	s23 =	spop (v2sf)  }
0x24e: {  	vm4 =	veq.s32 v18, v2;
	v18 =	vmov v20;
	v22 =	vmul.f32 v22, v46;
	v54 =	vld.idx.msk [tilespmem:v49+s19+$0x0], $0xffff;
	s23 =	sadd.f32 s23, s24  }
0x24f: {  	v20 =	vmul.f32 v45, v46;
	v45 =	vmul.f32 v47, v40;
	v47 =	vor.u32 v10, v21;
	v46 =	vld.idx.msk [tilespmem:v49+s18+$0x0], $0xffff  }
0x250: {  	v55 =	vor.u32 v11, v21;
	v42 =	vmul.f32 v42, v50;
	v49 =	vld.idx.msk [tilespmem:v51+s19+$0x0], $0xffff;
	v17 =	vsel vm4, s23, v17  }
0x251: {  	v56 =	vadd.f32 $0.0e+00, v20;
	v45 =	vadd.f32 $0.0e+00, v45;
	v44 =	vmul.f32 v44, v43;
	v21 =	vld.idx.msk [tilespmem:v51+s18+$0x0], $0xffff  }
0x252: {  	v24 =	vmul.f32 v24, v40;
	v51 =	vadd.f32 $0.0e+00, v22;
	v39 =	vmul.f32 v39, v52;
	v20 =	vld.idx.msk [tilespmem:v53+s19+$0x0], $0xffff  }
0x253: {  	v40 =	vadd.f32 v42, v56;
	v42 =	vadd.f32 v44, v45;
	v41 =	vmul.f32 v41, v48;
	v22 =	vld.idx.msk [tilespmem:v53+s18+$0x0], $0xffff  }
0x254: {  	v44 =	vadd.f32 $0.0e+00, v24;
	v45 =	vmul.f32 v23, v50;
	v37 =	vmul.f32 v37, v54;
	v23 =	vld.idx.msk [tilespmem:v47+s19+$0x0], $0xffff  }
0x255: {  	v39 =	vadd.f32 v39, v40;
	v40 =	vadd.f32 v41, v42;
	v38 =	vmul.f32 v38, v46;
	v24 =	vld.idx.msk [tilespmem:v47+s18+$0x0], $0xffff  }
0x256: {  	v32 =	vmul.f32 v32, v43;
	v41 =	vadd.f32 v45, v51;
	v42 =	vmul.f32 v26, v49;
	v26 =	vld.idx.msk [tilespmem:v55+s19+$0x0], $0xffff;
	s23 =	spop (v2sf)  }
0x257: {  	v37 =	vadd.f32 v37, v39;
	v38 =	vadd.f32 v38, v40;
	v39 =	vmul.f32 v27, v21;
	v27 =	vld.idx.msk [tilespmem:v55+s18+$0x0], $0xffff;
	s23 =	sadd.f32 s23, s25  }
0x258: {  	v30 =	vmul.f32 v30, v52;
	v40 =	vadd.f32 v32, v44;
	v35 =	vmul.f32 v35, v20;
	v43 =	vld [tilespmem:$0x8970]  }
0x259: {  	v37 =	vadd.f32 v42, v37;
	v38 =	vadd.f32 v39, v38;
	v36 =	vmul.f32 v36, v22;
	v44 =	vld [tilespmem:$0x88B0]  }
.Ltmp15:
0x25a: {  	v29 =	vmul.f32 v29, v48;
	v41 =	vadd.f32 v30, v41;
	v39 =	vmul.f32 v33, v23;
	v32 =	vld [tilespmem:$0x88C0];
	(pc) =	sbr.rel @p2 .LBB2_16-.Ltmp15, $4  }
0x25b: {  	v37 =	vadd.f32 v35, v37;
	v38 =	vadd.f32 v36, v38;
	v34 =	vmul.f32 v34, v24;
	v30 =	vld [tilespmem:$0x87D0]  }
0x25c: {  	v28 =	vmul.f32 v28, v54;
	v35 =	vadd.f32 v29, v40;
	v36 =	vmul.f32 v31, v26;
	v33 =	vld [tilespmem:$0x88D0]  }
0x25d: {  	v37 =	vadd.f32 v39, v37;
	v38 =	vadd.f32 v34, v38;
	v31 =	vld [tilespmem:$0x88E0];
	v39 =	vmul.f32 v43, v27  }
0x25e: {  	v40 =	vadd.f32 v28, v41;
	v41 =	vmul.f32 v25, v49;
	v42 =	vmul.f32 v44, v46;
	v34 =	vld [tilespmem:$0x88F0]  }
0x25f: {  	v29 =	vmov v16;
	v28 =	vmov v15;
	v25 =	vmov v18  }
.LBB2_18:
0x260: {  	v15 =	vmul.f32 v32, v21;
	v16 =	vadd.f32 v42, v35  }
0x261: {  	v18 =	vadd.f32 v41, v40  }
0x262: {  	v20 =	vmul.f32 v30, v20;
	v58 =	vmul.f32 v33, v22;
	v15 =	vadd.f32 v15, v16  }
0x263: {  	v16 =	vmul.f32 v29, v23  }
0x264: {  	v18 =	vadd.f32 v20, v18;
	v59 =	vmul.f32 v31, v24;
	v15 =	vadd.f32 v58, v15  }
0x265: {  	v60 =	vmul.f32 v28, v26  }
0x266: {  	v61 =	vmul.f32 v34, v27;
	v16 =	vadd.f32 v16, v18;
	v15 =	vadd.f32 v59, v15  }
0x267: {  	v62 =	vadd.f32 v36, v37;
	v63 =	vadd.f32 v39, v38  }
0x268: {  	v16 =	vadd.f32 v60, v16;
	v15 =	vadd.f32 v61, v15  }
0x269: {  	v18 =	vadd.f32 v63, v62  }
0x26a: {  	v15 =	vadd.f32 v15, v16  }
0x26b: {  	(xrf2) =	vadd.scan.msk.f32 $0xffff, v18  }
0x26c: {  	(xrf2) =	vadd.scan.msk.f32 $0xffff, v15;
	_ =	sdelay $0x8  }
0x26d: {  	v15, _, _ =	vpop (xrf2)  }
0x26e: {  	(v2sf) =	vpush v15, $0xF;
	v15, _, _ =	vpop (xrf2)  }
0x26f: {  	(v2sf) =	vpush v15, $0xF;
	_ =	sdelay $0xd  }
.Ltmp16:
0x270: {  	s22 =	spop (v2sf);
	(pc) =	sbr.rel .LBB2_19-.Ltmp16, $4  }
0x271: {  	s22 =	sadd.f32 s22, s24;
	s30 =	spop (v2sf)  }
0x272: {  	v15 =	vsel @p1 vm4, s23, v19;
	s30 =	sadd.f32 s30, s25  }
0x273: {  	vm4 =	veq.s32 v25, v2;
	v14 =	vpsel p1, v15, v14  }
0x274: {  	s24 =	simm.s32 $0x8D10;
	v15 =	vsel vm4, s22, v17;
	v14 =	vsel vm4, s30, v14  }
.LBB2_11:
0x275: {  	v15 =	vimm.f32 $-1.000000020e+30;
	s29 =	simm.s32 $0x8BA0  }
.LBB2_19:
0x276: {  	v14 =	vnsel vm3, $0xF149F2CA, v14  }
0x277: {  	v15 =	vnsel vm3, $0xF149F2CA, v15;
	(xrf0) =	vmax.scan.msk.f32 $0xffff, v14  }
0x278: {  	(xrf0) =	vmax.scan.msk.f32 $0xffff, v15;
	_ =	sdelay $0x4  }
0x279: {  	v16, _, _ =	vpop (xrf0)  }
0x27a: {  	(v2sf) =	vpush v16, $0xF;
	v16, _, _ =	vpop (xrf0)  }
0x27b: {  	(v2sf) =	vpush v16, $0xF;
	_ =	sdelay $0xd  }
0x27c: {  	s22 =	spop (v2sf)  }
0x27d: {  	s23 =	spop (v2sf);
	s30 =	smax.f32 s1, s22;
	s22 =	smov.u32 s1  }
0x27e: {  	s1 =	smov.u32 s31;
	s31 =	smax.f32 s31, s23;
	s22 =	ssub.f32 s22, s30  }
0x27f: {  	s23 =	ssub.f32 s1, s31  }
0x280: {  	v16 =	vmov s22  }
0x281: {  	v16 =	vmul.f32 $1.442695020e+00, v16;
	v17 =	vmov s23  }
0x282: {  	v18 =	vmov s30;
	v17 =	vmul.f32 $1.442695020e+00, v17  }
0x283: {  	v14 =	vsub.f32 v14, v18;
	v16 =	vbroadcast v16, $0x0  }
0x284: {  	v18 =	vmov s31;
	v17 =	vbroadcast v17, $0x0  }
0x285: {  	v15 =	vsub.f32 v15, v18;
	v14 =	vmul.f32 $1.442695020e+00, v14;
	(erf) = vpow2.f32 v16  }
0x286: {  	(erf) = vpow2.f32 v17  }
0x287: {  	v15 =	vmul.f32 $1.442695020e+00, v15;
	(erf) = vpow2.f32 v14;
	_ =	sdelay $0x1  }
0x288: {  	(erf) = vpow2.f32 v15  }
0x289: {  	v16 =	vld [tilespmem:$0x8B80];
	_ =	sdelay $0x1  }
0x28a: {  	v17 =	vld [tilespmem:$0x8C00]  }
0x28b: {  	v20 =	vld [tilespmem:$0x8D00]  }
0x28c: {  	v18 =	vld [tilespmem:$0x8C80];
	v14 =	vpop (erf)  }
0x28d: {  	v22 =	vld [tilespmem:$0x8B90];
	v15 =	vpop (erf);
	v16 =	vmul.f32 v16, v14  }
0x28e: {  	v23 =	vld [tilespmem:$0x8C10];
	v19 =	vpop (erf)  }
0x28f: {  	v24 =	vld [tilespmem:$0x8C90];
	v17 =	vmul.f32 v17, v15;
	v19 =	vnsel vm3, $0x0, v19;
	[tilespmem:$0x8B80] =	vst v16  }
0x290: {  	v45 =	vld [tilespmem:$0x8BA0];
	v21 =	vpop (erf);
	[tilespmem:$0x8E00] =	vst v19  }
0x291: {  	v16 =	vmul.f32 v18, v14;
	v18 =	vld [tilespmem:$0x8D10];
	v21 =	vnsel vm3, $0x0, v21;
	[tilespmem:$0x8C00] =	vst v17  }
0x292: {  	v46 =	vld [tilespmem:$0x8C20];
	v17 =	vmul.f32 v20, v15;
	[tilespmem:$0x8E80] =	vst v21  }
0x293: {  	v47 =	vld [tilespmem:$0x8CA0];
	[tilespmem:$0x8C80] =	vst v16;
	v16 =	vmul.f32 v22, v14  }
0x294: {  	v48 =	vld [tilespmem:$0x8D20];
	[tilespmem:$0x8D00] =	vst v17;
	v17 =	vmul.f32 v23, v15  }
0x295: {  	v49 =	vld [tilespmem:$0x8C30];
	[tilespmem:$0x8B90] =	vst v16;
	v16 =	vmul.f32 v24, v14  }
0x296: {  	[tilespmem:$0x8C10] =	vst v17;
	v17 =	vmul.f32 v18, v15;
	v18 =	vld [tilespmem:$0x8BB0]  }
0x297: {  	v50 =	vld [tilespmem:$0x8CB0];
	[tilespmem:$0x8C90] =	vst v16;
	v16 =	vmul.f32 v45, v14  }
0x298: {  	v51 =	vld [tilespmem:$0x8D30];
	[tilespmem:$0x8D10] =	vst v17;
	v17 =	vmul.f32 v46, v15  }
0x299: {  	v52 =	vld [tilespmem:$0x8BC0];
	[tilespmem:$0x8BA0] =	vst v16;
	v16 =	vmul.f32 v47, v14  }
0x29a: {  	v53 =	vld [tilespmem:$0x8CC0];
	[tilespmem:$0x8C20] =	vst v17;
	v17 =	vmul.f32 v48, v15  }
0x29b: {  	[tilespmem:$0x8CA0] =	vst v16;
	v16 =	vmul.f32 v18, v14;
	v18 =	vld [tilespmem:$0x8C40]  }
0x29c: {  	v54 =	vld [tilespmem:$0x8D40];
	[tilespmem:$0x8D20] =	vst v17;
	v17 =	vmul.f32 v49, v15  }
0x29d: {  	v55 =	vld [tilespmem:$0x8BD0];
	[tilespmem:$0x8BB0] =	vst v16;
	v16 =	vmul.f32 v50, v14  }
0x29e: {  	v56 =	vld [tilespmem:$0x8C50];
	[tilespmem:$0x8C30] =	vst v17;
	v17 =	vmul.f32 v51, v15  }
0x29f: {  	v57 =	vld [tilespmem:$0x8D50];
	[tilespmem:$0x8CB0] =	vst v16;
	v16 =	vmul.f32 v52, v14  }
0x2a0: {  	[tilespmem:$0x8D30] =	vst v17;
	v17 =	vmul.f32 v18, v15;
	v18 =	vld [tilespmem:$0x8CD0]  }
0x2a1: {  	v58 =	vld [tilespmem:$0x8BE0];
	[tilespmem:$0x8BC0] =	vst v16;
	v16 =	vmul.f32 v53, v14  }
0x2a2: {  	v59 =	vld [tilespmem:$0x8C60];
	[tilespmem:$0x8C40] =	vst v17;
	v17 =	vmul.f32 v54, v15  }
0x2a3: {  	v60 =	vld [tilespmem:$0x8CE0];
	[tilespmem:$0x8CC0] =	vst v16;
	v16 =	vmul.f32 v55, v14  }
0x2a4: {  	v62 =	vld [tilespmem:$0x8CF0];
	[tilespmem:$0x8D40] =	vst v17;
	v17 =	vmul.f32 v56, v15  }
0x2a5: {  	(xrf2) =	vadd.scan.msk.f32 $0xffff, v19;
	[tilespmem:$0x8BD0] =	vst v16;
	v16 =	vmul.f32 v18, v14;
	v18 =	vld [tilespmem:$0x8D60]  }
0x2a6: {  	v19 =	vld [tilespmem:$0x8BF0];
	(xrf2) =	vadd.scan.msk.f32 $0xffff, v21;
	[tilespmem:$0x8C50] =	vst v17;
	v17 =	vmul.f32 v57, v15  }
0x2a7: {  	v61 =	vld [tilespmem:$0x8C70];
	[tilespmem:$0x8CD0] =	vst v16;
	v16 =	vmul.f32 v58, v14  }
0x2a8: {  	v63 =	vld [tilespmem:$0x8D70];
	[tilespmem:$0x8D50] =	vst v17;
	v17 =	vmul.f32 v59, v15  }
0x2a9: {  	[tilespmem:$0x8BE0] =	vst v16;
	v16 =	vmul.f32 v60, v14  }
0x2aa: {  	[tilespmem:$0x8C60] =	vst v17;
	v17 =	vmul.f32 v18, v15  }
0x2ab: {  	v18 =	vmul.f32 v62, v14;
	[tilespmem:$0x8CE0] =	vst v16;
	v16 =	vmul.f32 v19, v14  }
.Ltmp17:
0x2ac: {  	[tilespmem:$0x8D60] =	vst v17;
	v17 =	vmul.f32 v61, v15;
	(pc) =	sbr.rel @p0 .LBB2_27-.Ltmp17, $4  }
0x2ad: {  	v19 =	vmul.f32 v63, v15;
	[tilespmem:$0x8CF0] =	vst v18  }
0x2ae: {  	[tilespmem:$0x8BF0] =	vst v16  }
0x2af: {  	[dreg:$0x19] =	wrdreg s30;
	[tilespmem:$0x8D70] =	vst v19;
	v16, _, _ =	vpop (xrf2)  }
0x2b0: {  	[dreg:$0x1a] =	wrdreg s31;
	s22 =	simm.s32 $0x0;
	[tilespmem:$0x8C70] =	vst v17;
	v17, _, _ =	vpop (xrf2)  }
0x2b1: {  	p1 =	sne.s32 s13, $0x1  }
.Ltmp18:
0x2b2: {  	_ = 	snop;
	(pc) =	sbr.rel @!p1 .LBB2_21-.Ltmp18, $4  }
0x2b3: {  	_ = 	snop  }
0x2b4: {  	v21 =	vmov s22  }
0x2b5: {  	s22 =	rddreg [dreg:$0x5];
	v18 =	vshll.u32 v21, $0x7  }
0x2b6: {  	s30 =	simm.s32 $0x1;
	s25 =	rddreg [dreg:$0x4];
	p0 =	por $0x0, $0x0;
	v22 =	vor.u32 v2, v18  }
0x2b7: {  	_ =	sdelay $0x3  }
0x2b8: {  	v19 =	vld.idx.msk [tilespmem:v21+s25+$0x0], $0xffff  }
0x2b9: {  	v20 =	vld.idx.msk [tilespmem:v22+s19+$0x0], $0xffff  }
0x2ba: {  	v23 =	vld.idx.msk [tilespmem:v21+s22+$0x0], $0xffff  }
0x2bb: {  	v21 =	vld.idx.msk [tilespmem:v22+s18+$0x0], $0xffff;
	_ =	sdelay $0x2  }
0x2bc: {  	v22 =	vmul.f32 v20, v19  }
0x2bd: {  	v24 =	vor.u32 v5, v18;
	v20 =	vmul.f32 v20, v23  }
0x2be: {  	s23 =	rddreg [dreg:$0x6];
	[tilespmem:s28+$0x0] =	vst.add.f32.msk $0xffff, v22;
	v22 =	vmul.f32 v21, v19  }
0x2bf: {  	s24 =	rddreg [dreg:$0x7];
	v21 =	vmul.f32 v21, v23;
	[tilespmem:s23+$0x0] =	vst.add.f32.msk $0xffff, v20  }
0x2c0: {  	s11 =	rddreg [dreg:$0x8];
	[tilespmem:s24+$0x0] =	vst.add.f32.msk $0xffff, v22  }
0x2c1: {  	[tilespmem:s11+$0x0] =	vst.add.f32.msk $0xffff, v21  }
0x2c2: {  	v20 =	vld.idx.msk [tilespmem:v24+s19+$0x0], $0xffff;
	_ =	sdelay $0x1  }
0x2c3: {  	v21 =	vld.idx.msk [tilespmem:v24+s18+$0x0], $0xffff;
	_ =	sdelay $0x2  }
0x2c4: {  	v22 =	vmul.f32 v20, v19  }
0x2c5: {  	s4 =	rddreg [dreg:$0x9];
	v58 =	vor.u32 v6, v18;
	v20 =	vmul.f32 v20, v23  }
0x2c6: {  	s6 =	rddreg [dreg:$0xa];
	[tilespmem:s4+$0x0] =	vst.add.f32.msk $0xffff, v22;
	v22 =	vmul.f32 v21, v19  }
0x2c7: {  	s11 =	rddreg [dreg:$0xb];
	v21 =	vmul.f32 v21, v23;
	[tilespmem:s6+$0x0] =	vst.add.f32.msk $0xffff, v20  }
0x2c8: {  	s1 =	simm.s32 $0x8D10;
	[tilespmem:s11+$0x0] =	vst.add.f32.msk $0xffff, v22  }
0x2c9: {  	[tilespmem:s1+$0x0] =	vst.add.f32.msk $0xffff, v21  }
0x2ca: {  	v20 =	vld.idx.msk [tilespmem:v58+s19+$0x0], $0xffff;
	_ =	sdelay $0x1  }
0x2cb: {  	v21 =	vld.idx.msk [tilespmem:v58+s18+$0x0], $0xffff;
	_ =	sdelay $0x2  }
0x2cc: {  	v22 =	vmul.f32 v20, v19  }
0x2cd: {  	s0 =	simm.s32 $0x8BA0;
	v59 =	vor.u32 v7, v18;
	v20 =	vmul.f32 v20, v23  }
0x2ce: {  	s26 =	simm.s32 $0x8C20;
	[tilespmem:s0+$0x0] =	vst.add.f32.msk $0xffff, v22;
	v22 =	vmul.f32 v21, v19  }
0x2cf: {  	s29 =	simm.s32 $0x8CA0;
	v21 =	vmul.f32 v21, v23;
	[tilespmem:s26+$0x0] =	vst.add.f32.msk $0xffff, v20  }
0x2d0: {  	s31 =	simm.s32 $0x8D20;
	[tilespmem:s29+$0x0] =	vst.add.f32.msk $0xffff, v22  }
0x2d1: {  	[tilespmem:s31+$0x0] =	vst.add.f32.msk $0xffff, v21  }
0x2d2: {  	v20 =	vld.idx.msk [tilespmem:v59+s19+$0x0], $0xffff;
	_ =	sdelay $0x1  }
0x2d3: {  	v21 =	vld.idx.msk [tilespmem:v59+s18+$0x0], $0xffff;
	_ =	sdelay $0x2  }
0x2d4: {  	v22 =	vmul.f32 v20, v19  }
0x2d5: {  	s22 =	simm.s32 $0x8BB0;
	v60 =	vor.u32 v8, v18;
	v20 =	vmul.f32 v20, v23  }
0x2d6: {  	s7 =	simm.s32 $0x8C30;
	[tilespmem:s22+$0x0] =	vst.add.f32.msk $0xffff, v22;
	v22 =	vmul.f32 v21, v19  }
0x2d7: {  	s8 =	simm.s32 $0x8CB0;
	v21 =	vmul.f32 v21, v23;
	[tilespmem:s7+$0x0] =	vst.add.f32.msk $0xffff, v20  }
0x2d8: {  	s9 =	simm.s32 $0x8D30;
	[tilespmem:s8+$0x0] =	vst.add.f32.msk $0xffff, v22  }
0x2d9: {  	[tilespmem:s9+$0x0] =	vst.add.f32.msk $0xffff, v21  }
0x2da: {  	v20 =	vld.idx.msk [tilespmem:v60+s19+$0x0], $0xffff;
	_ =	sdelay $0x1  }
0x2db: {  	v21 =	vld.idx.msk [tilespmem:v60+s18+$0x0], $0xffff;
	_ =	sdelay $0x2  }
0x2dc: {  	v22 =	vmul.f32 v20, v19  }
0x2dd: {  	s15 =	simm.s32 $0x8BC0;
	v61 =	vor.u32 v9, v18;
	v20 =	vmul.f32 v20, v23  }
0x2de: {  	s12 =	simm.s32 $0x8C40;
	[tilespmem:s15+$0x0] =	vst.add.f32.msk $0xffff, v22;
	v22 =	vmul.f32 v21, v19  }
0x2df: {  	s2 =	simm.s32 $0x8CC0;
	v21 =	vmul.f32 v21, v23;
	[tilespmem:s12+$0x0] =	vst.add.f32.msk $0xffff, v20  }
0x2e0: {  	s3 =	simm.s32 $0x8D40;
	[tilespmem:s2+$0x0] =	vst.add.f32.msk $0xffff, v22  }
0x2e1: {  	[tilespmem:s3+$0x0] =	vst.add.f32.msk $0xffff, v21  }
0x2e2: {  	v20 =	vld.idx.msk [tilespmem:v61+s19+$0x0], $0xffff;
	_ =	sdelay $0x1  }
0x2e3: {  	v21 =	vld.idx.msk [tilespmem:v61+s18+$0x0], $0xffff;
	_ =	sdelay $0x2  }
0x2e4: {  	v22 =	vmul.f32 v20, v19  }
0x2e5: {  	s17 =	simm.s32 $0x8BD0;
	v62 =	vor.u32 v10, v18;
	v20 =	vmul.f32 v20, v23  }
0x2e6: {  	s10 =	simm.s32 $0x8C50;
	v25 =	vmul.f32 v21, v19;
	[tilespmem:s17+$0x0] =	vst.add.f32.msk $0xffff, v22  }
0x2e7: {  	s5 =	simm.s32 $0x8CD0;
	v21 =	vmul.f32 v21, v23;
	[tilespmem:s10+$0x0] =	vst.add.f32.msk $0xffff, v20  }
0x2e8: {  	s16 =	simm.s32 $0x8D50;
	[tilespmem:s5+$0x0] =	vst.add.f32.msk $0xffff, v25  }
0x2e9: {  	[tilespmem:s16+$0x0] =	vst.add.f32.msk $0xffff, v21  }
0x2ea: {  	v20 =	vld.idx.msk [tilespmem:v62+s19+$0x0], $0xffff;
	_ =	sdelay $0x1  }
0x2eb: {  	v21 =	vld.idx.msk [tilespmem:v62+s18+$0x0], $0xffff;
	_ =	sdelay $0x2  }
0x2ec: {  	v22 =	vmul.f32 v20, v19  }
0x2ed: {  	s20 =	simm.s32 $0x8BE0;
	v18 =	vor.u32 v11, v18;
	v20 =	vmul.f32 v20, v23  }
0x2ee: {  	s21 =	simm.s32 $0x8C60;
	v24 =	vmul.f32 v21, v19;
	[tilespmem:s20+$0x0] =	vst.add.f32.msk $0xffff, v22  }
0x2ef: {  	s14 =	simm.s32 $0x8CE0;
	v21 =	vmul.f32 v21, v23;
	[tilespmem:s21+$0x0] =	vst.add.f32.msk $0xffff, v20  }
0x2f0: {  	s24 =	simm.s32 $0x8D60;
	[tilespmem:s14+$0x0] =	vst.add.f32.msk $0xffff, v24  }
0x2f1: {  	[tilespmem:s24+$0x0] =	vst.add.f32.msk $0xffff, v21  }
0x2f2: {  	s25 =	simm.s32 $0x8BF0;
	p1 =	sne.s32 s13, $0x2;
	p0 =	por $0x1, $0x1;
	v20 =	vld.idx.msk [tilespmem:v18+s19+$0x0], $0xffff  }
0x2f3: {  	s23 =	simm.s32 $0x2;
	s4 =	simm.s32 $0x8BB0;
	s6 =	simm.s32 $0x8C30  }
0x2f4: {  	s11 =	simm.s32 $0x8D20;
	s1 =	simm.s32 $0x8C70;
	s0 =	simm.s32 $0x8CA0;
	v24 =	vld.idx.msk [tilespmem:v18+s18+$0x0], $0xffff  }
0x2f5: {  	s26 =	simm.s32 $0x8C70;
	s29 =	simm.s32 $0x8CF0;
	s31 =	simm.s32 $0x8D70  }
0x2f6: {  	s22 =	rddreg [dreg:$0x5];
	s7 =	simm.s32 $0x8CB0;
	s8 =	simm.s32 $0x8D30  }
.Ltmp19:
0x2f7: {  	s9 =	simm.s32 $0x8BC0;
	s15 =	simm.s32 $0x8C40;
	v18 =	vmul.f32 v20, v19;
	(pc) =	sbr.rel @!p1 .LBB2_23-.Ltmp19, $4  }
0x2f8: {  	s12 =	simm.s32 $0x8CC0;
	s2 =	simm.s32 $0x8D40;
	s3 =	simm.s32 $0x8BD0;
	v20 =	vmul.f32 v20, v23  }
0x2f9: {  	s17 =	simm.s32 $0x8C50;
	s10 =	simm.s32 $0x8CD0;
	s5 =	simm.s32 $0x8D50;
	v21 =	vmov s30;
	v63 =	vmul.f32 v24, v19;
	[tilespmem:s25+$0x0] =	vst.add.f32.msk $0xffff, v18  }
0x2fa: {  	s16 =	simm.s32 $0x8BE0;
	s20 =	simm.s32 $0x8C60;
	s21 =	simm.s32 $0x8CE0;
	v18 =	vshll.u32 v21, $0x7;
	[tilespmem:s26+$0x0] =	vst.add.f32.msk $0xffff, v20  }
0x2fb: {  	s14 =	simm.s32 $0x8D60;
	s30 =	simm.s32 $0x8BF0;
	v19 =	vmul.f32 v24, v23;
	s25 =	rddreg [dreg:$0x4];
	v22 =	vor.u32 v2, v18;
	[tilespmem:s29+$0x0] =	vst.add.f32.msk $0xffff, v63  }
.LBB2_24:
0x2fc: {  	_ =	sdelay $0x1  }
0x2fd: {  	[tilespmem:s31+$0x0] =	vst.add.f32.msk $0xffff, v19  }
0x2fe: {  	v19 =	vld.idx.msk [tilespmem:v21+s25+$0x0], $0xffff  }
0x2ff: {  	v23 =	vld.idx.msk [tilespmem:v22+s19+$0x0], $0xffff  }
0x300: {  	v20 =	vld.idx.msk [tilespmem:v21+s22+$0x0], $0xffff  }
0x301: {  	v21 =	vld.idx.msk [tilespmem:v22+s18+$0x0], $0xffff;
	_ =	sdelay $0x2  }
0x302: {  	v22 =	vmul.f32 v23, v19  }
0x303: {  	s26 =	rddreg [dreg:$0x5];
	v24 =	vor.u32 v5, v18;
	v23 =	vmul.f32 v23, v20  }
0x304: {  	s25 =	rddreg [dreg:$0x6];
	[tilespmem:s28+$0x0] =	vst.add.f32.msk $0xffff, v22;
	v22 =	vmul.f32 v21, v19  }
0x305: {  	s22 =	smov.u32 s26;
	s26 =	rddreg [dreg:$0x7];
	v21 =	vmul.f32 v21, v20;
	[tilespmem:s25+$0x0] =	vst.add.f32.msk $0xffff, v23  }
0x306: {  	s28 =	rddreg [dreg:$0x8];
	[tilespmem:s26+$0x0] =	vst.add.f32.msk $0xffff, v22  }
0x307: {  	[tilespmem:s28+$0x0] =	vst.add.f32.msk $0xffff, v21  }
0x308: {  	v21 =	vld.idx.msk [tilespmem:v24+s19+$0x0], $0xffff;
	_ =	sdelay $0x1  }
0x309: {  	v22 =	vld.idx.msk [tilespmem:v24+s18+$0x0], $0xffff;
	_ =	sdelay $0x2  }
0x30a: {  	v23 =	vmul.f32 v21, v19  }
0x30b: {  	v57 =	vor.u32 v6, v18;
	s25 =	rddreg [dreg:$0x9];
	v21 =	vmul.f32 v21, v20  }
0x30c: {  	s26 =	rddreg [dreg:$0xa];
	[tilespmem:s25+$0x0] =	vst.add.f32.msk $0xffff, v23;
	v23 =	vmul.f32 v22, v19  }
0x30d: {  	s28 =	rddreg [dreg:$0xb];
	v22 =	vmul.f32 v22, v20;
	[tilespmem:s26+$0x0] =	vst.add.f32.msk $0xffff, v21  }
0x30e: {  	s26 =	simm.s32 $0x8D10;
	[tilespmem:s28+$0x0] =	vst.add.f32.msk $0xffff, v23  }
0x30f: {  	[tilespmem:s26+$0x0] =	vst.add.f32.msk $0xffff, v22  }
0x310: {  	v21 =	vld.idx.msk [tilespmem:v57+s19+$0x0], $0xffff;
	_ =	sdelay $0x1  }
0x311: {  	v22 =	vld.idx.msk [tilespmem:v57+s18+$0x0], $0xffff;
	_ =	sdelay $0x2  }
0x312: {  	v23 =	vmul.f32 v21, v19  }
0x313: {  	v58 =	vor.u32 v7, v18;
	s26 =	simm.s32 $0x8BA0;
	v21 =	vmul.f32 v21, v20  }
0x314: {  	[tilespmem:s26+$0x0] =	vst.add.f32.msk $0xffff, v23;
	v23 =	vmul.f32 v22, v19;
	s26 =	simm.s32 $0x8C20  }
0x315: {  	v22 =	vmul.f32 v22, v20;
	[tilespmem:s26+$0x0] =	vst.add.f32.msk $0xffff, v21  }
0x316: {  	[tilespmem:s0+$0x0] =	vst.add.f32.msk $0xffff, v23  }
0x317: {  	[tilespmem:s11+$0x0] =	vst.add.f32.msk $0xffff, v22  }
0x318: {  	v21 =	vld.idx.msk [tilespmem:v58+s19+$0x0], $0xffff;
	_ =	sdelay $0x1  }
0x319: {  	v22 =	vld.idx.msk [tilespmem:v58+s18+$0x0], $0xffff;
	_ =	sdelay $0x2  }
0x31a: {  	v23 =	vmul.f32 v21, v19  }
0x31b: {  	v59 =	vor.u32 v8, v18;
	v21 =	vmul.f32 v21, v20  }
0x31c: {  	[tilespmem:s4+$0x0] =	vst.add.f32.msk $0xffff, v23;
	v23 =	vmul.f32 v22, v19  }
0x31d: {  	v22 =	vmul.f32 v22, v20;
	[tilespmem:s6+$0x0] =	vst.add.f32.msk $0xffff, v21  }
0x31e: {  	[tilespmem:s7+$0x0] =	vst.add.f32.msk $0xffff, v23  }
0x31f: {  	[tilespmem:s8+$0x0] =	vst.add.f32.msk $0xffff, v22  }
0x320: {  	v21 =	vld.idx.msk [tilespmem:v59+s19+$0x0], $0xffff;
	_ =	sdelay $0x1  }
0x321: {  	v22 =	vld.idx.msk [tilespmem:v59+s18+$0x0], $0xffff;
	_ =	sdelay $0x2  }
0x322: {  	v23 =	vmul.f32 v21, v19  }
0x323: {  	v60 =	vor.u32 v9, v18;
	v21 =	vmul.f32 v21, v20  }
0x324: {  	[tilespmem:s9+$0x0] =	vst.add.f32.msk $0xffff, v23;
	v23 =	vmul.f32 v22, v19  }
0x325: {  	v22 =	vmul.f32 v22, v20;
	[tilespmem:s15+$0x0] =	vst.add.f32.msk $0xffff, v21  }
0x326: {  	[tilespmem:s12+$0x0] =	vst.add.f32.msk $0xffff, v23  }
0x327: {  	[tilespmem:s2+$0x0] =	vst.add.f32.msk $0xffff, v22  }
0x328: {  	v21 =	vld.idx.msk [tilespmem:v60+s19+$0x0], $0xffff;
	_ =	sdelay $0x1  }
0x329: {  	v22 =	vld.idx.msk [tilespmem:v60+s18+$0x0], $0xffff;
	_ =	sdelay $0x2  }
0x32a: {  	v23 =	vmul.f32 v21, v19  }
0x32b: {  	v25 =	vor.u32 v10, v18;
	v21 =	vmul.f32 v21, v20  }
0x32c: {  	v24 =	vmul.f32 v22, v19;
	[tilespmem:s3+$0x0] =	vst.add.f32.msk $0xffff, v23  }
0x32d: {  	v22 =	vmul.f32 v22, v20;
	[tilespmem:s17+$0x0] =	vst.add.f32.msk $0xffff, v21  }
0x32e: {  	[tilespmem:s10+$0x0] =	vst.add.f32.msk $0xffff, v24  }
0x32f: {  	[tilespmem:s5+$0x0] =	vst.add.f32.msk $0xffff, v22  }
0x330: {  	v21 =	vld.idx.msk [tilespmem:v25+s19+$0x0], $0xffff;
	_ =	sdelay $0x1  }
0x331: {  	v22 =	vld.idx.msk [tilespmem:v25+s18+$0x0], $0xffff;
	_ =	sdelay $0x2  }
0x332: {  	v23 =	vmul.f32 v21, v19  }
0x333: {  	v18 =	vor.u32 v11, v18;
	v21 =	vmul.f32 v21, v20  }
0x334: {  	v61 =	vmul.f32 v22, v19;
	[tilespmem:s16+$0x0] =	vst.add.f32.msk $0xffff, v23  }
0x335: {  	v22 =	vmul.f32 v22, v20;
	[tilespmem:s20+$0x0] =	vst.add.f32.msk $0xffff, v21  }
0x336: {  	[tilespmem:s21+$0x0] =	vst.add.f32.msk $0xffff, v61  }
0x337: {  	[tilespmem:s14+$0x0] =	vst.add.f32.msk $0xffff, v22  }
0x338: {  	v22 =	vld.idx.msk [tilespmem:v18+s19+$0x0], $0xffff;
	_ =	sdelay $0x1  }
0x339: {  	v23 =	vld.idx.msk [tilespmem:v18+s18+$0x0], $0xffff  }
0x33a: {  	s24 =	smov.u32 s23;
	s23 =	sadd.s32 $0x1, s23  }
0x33b: {  	p1 =	sne.s32 s13, s23  }
.Ltmp20:
0x33c: {  	v62 =	vmul.f32 v22, v19;
	(pc) =	sbr.rel @p1 .LBB2_24-.Ltmp20, $4  }
0x33d: {  	v63 =	vmul.f32 v22, v20  }
0x33e: {  	v21 =	vmov s24;
	v26 =	vmul.f32 v23, v19;
	[tilespmem:s30+$0x0] =	vst.add.f32.msk $0xffff, v62  }
0x33f: {  	v18 =	vshll.u32 v21, $0x7;
	[tilespmem:s1+$0x0] =	vst.add.f32.msk $0xffff, v63  }
0x340: {  	s25 =	rddreg [dreg:$0x4];
	s28 =	simm.s32 $0x8B80;
	v22 =	vor.u32 v2, v18;
	v19 =	vmul.f32 v23, v20;
	[tilespmem:s29+$0x0] =	vst.add.f32.msk $0xffff, v26  }
0x341: {  	s26 =	simm.s32 $0x2800  }
0x342: {  	s24 =	simm.s32 $0x8D10;
	s29 =	simm.s32 $0x8BA0;
	s30 =	simm.s32 $0x8C20  }
0x343: {  	s31 =	simm.s32 $0x8CA0;
	s1 =	simm.s32 $0x8D20;
	s0 =	simm.s32 $0x8BB0  }
0x344: {  	s11 =	simm.s32 $0x8C30;
	s4 =	simm.s32 $0x8CB0;
	s6 =	simm.s32 $0x8D30  }
.Ltmp21:
0x345: {  	s7 =	simm.s32 $0x8BC0;
	s8 =	simm.s32 $0x8C40;
	(pc) =	sbr.rel .LBB2_26-.Ltmp21, $4  }
0x346: {  	s9 =	simm.s32 $0x8CC0;
	s15 =	simm.s32 $0x8D40;
	s12 =	simm.s32 $0x8BD0  }
0x347: {  	s2 =	simm.s32 $0x8C50;
	s3 =	simm.s32 $0x8CD0;
	s17 =	simm.s32 $0x8D50  }
0x348: {  	s10 =	simm.s32 $0x8BE0;
	s5 =	simm.s32 $0x8C60;
	s16 =	simm.s32 $0x8CE0  }
0x349: {  	s20 =	simm.s32 $0x8D60;
	s21 =	simm.s32 $0x8BF0;
	s14 =	simm.s32 $0x8C70  }
.LBB2_13:
.Ltmp22:
0x34a: {  	(pc) =	sbr.rel .LBB2_18-.Ltmp22, $2  }
0x34b: {  	_ =	sdelay $0x2  }
0x34c: {  	v19 =	vimm.f32 $-1.000000020e+30;
	v17 =	vimm.f32 $-1.000000020e+30;
	s24 =	rddreg [dreg:$0x16];
	s29 =	simm.s32 $0x8BA0  }
.LBB2_15:
.Ltmp23:
0x34d: {  	(pc) =	sbr.rel .LBB2_18-.Ltmp23, $2  }
0x34e: {  	_ =	sdelay $0x2  }
0x34f: {  	v29 =	vmovc v16;
	v28 =	vmov v15;
	v19 =	vimm.f32 $-1.000000020e+30;
	v25 =	vmov v18  }
.LBB2_23:
0x350: {  	s26 =	simm.s32 $0x2800  }
0x351: {  	s24 =	simm.s32 $0x8D10;
	s29 =	simm.s32 $0x8BA0;
	s30 =	simm.s32 $0x8C20  }
0x352: {  	s31 =	simm.s32 $0x8CA0;
	s1 =	simm.s32 $0x8D20;
	s0 =	simm.s32 $0x8BB0  }
0x353: {  	s11 =	simm.s32 $0x8C30;
	s4 =	simm.s32 $0x8CB0;
	s6 =	simm.s32 $0x8D30  }
.Ltmp24:
0x354: {  	s7 =	simm.s32 $0x8BC0;
	s8 =	simm.s32 $0x8C40;
	(pc) =	sbr.rel .LBB2_26-.Ltmp24, $4  }
0x355: {  	s9 =	simm.s32 $0x8CC0;
	s15 =	simm.s32 $0x8D40;
	s12 =	simm.s32 $0x8BD0  }
0x356: {  	s2 =	simm.s32 $0x8C50;
	s3 =	simm.s32 $0x8CD0;
	s17 =	simm.s32 $0x8D50  }
0x357: {  	s10 =	simm.s32 $0x8BE0;
	s5 =	simm.s32 $0x8C60;
	s16 =	simm.s32 $0x8CE0  }
0x358: {  	s20 =	simm.s32 $0x8D60;
	s21 =	simm.s32 $0x8BF0;
	s14 =	simm.s32 $0x8C70  }
.LBB2_29:
0x359: {  	_ =	sfence.sel $0x180000  }
0x35a: {  	[bflag:$0x0] =	sbarrier.arrive $0xFFFF  }
0x35b: {  	_ =	strace $0x90000047  }
0x35c: {  	s0 =	stileid.u32;
	[bflag:$0x2] =	sbarrier.arrive $0xFFFF  }
0x35d: {  	p0 =	sne.s32 s0, $0x0;
	s0 =	rddreg [dreg:$0x3]  }
0x35e: {  	s0 =	sadd.s32 @!p0 $0x100000, s0  }
0x35f: {  	[sflag:s0] =	ssyncadd.tile.s32 @!p0 $0x1;
	_ =	shalt  }
.Lfunc_end2:
_tile_overlayer_lowered:
.L_overlay_start_2:
0x360: {  	(tag) =	ssettag $0x2  }
0x361: {  	s0 =	rddreg [dreg:$0x0];
	s2 =	stileid.u32  }
0x362: {  	s1 =	rddreg [dreg:$0x1];
	p0 =	sne.s32 s2, $0x0  }
0x363: {  	s3 =	rddreg [dreg:$0x2];
	[bflag:$0x3] =	sbarrier.arrive $0xFFFF;
	s2 =	simm.s32 @!p0 $0x1C05  }
0x364: {  	[timem:s3], [sflag:s2] =	dma.local @!p0 [hbm:s0], s1  }
0x365: {  	s0 =	simm.s32 @!p0 $0x5  }
0x366: {  	_ =	swait.ge @!p0 [sflag:s0], s1  }
0x367: {  	s1 =	ssub.s32 @!p0 $0x0, s1;
	[sflag:s0] =	ssyncset.done @!p0 $0x0  }
0x368: {  	[sflag:s0] =	ssyncadd.s32 @!p0 s1  }
0x369: {  	[bflag:$0x3] =	sbarrier.arrive $0xFFFF  }
0x36a: {  	_ =	shalt  }

</sc_bundles>
